<compile_context>
chip_gen: v7x
topology: tpu7x:2x2x1
jax: 0.10.2.dev20260603
libtpu: 0.0.44.dev20260713+nightly
codegen_flags: <defaults>
</compile_context>

<pallas_src>
import jax
import jax.numpy as jnp
from jax import lax
from jax.experimental import pallas as pl
from jax.experimental.pallas import tpu as pltpu
from jax.experimental.pallas import tpu_sc as plsc

N = 10000
E = 320000
IN_CH = 18
HID = 256
HEADS = 8
C = 32
NHC = 4
HW = NHC * C
K = 64
NS = 16
L = 16
E2 = 327680
NT = E2 // K // NS
AP = 10016
NDR = 320
RB = 16
R = 1000
NB = N // R
EPS = 1e-16



def _sc_gat_body(tbl, srcg, dstg, attg, wout, dout,
                 src0, dst0, dpad0, gli0, gri0, drow0, gl0, gr0,
                 src1, dst1, dpad1, gli1, gri1, drow1, gl1, gr1,
                 nbuf, att_v, acc, accd, sgl0, sgr0, sgl1, sgr1):
    c = lax.axis_index("c")
    s = lax.axis_index("s")

    bufsets = (
        (src0, dst0, dpad0, gli0, gri0, drow0, gl0, gr0, sgl0, sgr0),
        (src1, dst1, dpad1, gli1, gri1, drow1, gl1, gr1, sgl1, sgr1),
    )

    pltpu.sync_copy(attg.at[c], att_v)

    zv = jnp.zeros((L,), jnp.float32)

    def zrow(r, carry):
        for j in range(HW // L):
            nbuf[r, pl.ds(j * L, L)] = zv
        return carry

    lax.fori_loop(0, RB, zrow, 0)

    nza = (AP // RB - s + NS - 1) // NS

    def zchunk(t, carry):
        j = s + NS * t
        pltpu.sync_copy(nbuf, acc.at[pl.ds(j * RB, RB)])
        return carry

    lax.fori_loop(0, nza, zchunk, 0)

    nzd = (NDR // 8 - s + NS - 1) // NS

    def zdchunk(t, carry):
        j = s + NS * t
        pltpu.sync_copy(nbuf.at[pl.ds(0, 8)], accd.at[pl.ds(j * 8, 8)])
        return carry

    lax.fori_loop(0, nzd, zdchunk, 0)

    plsc.subcore_barrier()

    att_vecs = [att_v[pl.ds(i * L, L)] for i in range(HW // L)]
    lane = lax.broadcasted_iota(jnp.int32, (L,), 0)

    off_l = c * N
    off_r = (2 + c) * N

    def _issue(t, bufs):
        src_v, dst_v, dpad, gl_i, gr_i, drow_i, g_l, g_r, sl, sr = bufs
        base = (s + NS * t) * K
        pltpu.sync_copy(srcg.at[pl.ds(base, K)], src_v)
        pltpu.sync_copy(dstg.at[pl.ds(base, K)], dst_v)

        def ib(i, cc):
            dv = dst_v[pl.ds(i * L, L)]
            gl_i[pl.ds(i * L, L)] = src_v[pl.ds(i * L, L)] + off_l
            gr_i[pl.ds(i * L, L)] = dv + off_r
            drow_i[pl.ds(i * L, L)] = lax.shift_right_logical(dv, 5)
            dpad[pl.ds(i * L, L)] = dv
            return cc

        lax.fori_loop(0, K // L, ib, 0)
        pltpu.async_copy(tbl.at[gl_i], g_l, sl)
        pltpu.async_copy(tbl.at[gr_i], g_r, sr)

    def _consume(t, bufs):
        src_v, dst_v, dpad, gl_i, gr_i, drow_i, g_l, g_r, sl, sr = bufs
        pltpu.make_async_copy(tbl.at[gl_i], g_l, sl).wait()
        pltpu.make_async_copy(tbl.at[gr_i], g_r, sr).wait()

        def eb(e, cc):
            gls = []
            exs = []
            for h in range(NHC):
                gl_0 = g_l[e, pl.ds(h * C, L)]
                gl_1 = g_l[e, pl.ds(h * C + L, L)]
                gr_0 = g_r[e, pl.ds(h * C, L)]
                gr_1 = g_r[e, pl.ds(h * C + L, L)]
                t0 = gl_0 + gr_0
                t1 = gl_1 + gr_1
                t0 = jnp.maximum(t0, 0.2 * t0)
                t1 = jnp.maximum(t1, 0.2 * t1)
                sv = t0 * att_vecs[2 * h] + t1 * att_vecs[2 * h + 1]
                logit = jnp.sum(sv)
                ex = jnp.exp(jnp.full((L,), logit, jnp.float32))
                gls.append((gl_0, gl_1))
                exs.append(ex)
            for h in range(NHC):
                g_l[e, pl.ds(h * C, L)] = exs[h] * gls[h][0]
                g_l[e, pl.ds(h * C + L, L)] = exs[h] * gls[h][1]
            d = dpad[pl.ds(e, L)][0]
            m = d & 31
            q = m >> 2
            r4 = (m & 3) * 4
            exrow = zv
            for h in range(NHC):
                exrow = jnp.where(lane == r4 + h, exs[h], exrow)
            for mm in range(8):
                g_r[e, pl.ds(mm * L, L)] = jnp.where(q == mm, exrow, zv)
            return cc

        lax.fori_loop(0, K, eb, 0)

        pltpu.sync_copy(g_l, acc.at[dst_v], add=True)
        pltpu.sync_copy(g_r, accd.at[drow_i], add=True)

    _issue(0, bufsets[0])
    _issue(1, bufsets[1])

    def pair(tp, carry):
        for p in range(2):
            t = 2 * tp + p
            _consume(t, bufsets[p])

            @pl.when(t + 2 < NT)
            def _():
                _issue(t + 2, bufsets[p])
        return carry

    lax.fori_loop(0, NT // 2, pair, 0)

    plsc.subcore_barrier()

    nzo = (N // RB - s + NS - 1) // NS

    def ochunk(t, carry):
        j = s + NS * t
        pltpu.sync_copy(acc.at[pl.ds(j * RB, RB)], nbuf)
        pltpu.sync_copy(nbuf, wout.at[pl.ds(c * N + j * RB, RB)])
        return carry

    lax.fori_loop(0, nzo, ochunk, 0)

    def odchunk(t, carry):
        j = s + NS * t
        pltpu.sync_copy(accd.at[pl.ds(j * 8, 8)], nbuf.at[pl.ds(0, 8)])
        pltpu.sync_copy(nbuf.at[pl.ds(0, 8)], dout.at[c, pl.ds(j * 8, 8)])
        return carry

    lax.fori_loop(0, nzd, odchunk, 0)


def _sc_gat(tbl, src, dst, att_pair):
    f = pl.kernel(
        _sc_gat_body,
        out_type=(
            jax.ShapeDtypeStruct((2 * N, HW), jnp.float32),
            jax.ShapeDtypeStruct((2, NDR, HW), jnp.float32),
        ),
        mesh=plsc.VectorSubcoreMesh(core_axis_name="c", subcore_axis_name="s"),
        compiler_params=pltpu.CompilerParams(needs_layout_passes=False),
        scratch_types=(
            [
                pltpu.VMEM((K,), jnp.int32),
                pltpu.VMEM((K,), jnp.int32),
                pltpu.VMEM((K + L,), jnp.int32),
                pltpu.VMEM((K,), jnp.int32),
                pltpu.VMEM((K,), jnp.int32),
                pltpu.VMEM((K,), jnp.int32),
                pltpu.VMEM((K, HW), jnp.float32),
                pltpu.VMEM((K, HW), jnp.float32),
            ] * 2
            + [
                pltpu.VMEM((RB, HW), jnp.float32),
                pltpu.VMEM((HW,), jnp.float32),
                pltpu.VMEM_SHARED((AP, HW), jnp.float32),
                pltpu.VMEM_SHARED((NDR, HW), jnp.float32),
                pltpu.SemaphoreType.DMA,
                pltpu.SemaphoreType.DMA,
                pltpu.SemaphoreType.DMA,
                pltpu.SemaphoreType.DMA,
            ]
        ),
    )
    return f(tbl, src, dst, att_pair)



def _mm1_block(x_ref, w_ref, b_ref, o_ref):
    o_ref[0] = (
        jnp.dot(x_ref[...], w_ref[0], preferred_element_type=jnp.float32)
        + b_ref[0, 0]
    )


def _norm(xb, d_ref, brd, bias_row):
    binv = jnp.dot(1.0 / (d_ref[0] + EPS), brd,
                   preferred_element_type=jnp.float32)
    return jnp.maximum(xb * binv + bias_row, 0.0)


def _mm2_block(x1_ref, x2_ref, d1_ref, d2_ref, w_ref, b_ref, brd_ref, bp_ref,
               o_ref):
    h_lo = _norm(x1_ref[...], d1_ref, brd_ref[...], bp_ref[0])
    h_hi = _norm(x2_ref[...], d2_ref, brd_ref[...], bp_ref[1])
    o_ref[0] = (
        jnp.dot(h_lo, w_ref[0, 0], preferred_element_type=jnp.float32)
        + jnp.dot(h_hi, w_ref[0, 1], preferred_element_type=jnp.float32)
        + b_ref[0, 0]
    )


def _fin_block(x1_ref, x2_ref, x3_ref, x4_ref, d1_ref, d2_ref, d3_ref, d4_ref,
               f_ref, brd_ref, ba_ref, bf_ref, o_ref):
    xs = (x1_ref, x2_ref, x3_ref, x4_ref)
    ds_ = (d1_ref, d2_ref, d3_ref, d4_ref)
    acc = bf_ref[0]
    for p in range(4):
        h = _norm(xs[p][...], ds_[p], brd_ref[...], ba_ref[p])
        acc = acc + jnp.dot(h, f_ref[p], preferred_element_type=jnp.float32)
    o_ref[...] = acc


def _mm_layer1(x_pad, w, b):
    return pl.pallas_call(
        _mm1_block,
        grid=(NB, 4),
        in_specs=[
            pl.BlockSpec((R, HW), lambda i, q: (i, 0)),
            pl.BlockSpec((1, HW, HW), lambda i, q: (q, 0, 0)),
            pl.BlockSpec((1, 1, HW), lambda i, q: (q, 0, 0)),
        ],
        out_specs=pl.BlockSpec((1, R, HW), lambda i, q: (q, i, 0)),
        out_shape=jax.ShapeDtypeStruct((4, N, HW), jnp.float32),
    )(x_pad, w, b)


def _mm_layer2(wout1, den1, w, b, brd, bias_pair):
    return pl.pallas_call(
        _mm2_block,
        grid=(NB, 4),
        in_specs=[
            pl.BlockSpec((R, HW), lambda i, q: (i, 0)),
            pl.BlockSpec((R, HW), lambda i, q: (NB + i, 0)),
            pl.BlockSpec((1, R, NHC), lambda i, q: (0, i, 0)),
            pl.BlockSpec((1, R, NHC), lambda i, q: (1, i, 0)),
            pl.BlockSpec((1, 2, HW, HW), lambda i, q: (q, 0, 0, 0)),
            pl.BlockSpec((1, 1, HW), lambda i, q: (q, 0, 0)),
            pl.BlockSpec((NHC, HW), lambda i, q: (0, 0)),
            pl.BlockSpec((2, HW), lambda i, q: (0, 0)),
        ],
        out_specs=pl.BlockSpec((1, R, HW), lambda i, q: (q, i, 0)),
        out_shape=jax.ShapeDtypeStruct((4, N, HW), jnp.float32),
    )(wout1, wout1, den1, den1, w, b, brd, bias_pair)


def _mm_final(wout1, den1, wout2, den2, f, brd, bias_all, bf_pad):
    return pl.pallas_call(
        _fin_block,
        grid=(NB,),
        in_specs=[
            pl.BlockSpec((R, HW), lambda i: (i, 0)),
            pl.BlockSpec((R, HW), lambda i: (NB + i, 0)),
            pl.BlockSpec((R, HW), lambda i: (i, 0)),
            pl.BlockSpec((R, HW), lambda i: (NB + i, 0)),
            pl.BlockSpec((1, R, NHC), lambda i: (0, i, 0)),
            pl.BlockSpec((1, R, NHC), lambda i: (1, i, 0)),
            pl.BlockSpec((1, R, NHC), lambda i: (0, i, 0)),
            pl.BlockSpec((1, R, NHC), lambda i: (1, i, 0)),
            pl.BlockSpec((4, HW, HW), lambda i: (0, 0, 0)),
            pl.BlockSpec((NHC, HW), lambda i: (0, 0)),
            pl.BlockSpec((4, HW), lambda i: (0, 0)),
            pl.BlockSpec((1, HW), lambda i: (0, 0)),
        ],
        out_specs=pl.BlockSpec((R, HW), lambda i: (i, 0)),
        out_shape=jax.ShapeDtypeStruct((N, HW), jnp.float32),
    )(wout1, wout1, wout2, wout2, den1, den1, den2, den2,
      f, brd, bias_all, bf_pad)



def kernel(x, edge_index, edge_attr, W1l, b1l, W1r, b1r, att1, bias1,
           W2l, b2l, W2r, b2r, att2, bias2, Wf, bf):
    del edge_attr

    src = jnp.pad(edge_index[0], (0, E2 - E))
    dst = jnp.pad(edge_index[1], (0, E2 - E), constant_values=N)

    w1lT = jnp.pad(W1l.T, ((0, HW - IN_CH), (0, 0)))
    w1rT = jnp.pad(W1r.T, ((0, HW - IN_CH), (0, 0)))
    w1 = jnp.stack([w1lT[:, :HW], w1lT[:, HW:], w1rT[:, :HW], w1rT[:, HW:]])
    b1 = jnp.stack([b1l[:HW], b1l[HW:], b1r[:HW], b1r[HW:]]).reshape(4, 1, HW)
    x_pad = jnp.pad(x, ((0, 0), (0, HW - IN_CH)))

    tbl1 = jnp.pad(_mm_layer1(x_pad, w1, b1).reshape(4 * N, HW),
                   ((0, L), (0, 0)))
    wout1, dout1 = _sc_gat(tbl1, src, dst, att1.reshape(2, HW))
    den1 = dout1.reshape(2, NDR * 32, NHC)[:, :N]

    w2lT = W2l.T
    w2rT = W2r.T
    w2 = jnp.stack([
        jnp.stack([w2lT[:HW, :HW], w2lT[HW:, :HW]]),
        jnp.stack([w2lT[:HW, HW:], w2lT[HW:, HW:]]),
        jnp.stack([w2rT[:HW, :HW], w2rT[HW:, :HW]]),
        jnp.stack([w2rT[:HW, HW:], w2rT[HW:, HW:]]),
    ])
    b2 = jnp.stack([b2l[:HW], b2l[HW:], b2r[:HW], b2r[HW:]]).reshape(4, 1, HW)
    brd = (jnp.arange(HW)[None, :] // C == jnp.arange(NHC)[:, None]).astype(
        jnp.float32)
    bias_pair1 = bias1.reshape(2, HW)
    bias_pair2 = bias2.reshape(2, HW)

    tbl2 = jnp.pad(
        _mm_layer2(wout1, den1, w2, b2, brd, bias_pair1).reshape(4 * N, HW),
        ((0, L), (0, 0)))
    wout2, dout2 = _sc_gat(tbl2, src, dst, att2.reshape(2, HW))
    den2 = dout2.reshape(2, NDR * 32, NHC)[:, :N]

    fp = jnp.pad(Wf.T.reshape(4, HW, 4), ((0, 0), (0, 0), (0, HW - 4)))
    bias_all = jnp.concatenate([bias_pair1, bias_pair2])
    bf_pad = jnp.pad(bf, (0, HW - 4)).reshape(1, HW)

    ofull = _mm_final(wout1, den1, wout2, den2, fp, brd, bias_all, bf_pad)
    return ofull[:, :4]

# --- scband reference (transcript-rebuilt; emitter-appended) ---
"""Pipeline reference for scband-gatencoder-58033598103645 (READ-ONLY COPY).

The authoritative reference and input builder live on the scoring server;
editing this copy changes nothing except your own understanding.
"""

import jax, jax.numpy as jnp
import numpy as np

N = 10000
E = 320000
IN_CH = 18
HID = 256
HEADS = 8
C = HID // HEADS  # 32 per-head channels
OUT_CLASSES = 4
NUM_LAYERS = 2


def _glorot(key, shape):
    fan_in = shape[-1]
    return (jax.random.normal(key, shape, dtype=jnp.float32) / np.sqrt(fan_in)).astype(jnp.float32)


def setup_inputs(seed: int = 0) -> dict:
    key = jax.random.key(seed)
    ks = jax.random.split(key, 20)
    x = jax.random.normal(ks[0], (N, IN_CH), dtype=jnp.float32)
    edge_index = jax.random.randint(ks[1], (2, E), 0, N, dtype=jnp.int32)
    edge_attr = jax.random.normal(ks[2], (E, 1), dtype=jnp.float32)
    # GATv2Conv layer 1 params (in=18 -> heads*C=256)
    W1l = _glorot(ks[3], (HID, IN_CH)); b1l = jnp.zeros((HID,), jnp.float32)
    W1r = _glorot(ks[4], (HID, IN_CH)); b1r = jnp.zeros((HID,), jnp.float32)
    att1 = _glorot(ks[5], (HEADS, C)); bias1 = jnp.zeros((HID,), jnp.float32)
    # GATv2Conv layer 2 params (in=256 -> 256)
    W2l = _glorot(ks[6], (HID, HID)); b2l = jnp.zeros((HID,), jnp.float32)
    W2r = _glorot(ks[7], (HID, HID)); b2r = jnp.zeros((HID,), jnp.float32)
    att2 = _glorot(ks[8], (HEADS, C)); bias2 = jnp.zeros((HID,), jnp.float32)
    # JK='cat' final projection: Linear(2*256 -> 4)
    Wf = _glorot(ks[9], (OUT_CLASSES, NUM_LAYERS * HID)); bf = jnp.zeros((OUT_CLASSES,), jnp.float32)
    return {"x": x, "edge_index": edge_index, "edge_attr": edge_attr,
            "W1l": W1l, "b1l": b1l, "W1r": W1r, "b1r": b1r, "att1": att1, "bias1": bias1,
            "W2l": W2l, "b2l": b2l, "W2r": W2r, "b2r": b2r, "att2": att2, "bias2": bias2,
            "Wf": Wf, "bf": bf}


def _gatv2_conv(x, edge_index, Wl, bl, Wr, br, att, bias):
    # Faithful GATv2Conv (concat=True, negative_slope=0.2, share_weights=False),
    # eval mode (dropout disabled), edge_attr=None path.
    n = x.shape[0]
    src = edge_index[0]
    dst = edge_index[1]
    xl = (x @ Wl.T + bl).reshape(n, HEADS, C)  # source-side transform
    xr = (x @ Wr.T + br).reshape(n, HEADS, C)  # target-side transform
    xj = xl[src]                                # gather [E, H, C]
    xi = xr[dst]                                # gather [E, H, C]
    e = jax.nn.leaky_relu(xj + xi, negative_slope=0.2)
    logits = jnp.sum(e * att, axis=-1)          # [E, H]
    amax = jax.lax.stop_gradient(jax.ops.segment_max(logits, dst, num_segments=n))
    amax = jnp.where(jnp.isfinite(amax), amax, 0.0)
    ex = jnp.exp(logits - amax[dst])
    denom = jax.ops.segment_sum(ex, dst, num_segments=n)
    alpha = ex / (denom[dst] + 1e-16)           # softmax over incoming edges per dst
    out = jax.ops.segment_sum(xj * alpha[:, :, None], dst, num_segments=n)  # scatter-add
    return out.reshape(n, HEADS * C) + bias


def reference(x, edge_index, edge_attr, W1l, b1l, W1r, b1r, att1, bias1,
              W2l, b2l, W2r, b2r, att2, bias2, Wf, bf):
    # NOTE: the torch module passes edge_attr as `edge_weight` to PyG's GAT model;
    # GAT has supports_edge_weight=False, so edge_attr is silently ignored.
    h1 = jax.nn.relu(_gatv2_conv(x, edge_index, W1l, b1l, W1r, b1r, att1, bias1))
    h2 = jax.nn.relu(_gatv2_conv(h1, edge_index, W2l, b2l, W2r, b2r, att2, bias2))
    h = jnp.concatenate([h1, h2], axis=-1)      # JumpingKnowledge 'cat'
    return h @ Wf.T + bf                         # [N, 4]

if __name__ == "__main__":
    import jax
    _d = setup_inputs()
    print(jax.jit(kernel)(*tuple(_d.values())))

</pallas_src>

<mosaic_0001>
#map = affine_map<(d0, d1) -> (0, 0)>
#map1 = affine_map<(d0, d1) -> (0)>
#map2 = affine_map<(d0, d1) -> (0, 0, 0)>
module attributes {stable_mosaic.version = 14 : i64} {
  func.func @_sc_gat_body(%arg0: i32, %arg1: i32, %arg2: memref<40016x128xf32, #tpu.memory_space<hbm>>, %arg3: memref<327680xi32, #tpu.memory_space<hbm>>, %arg4: memref<327680xi32, #tpu.memory_space<hbm>>, %arg5: memref<2x128xf32, #tpu.memory_space<hbm>>, %arg6: memref<20000x128xf32, #tpu.memory_space<hbm>>, %arg7: memref<2x320x128xf32, #tpu.memory_space<hbm>>, %arg8: memref<64xi32, #tpu.memory_space<vmem>>, %arg9: memref<64xi32, #tpu.memory_space<vmem>>, %arg10: memref<80xi32, #tpu.memory_space<vmem>>, %arg11: memref<64xi32, #tpu.memory_space<vmem>>, %arg12: memref<64xi32, #tpu.memory_space<vmem>>, %arg13: memref<64xi32, #tpu.memory_space<vmem>>, %arg14: memref<64x128xf32, #tpu.memory_space<vmem>>, %arg15: memref<64x128xf32, #tpu.memory_space<vmem>>, %arg16: memref<64xi32, #tpu.memory_space<vmem>>, %arg17: memref<64xi32, #tpu.memory_space<vmem>>, %arg18: memref<80xi32, #tpu.memory_space<vmem>>, %arg19: memref<64xi32, #tpu.memory_space<vmem>>, %arg20: memref<64xi32, #tpu.memory_space<vmem>>, %arg21: memref<64xi32, #tpu.memory_space<vmem>>, %arg22: memref<64x128xf32, #tpu.memory_space<vmem>>, %arg23: memref<64x128xf32, #tpu.memory_space<vmem>>, %arg24: memref<16x128xf32, #tpu.memory_space<vmem>>, %arg25: memref<128xf32, #tpu.memory_space<vmem>>, %arg26: memref<10016x128xf32, #tpu.memory_space<vmem_shared>>, %arg27: memref<320x128xf32, #tpu.memory_space<vmem_shared>>, %arg28: memref<!tpu.dma_semaphore, #tpu.memory_space<semaphore_mem>>, %arg29: memref<!tpu.dma_semaphore, #tpu.memory_space<semaphore_mem>>, %arg30: memref<!tpu.dma_semaphore, #tpu.memory_space<semaphore_mem>>, %arg31: memref<!tpu.dma_semaphore, #tpu.memory_space<semaphore_mem>>) attributes {dimension_semantics = [#tpu.dimension_semantics<core_parallel>, #tpu.dimension_semantics<subcore_parallel>], iteration_bounds = array<i64: 2, 16>, scalar_prefetch = 0 : i64, scratch_operands = 24 : i64, tpu.core_type = #tpu.core_type<sc_vector_subcore>, window_params = [{transform_indices = #map}, {transform_indices = #map1}, {transform_indices = #map1}, {transform_indices = #map}, {transform_indices = #map}, {transform_indices = #map2}]} {
    "tpu.region"() ({
      %run_scoped3A = tpu.sem_alloc : memref<!tpu.dma_semaphore, #tpu.memory_space<semaphore_mem>>
      %dma_start3A_184 = arith.constant 0 : i32
      %dma_start3A_185 = tpu.memref_slice %arg5[%arg0, %dma_start3A_184] : memref<2x128xf32, #tpu.memory_space<hbm>> -> memref<1x128xf32, #tpu.memory_space<hbm>>
      %dma_start3A_186 = tpu.memref_squeeze %dma_start3A_185 : memref<1x128xf32, #tpu.memory_space<hbm>> -> memref<128xf32, #tpu.memory_space<hbm>>
      %dma_start3A_187 = arith.constant 0 : i32
      %dma_start3A_188 = tpu.memref_slice %arg5[%arg0, %dma_start3A_187] : memref<2x128xf32, #tpu.memory_space<hbm>> -> memref<1x128xf32, #tpu.memory_space<hbm>>
      %dma_start3A_189 = tpu.memref_squeeze %dma_start3A_188 : memref<1x128xf32, #tpu.memory_space<hbm>> -> memref<128xf32, #tpu.memory_space<hbm>>
      tpu.enqueue_dma source(%dma_start3A_189 : memref<128xf32, #tpu.memory_space<hbm>>) target(%arg25 : memref<128xf32, #tpu.memory_space<vmem>>) target_semaphore(%run_scoped3A : memref<!tpu.dma_semaphore, #tpu.memory_space<semaphore_mem>>)
      %dma_wait3A = arith.constant 0 : i32
      %dma_wait3A_190 = tpu.memref_slice %arg5[%arg0, %dma_wait3A] : memref<2x128xf32, #tpu.memory_space<hbm>> -> memref<1x128xf32, #tpu.memory_space<hbm>>
      %dma_wait3A_191 = tpu.memref_squeeze %dma_wait3A_190 : memref<1x128xf32, #tpu.memory_space<hbm>> -> memref<128xf32, #tpu.memory_space<hbm>>
      %dma_wait3A_192 = arith.constant 0 : i32
      %dma_wait3A_193 = tpu.memref_slice %arg5[%arg0, %dma_wait3A_192] : memref<2x128xf32, #tpu.memory_space<hbm>> -> memref<1x128xf32, #tpu.memory_space<hbm>>
      %dma_wait3A_194 = tpu.memref_squeeze %dma_wait3A_193 : memref<1x128xf32, #tpu.memory_space<hbm>> -> memref<128xf32, #tpu.memory_space<hbm>>
      tpu.wait_dma2 semaphore(%run_scoped3A : memref<!tpu.dma_semaphore, #tpu.memory_space<semaphore_mem>>) src(%dma_wait3A_194 : memref<128xf32, #tpu.memory_space<hbm>>) dst(%arg25 : memref<128xf32, #tpu.memory_space<vmem>>)
      tpu.yield
    }) : () -> ()
    %broadcast_in_dim3A = arith.constant 0.000000e+00 : f32
    %broadcast_in_dim3A_0 = vector.broadcast %broadcast_in_dim3A : f32 to vector<16xf32>
    %scan3A = arith.constant 0 : i32
    %scan3A_1 = arith.constant 0 : i32
    %scan3A_2 = arith.constant 16 : i32
    %scan3A_3 = arith.addi %scan3A_1, %scan3A_2 : i32
    %scan3A_4 = arith.constant 1 : i32
    scf.for %scan3A_184 = %scan3A_1 to %scan3A_3 step %scan3A_4  : i32 {
      %swap3A = arith.index_cast %scan3A_184 : i32 to index
      %swap3A_185 = arith.constant 0 : index
      %swap3A_186 = tpu.vector_load %arg24[%swap3A, %swap3A_185] {strides = array<i32>} : memref<16x128xf32, #tpu.memory_space<vmem>>, vector<16xf32>,
      tpu.vector_store %arg24[%swap3A, %swap3A_185], %broadcast_in_dim3A_0 {strides = array<i32>} : memref<16x128xf32, #tpu.memory_space<vmem>>, vector<16xf32>,
      %swap3A_187 = arith.index_cast %scan3A_184 : i32 to index
      %swap3A_188 = arith.constant 16 : index
      %swap3A_189 = tpu.vector_load %arg24[%swap3A_187, %swap3A_188] {strides = array<i32>} : memref<16x128xf32, #tpu.memory_space<vmem>>, vector<16xf32>,
      tpu.vector_store %arg24[%swap3A_187, %swap3A_188], %broadcast_in_dim3A_0 {strides = array<i32>} : memref<16x128xf32, #tpu.memory_space<vmem>>, vector<16xf32>,
      %swap3A_190 = arith.index_cast %scan3A_184 : i32 to index
      %swap3A_191 = arith.constant 32 : index
      %swap3A_192 = tpu.vector_load %arg24[%swap3A_190, %swap3A_191] {strides = array<i32>} : memref<16x128xf32, #tpu.memory_space<vmem>>, vector<16xf32>,
      tpu.vector_store %arg24[%swap3A_190, %swap3A_191], %broadcast_in_dim3A_0 {strides = array<i32>} : memref<16x128xf32, #tpu.memory_space<vmem>>, vector<16xf32>,
      %swap3A_193 = arith.index_cast %scan3A_184 : i32 to index
      %swap3A_194 = arith.constant 48 : index
      %swap3A_195 = tpu.vector_load %arg24[%swap3A_193, %swap3A_194] {strides = array<i32>} : memref<16x128xf32, #tpu.memory_space<vmem>>, vector<16xf32>,
      tpu.vector_store %arg24[%swap3A_193, %swap3A_194], %broadcast_in_dim3A_0 {strides = array<i32>} : memref<16x128xf32, #tpu.memory_space<vmem>>, vector<16xf32>,
      %swap3A_196 = arith.index_cast %scan3A_184 : i32 to index
      %swap3A_197 = arith.constant 64 : index
      %swap3A_198 = tpu.vector_load %arg24[%swap3A_196, %swap3A_197] {strides = array<i32>} : memref<16x128xf32, #tpu.memory_space<vmem>>, vector<16xf32>,
      tpu.vector_store %arg24[%swap3A_196, %swap3A_197], %broadcast_in_dim3A_0 {strides = array<i32>} : memref<16x128xf32, #tpu.memory_space<vmem>>, vector<16xf32>,
      %swap3A_199 = arith.index_cast %scan3A_184 : i32 to index
      %swap3A_200 = arith.constant 80 : index
      %swap3A_201 = tpu.vector_load %arg24[%swap3A_199, %swap3A_200] {strides = array<i32>} : memref<16x128xf32, #tpu.memory_space<vmem>>, vector<16xf32>,
      tpu.vector_store %arg24[%swap3A_199, %swap3A_200], %broadcast_in_dim3A_0 {strides = array<i32>} : memref<16x128xf32, #tpu.memory_space<vmem>>, vector<16xf32>,
      %swap3A_202 = arith.index_cast %scan3A_184 : i32 to index
      %swap3A_203 = arith.constant 96 : index
      %swap3A_204 = tpu.vector_load %arg24[%swap3A_202, %swap3A_203] {strides = array<i32>} : memref<16x128xf32, #tpu.memory_space<vmem>>, vector<16xf32>,
      tpu.vector_store %arg24[%swap3A_202, %swap3A_203], %broadcast_in_dim3A_0 {strides = array<i32>} : memref<16x128xf32, #tpu.memory_space<vmem>>, vector<16xf32>,
      %swap3A_205 = arith.index_cast %scan3A_184 : i32 to index
      %swap3A_206 = arith.constant 112 : index
      %swap3A_207 = tpu.vector_load %arg24[%swap3A_205, %swap3A_206] {strides = array<i32>} : memref<16x128xf32, #tpu.memory_space<vmem>>, vector<16xf32>,
      tpu.vector_store %arg24[%swap3A_205, %swap3A_206], %broadcast_in_dim3A_0 {strides = array<i32>} : memref<16x128xf32, #tpu.memory_space<vmem>>, vector<16xf32>,
    }
    %scan3A_5 = arith.constant 16 : i32
    %sub3A = arith.constant 626 : i32
    %sub3A_6 = arith.subi %sub3A, %arg1 : i32
    %add3A = arith.constant 16 : i32
    %add3A_7 = arith.addi %sub3A_6, %add3A : i32
    %sub3A_8 = arith.constant 1 : i32
    %sub3A_9 = arith.subi %add3A_7, %sub3A_8 : i32
    %jit3A = arith.constant 16 : i32
    %div3A = arith.divsi %sub3A_9, %jit3A : i32
    %sign3A = arith.constant 0 : i32
    %sign3A_10 = arith.cmpi sgt, %sub3A_9, %sign3A : i32
    %sign3A_11 = arith.extui %sign3A_10 : i1 to i32
    %sign3A_12 = arith.constant 0 : i32
    %sign3A_13 = arith.cmpi slt, %sub3A_9, %sign3A_12 : i32
    %sign3A_14 = arith.extui %sign3A_13 : i1 to i32
    %sign3A_15 = arith.subi %sign3A_11, %sign3A_14 : i32
    %sign3A_16 = arith.constant 0 : i32
    %sign3A_17 = arith.cmpi sgt, %jit3A, %sign3A_16 : i32
    %sign3A_18 = arith.extui %sign3A_17 : i1 to i32
    %sign3A_19 = arith.constant 0 : i32
    %sign3A_20 = arith.cmpi slt, %jit3A, %sign3A_19 : i32
    %sign3A_21 = arith.extui %sign3A_20 : i1 to i32
    %sign3A_22 = arith.subi %sign3A_18, %sign3A_21 : i32
    %ne3A = arith.cmpi ne, %sign3A_15, %sign3A_22 : i32
    %rem3A = arith.remsi %sub3A_9, %jit3A : i32
    %ne3A_23 = arith.constant 0 : i32
    %ne3A_24 = arith.cmpi ne, %rem3A, %ne3A_23 : i32
    %and3A = arith.andi %ne3A, %ne3A_24 : i1
    %sub3A_25 = arith.constant 1 : i32
    %sub3A_26 = arith.subi %div3A, %sub3A_25 : i32
    %select_n3A = arith.select %and3A, %sub3A_26, %div3A : i32
    %while3A = arith.constant 0 : i32
    %while3A_27 = arith.constant 0 : i32
    %while3A_28 = arith.subi %select_n3A, %while3A_27 : i32
    %while3A_29 = arith.addi %while3A_27, %while3A_28 : i32
    %while3A_30 = arith.constant 1 : i32
    %while3A_31 = arith.divsi %while3A_28, %while3A_30 : i32
    %while3A_32 = arith.muli %while3A_31, %while3A_30 : i32
    %while3A_33 = arith.addi %while3A_27, %while3A_32 : i32
    %while3A_34 = arith.constant 1 : i32
    scf.for %while3A_184 = %while3A_27 to %while3A_33 step %while3A_34  : i32 {
      %mul3A_185 = arith.constant 16 : i32
      %mul3A_186 = arith.muli %mul3A_185, %while3A_184 : i32
      %add3A_187 = arith.addi %arg1, %mul3A_186 : i32
      %mul3A_188 = arith.constant 16 : i32
      %mul3A_189 = arith.muli %add3A_187, %mul3A_188 : i32
      "tpu.region"() ({
        %run_scoped3A = tpu.sem_alloc : memref<!tpu.dma_semaphore, #tpu.memory_space<semaphore_mem>>
        %dma_start3A_190 = arith.constant 0 : i32
        %dma_start3A_191 = tpu.memref_slice %arg26[%mul3A_189, %dma_start3A_190] : memref<10016x128xf32, #tpu.memory_space<vmem_shared>> -> memref<16x128xf32, #tpu.memory_space<vmem_shared>>
        %dma_start3A_192 = arith.constant 0 : i32
        %dma_start3A_193 = tpu.memref_slice %arg26[%mul3A_189, %dma_start3A_192] : memref<10016x128xf32, #tpu.memory_space<vmem_shared>> -> memref<16x128xf32, #tpu.memory_space<vmem_shared>>
        tpu.enqueue_dma source(%arg24 : memref<16x128xf32, #tpu.memory_space<vmem>>) target(%dma_start3A_193 : memref<16x128xf32, #tpu.memory_space<vmem_shared>>) target_semaphore(%run_scoped3A : memref<!tpu.dma_semaphore, #tpu.memory_space<semaphore_mem>>)
        %dma_wait3A = arith.constant 0 : i32
        %dma_wait3A_194 = tpu.memref_slice %arg26[%mul3A_189, %dma_wait3A] : memref<10016x128xf32, #tpu.memory_space<vmem_shared>> -> memref<16x128xf32, #tpu.memory_space<vmem_shared>>
        %dma_wait3A_195 = arith.constant 0 : i32
        %dma_wait3A_196 = tpu.memref_slice %arg26[%mul3A_189, %dma_wait3A_195] : memref<10016x128xf32, #tpu.memory_space<vmem_shared>> -> memref<16x128xf32, #tpu.memory_space<vmem_shared>>
        tpu.wait_dma2 semaphore(%run_scoped3A : memref<!tpu.dma_semaphore, #tpu.memory_space<semaphore_mem>>) src(%arg24 : memref<16x128xf32, #tpu.memory_space<vmem>>) dst(%dma_wait3A_196 : memref<16x128xf32, #tpu.memory_space<vmem_shared>>)
        tpu.yield
      }) : () -> ()
    }
    %while3A_35 = arith.constant 1 : i32
    scf.for %while3A_184 = %while3A_33 to %while3A_29 step %while3A_35  : i32 {
      %mul3A_185 = arith.constant 16 : i32
      %mul3A_186 = arith.muli %mul3A_185, %while3A_184 : i32
      %add3A_187 = arith.addi %arg1, %mul3A_186 : i32
      %mul3A_188 = arith.constant 16 : i32
      %mul3A_189 = arith.muli %add3A_187, %mul3A_188 : i32
      "tpu.region"() ({
        %run_scoped3A = tpu.sem_alloc : memref<!tpu.dma_semaphore, #tpu.memory_space<semaphore_mem>>
        %dma_start3A_190 = arith.constant 0 : i32
        %dma_start3A_191 = tpu.memref_slice %arg26[%mul3A_189, %dma_start3A_190] : memref<10016x128xf32, #tpu.memory_space<vmem_shared>> -> memref<16x128xf32, #tpu.memory_space<vmem_shared>>
        %dma_start3A_192 = arith.constant 0 : i32
        %dma_start3A_193 = tpu.memref_slice %arg26[%mul3A_189, %dma_start3A_192] : memref<10016x128xf32, #tpu.memory_space<vmem_shared>> -> memref<16x128xf32, #tpu.memory_space<vmem_shared>>
        tpu.enqueue_dma source(%arg24 : memref<16x128xf32, #tpu.memory_space<vmem>>) target(%dma_start3A_193 : memref<16x128xf32, #tpu.memory_space<vmem_shared>>) target_semaphore(%run_scoped3A : memref<!tpu.dma_semaphore, #tpu.memory_space<semaphore_mem>>)
        %dma_wait3A = arith.constant 0 : i32
        %dma_wait3A_194 = tpu.memref_slice %arg26[%mul3A_189, %dma_wait3A] : memref<10016x128xf32, #tpu.memory_space<vmem_shared>> -> memref<16x128xf32, #tpu.memory_space<vmem_shared>>
        %dma_wait3A_195 = arith.constant 0 : i32
        %dma_wait3A_196 = tpu.memref_slice %arg26[%mul3A_189, %dma_wait3A_195] : memref<10016x128xf32, #tpu.memory_space<vmem_shared>> -> memref<16x128xf32, #tpu.memory_space<vmem_shared>>
        tpu.wait_dma2 semaphore(%run_scoped3A : memref<!tpu.dma_semaphore, #tpu.memory_space<semaphore_mem>>) src(%arg24 : memref<16x128xf32, #tpu.memory_space<vmem>>) dst(%dma_wait3A_196 : memref<16x128xf32, #tpu.memory_space<vmem_shared>>)
        tpu.yield
      }) : () -> ()
    }
    %sub3A_36 = arith.constant 40 : i32
    %sub3A_37 = arith.subi %sub3A_36, %arg1 : i32
    %add3A_38 = arith.constant 16 : i32
    %add3A_39 = arith.addi %sub3A_37, %add3A_38 : i32
    %sub3A_40 = arith.constant 1 : i32
    %sub3A_41 = arith.subi %add3A_39, %sub3A_40 : i32
    %jit3A_42 = arith.constant 16 : i32
    %div3A_43 = arith.divsi %sub3A_41, %jit3A_42 : i32
    %sign3A_44 = arith.constant 0 : i32
    %sign3A_45 = arith.cmpi sgt, %sub3A_41, %sign3A_44 : i32
    %sign3A_46 = arith.extui %sign3A_45 : i1 to i32
    %sign3A_47 = arith.constant 0 : i32
    %sign3A_48 = arith.cmpi slt, %sub3A_41, %sign3A_47 : i32
    %sign3A_49 = arith.extui %sign3A_48 : i1 to i32
    %sign3A_50 = arith.subi %sign3A_46, %sign3A_49 : i32
    %sign3A_51 = arith.constant 0 : i32
    %sign3A_52 = arith.cmpi sgt, %jit3A_42, %sign3A_51 : i32
    %sign3A_53 = arith.extui %sign3A_52 : i1 to i32
    %sign3A_54 = arith.constant 0 : i32
    %sign3A_55 = arith.cmpi slt, %jit3A_42, %sign3A_54 : i32
    %sign3A_56 = arith.extui %sign3A_55 : i1 to i32
    %sign3A_57 = arith.subi %sign3A_53, %sign3A_56 : i32
    %ne3A_58 = arith.cmpi ne, %sign3A_50, %sign3A_57 : i32
    %rem3A_59 = arith.remsi %sub3A_41, %jit3A_42 : i32
    %ne3A_60 = arith.constant 0 : i32
    %ne3A_61 = arith.cmpi ne, %rem3A_59, %ne3A_60 : i32
    %and3A_62 = arith.andi %ne3A_58, %ne3A_61 : i1
    %sub3A_63 = arith.constant 1 : i32
    %sub3A_64 = arith.subi %div3A_43, %sub3A_63 : i32
    %select_n3A_65 = arith.select %and3A_62, %sub3A_64, %div3A_43 : i32
    %while3A_66 = arith.constant 0 : i32
    %while3A_67 = arith.constant 0 : i32
    %while3A_68 = arith.subi %select_n3A_65, %while3A_67 : i32
    %while3A_69 = arith.addi %while3A_67, %while3A_68 : i32
    %while3A_70 = arith.constant 1 : i32
    %while3A_71 = arith.divsi %while3A_68, %while3A_70 : i32
    %while3A_72 = arith.muli %while3A_71, %while3A_70 : i32
    %while3A_73 = arith.addi %while3A_67, %while3A_72 : i32
    %while3A_74 = arith.constant 1 : i32
    scf.for %while3A_184 = %while3A_67 to %while3A_73 step %while3A_74  : i32 {
      %mul3A_185 = arith.constant 16 : i32
      %mul3A_186 = arith.muli %mul3A_185, %while3A_184 : i32
      %add3A_187 = arith.addi %arg1, %mul3A_186 : i32
      %mul3A_188 = arith.constant 8 : i32
      %mul3A_189 = arith.muli %add3A_187, %mul3A_188 : i32
      "tpu.region"() ({
        %run_scoped3A = tpu.sem_alloc : memref<!tpu.dma_semaphore, #tpu.memory_space<semaphore_mem>>
        %dma_start3A_190 = arith.constant 0 : i32
        %dma_start3A_191 = arith.constant 0 : i32
        %dma_start3A_192 = tpu.memref_slice %arg24[%dma_start3A_190, %dma_start3A_191] : memref<16x128xf32, #tpu.memory_space<vmem>> -> memref<8x128xf32, #tpu.memory_space<vmem>>
        %dma_start3A_193 = arith.constant 0 : i32
        %dma_start3A_194 = tpu.memref_slice %arg27[%mul3A_189, %dma_start3A_193] : memref<320x128xf32, #tpu.memory_space<vmem_shared>> -> memref<8x128xf32, #tpu.memory_space<vmem_shared>>
        %dma_start3A_195 = arith.constant 0 : i32
        %dma_start3A_196 = tpu.memref_slice %arg27[%mul3A_189, %dma_start3A_195] : memref<320x128xf32, #tpu.memory_space<vmem_shared>> -> memref<8x128xf32, #tpu.memory_space<vmem_shared>>
        %dma_start3A_197 = arith.constant 0 : i32
        %dma_start3A_198 = arith.constant 0 : i32
        %dma_start3A_199 = tpu.memref_slice %arg24[%dma_start3A_197, %dma_start3A_198] : memref<16x128xf32, #tpu.memory_space<vmem>> -> memref<8x128xf32, #tpu.memory_space<vmem>>
        tpu.enqueue_dma source(%dma_start3A_199 : memref<8x128xf32, #tpu.memory_space<vmem>>) target(%dma_start3A_196 : memref<8x128xf32, #tpu.memory_space<vmem_shared>>) target_semaphore(%run_scoped3A : memref<!tpu.dma_semaphore, #tpu.memory_space<semaphore_mem>>)
        %dma_wait3A = arith.constant 0 : i32
        %dma_wait3A_200 = arith.constant 0 : i32
        %dma_wait3A_201 = tpu.memref_slice %arg24[%dma_wait3A, %dma_wait3A_200] : memref<16x128xf32, #tpu.memory_space<vmem>> -> memref<8x128xf32, #tpu.memory_space<vmem>>
        %dma_wait3A_202 = arith.constant 0 : i32
        %dma_wait3A_203 = tpu.memref_slice %arg27[%mul3A_189, %dma_wait3A_202] : memref<320x128xf32, #tpu.memory_space<vmem_shared>> -> memref<8x128xf32, #tpu.memory_space<vmem_shared>>
        %dma_wait3A_204 = arith.constant 0 : i32
        %dma_wait3A_205 = tpu.memref_slice %arg27[%mul3A_189, %dma_wait3A_204] : memref<320x128xf32, #tpu.memory_space<vmem_shared>> -> memref<8x128xf32, #tpu.memory_space<vmem_shared>>
        %dma_wait3A_206 = arith.constant 0 : i32
        %dma_wait3A_207 = arith.constant 0 : i32
        %dma_wait3A_208 = tpu.memref_slice %arg24[%dma_wait3A_206, %dma_wait3A_207] : memref<16x128xf32, #tpu.memory_space<vmem>> -> memref<8x128xf32, #tpu.memory_space<vmem>>
        tpu.wait_dma2 semaphore(%run_scoped3A : memref<!tpu.dma_semaphore, #tpu.memory_space<semaphore_mem>>) src(%dma_wait3A_208 : memref<8x128xf32, #tpu.memory_space<vmem>>) dst(%dma_wait3A_205 : memref<8x128xf32, #tpu.memory_space<vmem_shared>>)
        tpu.yield
      }) : () -> ()
    }
    %while3A_75 = arith.constant 1 : i32
    scf.for %while3A_184 = %while3A_73 to %while3A_69 step %while3A_75  : i32 {
      %mul3A_185 = arith.constant 16 : i32
      %mul3A_186 = arith.muli %mul3A_185, %while3A_184 : i32
      %add3A_187 = arith.addi %arg1, %mul3A_186 : i32
      %mul3A_188 = arith.constant 8 : i32
      %mul3A_189 = arith.muli %add3A_187, %mul3A_188 : i32
      "tpu.region"() ({
        %run_scoped3A = tpu.sem_alloc : memref<!tpu.dma_semaphore, #tpu.memory_space<semaphore_mem>>
        %dma_start3A_190 = arith.constant 0 : i32
        %dma_start3A_191 = arith.constant 0 : i32
        %dma_start3A_192 = tpu.memref_slice %arg24[%dma_start3A_190, %dma_start3A_191] : memref<16x128xf32, #tpu.memory_space<vmem>> -> memref<8x128xf32, #tpu.memory_space<vmem>>
        %dma_start3A_193 = arith.constant 0 : i32
        %dma_start3A_194 = tpu.memref_slice %arg27[%mul3A_189, %dma_start3A_193] : memref<320x128xf32, #tpu.memory_space<vmem_shared>> -> memref<8x128xf32, #tpu.memory_space<vmem_shared>>
        %dma_start3A_195 = arith.constant 0 : i32
        %dma_start3A_196 = tpu.memref_slice %arg27[%mul3A_189, %dma_start3A_195] : memref<320x128xf32, #tpu.memory_space<vmem_shared>> -> memref<8x128xf32, #tpu.memory_space<vmem_shared>>
        %dma_start3A_197 = arith.constant 0 : i32
        %dma_start3A_198 = arith.constant 0 : i32
        %dma_start3A_199 = tpu.memref_slice %arg24[%dma_start3A_197, %dma_start3A_198] : memref<16x128xf32, #tpu.memory_space<vmem>> -> memref<8x128xf32, #tpu.memory_space<vmem>>
        tpu.enqueue_dma source(%dma_start3A_199 : memref<8x128xf32, #tpu.memory_space<vmem>>) target(%dma_start3A_196 : memref<8x128xf32, #tpu.memory_space<vmem_shared>>) target_semaphore(%run_scoped3A : memref<!tpu.dma_semaphore, #tpu.memory_space<semaphore_mem>>)
        %dma_wait3A = arith.constant 0 : i32
        %dma_wait3A_200 = arith.constant 0 : i32
        %dma_wait3A_201 = tpu.memref_slice %arg24[%dma_wait3A, %dma_wait3A_200] : memref<16x128xf32, #tpu.memory_space<vmem>> -> memref<8x128xf32, #tpu.memory_space<vmem>>
        %dma_wait3A_202 = arith.constant 0 : i32
        %dma_wait3A_203 = tpu.memref_slice %arg27[%mul3A_189, %dma_wait3A_202] : memref<320x128xf32, #tpu.memory_space<vmem_shared>> -> memref<8x128xf32, #tpu.memory_space<vmem_shared>>
        %dma_wait3A_204 = arith.constant 0 : i32
        %dma_wait3A_205 = tpu.memref_slice %arg27[%mul3A_189, %dma_wait3A_204] : memref<320x128xf32, #tpu.memory_space<vmem_shared>> -> memref<8x128xf32, #tpu.memory_space<vmem_shared>>
        %dma_wait3A_206 = arith.constant 0 : i32
        %dma_wait3A_207 = arith.constant 0 : i32
        %dma_wait3A_208 = tpu.memref_slice %arg24[%dma_wait3A_206, %dma_wait3A_207] : memref<16x128xf32, #tpu.memory_space<vmem>> -> memref<8x128xf32, #tpu.memory_space<vmem>>
        tpu.wait_dma2 semaphore(%run_scoped3A : memref<!tpu.dma_semaphore, #tpu.memory_space<semaphore_mem>>) src(%dma_wait3A_208 : memref<8x128xf32, #tpu.memory_space<vmem>>) dst(%dma_wait3A_205 : memref<8x128xf32, #tpu.memory_space<vmem_shared>>)
        tpu.yield
      }) : () -> ()
    }
    %barrier3A = arith.constant 0 : index
    tpu.barrier barrier_id(%barrier3A)
    %get3A = arith.constant 0 : index
    %get3A_76 = tpu.vector_load %arg25[%get3A] {strides = array<i32>} : memref<128xf32, #tpu.memory_space<vmem>>, vector<16xf32>,
    %get3A_77 = arith.constant 16 : index
    %get3A_78 = tpu.vector_load %arg25[%get3A_77] {strides = array<i32>} : memref<128xf32, #tpu.memory_space<vmem>>, vector<16xf32>,
    %get3A_79 = arith.constant 32 : index
    %get3A_80 = tpu.vector_load %arg25[%get3A_79] {strides = array<i32>} : memref<128xf32, #tpu.memory_space<vmem>>, vector<16xf32>,
    %get3A_81 = arith.constant 48 : index
    %get3A_82 = tpu.vector_load %arg25[%get3A_81] {strides = array<i32>} : memref<128xf32, #tpu.memory_space<vmem>>, vector<16xf32>,
    %get3A_83 = arith.constant 64 : index
    %get3A_84 = tpu.vector_load %arg25[%get3A_83] {strides = array<i32>} : memref<128xf32, #tpu.memory_space<vmem>>, vector<16xf32>,
    %get3A_85 = arith.constant 80 : index
    %get3A_86 = tpu.vector_load %arg25[%get3A_85] {strides = array<i32>} : memref<128xf32, #tpu.memory_space<vmem>>, vector<16xf32>,
    %get3A_87 = arith.constant 96 : index
    %get3A_88 = tpu.vector_load %arg25[%get3A_87] {strides = array<i32>} : memref<128xf32, #tpu.memory_space<vmem>>, vector<16xf32>,
    %get3A_89 = arith.constant 112 : index
    %get3A_90 = tpu.vector_load %arg25[%get3A_89] {strides = array<i32>} : memref<128xf32, #tpu.memory_space<vmem>>, vector<16xf32>,
    %iota3A = tpu.iota {dimensions = array<i32: 0>} : vector<16xi32>
    %mul3A = arith.constant 10000 : i32
    %mul3A_91 = arith.muli %arg0, %mul3A : i32
    %add3A_92 = arith.constant 2 : i32
    %add3A_93 = arith.addi %add3A_92, %arg0 : i32
    %mul3A_94 = arith.constant 10000 : i32
    %mul3A_95 = arith.muli %add3A_93, %mul3A_94 : i32
    %add3A_96 = arith.constant 0 : i32
    %add3A_97 = arith.addi %arg1, %add3A_96 : i32
    %mul3A_98 = arith.constant 64 : i32
    %mul3A_99 = arith.muli %add3A_97, %mul3A_98 : i32
    "tpu.region"() ({
      %run_scoped3A = tpu.sem_alloc : memref<!tpu.dma_semaphore, #tpu.memory_space<semaphore_mem>>
      %dma_start3A_184 = tpu.memref_slice %arg3[%mul3A_99] : memref<327680xi32, #tpu.memory_space<hbm>> -> memref<64xi32, #tpu.memory_space<hbm>>
      %dma_start3A_185 = tpu.memref_slice %arg3[%mul3A_99] : memref<327680xi32, #tpu.memory_space<hbm>> -> memref<64xi32, #tpu.memory_space<hbm>>
      tpu.enqueue_dma source(%dma_start3A_185 : memref<64xi32, #tpu.memory_space<hbm>>) target(%arg8 : memref<64xi32, #tpu.memory_space<vmem>>) target_semaphore(%run_scoped3A : memref<!tpu.dma_semaphore, #tpu.memory_space<semaphore_mem>>)
      %dma_wait3A = tpu.memref_slice %arg3[%mul3A_99] : memref<327680xi32, #tpu.memory_space<hbm>> -> memref<64xi32, #tpu.memory_space<hbm>>
      %dma_wait3A_186 = tpu.memref_slice %arg3[%mul3A_99] : memref<327680xi32, #tpu.memory_space<hbm>> -> memref<64xi32, #tpu.memory_space<hbm>>
      tpu.wait_dma2 semaphore(%run_scoped3A : memref<!tpu.dma_semaphore, #tpu.memory_space<semaphore_mem>>) src(%dma_wait3A_186 : memref<64xi32, #tpu.memory_space<hbm>>) dst(%arg8 : memref<64xi32, #tpu.memory_space<vmem>>)
      tpu.yield
    }) : () -> ()
    "tpu.region"() ({
      %run_scoped3A = tpu.sem_alloc : memref<!tpu.dma_semaphore, #tpu.memory_space<semaphore_mem>>
      %dma_start3A_184 = tpu.memref_slice %arg4[%mul3A_99] : memref<327680xi32, #tpu.memory_space<hbm>> -> memref<64xi32, #tpu.memory_space<hbm>>
      %dma_start3A_185 = tpu.memref_slice %arg4[%mul3A_99] : memref<327680xi32, #tpu.memory_space<hbm>> -> memref<64xi32, #tpu.memory_space<hbm>>
      tpu.enqueue_dma source(%dma_start3A_185 : memref<64xi32, #tpu.memory_space<hbm>>) target(%arg9 : memref<64xi32, #tpu.memory_space<vmem>>) target_semaphore(%run_scoped3A : memref<!tpu.dma_semaphore, #tpu.memory_space<semaphore_mem>>)
      %dma_wait3A = tpu.memref_slice %arg4[%mul3A_99] : memref<327680xi32, #tpu.memory_space<hbm>> -> memref<64xi32, #tpu.memory_space<hbm>>
      %dma_wait3A_186 = tpu.memref_slice %arg4[%mul3A_99] : memref<327680xi32, #tpu.memory_space<hbm>> -> memref<64xi32, #tpu.memory_space<hbm>>
      tpu.wait_dma2 semaphore(%run_scoped3A : memref<!tpu.dma_semaphore, #tpu.memory_space<semaphore_mem>>) src(%dma_wait3A_186 : memref<64xi32, #tpu.memory_space<hbm>>) dst(%arg9 : memref<64xi32, #tpu.memory_space<vmem>>)
      tpu.yield
    }) : () -> ()
    %scan3A_100 = arith.constant 0 : i32
    %scan3A_101 = arith.constant 0 : i32
    %scan3A_102 = arith.constant 4 : i32
    %scan3A_103 = arith.addi %scan3A_101, %scan3A_102 : i32
    %scan3A_104 = arith.constant 1 : i32
    scf.for %scan3A_184 = %scan3A_101 to %scan3A_103 step %scan3A_104  : i32 {
      %mul3A_185 = arith.constant 16 : i32
      %mul3A_186 = arith.muli %scan3A_184, %mul3A_185 : i32
      %get3A_187 = arith.index_cast %mul3A_186 : i32 to index
      %get3A_188 = tpu.vector_load %arg9[%get3A_187] {strides = array<i32>} : memref<64xi32, #tpu.memory_space<vmem>>, vector<16xi32>,
      %mul3A_189 = arith.constant 16 : i32
      %mul3A_190 = arith.muli %scan3A_184, %mul3A_189 : i32
      %get3A_191 = arith.index_cast %mul3A_190 : i32 to index
      %get3A_192 = tpu.vector_load %arg8[%get3A_191] {strides = array<i32>} : memref<64xi32, #tpu.memory_space<vmem>>, vector<16xi32>,
      %add3A_193 = vector.broadcast %mul3A_91 : i32 to vector<16xi32>
      %add3A_194 = arith.addi %get3A_192, %add3A_193 : vector<16xi32>
      %mul3A_195 = arith.constant 16 : i32
      %mul3A_196 = arith.muli %scan3A_184, %mul3A_195 : i32
      %swap3A = arith.index_cast %mul3A_196 : i32 to index
      %swap3A_197 = tpu.vector_load %arg11[%swap3A] {strides = array<i32>} : memref<64xi32, #tpu.memory_space<vmem>>, vector<16xi32>,
      tpu.vector_store %arg11[%swap3A], %add3A_194 {strides = array<i32>} : memref<64xi32, #tpu.memory_space<vmem>>, vector<16xi32>,
      %add3A_198 = vector.broadcast %mul3A_95 : i32 to vector<16xi32>
      %add3A_199 = arith.addi %get3A_188, %add3A_198 : vector<16xi32>
      %mul3A_200 = arith.constant 16 : i32
      %mul3A_201 = arith.muli %scan3A_184, %mul3A_200 : i32
      %swap3A_202 = arith.index_cast %mul3A_201 : i32 to index
      %swap3A_203 = tpu.vector_load %arg12[%swap3A_202] {strides = array<i32>} : memref<64xi32, #tpu.memory_space<vmem>>, vector<16xi32>,
      tpu.vector_store %arg12[%swap3A_202], %add3A_199 {strides = array<i32>} : memref<64xi32, #tpu.memory_space<vmem>>, vector<16xi32>,
      %shift_right_logical3A = arith.constant 5 : i32
      %shift_right_logical3A_204 = vector.broadcast %shift_right_logical3A : i32 to vector<16xi32>
      %shift_right_logical3A_205 = arith.shrui %get3A_188, %shift_right_logical3A_204 : vector<16xi32>
      %mul3A_206 = arith.constant 16 : i32
      %mul3A_207 = arith.muli %scan3A_184, %mul3A_206 : i32
      %swap3A_208 = arith.index_cast %mul3A_207 : i32 to index
      %swap3A_209 = tpu.vector_load %arg13[%swap3A_208] {strides = array<i32>} : memref<64xi32, #tpu.memory_space<vmem>>, vector<16xi32>,
      tpu.vector_store %arg13[%swap3A_208], %shift_right_logical3A_205 {strides = array<i32>} : memref<64xi32, #tpu.memory_space<vmem>>, vector<16xi32>,
      %mul3A_210 = arith.constant 16 : i32
      %mul3A_211 = arith.muli %scan3A_184, %mul3A_210 : i32
      %swap3A_212 = arith.index_cast %mul3A_211 : i32 to index
      %swap3A_213 = tpu.vector_load %arg10[%swap3A_212] {strides = array<i32>} : memref<80xi32, #tpu.memory_space<vmem>>, vector<16xi32>,
      tpu.vector_store %arg10[%swap3A_212], %get3A_188 {strides = array<i32>} : memref<80xi32, #tpu.memory_space<vmem>>, vector<16xi32>,
    }
    %scan3A_105 = arith.constant 4 : i32
    %dma_start3A = arith.constant 0 : i32
    %dma_start3A_106 = arith.constant 0 : i32
    %dma_start3A_107 = tpu.memref_slice %arg2[%dma_start3A, %dma_start3A_106] : memref<40016x128xf32, #tpu.memory_space<hbm>> -> memref<40016x128xf32, #tpu.memory_space<hbm>>
    tpu.enqueue_indirect_dma source(%dma_start3A_107 : memref<40016x128xf32, #tpu.memory_space<hbm>>) target(%arg14 : memref<64x128xf32, #tpu.memory_space<vmem>>) offsets(%arg11 : memref<64xi32, #tpu.memory_space<vmem>>) semaphore(%arg28 : memref<!tpu.dma_semaphore, #tpu.memory_space<semaphore_mem>>)
    %dma_start3A_108 = arith.constant 0 : i32
    %dma_start3A_109 = arith.constant 0 : i32
    %dma_start3A_110 = tpu.memref_slice %arg2[%dma_start3A_108, %dma_start3A_109] : memref<40016x128xf32, #tpu.memory_space<hbm>> -> memref<40016x128xf32, #tpu.memory_space<hbm>>
    tpu.enqueue_indirect_dma source(%dma_start3A_110 : memref<40016x128xf32, #tpu.memory_space<hbm>>) target(%arg15 : memref<64x128xf32, #tpu.memory_space<vmem>>) offsets(%arg12 : memref<64xi32, #tpu.memory_space<vmem>>) semaphore(%arg29 : memref<!tpu.dma_semaphore, #tpu.memory_space<semaphore_mem>>)
    %add3A_111 = arith.constant 16 : i32
    %add3A_112 = arith.addi %arg1, %add3A_111 : i32
    %mul3A_113 = arith.constant 64 : i32
    %mul3A_114 = arith.muli %add3A_112, %mul3A_113 : i32
    "tpu.region"() ({
      %run_scoped3A = tpu.sem_alloc : memref<!tpu.dma_semaphore, #tpu.memory_space<semaphore_mem>>
      %dma_start3A_184 = tpu.memref_slice %arg3[%mul3A_114] : memref<327680xi32, #tpu.memory_space<hbm>> -> memref<64xi32, #tpu.memory_space<hbm>>
      %dma_start3A_185 = tpu.memref_slice %arg3[%mul3A_114] : memref<327680xi32, #tpu.memory_space<hbm>> -> memref<64xi32, #tpu.memory_space<hbm>>
      tpu.enqueue_dma source(%dma_start3A_185 : memref<64xi32, #tpu.memory_space<hbm>>) target(%arg16 : memref<64xi32, #tpu.memory_space<vmem>>) target_semaphore(%run_scoped3A : memref<!tpu.dma_semaphore, #tpu.memory_space<semaphore_mem>>)
      %dma_wait3A = tpu.memref_slice %arg3[%mul3A_114] : memref<327680xi32, #tpu.memory_space<hbm>> -> memref<64xi32, #tpu.memory_space<hbm>>
      %dma_wait3A_186 = tpu.memref_slice %arg3[%mul3A_114] : memref<327680xi32, #tpu.memory_space<hbm>> -> memref<64xi32, #tpu.memory_space<hbm>>
      tpu.wait_dma2 semaphore(%run_scoped3A : memref<!tpu.dma_semaphore, #tpu.memory_space<semaphore_mem>>) src(%dma_wait3A_186 : memref<64xi32, #tpu.memory_space<hbm>>) dst(%arg16 : memref<64xi32, #tpu.memory_space<vmem>>)
      tpu.yield
    }) : () -> ()
    "tpu.region"() ({
      %run_scoped3A = tpu.sem_alloc : memref<!tpu.dma_semaphore, #tpu.memory_space<semaphore_mem>>
      %dma_start3A_184 = tpu.memref_slice %arg4[%mul3A_114] : memref<327680xi32, #tpu.memory_space<hbm>> -> memref<64xi32, #tpu.memory_space<hbm>>
      %dma_start3A_185 = tpu.memref_slice %arg4[%mul3A_114] : memref<327680xi32, #tpu.memory_space<hbm>> -> memref<64xi32, #tpu.memory_space<hbm>>
      tpu.enqueue_dma source(%dma_start3A_185 : memref<64xi32, #tpu.memory_space<hbm>>) target(%arg17 : memref<64xi32, #tpu.memory_space<vmem>>) target_semaphore(%run_scoped3A : memref<!tpu.dma_semaphore, #tpu.memory_space<semaphore_mem>>)
      %dma_wait3A = tpu.memref_slice %arg4[%mul3A_114] : memref<327680xi32, #tpu.memory_space<hbm>> -> memref<64xi32, #tpu.memory_space<hbm>>
      %dma_wait3A_186 = tpu.memref_slice %arg4[%mul3A_114] : memref<327680xi32, #tpu.memory_space<hbm>> -> memref<64xi32, #tpu.memory_space<hbm>>
      tpu.wait_dma2 semaphore(%run_scoped3A : memref<!tpu.dma_semaphore, #tpu.memory_space<semaphore_mem>>) src(%dma_wait3A_186 : memref<64xi32, #tpu.memory_space<hbm>>) dst(%arg17 : memref<64xi32, #tpu.memory_space<vmem>>)
      tpu.yield
    }) : () -> ()
    %scan3A_115 = arith.constant 0 : i32
    %scan3A_116 = arith.constant 0 : i32
    %scan3A_117 = arith.constant 4 : i32
    %scan3A_118 = arith.addi %scan3A_116, %scan3A_117 : i32
    %scan3A_119 = arith.constant 1 : i32
    scf.for %scan3A_184 = %scan3A_116 to %scan3A_118 step %scan3A_119  : i32 {
      %mul3A_185 = arith.constant 16 : i32
      %mul3A_186 = arith.muli %scan3A_184, %mul3A_185 : i32
      %get3A_187 = arith.index_cast %mul3A_186 : i32 to index
      %get3A_188 = tpu.vector_load %arg17[%get3A_187] {strides = array<i32>} : memref<64xi32, #tpu.memory_space<vmem>>, vector<16xi32>,
      %mul3A_189 = arith.constant 16 : i32
      %mul3A_190 = arith.muli %scan3A_184, %mul3A_189 : i32
      %get3A_191 = arith.index_cast %mul3A_190 : i32 to index
      %get3A_192 = tpu.vector_load %arg16[%get3A_191] {strides = array<i32>} : memref<64xi32, #tpu.memory_space<vmem>>, vector<16xi32>,
      %add3A_193 = vector.broadcast %mul3A_91 : i32 to vector<16xi32>
      %add3A_194 = arith.addi %get3A_192, %add3A_193 : vector<16xi32>
      %mul3A_195 = arith.constant 16 : i32
      %mul3A_196 = arith.muli %scan3A_184, %mul3A_195 : i32
      %swap3A = arith.index_cast %mul3A_196 : i32 to index
      %swap3A_197 = tpu.vector_load %arg19[%swap3A] {strides = array<i32>} : memref<64xi32, #tpu.memory_space<vmem>>, vector<16xi32>,
      tpu.vector_store %arg19[%swap3A], %add3A_194 {strides = array<i32>} : memref<64xi32, #tpu.memory_space<vmem>>, vector<16xi32>,
      %add3A_198 = vector.broadcast %mul3A_95 : i32 to vector<16xi32>
      %add3A_199 = arith.addi %get3A_188, %add3A_198 : vector<16xi32>
      %mul3A_200 = arith.constant 16 : i32
      %mul3A_201 = arith.muli %scan3A_184, %mul3A_200 : i32
      %swap3A_202 = arith.index_cast %mul3A_201 : i32 to index
      %swap3A_203 = tpu.vector_load %arg20[%swap3A_202] {strides = array<i32>} : memref<64xi32, #tpu.memory_space<vmem>>, vector<16xi32>,
      tpu.vector_store %arg20[%swap3A_202], %add3A_199 {strides = array<i32>} : memref<64xi32, #tpu.memory_space<vmem>>, vector<16xi32>,
      %shift_right_logical3A = arith.constant 5 : i32
      %shift_right_logical3A_204 = vector.broadcast %shift_right_logical3A : i32 to vector<16xi32>
      %shift_right_logical3A_205 = arith.shrui %get3A_188, %shift_right_logical3A_204 : vector<16xi32>
      %mul3A_206 = arith.constant 16 : i32
      %mul3A_207 = arith.muli %scan3A_184, %mul3A_206 : i32
      %swap3A_208 = arith.index_cast %mul3A_207 : i32 to index
      %swap3A_209 = tpu.vector_load %arg21[%swap3A_208] {strides = array<i32>} : memref<64xi32, #tpu.memory_space<vmem>>, vector<16xi32>,
      tpu.vector_store %arg21[%swap3A_208], %shift_right_logical3A_205 {strides = array<i32>} : memref<64xi32, #tpu.memory_space<vmem>>, vector<16xi32>,
      %mul3A_210 = arith.constant 16 : i32
      %mul3A_211 = arith.muli %scan3A_184, %mul3A_210 : i32
      %swap3A_212 = arith.index_cast %mul3A_211 : i32 to index
      %swap3A_213 = tpu.vector_load %arg18[%swap3A_212] {strides = array<i32>} : memref<80xi32, #tpu.memory_space<vmem>>, vector<16xi32>,
      tpu.vector_store %arg18[%swap3A_212], %get3A_188 {strides = array<i32>} : memref<80xi32, #tpu.memory_space<vmem>>, vector<16xi32>,
    }
    %scan3A_120 = arith.constant 4 : i32
    %dma_start3A_121 = arith.constant 0 : i32
    %dma_start3A_122 = arith.constant 0 : i32
    %dma_start3A_123 = tpu.memref_slice %arg2[%dma_start3A_121, %dma_start3A_122] : memref<40016x128xf32, #tpu.memory_space<hbm>> -> memref<40016x128xf32, #tpu.memory_space<hbm>>
    tpu.enqueue_indirect_dma source(%dma_start3A_123 : memref<40016x128xf32, #tpu.memory_space<hbm>>) target(%arg22 : memref<64x128xf32, #tpu.memory_space<vmem>>) offsets(%arg19 : memref<64xi32, #tpu.memory_space<vmem>>) semaphore(%arg30 : memref<!tpu.dma_semaphore, #tpu.memory_space<semaphore_mem>>)
    %dma_start3A_124 = arith.constant 0 : i32
    %dma_start3A_125 = arith.constant 0 : i32
    %dma_start3A_126 = tpu.memref_slice %arg2[%dma_start3A_124, %dma_start3A_125] : memref<40016x128xf32, #tpu.memory_space<hbm>> -> memref<40016x128xf32, #tpu.memory_space<hbm>>
    tpu.enqueue_indirect_dma source(%dma_start3A_126 : memref<40016x128xf32, #tpu.memory_space<hbm>>) target(%arg23 : memref<64x128xf32, #tpu.memory_space<vmem>>) offsets(%arg20 : memref<64xi32, #tpu.memory_space<vmem>>) semaphore(%arg31 : memref<!tpu.dma_semaphore, #tpu.memory_space<semaphore_mem>>)
    %scan3A_127 = arith.constant 0 : i32
    %scan3A_128 = arith.constant 0 : i32
    %scan3A_129 = arith.constant 160 : i32
    %scan3A_130 = arith.addi %scan3A_128, %scan3A_129 : i32
    %scan3A_131 = arith.constant 1 : i32
    scf.for %scan3A_184 = %scan3A_128 to %scan3A_130 step %scan3A_131  : i32 {
      %mul3A_185 = arith.constant 2 : i32
      %mul3A_186 = arith.muli %mul3A_185, %scan3A_184 : i32
      %add3A_187 = arith.constant 0 : i32
      %add3A_188 = arith.addi %mul3A_186, %add3A_187 : i32
      %dma_wait3A = arith.constant 0 : i32
      %dma_wait3A_189 = arith.constant 0 : i32
      %dma_wait3A_190 = tpu.memref_slice %arg2[%dma_wait3A, %dma_wait3A_189] : memref<40016x128xf32, #tpu.memory_space<hbm>> -> memref<40016x128xf32, #tpu.memory_space<hbm>>
      tpu.wait_indirect_dma semaphore(%arg28 : memref<!tpu.dma_semaphore, #tpu.memory_space<semaphore_mem>>) src(%dma_wait3A_190 : memref<40016x128xf32, #tpu.memory_space<hbm>>) dst(%arg14 : memref<64x128xf32, #tpu.memory_space<vmem>>)
      %dma_wait3A_191 = arith.constant 0 : i32
      %dma_wait3A_192 = arith.constant 0 : i32
      %dma_wait3A_193 = tpu.memref_slice %arg2[%dma_wait3A_191, %dma_wait3A_192] : memref<40016x128xf32, #tpu.memory_space<hbm>> -> memref<40016x128xf32, #tpu.memory_space<hbm>>
      tpu.wait_indirect_dma semaphore(%arg29 : memref<!tpu.dma_semaphore, #tpu.memory_space<semaphore_mem>>) src(%dma_wait3A_193 : memref<40016x128xf32, #tpu.memory_space<hbm>>) dst(%arg15 : memref<64x128xf32, #tpu.memory_space<vmem>>)
      %scan3A_194 = arith.constant 0 : i32
      %scan3A_195 = arith.constant 0 : i32
      %scan3A_196 = arith.constant 64 : i32
      %scan3A_197 = arith.addi %scan3A_195, %scan3A_196 : i32
      %scan3A_198 = arith.constant 1 : i32
      scf.for %scan3A_227 = %scan3A_195 to %scan3A_197 step %scan3A_198  : i32 {
        %get3A_228 = arith.index_cast %scan3A_227 : i32 to index
        %get3A_229 = arith.constant 0 : index
        %get3A_230 = tpu.vector_load %arg14[%get3A_228, %get3A_229] {strides = array<i32>} : memref<64x128xf32, #tpu.memory_space<vmem>>, vector<16xf32>,
        %get3A_231 = arith.index_cast %scan3A_227 : i32 to index
        %get3A_232 = arith.constant 16 : index
        %get3A_233 = tpu.vector_load %arg14[%get3A_231, %get3A_232] {strides = array<i32>} : memref<64x128xf32, #tpu.memory_space<vmem>>, vector<16xf32>,
        %get3A_234 = arith.index_cast %scan3A_227 : i32 to index
        %get3A_235 = arith.constant 0 : index
        %get3A_236 = tpu.vector_load %arg15[%get3A_234, %get3A_235] {strides = array<i32>} : memref<64x128xf32, #tpu.memory_space<vmem>>, vector<16xf32>,
        %get3A_237 = arith.index_cast %scan3A_227 : i32 to index
        %get3A_238 = arith.constant 16 : index
        %get3A_239 = tpu.vector_load %arg15[%get3A_237, %get3A_238] {strides = array<i32>} : memref<64x128xf32, #tpu.memory_space<vmem>>, vector<16xf32>,
        %add3A_240 = arith.addf %get3A_230, %get3A_236 : vector<16xf32>
        %add3A_241 = arith.addf %get3A_233, %get3A_239 : vector<16xf32>
        %mul3A_242 = arith.constant 2.000000e-01 : f32
        %mul3A_243 = vector.broadcast %mul3A_242 : f32 to vector<16xf32>
        %mul3A_244 = arith.mulf %mul3A_243, %add3A_240 : vector<16xf32>
        %max3A = arith.maximumf %add3A_240, %mul3A_244 : vector<16xf32>
        %mul3A_245 = arith.constant 2.000000e-01 : f32
        %mul3A_246 = vector.broadcast %mul3A_245 : f32 to vector<16xf32>
        %mul3A_247 = arith.mulf %mul3A_246, %add3A_241 : vector<16xf32>
        %max3A_248 = arith.maximumf %add3A_241, %mul3A_247 : vector<16xf32>
        %mul3A_249 = arith.mulf %max3A, %get3A_76 : vector<16xf32>
        %mul3A_250 = arith.mulf %max3A_248, %get3A_78 : vector<16xf32>
        %add3A_251 = arith.addf %mul3A_249, %mul3A_250 : vector<16xf32>
        %reduce_sum3A = arith.constant true
        %reduce_sum3A_252 = vector.broadcast %reduce_sum3A : i1 to vector<16xi1>
        %reduce_sum3A_253 = tpu.scan <sum>, %add3A_251 masked %reduce_sum3A_252 : vector<16xf32>, vector<16xi1> -> vector<16xf32>
        %reduce_sum3A_254 = vector.extract %reduce_sum3A_253[15] : f32 from vector<16xf32>
        %broadcast_in_dim3A_255 = vector.broadcast %reduce_sum3A_254 : f32 to vector<16xf32>
        %exp3A = math.exp %broadcast_in_dim3A_255 : vector<16xf32>
        %get3A_256 = arith.index_cast %scan3A_227 : i32 to index
        %get3A_257 = arith.constant 32 : index
        %get3A_258 = tpu.vector_load %arg14[%get3A_256, %get3A_257] {strides = array<i32>} : memref<64x128xf32, #tpu.memory_space<vmem>>, vector<16xf32>,
        %get3A_259 = arith.index_cast %scan3A_227 : i32 to index
        %get3A_260 = arith.constant 48 : index
        %get3A_261 = tpu.vector_load %arg14[%get3A_259, %get3A_260] {strides = array<i32>} : memref<64x128xf32, #tpu.memory_space<vmem>>, vector<16xf32>,
        %get3A_262 = arith.index_cast %scan3A_227 : i32 to index
        %get3A_263 = arith.constant 32 : index
        %get3A_264 = tpu.vector_load %arg15[%get3A_262, %get3A_263] {strides = array<i32>} : memref<64x128xf32, #tpu.memory_space<vmem>>, vector<16xf32>,
        %get3A_265 = arith.index_cast %scan3A_227 : i32 to index
        %get3A_266 = arith.constant 48 : index
        %get3A_267 = tpu.vector_load %arg15[%get3A_265, %get3A_266] {strides = array<i32>} : memref<64x128xf32, #tpu.memory_space<vmem>>, vector<16xf32>,
        %add3A_268 = arith.addf %get3A_258, %get3A_264 : vector<16xf32>
        %add3A_269 = arith.addf %get3A_261, %get3A_267 : vector<16xf32>
        %mul3A_270 = arith.constant 2.000000e-01 : f32
        %mul3A_271 = vector.broadcast %mul3A_270 : f32 to vector<16xf32>
        %mul3A_272 = arith.mulf %mul3A_271, %add3A_268 : vector<16xf32>
        %max3A_273 = arith.maximumf %add3A_268, %mul3A_272 : vector<16xf32>
        %mul3A_274 = arith.constant 2.000000e-01 : f32
        %mul3A_275 = vector.broadcast %mul3A_274 : f32 to vector<16xf32>
        %mul3A_276 = arith.mulf %mul3A_275, %add3A_269 : vector<16xf32>
        %max3A_277 = arith.maximumf %add3A_269, %mul3A_276 : vector<16xf32>
        %mul3A_278 = arith.mulf %max3A_273, %get3A_80 : vector<16xf32>
        %mul3A_279 = arith.mulf %max3A_277, %get3A_82 : vector<16xf32>
        %add3A_280 = arith.addf %mul3A_278, %mul3A_279 : vector<16xf32>
        %reduce_sum3A_281 = arith.constant true
        %reduce_sum3A_282 = vector.broadcast %reduce_sum3A_281 : i1 to vector<16xi1>
        %reduce_sum3A_283 = tpu.scan <sum>, %add3A_280 masked %reduce_sum3A_282 : vector<16xf32>, vector<16xi1> -> vector<16xf32>
        %reduce_sum3A_284 = vector.extract %reduce_sum3A_283[15] : f32 from vector<16xf32>
        %broadcast_in_dim3A_285 = vector.broadcast %reduce_sum3A_284 : f32 to vector<16xf32>
        %exp3A_286 = math.exp %broadcast_in_dim3A_285 : vector<16xf32>
        %get3A_287 = arith.index_cast %scan3A_227 : i32 to index
        %get3A_288 = arith.constant 64 : index
        %get3A_289 = tpu.vector_load %arg14[%get3A_287, %get3A_288] {strides = array<i32>} : memref<64x128xf32, #tpu.memory_space<vmem>>, vector<16xf32>,
        %get3A_290 = arith.index_cast %scan3A_227 : i32 to index
        %get3A_291 = arith.constant 80 : index
        %get3A_292 = tpu.vector_load %arg14[%get3A_290, %get3A_291] {strides = array<i32>} : memref<64x128xf32, #tpu.memory_space<vmem>>, vector<16xf32>,
        %get3A_293 = arith.index_cast %scan3A_227 : i32 to index
        %get3A_294 = arith.constant 64 : index
        %get3A_295 = tpu.vector_load %arg15[%get3A_293, %get3A_294] {strides = array<i32>} : memref<64x128xf32, #tpu.memory_space<vmem>>, vector<16xf32>,
        %get3A_296 = arith.index_cast %scan3A_227 : i32 to index
        %get3A_297 = arith.constant 80 : index
        %get3A_298 = tpu.vector_load %arg15[%get3A_296, %get3A_297] {strides = array<i32>} : memref<64x128xf32, #tpu.memory_space<vmem>>, vector<16xf32>,
        %add3A_299 = arith.addf %get3A_289, %get3A_295 : vector<16xf32>
        %add3A_300 = arith.addf %get3A_292, %get3A_298 : vector<16xf32>
        %mul3A_301 = arith.constant 2.000000e-01 : f32
        %mul3A_302 = vector.broadcast %mul3A_301 : f32 to vector<16xf32>
        %mul3A_303 = arith.mulf %mul3A_302, %add3A_299 : vector<16xf32>
        %max3A_304 = arith.maximumf %add3A_299, %mul3A_303 : vector<16xf32>
        %mul3A_305 = arith.constant 2.000000e-01 : f32
        %mul3A_306 = vector.broadcast %mul3A_305 : f32 to vector<16xf32>
        %mul3A_307 = arith.mulf %mul3A_306, %add3A_300 : vector<16xf32>
        %max3A_308 = arith.maximumf %add3A_300, %mul3A_307 : vector<16xf32>
        %mul3A_309 = arith.mulf %max3A_304, %get3A_84 : vector<16xf32>
        %mul3A_310 = arith.mulf %max3A_308, %get3A_86 : vector<16xf32>
        %add3A_311 = arith.addf %mul3A_309, %mul3A_310 : vector<16xf32>
        %reduce_sum3A_312 = arith.constant true
        %reduce_sum3A_313 = vector.broadcast %reduce_sum3A_312 : i1 to vector<16xi1>
        %reduce_sum3A_314 = tpu.scan <sum>, %add3A_311 masked %reduce_sum3A_313 : vector<16xf32>, vector<16xi1> -> vector<16xf32>
        %reduce_sum3A_315 = vector.extract %reduce_sum3A_314[15] : f32 from vector<16xf32>
        %broadcast_in_dim3A_316 = vector.broadcast %reduce_sum3A_315 : f32 to vector<16xf32>
        %exp3A_317 = math.exp %broadcast_in_dim3A_316 : vector<16xf32>
        %get3A_318 = arith.index_cast %scan3A_227 : i32 to index
        %get3A_319 = arith.constant 96 : index
        %get3A_320 = tpu.vector_load %arg14[%get3A_318, %get3A_319] {strides = array<i32>} : memref<64x128xf32, #tpu.memory_space<vmem>>, vector<16xf32>,
        %get3A_321 = arith.index_cast %scan3A_227 : i32 to index
        %get3A_322 = arith.constant 112 : index
        %get3A_323 = tpu.vector_load %arg14[%get3A_321, %get3A_322] {strides = array<i32>} : memref<64x128xf32, #tpu.memory_space<vmem>>, vector<16xf32>,
        %get3A_324 = arith.index_cast %scan3A_227 : i32 to index
        %get3A_325 = arith.constant 96 : index
        %get3A_326 = tpu.vector_load %arg15[%get3A_324, %get3A_325] {strides = array<i32>} : memref<64x128xf32, #tpu.memory_space<vmem>>, vector<16xf32>,
        %get3A_327 = arith.index_cast %scan3A_227 : i32 to index
        %get3A_328 = arith.constant 112 : index
        %get3A_329 = tpu.vector_load %arg15[%get3A_327, %get3A_328] {strides = array<i32>} : memref<64x128xf32, #tpu.memory_space<vmem>>, vector<16xf32>,
        %add3A_330 = arith.addf %get3A_320, %get3A_326 : vector<16xf32>
        %add3A_331 = arith.addf %get3A_323, %get3A_329 : vector<16xf32>
        %mul3A_332 = arith.constant 2.000000e-01 : f32
        %mul3A_333 = vector.broadcast %mul3A_332 : f32 to vector<16xf32>
        %mul3A_334 = arith.mulf %mul3A_333, %add3A_330 : vector<16xf32>
        %max3A_335 = arith.maximumf %add3A_330, %mul3A_334 : vector<16xf32>
        %mul3A_336 = arith.constant 2.000000e-01 : f32
        %mul3A_337 = vector.broadcast %mul3A_336 : f32 to vector<16xf32>
        %mul3A_338 = arith.mulf %mul3A_337, %add3A_331 : vector<16xf32>
        %max3A_339 = arith.maximumf %add3A_331, %mul3A_338 : vector<16xf32>
        %mul3A_340 = arith.mulf %max3A_335, %get3A_88 : vector<16xf32>
        %mul3A_341 = arith.mulf %max3A_339, %get3A_90 : vector<16xf32>
        %add3A_342 = arith.addf %mul3A_340, %mul3A_341 : vector<16xf32>
        %reduce_sum3A_343 = arith.constant true
        %reduce_sum3A_344 = vector.broadcast %reduce_sum3A_343 : i1 to vector<16xi1>
        %reduce_sum3A_345 = tpu.scan <sum>, %add3A_342 masked %reduce_sum3A_344 : vector<16xf32>, vector<16xi1> -> vector<16xf32>
        %reduce_sum3A_346 = vector.extract %reduce_sum3A_345[15] : f32 from vector<16xf32>
        %broadcast_in_dim3A_347 = vector.broadcast %reduce_sum3A_346 : f32 to vector<16xf32>
        %exp3A_348 = math.exp %broadcast_in_dim3A_347 : vector<16xf32>
        %mul3A_349 = arith.mulf %exp3A, %get3A_230 : vector<16xf32>
        %swap3A = arith.index_cast %scan3A_227 : i32 to index
        %swap3A_350 = arith.constant 0 : index
        %swap3A_351 = tpu.vector_load %arg14[%swap3A, %swap3A_350] {strides = array<i32>} : memref<64x128xf32, #tpu.memory_space<vmem>>, vector<16xf32>,
        tpu.vector_store %arg14[%swap3A, %swap3A_350], %mul3A_349 {strides = array<i32>} : memref<64x128xf32, #tpu.memory_space<vmem>>, vector<16xf32>,
        %mul3A_352 = arith.mulf %exp3A, %get3A_233 : vector<16xf32>
        %swap3A_353 = arith.index_cast %scan3A_227 : i32 to index
        %swap3A_354 = arith.constant 16 : index
        %swap3A_355 = tpu.vector_load %arg14[%swap3A_353, %swap3A_354] {strides = array<i32>} : memref<64x128xf32, #tpu.memory_space<vmem>>, vector<16xf32>,
        tpu.vector_store %arg14[%swap3A_353, %swap3A_354], %mul3A_352 {strides = array<i32>} : memref<64x128xf32, #tpu.memory_space<vmem>>, vector<16xf32>,
        %mul3A_356 = arith.mulf %exp3A_286, %get3A_258 : vector<16xf32>
        %swap3A_357 = arith.index_cast %scan3A_227 : i32 to index
        %swap3A_358 = arith.constant 32 : index
        %swap3A_359 = tpu.vector_load %arg14[%swap3A_357, %swap3A_358] {strides = array<i32>} : memref<64x128xf32, #tpu.memory_space<vmem>>, vector<16xf32>,
        tpu.vector_store %arg14[%swap3A_357, %swap3A_358], %mul3A_356 {strides = array<i32>} : memref<64x128xf32, #tpu.memory_space<vmem>>, vector<16xf32>,
        %mul3A_360 = arith.mulf %exp3A_286, %get3A_261 : vector<16xf32>
        %swap3A_361 = arith.index_cast %scan3A_227 : i32 to index
        %swap3A_362 = arith.constant 48 : index
        %swap3A_363 = tpu.vector_load %arg14[%swap3A_361, %swap3A_362] {strides = array<i32>} : memref<64x128xf32, #tpu.memory_space<vmem>>, vector<16xf32>,
        tpu.vector_store %arg14[%swap3A_361, %swap3A_362], %mul3A_360 {strides = array<i32>} : memref<64x128xf32, #tpu.memory_space<vmem>>, vector<16xf32>,
        %mul3A_364 = arith.mulf %exp3A_317, %get3A_289 : vector<16xf32>
        %swap3A_365 = arith.index_cast %scan3A_227 : i32 to index
        %swap3A_366 = arith.constant 64 : index
        %swap3A_367 = tpu.vector_load %arg14[%swap3A_365, %swap3A_366] {strides = array<i32>} : memref<64x128xf32, #tpu.memory_space<vmem>>, vector<16xf32>,
        tpu.vector_store %arg14[%swap3A_365, %swap3A_366], %mul3A_364 {strides = array<i32>} : memref<64x128xf32, #tpu.memory_space<vmem>>, vector<16xf32>,
        %mul3A_368 = arith.mulf %exp3A_317, %get3A_292 : vector<16xf32>
        %swap3A_369 = arith.index_cast %scan3A_227 : i32 to index
        %swap3A_370 = arith.constant 80 : index
        %swap3A_371 = tpu.vector_load %arg14[%swap3A_369, %swap3A_370] {strides = array<i32>} : memref<64x128xf32, #tpu.memory_space<vmem>>, vector<16xf32>,
        tpu.vector_store %arg14[%swap3A_369, %swap3A_370], %mul3A_368 {strides = array<i32>} : memref<64x128xf32, #tpu.memory_space<vmem>>, vector<16xf32>,
        %mul3A_372 = arith.mulf %exp3A_348, %get3A_320 : vector<16xf32>
        %swap3A_373 = arith.index_cast %scan3A_227 : i32 to index
        %swap3A_374 = arith.constant 96 : index
        %swap3A_375 = tpu.vector_load %arg14[%swap3A_373, %swap3A_374] {strides = array<i32>} : memref<64x128xf32, #tpu.memory_space<vmem>>, vector<16xf32>,
        tpu.vector_store %arg14[%swap3A_373, %swap3A_374], %mul3A_372 {strides = array<i32>} : memref<64x128xf32, #tpu.memory_space<vmem>>, vector<16xf32>,
        %mul3A_376 = arith.mulf %exp3A_348, %get3A_323 : vector<16xf32>
        %swap3A_377 = arith.index_cast %scan3A_227 : i32 to index
        %swap3A_378 = arith.constant 112 : index
        %swap3A_379 = tpu.vector_load %arg14[%swap3A_377, %swap3A_378] {strides = array<i32>} : memref<64x128xf32, #tpu.memory_space<vmem>>, vector<16xf32>,
        tpu.vector_store %arg14[%swap3A_377, %swap3A_378], %mul3A_376 {strides = array<i32>} : memref<64x128xf32, #tpu.memory_space<vmem>>, vector<16xf32>,
        %get3A_380 = arith.index_cast %scan3A_227 : i32 to index
        %get3A_381 = tpu.vector_load %arg10[%get3A_380] {strides = array<i32>} : memref<80xi32, #tpu.memory_space<vmem>>, vector<16xi32>,
        %slice3A = vector.extract_strided_slice %get3A_381 {offsets = [0], sizes = [1], strides = [1]} : vector<16xi32> to vector<1xi32>
        %squeeze3A = vector.extract %slice3A[0] : i32 from vector<1xi32>
        %and3A_382 = arith.constant 31 : i32
        %and3A_383 = arith.andi %squeeze3A, %and3A_382 : i32
        %shift_right_arithmetic3A = arith.constant 2 : i32
        %shift_right_arithmetic3A_384 = arith.shrsi %and3A_383, %shift_right_arithmetic3A : i32
        %and3A_385 = arith.constant 3 : i32
        %and3A_386 = arith.andi %and3A_383, %and3A_385 : i32
        %mul3A_387 = arith.constant 4 : i32
        %mul3A_388 = arith.muli %and3A_386, %mul3A_387 : i32
        %add3A_389 = arith.constant 0 : i32
        %add3A_390 = arith.addi %mul3A_388, %add3A_389 : i32
        %eq3A = vector.broadcast %add3A_390 : i32 to vector<16xi32>
        %eq3A_391 = arith.cmpi eq, %iota3A, %eq3A : vector<16xi32>
        %select_n3A_392 = arith.select %eq3A_391, %exp3A, %broadcast_in_dim3A_0 : vector<16xi1>, vector<16xf32>
        %add3A_393 = arith.constant 1 : i32
        %add3A_394 = arith.addi %mul3A_388, %add3A_393 : i32
        %eq3A_395 = vector.broadcast %add3A_394 : i32 to vector<16xi32>
        %eq3A_396 = arith.cmpi eq, %iota3A, %eq3A_395 : vector<16xi32>
        %select_n3A_397 = arith.select %eq3A_396, %exp3A_286, %select_n3A_392 : vector<16xi1>, vector<16xf32>
        %add3A_398 = arith.constant 2 : i32
        %add3A_399 = arith.addi %mul3A_388, %add3A_398 : i32
        %eq3A_400 = vector.broadcast %add3A_399 : i32 to vector<16xi32>
        %eq3A_401 = arith.cmpi eq, %iota3A, %eq3A_400 : vector<16xi32>
        %select_n3A_402 = arith.select %eq3A_401, %exp3A_317, %select_n3A_397 : vector<16xi1>, vector<16xf32>
        %add3A_403 = arith.constant 3 : i32
        %add3A_404 = arith.addi %mul3A_388, %add3A_403 : i32
        %eq3A_405 = vector.broadcast %add3A_404 : i32 to vector<16xi32>
        %eq3A_406 = arith.cmpi eq, %iota3A, %eq3A_405 : vector<16xi32>
        %select_n3A_407 = arith.select %eq3A_406, %exp3A_348, %select_n3A_402 : vector<16xi1>, vector<16xf32>
        %eq3A_408 = arith.constant 0 : i32
        %eq3A_409 = arith.cmpi eq, %shift_right_arithmetic3A_384, %eq3A_408 : i32
        %select_n3A_410 = arith.select %eq3A_409, %select_n3A_407, %broadcast_in_dim3A_0 : vector<16xf32>
        %swap3A_411 = arith.index_cast %scan3A_227 : i32 to index
        %swap3A_412 = arith.constant 0 : index
        %swap3A_413 = tpu.vector_load %arg15[%swap3A_411, %swap3A_412] {strides = array<i32>} : memref<64x128xf32, #tpu.memory_space<vmem>>, vector<16xf32>,
        tpu.vector_store %arg15[%swap3A_411, %swap3A_412], %select_n3A_410 {strides = array<i32>} : memref<64x128xf32, #tpu.memory_space<vmem>>, vector<16xf32>,
        %eq3A_414 = arith.constant 1 : i32
        %eq3A_415 = arith.cmpi eq, %shift_right_arithmetic3A_384, %eq3A_414 : i32
        %select_n3A_416 = arith.select %eq3A_415, %select_n3A_407, %broadcast_in_dim3A_0 : vector<16xf32>
        %swap3A_417 = arith.index_cast %scan3A_227 : i32 to index
        %swap3A_418 = arith.constant 16 : index
        %swap3A_419 = tpu.vector_load %arg15[%swap3A_417, %swap3A_418] {strides = array<i32>} : memref<64x128xf32, #tpu.memory_space<vmem>>, vector<16xf32>,
        tpu.vector_store %arg15[%swap3A_417, %swap3A_418], %select_n3A_416 {strides = array<i32>} : memref<64x128xf32, #tpu.memory_space<vmem>>, vector<16xf32>,
        %eq3A_420 = arith.constant 2 : i32
        %eq3A_421 = arith.cmpi eq, %shift_right_arithmetic3A_384, %eq3A_420 : i32
        %select_n3A_422 = arith.select %eq3A_421, %select_n3A_407, %broadcast_in_dim3A_0 : vector<16xf32>
        %swap3A_423 = arith.index_cast %scan3A_227 : i32 to index
        %swap3A_424 = arith.constant 32 : index
        %swap3A_425 = tpu.vector_load %arg15[%swap3A_423, %swap3A_424] {strides = array<i32>} : memref<64x128xf32, #tpu.memory_space<vmem>>, vector<16xf32>,
        tpu.vector_store %arg15[%swap3A_423, %swap3A_424], %select_n3A_422 {strides = array<i32>} : memref<64x128xf32, #tpu.memory_space<vmem>>, vector<16xf32>,
        %eq3A_426 = arith.constant 3 : i32
        %eq3A_427 = arith.cmpi eq, %shift_right_arithmetic3A_384, %eq3A_426 : i32
        %select_n3A_428 = arith.select %eq3A_427, %select_n3A_407, %broadcast_in_dim3A_0 : vector<16xf32>
        %swap3A_429 = arith.index_cast %scan3A_227 : i32 to index
        %swap3A_430 = arith.constant 48 : index
        %swap3A_431 = tpu.vector_load %arg15[%swap3A_429, %swap3A_430] {strides = array<i32>} : memref<64x128xf32, #tpu.memory_space<vmem>>, vector<16xf32>,
        tpu.vector_store %arg15[%swap3A_429, %swap3A_430], %select_n3A_428 {strides = array<i32>} : memref<64x128xf32, #tpu.memory_space<vmem>>, vector<16xf32>,
        %eq3A_432 = arith.constant 4 : i32
        %eq3A_433 = arith.cmpi eq, %shift_right_arithmetic3A_384, %eq3A_432 : i32
        %select_n3A_434 = arith.select %eq3A_433, %select_n3A_407, %broadcast_in_dim3A_0 : vector<16xf32>
        %swap3A_435 = arith.index_cast %scan3A_227 : i32 to index
        %swap3A_436 = arith.constant 64 : index
        %swap3A_437 = tpu.vector_load %arg15[%swap3A_435, %swap3A_436] {strides = array<i32>} : memref<64x128xf32, #tpu.memory_space<vmem>>, vector<16xf32>,
        tpu.vector_store %arg15[%swap3A_435, %swap3A_436], %select_n3A_434 {strides = array<i32>} : memref<64x128xf32, #tpu.memory_space<vmem>>, vector<16xf32>,
        %eq3A_438 = arith.constant 5 : i32
        %eq3A_439 = arith.cmpi eq, %shift_right_arithmetic3A_384, %eq3A_438 : i32
        %select_n3A_440 = arith.select %eq3A_439, %select_n3A_407, %broadcast_in_dim3A_0 : vector<16xf32>
        %swap3A_441 = arith.index_cast %scan3A_227 : i32 to index
        %swap3A_442 = arith.constant 80 : index
        %swap3A_443 = tpu.vector_load %arg15[%swap3A_441, %swap3A_442] {strides = array<i32>} : memref<64x128xf32, #tpu.memory_space<vmem>>, vector<16xf32>,
        tpu.vector_store %arg15[%swap3A_441, %swap3A_442], %select_n3A_440 {strides = array<i32>} : memref<64x128xf32, #tpu.memory_space<vmem>>, vector<16xf32>,
        %eq3A_444 = arith.constant 6 : i32
        %eq3A_445 = arith.cmpi eq, %shift_right_arithmetic3A_384, %eq3A_444 : i32
        %select_n3A_446 = arith.select %eq3A_445, %select_n3A_407, %broadcast_in_dim3A_0 : vector<16xf32>
        %swap3A_447 = arith.index_cast %scan3A_227 : i32 to index
        %swap3A_448 = arith.constant 96 : index
        %swap3A_449 = tpu.vector_load %arg15[%swap3A_447, %swap3A_448] {strides = array<i32>} : memref<64x128xf32, #tpu.memory_space<vmem>>, vector<16xf32>,
        tpu.vector_store %arg15[%swap3A_447, %swap3A_448], %select_n3A_446 {strides = array<i32>} : memref<64x128xf32, #tpu.memory_space<vmem>>, vector<16xf32>,
        %eq3A_450 = arith.constant 7 : i32
        %eq3A_451 = arith.cmpi eq, %shift_right_arithmetic3A_384, %eq3A_450 : i32
        %select_n3A_452 = arith.select %eq3A_451, %select_n3A_407, %broadcast_in_dim3A_0 : vector<16xf32>
        %swap3A_453 = arith.index_cast %scan3A_227 : i32 to index
        %swap3A_454 = arith.constant 112 : index
        %swap3A_455 = tpu.vector_load %arg15[%swap3A_453, %swap3A_454] {strides = array<i32>} : memref<64x128xf32, #tpu.memory_space<vmem>>, vector<16xf32>,
        tpu.vector_store %arg15[%swap3A_453, %swap3A_454], %select_n3A_452 {strides = array<i32>} : memref<64x128xf32, #tpu.memory_space<vmem>>, vector<16xf32>,
      }
      %scan3A_199 = arith.constant 64 : i32
      "tpu.region"() ({
        %run_scoped3A = tpu.sem_alloc : memref<!tpu.dma_semaphore, #tpu.memory_space<semaphore_mem>>
        %dma_start3A_227 = arith.constant 0 : i32
        %dma_start3A_228 = arith.constant 0 : i32
        %dma_start3A_229 = tpu.memref_slice %arg26[%dma_start3A_227, %dma_start3A_228] : memref<10016x128xf32, #tpu.memory_space<vmem_shared>> -> memref<10016x128xf32, #tpu.memory_space<vmem_shared>>
        tpu.enqueue_indirect_dma source(%arg14 : memref<64x128xf32, #tpu.memory_space<vmem>>) target(%dma_start3A_229 : memref<10016x128xf32, #tpu.memory_space<vmem_shared>>) offsets(%arg9 : memref<64xi32, #tpu.memory_space<vmem>>) semaphore(%run_scoped3A : memref<!tpu.dma_semaphore, #tpu.memory_space<semaphore_mem>>) {add = true}
        %dma_wait3A_230 = arith.constant 0 : i32
        %dma_wait3A_231 = arith.constant 0 : i32
        %dma_wait3A_232 = tpu.memref_slice %arg26[%dma_wait3A_230, %dma_wait3A_231] : memref<10016x128xf32, #tpu.memory_space<vmem_shared>> -> memref<10016x128xf32, #tpu.memory_space<vmem_shared>>
        tpu.wait_indirect_dma semaphore(%run_scoped3A : memref<!tpu.dma_semaphore, #tpu.memory_space<semaphore_mem>>) src(%arg14 : memref<64x128xf32, #tpu.memory_space<vmem>>) dst(%dma_wait3A_232 : memref<10016x128xf32, #tpu.memory_space<vmem_shared>>)
        tpu.yield
      }) : () -> ()
      "tpu.region"() ({
        %run_scoped3A = tpu.sem_alloc : memref<!tpu.dma_semaphore, #tpu.memory_space<semaphore_mem>>
        %dma_start3A_227 = arith.constant 0 : i32
        %dma_start3A_228 = arith.constant 0 : i32
        %dma_start3A_229 = tpu.memref_slice %arg27[%dma_start3A_227, %dma_start3A_228] : memref<320x128xf32, #tpu.memory_space<vmem_shared>> -> memref<320x128xf32, #tpu.memory_space<vmem_shared>>
        tpu.enqueue_indirect_dma source(%arg15 : memref<64x128xf32, #tpu.memory_space<vmem>>) target(%dma_start3A_229 : memref<320x128xf32, #tpu.memory_space<vmem_shared>>) offsets(%arg13 : memref<64xi32, #tpu.memory_space<vmem>>) semaphore(%run_scoped3A : memref<!tpu.dma_semaphore, #tpu.memory_space<semaphore_mem>>) {add = true}
        %dma_wait3A_230 = arith.constant 0 : i32
        %dma_wait3A_231 = arith.constant 0 : i32
        %dma_wait3A_232 = tpu.memref_slice %arg27[%dma_wait3A_230, %dma_wait3A_231] : memref<320x128xf32, #tpu.memory_space<vmem_shared>> -> memref<320x128xf32, #tpu.memory_space<vmem_shared>>
        tpu.wait_indirect_dma semaphore(%run_scoped3A : memref<!tpu.dma_semaphore, #tpu.memory_space<semaphore_mem>>) src(%arg15 : memref<64x128xf32, #tpu.memory_space<vmem>>) dst(%dma_wait3A_232 : memref<320x128xf32, #tpu.memory_space<vmem_shared>>)
        tpu.yield
      }) : () -> ()
      %add3A_200 = arith.constant 2 : i32
      %add3A_201 = arith.addi %add3A_188, %add3A_200 : i32
      %lt3A = arith.constant 320 : i32
      %lt3A_202 = arith.cmpi slt, %add3A_201, %lt3A : i32
      %convert_element_type3A = arith.extui %lt3A_202 : i1 to i32
      %cond3A = arith.constant 0 : i32
      %cond3A_203 = arith.cmpi ne, %convert_element_type3A, %cond3A : i32
      scf.if %cond3A_203 {
        %add3A_227 = arith.constant 2 : i32
        %add3A_228 = arith.addi %add3A_188, %add3A_227 : i32
        %mul3A_229 = arith.constant 16 : i32
        %mul3A_230 = arith.muli %mul3A_229, %add3A_228 : i32
        %add3A_231 = arith.addi %arg1, %mul3A_230 : i32
        %mul3A_232 = arith.constant 64 : i32
        %mul3A_233 = arith.muli %add3A_231, %mul3A_232 : i32
        "tpu.region"() ({
          %run_scoped3A = tpu.sem_alloc : memref<!tpu.dma_semaphore, #tpu.memory_space<semaphore_mem>>
          %dma_start3A_246 = tpu.memref_slice %arg3[%mul3A_233] : memref<327680xi32, #tpu.memory_space<hbm>> -> memref<64xi32, #tpu.memory_space<hbm>>
          %dma_start3A_247 = tpu.memref_slice %arg3[%mul3A_233] : memref<327680xi32, #tpu.memory_space<hbm>> -> memref<64xi32, #tpu.memory_space<hbm>>
          tpu.enqueue_dma source(%dma_start3A_247 : memref<64xi32, #tpu.memory_space<hbm>>) target(%arg8 : memref<64xi32, #tpu.memory_space<vmem>>) target_semaphore(%run_scoped3A : memref<!tpu.dma_semaphore, #tpu.memory_space<semaphore_mem>>)
          %dma_wait3A_248 = tpu.memref_slice %arg3[%mul3A_233] : memref<327680xi32, #tpu.memory_space<hbm>> -> memref<64xi32, #tpu.memory_space<hbm>>
          %dma_wait3A_249 = tpu.memref_slice %arg3[%mul3A_233] : memref<327680xi32, #tpu.memory_space<hbm>> -> memref<64xi32, #tpu.memory_space<hbm>>
          tpu.wait_dma2 semaphore(%run_scoped3A : memref<!tpu.dma_semaphore, #tpu.memory_space<semaphore_mem>>) src(%dma_wait3A_249 : memref<64xi32, #tpu.memory_space<hbm>>) dst(%arg8 : memref<64xi32, #tpu.memory_space<vmem>>)
          tpu.yield
        }) : () -> ()
        "tpu.region"() ({
          %run_scoped3A = tpu.sem_alloc : memref<!tpu.dma_semaphore, #tpu.memory_space<semaphore_mem>>
          %dma_start3A_246 = tpu.memref_slice %arg4[%mul3A_233] : memref<327680xi32, #tpu.memory_space<hbm>> -> memref<64xi32, #tpu.memory_space<hbm>>
          %dma_start3A_247 = tpu.memref_slice %arg4[%mul3A_233] : memref<327680xi32, #tpu.memory_space<hbm>> -> memref<64xi32, #tpu.memory_space<hbm>>
          tpu.enqueue_dma source(%dma_start3A_247 : memref<64xi32, #tpu.memory_space<hbm>>) target(%arg9 : memref<64xi32, #tpu.memory_space<vmem>>) target_semaphore(%run_scoped3A : memref<!tpu.dma_semaphore, #tpu.memory_space<semaphore_mem>>)
          %dma_wait3A_248 = tpu.memref_slice %arg4[%mul3A_233] : memref<327680xi32, #tpu.memory_space<hbm>> -> memref<64xi32, #tpu.memory_space<hbm>>
          %dma_wait3A_249 = tpu.memref_slice %arg4[%mul3A_233] : memref<327680xi32, #tpu.memory_space<hbm>> -> memref<64xi32, #tpu.memory_space<hbm>>
          tpu.wait_dma2 semaphore(%run_scoped3A : memref<!tpu.dma_semaphore, #tpu.memory_space<semaphore_mem>>) src(%dma_wait3A_249 : memref<64xi32, #tpu.memory_space<hbm>>) dst(%arg9 : memref<64xi32, #tpu.memory_space<vmem>>)
          tpu.yield
        }) : () -> ()
        %scan3A_234 = arith.constant 0 : i32
        %scan3A_235 = arith.constant 0 : i32
        %scan3A_236 = arith.constant 4 : i32
        %scan3A_237 = arith.addi %scan3A_235, %scan3A_236 : i32
        %scan3A_238 = arith.constant 1 : i32
        scf.for %scan3A_246 = %scan3A_235 to %scan3A_237 step %scan3A_238  : i32 {
          %mul3A_247 = arith.constant 16 : i32
          %mul3A_248 = arith.muli %scan3A_246, %mul3A_247 : i32
          %get3A_249 = arith.index_cast %mul3A_248 : i32 to index
          %get3A_250 = tpu.vector_load %arg9[%get3A_249] {strides = array<i32>} : memref<64xi32, #tpu.memory_space<vmem>>, vector<16xi32>,
          %mul3A_251 = arith.constant 16 : i32
          %mul3A_252 = arith.muli %scan3A_246, %mul3A_251 : i32
          %get3A_253 = arith.index_cast %mul3A_252 : i32 to index
          %get3A_254 = tpu.vector_load %arg8[%get3A_253] {strides = array<i32>} : memref<64xi32, #tpu.memory_space<vmem>>, vector<16xi32>,
          %add3A_255 = vector.broadcast %mul3A_91 : i32 to vector<16xi32>
          %add3A_256 = arith.addi %get3A_254, %add3A_255 : vector<16xi32>
          %mul3A_257 = arith.constant 16 : i32
          %mul3A_258 = arith.muli %scan3A_246, %mul3A_257 : i32
          %swap3A = arith.index_cast %mul3A_258 : i32 to index
          %swap3A_259 = tpu.vector_load %arg11[%swap3A] {strides = array<i32>} : memref<64xi32, #tpu.memory_space<vmem>>, vector<16xi32>,
          tpu.vector_store %arg11[%swap3A], %add3A_256 {strides = array<i32>} : memref<64xi32, #tpu.memory_space<vmem>>, vector<16xi32>,
          %add3A_260 = vector.broadcast %mul3A_95 : i32 to vector<16xi32>
          %add3A_261 = arith.addi %get3A_250, %add3A_260 : vector<16xi32>
          %mul3A_262 = arith.constant 16 : i32
          %mul3A_263 = arith.muli %scan3A_246, %mul3A_262 : i32
          %swap3A_264 = arith.index_cast %mul3A_263 : i32 to index
          %swap3A_265 = tpu.vector_load %arg12[%swap3A_264] {strides = array<i32>} : memref<64xi32, #tpu.memory_space<vmem>>, vector<16xi32>,
          tpu.vector_store %arg12[%swap3A_264], %add3A_261 {strides = array<i32>} : memref<64xi32, #tpu.memory_space<vmem>>, vector<16xi32>,
          %shift_right_logical3A = arith.constant 5 : i32
          %shift_right_logical3A_266 = vector.broadcast %shift_right_logical3A : i32 to vector<16xi32>
          %shift_right_logical3A_267 = arith.shrui %get3A_250, %shift_right_logical3A_266 : vector<16xi32>
          %mul3A_268 = arith.constant 16 : i32
          %mul3A_269 = arith.muli %scan3A_246, %mul3A_268 : i32
          %swap3A_270 = arith.index_cast %mul3A_269 : i32 to index
          %swap3A_271 = tpu.vector_load %arg13[%swap3A_270] {strides = array<i32>} : memref<64xi32, #tpu.memory_space<vmem>>, vector<16xi32>,
          tpu.vector_store %arg13[%swap3A_270], %shift_right_logical3A_267 {strides = array<i32>} : memref<64xi32, #tpu.memory_space<vmem>>, vector<16xi32>,
          %mul3A_272 = arith.constant 16 : i32
          %mul3A_273 = arith.muli %scan3A_246, %mul3A_272 : i32
          %swap3A_274 = arith.index_cast %mul3A_273 : i32 to index
          %swap3A_275 = tpu.vector_load %arg10[%swap3A_274] {strides = array<i32>} : memref<80xi32, #tpu.memory_space<vmem>>, vector<16xi32>,
          tpu.vector_store %arg10[%swap3A_274], %get3A_250 {strides = array<i32>} : memref<80xi32, #tpu.memory_space<vmem>>, vector<16xi32>,
        }
        %scan3A_239 = arith.constant 4 : i32
        %dma_start3A_240 = arith.constant 0 : i32
        %dma_start3A_241 = arith.constant 0 : i32
        %dma_start3A_242 = tpu.memref_slice %arg2[%dma_start3A_240, %dma_start3A_241] : memref<40016x128xf32, #tpu.memory_space<hbm>> -> memref<40016x128xf32, #tpu.memory_space<hbm>>
        tpu.enqueue_indirect_dma source(%dma_start3A_242 : memref<40016x128xf32, #tpu.memory_space<hbm>>) target(%arg14 : memref<64x128xf32, #tpu.memory_space<vmem>>) offsets(%arg11 : memref<64xi32, #tpu.memory_space<vmem>>) semaphore(%arg28 : memref<!tpu.dma_semaphore, #tpu.memory_space<semaphore_mem>>)
        %dma_start3A_243 = arith.constant 0 : i32
        %dma_start3A_244 = arith.constant 0 : i32
        %dma_start3A_245 = tpu.memref_slice %arg2[%dma_start3A_243, %dma_start3A_244] : memref<40016x128xf32, #tpu.memory_space<hbm>> -> memref<40016x128xf32, #tpu.memory_space<hbm>>
        tpu.enqueue_indirect_dma source(%dma_start3A_245 : memref<40016x128xf32, #tpu.memory_space<hbm>>) target(%arg15 : memref<64x128xf32, #tpu.memory_space<vmem>>) offsets(%arg12 : memref<64xi32, #tpu.memory_space<vmem>>) semaphore(%arg29 : memref<!tpu.dma_semaphore, #tpu.memory_space<semaphore_mem>>)
      } else {
      }
      %mul3A_204 = arith.constant 2 : i32
      %mul3A_205 = arith.muli %mul3A_204, %scan3A_184 : i32
      %add3A_206 = arith.constant 1 : i32
      %add3A_207 = arith.addi %mul3A_205, %add3A_206 : i32
      %dma_wait3A_208 = arith.constant 0 : i32
      %dma_wait3A_209 = arith.constant 0 : i32
      %dma_wait3A_210 = tpu.memref_slice %arg2[%dma_wait3A_208, %dma_wait3A_209] : memref<40016x128xf32, #tpu.memory_space<hbm>> -> memref<40016x128xf32, #tpu.memory_space<hbm>>
      tpu.wait_indirect_dma semaphore(%arg30 : memref<!tpu.dma_semaphore, #tpu.memory_space<semaphore_mem>>) src(%dma_wait3A_210 : memref<40016x128xf32, #tpu.memory_space<hbm>>) dst(%arg22 : memref<64x128xf32, #tpu.memory_space<vmem>>)
      %dma_wait3A_211 = arith.constant 0 : i32
      %dma_wait3A_212 = arith.constant 0 : i32
      %dma_wait3A_213 = tpu.memref_slice %arg2[%dma_wait3A_211, %dma_wait3A_212] : memref<40016x128xf32, #tpu.memory_space<hbm>> -> memref<40016x128xf32, #tpu.memory_space<hbm>>
      tpu.wait_indirect_dma semaphore(%arg31 : memref<!tpu.dma_semaphore, #tpu.memory_space<semaphore_mem>>) src(%dma_wait3A_213 : memref<40016x128xf32, #tpu.memory_space<hbm>>) dst(%arg23 : memref<64x128xf32, #tpu.memory_space<vmem>>)
      %scan3A_214 = arith.constant 0 : i32
      %scan3A_215 = arith.constant 0 : i32
      %scan3A_216 = arith.constant 64 : i32
      %scan3A_217 = arith.addi %scan3A_215, %scan3A_216 : i32
      %scan3A_218 = arith.constant 1 : i32
      scf.for %scan3A_227 = %scan3A_215 to %scan3A_217 step %scan3A_218  : i32 {
        %get3A_228 = arith.index_cast %scan3A_227 : i32 to index
        %get3A_229 = arith.constant 0 : index
        %get3A_230 = tpu.vector_load %arg22[%get3A_228, %get3A_229] {strides = array<i32>} : memref<64x128xf32, #tpu.memory_space<vmem>>, vector<16xf32>,
        %get3A_231 = arith.index_cast %scan3A_227 : i32 to index
        %get3A_232 = arith.constant 16 : index
        %get3A_233 = tpu.vector_load %arg22[%get3A_231, %get3A_232] {strides = array<i32>} : memref<64x128xf32, #tpu.memory_space<vmem>>, vector<16xf32>,
        %get3A_234 = arith.index_cast %scan3A_227 : i32 to index
        %get3A_235 = arith.constant 0 : index
        %get3A_236 = tpu.vector_load %arg23[%get3A_234, %get3A_235] {strides = array<i32>} : memref<64x128xf32, #tpu.memory_space<vmem>>, vector<16xf32>,
        %get3A_237 = arith.index_cast %scan3A_227 : i32 to index
        %get3A_238 = arith.constant 16 : index
        %get3A_239 = tpu.vector_load %arg23[%get3A_237, %get3A_238] {strides = array<i32>} : memref<64x128xf32, #tpu.memory_space<vmem>>, vector<16xf32>,
        %add3A_240 = arith.addf %get3A_230, %get3A_236 : vector<16xf32>
        %add3A_241 = arith.addf %get3A_233, %get3A_239 : vector<16xf32>
        %mul3A_242 = arith.constant 2.000000e-01 : f32
        %mul3A_243 = vector.broadcast %mul3A_242 : f32 to vector<16xf32>
        %mul3A_244 = arith.mulf %mul3A_243, %add3A_240 : vector<16xf32>
        %max3A = arith.maximumf %add3A_240, %mul3A_244 : vector<16xf32>
        %mul3A_245 = arith.constant 2.000000e-01 : f32
        %mul3A_246 = vector.broadcast %mul3A_245 : f32 to vector<16xf32>
        %mul3A_247 = arith.mulf %mul3A_246, %add3A_241 : vector<16xf32>
        %max3A_248 = arith.maximumf %add3A_241, %mul3A_247 : vector<16xf32>
        %mul3A_249 = arith.mulf %max3A, %get3A_76 : vector<16xf32>
        %mul3A_250 = arith.mulf %max3A_248, %get3A_78 : vector<16xf32>
        %add3A_251 = arith.addf %mul3A_249, %mul3A_250 : vector<16xf32>
        %reduce_sum3A = arith.constant true
        %reduce_sum3A_252 = vector.broadcast %reduce_sum3A : i1 to vector<16xi1>
        %reduce_sum3A_253 = tpu.scan <sum>, %add3A_251 masked %reduce_sum3A_252 : vector<16xf32>, vector<16xi1> -> vector<16xf32>
        %reduce_sum3A_254 = vector.extract %reduce_sum3A_253[15] : f32 from vector<16xf32>
        %broadcast_in_dim3A_255 = vector.broadcast %reduce_sum3A_254 : f32 to vector<16xf32>
        %exp3A = math.exp %broadcast_in_dim3A_255 : vector<16xf32>
        %get3A_256 = arith.index_cast %scan3A_227 : i32 to index
        %get3A_257 = arith.constant 32 : index
        %get3A_258 = tpu.vector_load %arg22[%get3A_256, %get3A_257] {strides = array<i32>} : memref<64x128xf32, #tpu.memory_space<vmem>>, vector<16xf32>,
        %get3A_259 = arith.index_cast %scan3A_227 : i32 to index
        %get3A_260 = arith.constant 48 : index
        %get3A_261 = tpu.vector_load %arg22[%get3A_259, %get3A_260] {strides = array<i32>} : memref<64x128xf32, #tpu.memory_space<vmem>>, vector<16xf32>,
        %get3A_262 = arith.index_cast %scan3A_227 : i32 to index
        %get3A_263 = arith.constant 32 : index
        %get3A_264 = tpu.vector_load %arg23[%get3A_262, %get3A_263] {strides = array<i32>} : memref<64x128xf32, #tpu.memory_space<vmem>>, vector<16xf32>,
        %get3A_265 = arith.index_cast %scan3A_227 : i32 to index
        %get3A_266 = arith.constant 48 : index
        %get3A_267 = tpu.vector_load %arg23[%get3A_265, %get3A_266] {strides = array<i32>} : memref<64x128xf32, #tpu.memory_space<vmem>>, vector<16xf32>,
        %add3A_268 = arith.addf %get3A_258, %get3A_264 : vector<16xf32>
        %add3A_269 = arith.addf %get3A_261, %get3A_267 : vector<16xf32>
        %mul3A_270 = arith.constant 2.000000e-01 : f32
        %mul3A_271 = vector.broadcast %mul3A_270 : f32 to vector<16xf32>
        %mul3A_272 = arith.mulf %mul3A_271, %add3A_268 : vector<16xf32>
        %max3A_273 = arith.maximumf %add3A_268, %mul3A_272 : vector<16xf32>
        %mul3A_274 = arith.constant 2.000000e-01 : f32
        %mul3A_275 = vector.broadcast %mul3A_274 : f32 to vector<16xf32>
        %mul3A_276 = arith.mulf %mul3A_275, %add3A_269 : vector<16xf32>
        %max3A_277 = arith.maximumf %add3A_269, %mul3A_276 : vector<16xf32>
        %mul3A_278 = arith.mulf %max3A_273, %get3A_80 : vector<16xf32>
        %mul3A_279 = arith.mulf %max3A_277, %get3A_82 : vector<16xf32>
        %add3A_280 = arith.addf %mul3A_278, %mul3A_279 : vector<16xf32>
        %reduce_sum3A_281 = arith.constant true
        %reduce_sum3A_282 = vector.broadcast %reduce_sum3A_281 : i1 to vector<16xi1>
        %reduce_sum3A_283 = tpu.scan <sum>, %add3A_280 masked %reduce_sum3A_282 : vector<16xf32>, vector<16xi1> -> vector<16xf32>
        %reduce_sum3A_284 = vector.extract %reduce_sum3A_283[15] : f32 from vector<16xf32>
        %broadcast_in_dim3A_285 = vector.broadcast %reduce_sum3A_284 : f32 to vector<16xf32>
        %exp3A_286 = math.exp %broadcast_in_dim3A_285 : vector<16xf32>
        %get3A_287 = arith.index_cast %scan3A_227 : i32 to index
        %get3A_288 = arith.constant 64 : index
        %get3A_289 = tpu.vector_load %arg22[%get3A_287, %get3A_288] {strides = array<i32>} : memref<64x128xf32, #tpu.memory_space<vmem>>, vector<16xf32>,
        %get3A_290 = arith.index_cast %scan3A_227 : i32 to index
        %get3A_291 = arith.constant 80 : index
        %get3A_292 = tpu.vector_load %arg22[%get3A_290, %get3A_291] {strides = array<i32>} : memref<64x128xf32, #tpu.memory_space<vmem>>, vector<16xf32>,
        %get3A_293 = arith.index_cast %scan3A_227 : i32 to index
        %get3A_294 = arith.constant 64 : index
        %get3A_295 = tpu.vector_load %arg23[%get3A_293, %get3A_294] {strides = array<i32>} : memref<64x128xf32, #tpu.memory_space<vmem>>, vector<16xf32>,
        %get3A_296 = arith.index_cast %scan3A_227 : i32 to index
        %get3A_297 = arith.constant 80 : index
        %get3A_298 = tpu.vector_load %arg23[%get3A_296, %get3A_297] {strides = array<i32>} : memref<64x128xf32, #tpu.memory_space<vmem>>, vector<16xf32>,
        %add3A_299 = arith.addf %get3A_289, %get3A_295 : vector<16xf32>
        %add3A_300 = arith.addf %get3A_292, %get3A_298 : vector<16xf32>
        %mul3A_301 = arith.constant 2.000000e-01 : f32
        %mul3A_302 = vector.broadcast %mul3A_301 : f32 to vector<16xf32>
        %mul3A_303 = arith.mulf %mul3A_302, %add3A_299 : vector<16xf32>
        %max3A_304 = arith.maximumf %add3A_299, %mul3A_303 : vector<16xf32>
        %mul3A_305 = arith.constant 2.000000e-01 : f32
        %mul3A_306 = vector.broadcast %mul3A_305 : f32 to vector<16xf32>
        %mul3A_307 = arith.mulf %mul3A_306, %add3A_300 : vector<16xf32>
        %max3A_308 = arith.maximumf %add3A_300, %mul3A_307 : vector<16xf32>
        %mul3A_309 = arith.mulf %max3A_304, %get3A_84 : vector<16xf32>
        %mul3A_310 = arith.mulf %max3A_308, %get3A_86 : vector<16xf32>
        %add3A_311 = arith.addf %mul3A_309, %mul3A_310 : vector<16xf32>
        %reduce_sum3A_312 = arith.constant true
        %reduce_sum3A_313 = vector.broadcast %reduce_sum3A_312 : i1 to vector<16xi1>
        %reduce_sum3A_314 = tpu.scan <sum>, %add3A_311 masked %reduce_sum3A_313 : vector<16xf32>, vector<16xi1> -> vector<16xf32>
        %reduce_sum3A_315 = vector.extract %reduce_sum3A_314[15] : f32 from vector<16xf32>
        %broadcast_in_dim3A_316 = vector.broadcast %reduce_sum3A_315 : f32 to vector<16xf32>
        %exp3A_317 = math.exp %broadcast_in_dim3A_316 : vector<16xf32>
        %get3A_318 = arith.index_cast %scan3A_227 : i32 to index
        %get3A_319 = arith.constant 96 : index
        %get3A_320 = tpu.vector_load %arg22[%get3A_318, %get3A_319] {strides = array<i32>} : memref<64x128xf32, #tpu.memory_space<vmem>>, vector<16xf32>,
        %get3A_321 = arith.index_cast %scan3A_227 : i32 to index
        %get3A_322 = arith.constant 112 : index
        %get3A_323 = tpu.vector_load %arg22[%get3A_321, %get3A_322] {strides = array<i32>} : memref<64x128xf32, #tpu.memory_space<vmem>>, vector<16xf32>,
        %get3A_324 = arith.index_cast %scan3A_227 : i32 to index
        %get3A_325 = arith.constant 96 : index
        %get3A_326 = tpu.vector_load %arg23[%get3A_324, %get3A_325] {strides = array<i32>} : memref<64x128xf32, #tpu.memory_space<vmem>>, vector<16xf32>,
        %get3A_327 = arith.index_cast %scan3A_227 : i32 to index
        %get3A_328 = arith.constant 112 : index
        %get3A_329 = tpu.vector_load %arg23[%get3A_327, %get3A_328] {strides = array<i32>} : memref<64x128xf32, #tpu.memory_space<vmem>>, vector<16xf32>,
        %add3A_330 = arith.addf %get3A_320, %get3A_326 : vector<16xf32>
        %add3A_331 = arith.addf %get3A_323, %get3A_329 : vector<16xf32>
        %mul3A_332 = arith.constant 2.000000e-01 : f32
        %mul3A_333 = vector.broadcast %mul3A_332 : f32 to vector<16xf32>
        %mul3A_334 = arith.mulf %mul3A_333, %add3A_330 : vector<16xf32>
        %max3A_335 = arith.maximumf %add3A_330, %mul3A_334 : vector<16xf32>
        %mul3A_336 = arith.constant 2.000000e-01 : f32
        %mul3A_337 = vector.broadcast %mul3A_336 : f32 to vector<16xf32>
        %mul3A_338 = arith.mulf %mul3A_337, %add3A_331 : vector<16xf32>
        %max3A_339 = arith.maximumf %add3A_331, %mul3A_338 : vector<16xf32>
        %mul3A_340 = arith.mulf %max3A_335, %get3A_88 : vector<16xf32>
        %mul3A_341 = arith.mulf %max3A_339, %get3A_90 : vector<16xf32>
        %add3A_342 = arith.addf %mul3A_340, %mul3A_341 : vector<16xf32>
        %reduce_sum3A_343 = arith.constant true
        %reduce_sum3A_344 = vector.broadcast %reduce_sum3A_343 : i1 to vector<16xi1>
        %reduce_sum3A_345 = tpu.scan <sum>, %add3A_342 masked %reduce_sum3A_344 : vector<16xf32>, vector<16xi1> -> vector<16xf32>
        %reduce_sum3A_346 = vector.extract %reduce_sum3A_345[15] : f32 from vector<16xf32>
        %broadcast_in_dim3A_347 = vector.broadcast %reduce_sum3A_346 : f32 to vector<16xf32>
        %exp3A_348 = math.exp %broadcast_in_dim3A_347 : vector<16xf32>
        %mul3A_349 = arith.mulf %exp3A, %get3A_230 : vector<16xf32>
        %swap3A = arith.index_cast %scan3A_227 : i32 to index
        %swap3A_350 = arith.constant 0 : index
        %swap3A_351 = tpu.vector_load %arg22[%swap3A, %swap3A_350] {strides = array<i32>} : memref<64x128xf32, #tpu.memory_space<vmem>>, vector<16xf32>,
        tpu.vector_store %arg22[%swap3A, %swap3A_350], %mul3A_349 {strides = array<i32>} : memref<64x128xf32, #tpu.memory_space<vmem>>, vector<16xf32>,
        %mul3A_352 = arith.mulf %exp3A, %get3A_233 : vector<16xf32>
        %swap3A_353 = arith.index_cast %scan3A_227 : i32 to index
        %swap3A_354 = arith.constant 16 : index
        %swap3A_355 = tpu.vector_load %arg22[%swap3A_353, %swap3A_354] {strides = array<i32>} : memref<64x128xf32, #tpu.memory_space<vmem>>, vector<16xf32>,
        tpu.vector_store %arg22[%swap3A_353, %swap3A_354], %mul3A_352 {strides = array<i32>} : memref<64x128xf32, #tpu.memory_space<vmem>>, vector<16xf32>,
        %mul3A_356 = arith.mulf %exp3A_286, %get3A_258 : vector<16xf32>
        %swap3A_357 = arith.index_cast %scan3A_227 : i32 to index
        %swap3A_358 = arith.constant 32 : index
        %swap3A_359 = tpu.vector_load %arg22[%swap3A_357, %swap3A_358] {strides = array<i32>} : memref<64x128xf32, #tpu.memory_space<vmem>>, vector<16xf32>,
        tpu.vector_store %arg22[%swap3A_357, %swap3A_358], %mul3A_356 {strides = array<i32>} : memref<64x128xf32, #tpu.memory_space<vmem>>, vector<16xf32>,
        %mul3A_360 = arith.mulf %exp3A_286, %get3A_261 : vector<16xf32>
        %swap3A_361 = arith.index_cast %scan3A_227 : i32 to index
        %swap3A_362 = arith.constant 48 : index
        %swap3A_363 = tpu.vector_load %arg22[%swap3A_361, %swap3A_362] {strides = array<i32>} : memref<64x128xf32, #tpu.memory_space<vmem>>, vector<16xf32>,
        tpu.vector_store %arg22[%swap3A_361, %swap3A_362], %mul3A_360 {strides = array<i32>} : memref<64x128xf32, #tpu.memory_space<vmem>>, vector<16xf32>,
        %mul3A_364 = arith.mulf %exp3A_317, %get3A_289 : vector<16xf32>
        %swap3A_365 = arith.index_cast %scan3A_227 : i32 to index
        %swap3A_366 = arith.constant 64 : index
        %swap3A_367 = tpu.vector_load %arg22[%swap3A_365, %swap3A_366] {strides = array<i32>} : memref<64x128xf32, #tpu.memory_space<vmem>>, vector<16xf32>,
        tpu.vector_store %arg22[%swap3A_365, %swap3A_366], %mul3A_364 {strides = array<i32>} : memref<64x128xf32, #tpu.memory_space<vmem>>, vector<16xf32>,
        %mul3A_368 = arith.mulf %exp3A_317, %get3A_292 : vector<16xf32>
        %swap3A_369 = arith.index_cast %scan3A_227 : i32 to index
        %swap3A_370 = arith.constant 80 : index
        %swap3A_371 = tpu.vector_load %arg22[%swap3A_369, %swap3A_370] {strides = array<i32>} : memref<64x128xf32, #tpu.memory_space<vmem>>, vector<16xf32>,
        tpu.vector_store %arg22[%swap3A_369, %swap3A_370], %mul3A_368 {strides = array<i32>} : memref<64x128xf32, #tpu.memory_space<vmem>>, vector<16xf32>,
        %mul3A_372 = arith.mulf %exp3A_348, %get3A_320 : vector<16xf32>
        %swap3A_373 = arith.index_cast %scan3A_227 : i32 to index
        %swap3A_374 = arith.constant 96 : index
        %swap3A_375 = tpu.vector_load %arg22[%swap3A_373, %swap3A_374] {strides = array<i32>} : memref<64x128xf32, #tpu.memory_space<vmem>>, vector<16xf32>,
        tpu.vector_store %arg22[%swap3A_373, %swap3A_374], %mul3A_372 {strides = array<i32>} : memref<64x128xf32, #tpu.memory_space<vmem>>, vector<16xf32>,
        %mul3A_376 = arith.mulf %exp3A_348, %get3A_323 : vector<16xf32>
        %swap3A_377 = arith.index_cast %scan3A_227 : i32 to index
        %swap3A_378 = arith.constant 112 : index
        %swap3A_379 = tpu.vector_load %arg22[%swap3A_377, %swap3A_378] {strides = array<i32>} : memref<64x128xf32, #tpu.memory_space<vmem>>, vector<16xf32>,
        tpu.vector_store %arg22[%swap3A_377, %swap3A_378], %mul3A_376 {strides = array<i32>} : memref<64x128xf32, #tpu.memory_space<vmem>>, vector<16xf32>,
        %get3A_380 = arith.index_cast %scan3A_227 : i32 to index
        %get3A_381 = tpu.vector_load %arg18[%get3A_380] {strides = array<i32>} : memref<80xi32, #tpu.memory_space<vmem>>, vector<16xi32>,
        %slice3A = vector.extract_strided_slice %get3A_381 {offsets = [0], sizes = [1], strides = [1]} : vector<16xi32> to vector<1xi32>
        %squeeze3A = vector.extract %slice3A[0] : i32 from vector<1xi32>
        %and3A_382 = arith.constant 31 : i32
        %and3A_383 = arith.andi %squeeze3A, %and3A_382 : i32
        %shift_right_arithmetic3A = arith.constant 2 : i32
        %shift_right_arithmetic3A_384 = arith.shrsi %and3A_383, %shift_right_arithmetic3A : i32
        %and3A_385 = arith.constant 3 : i32
        %and3A_386 = arith.andi %and3A_383, %and3A_385 : i32
        %mul3A_387 = arith.constant 4 : i32
        %mul3A_388 = arith.muli %and3A_386, %mul3A_387 : i32
        %add3A_389 = arith.constant 0 : i32
        %add3A_390 = arith.addi %mul3A_388, %add3A_389 : i32
        %eq3A = vector.broadcast %add3A_390 : i32 to vector<16xi32>
        %eq3A_391 = arith.cmpi eq, %iota3A, %eq3A : vector<16xi32>
        %select_n3A_392 = arith.select %eq3A_391, %exp3A, %broadcast_in_dim3A_0 : vector<16xi1>, vector<16xf32>
        %add3A_393 = arith.constant 1 : i32
        %add3A_394 = arith.addi %mul3A_388, %add3A_393 : i32
        %eq3A_395 = vector.broadcast %add3A_394 : i32 to vector<16xi32>
        %eq3A_396 = arith.cmpi eq, %iota3A, %eq3A_395 : vector<16xi32>
        %select_n3A_397 = arith.select %eq3A_396, %exp3A_286, %select_n3A_392 : vector<16xi1>, vector<16xf32>
        %add3A_398 = arith.constant 2 : i32
        %add3A_399 = arith.addi %mul3A_388, %add3A_398 : i32
        %eq3A_400 = vector.broadcast %add3A_399 : i32 to vector<16xi32>
        %eq3A_401 = arith.cmpi eq, %iota3A, %eq3A_400 : vector<16xi32>
        %select_n3A_402 = arith.select %eq3A_401, %exp3A_317, %select_n3A_397 : vector<16xi1>, vector<16xf32>
        %add3A_403 = arith.constant 3 : i32
        %add3A_404 = arith.addi %mul3A_388, %add3A_403 : i32
        %eq3A_405 = vector.broadcast %add3A_404 : i32 to vector<16xi32>
        %eq3A_406 = arith.cmpi eq, %iota3A, %eq3A_405 : vector<16xi32>
        %select_n3A_407 = arith.select %eq3A_406, %exp3A_348, %select_n3A_402 : vector<16xi1>, vector<16xf32>
        %eq3A_408 = arith.constant 0 : i32
        %eq3A_409 = arith.cmpi eq, %shift_right_arithmetic3A_384, %eq3A_408 : i32
        %select_n3A_410 = arith.select %eq3A_409, %select_n3A_407, %broadcast_in_dim3A_0 : vector<16xf32>
        %swap3A_411 = arith.index_cast %scan3A_227 : i32 to index
        %swap3A_412 = arith.constant 0 : index
        %swap3A_413 = tpu.vector_load %arg23[%swap3A_411, %swap3A_412] {strides = array<i32>} : memref<64x128xf32, #tpu.memory_space<vmem>>, vector<16xf32>,
        tpu.vector_store %arg23[%swap3A_411, %swap3A_412], %select_n3A_410 {strides = array<i32>} : memref<64x128xf32, #tpu.memory_space<vmem>>, vector<16xf32>,
        %eq3A_414 = arith.constant 1 : i32
        %eq3A_415 = arith.cmpi eq, %shift_right_arithmetic3A_384, %eq3A_414 : i32
        %select_n3A_416 = arith.select %eq3A_415, %select_n3A_407, %broadcast_in_dim3A_0 : vector<16xf32>
        %swap3A_417 = arith.index_cast %scan3A_227 : i32 to index
        %swap3A_418 = arith.constant 16 : index
        %swap3A_419 = tpu.vector_load %arg23[%swap3A_417, %swap3A_418] {strides = array<i32>} : memref<64x128xf32, #tpu.memory_space<vmem>>, vector<16xf32>,
        tpu.vector_store %arg23[%swap3A_417, %swap3A_418], %select_n3A_416 {strides = array<i32>} : memref<64x128xf32, #tpu.memory_space<vmem>>, vector<16xf32>,
        %eq3A_420 = arith.constant 2 : i32
        %eq3A_421 = arith.cmpi eq, %shift_right_arithmetic3A_384, %eq3A_420 : i32
        %select_n3A_422 = arith.select %eq3A_421, %select_n3A_407, %broadcast_in_dim3A_0 : vector<16xf32>
        %swap3A_423 = arith.index_cast %scan3A_227 : i32 to index
        %swap3A_424 = arith.constant 32 : index
        %swap3A_425 = tpu.vector_load %arg23[%swap3A_423, %swap3A_424] {strides = array<i32>} : memref<64x128xf32, #tpu.memory_space<vmem>>, vector<16xf32>,
        tpu.vector_store %arg23[%swap3A_423, %swap3A_424], %select_n3A_422 {strides = array<i32>} : memref<64x128xf32, #tpu.memory_space<vmem>>, vector<16xf32>,
        %eq3A_426 = arith.constant 3 : i32
        %eq3A_427 = arith.cmpi eq, %shift_right_arithmetic3A_384, %eq3A_426 : i32
        %select_n3A_428 = arith.select %eq3A_427, %select_n3A_407, %broadcast_in_dim3A_0 : vector<16xf32>
        %swap3A_429 = arith.index_cast %scan3A_227 : i32 to index
        %swap3A_430 = arith.constant 48 : index
        %swap3A_431 = tpu.vector_load %arg23[%swap3A_429, %swap3A_430] {strides = array<i32>} : memref<64x128xf32, #tpu.memory_space<vmem>>, vector<16xf32>,
        tpu.vector_store %arg23[%swap3A_429, %swap3A_430], %select_n3A_428 {strides = array<i32>} : memref<64x128xf32, #tpu.memory_space<vmem>>, vector<16xf32>,
        %eq3A_432 = arith.constant 4 : i32
        %eq3A_433 = arith.cmpi eq, %shift_right_arithmetic3A_384, %eq3A_432 : i32
        %select_n3A_434 = arith.select %eq3A_433, %select_n3A_407, %broadcast_in_dim3A_0 : vector<16xf32>
        %swap3A_435 = arith.index_cast %scan3A_227 : i32 to index
        %swap3A_436 = arith.constant 64 : index
        %swap3A_437 = tpu.vector_load %arg23[%swap3A_435, %swap3A_436] {strides = array<i32>} : memref<64x128xf32, #tpu.memory_space<vmem>>, vector<16xf32>,
        tpu.vector_store %arg23[%swap3A_435, %swap3A_436], %select_n3A_434 {strides = array<i32>} : memref<64x128xf32, #tpu.memory_space<vmem>>, vector<16xf32>,
        %eq3A_438 = arith.constant 5 : i32
        %eq3A_439 = arith.cmpi eq, %shift_right_arithmetic3A_384, %eq3A_438 : i32
        %select_n3A_440 = arith.select %eq3A_439, %select_n3A_407, %broadcast_in_dim3A_0 : vector<16xf32>
        %swap3A_441 = arith.index_cast %scan3A_227 : i32 to index
        %swap3A_442 = arith.constant 80 : index
        %swap3A_443 = tpu.vector_load %arg23[%swap3A_441, %swap3A_442] {strides = array<i32>} : memref<64x128xf32, #tpu.memory_space<vmem>>, vector<16xf32>,
        tpu.vector_store %arg23[%swap3A_441, %swap3A_442], %select_n3A_440 {strides = array<i32>} : memref<64x128xf32, #tpu.memory_space<vmem>>, vector<16xf32>,
        %eq3A_444 = arith.constant 6 : i32
        %eq3A_445 = arith.cmpi eq, %shift_right_arithmetic3A_384, %eq3A_444 : i32
        %select_n3A_446 = arith.select %eq3A_445, %select_n3A_407, %broadcast_in_dim3A_0 : vector<16xf32>
        %swap3A_447 = arith.index_cast %scan3A_227 : i32 to index
        %swap3A_448 = arith.constant 96 : index
        %swap3A_449 = tpu.vector_load %arg23[%swap3A_447, %swap3A_448] {strides = array<i32>} : memref<64x128xf32, #tpu.memory_space<vmem>>, vector<16xf32>,
        tpu.vector_store %arg23[%swap3A_447, %swap3A_448], %select_n3A_446 {strides = array<i32>} : memref<64x128xf32, #tpu.memory_space<vmem>>, vector<16xf32>,
        %eq3A_450 = arith.constant 7 : i32
        %eq3A_451 = arith.cmpi eq, %shift_right_arithmetic3A_384, %eq3A_450 : i32
        %select_n3A_452 = arith.select %eq3A_451, %select_n3A_407, %broadcast_in_dim3A_0 : vector<16xf32>
        %swap3A_453 = arith.index_cast %scan3A_227 : i32 to index
        %swap3A_454 = arith.constant 112 : index
        %swap3A_455 = tpu.vector_load %arg23[%swap3A_453, %swap3A_454] {strides = array<i32>} : memref<64x128xf32, #tpu.memory_space<vmem>>, vector<16xf32>,
        tpu.vector_store %arg23[%swap3A_453, %swap3A_454], %select_n3A_452 {strides = array<i32>} : memref<64x128xf32, #tpu.memory_space<vmem>>, vector<16xf32>,
      }
      %scan3A_219 = arith.constant 64 : i32
      "tpu.region"() ({
        %run_scoped3A = tpu.sem_alloc : memref<!tpu.dma_semaphore, #tpu.memory_space<semaphore_mem>>
        %dma_start3A_227 = arith.constant 0 : i32
        %dma_start3A_228 = arith.constant 0 : i32
        %dma_start3A_229 = tpu.memref_slice %arg26[%dma_start3A_227, %dma_start3A_228] : memref<10016x128xf32, #tpu.memory_space<vmem_shared>> -> memref<10016x128xf32, #tpu.memory_space<vmem_shared>>
        tpu.enqueue_indirect_dma source(%arg22 : memref<64x128xf32, #tpu.memory_space<vmem>>) target(%dma_start3A_229 : memref<10016x128xf32, #tpu.memory_space<vmem_shared>>) offsets(%arg17 : memref<64xi32, #tpu.memory_space<vmem>>) semaphore(%run_scoped3A : memref<!tpu.dma_semaphore, #tpu.memory_space<semaphore_mem>>) {add = true}
        %dma_wait3A_230 = arith.constant 0 : i32
        %dma_wait3A_231 = arith.constant 0 : i32
        %dma_wait3A_232 = tpu.memref_slice %arg26[%dma_wait3A_230, %dma_wait3A_231] : memref<10016x128xf32, #tpu.memory_space<vmem_shared>> -> memref<10016x128xf32, #tpu.memory_space<vmem_shared>>
        tpu.wait_indirect_dma semaphore(%run_scoped3A : memref<!tpu.dma_semaphore, #tpu.memory_space<semaphore_mem>>) src(%arg22 : memref<64x128xf32, #tpu.memory_space<vmem>>) dst(%dma_wait3A_232 : memref<10016x128xf32, #tpu.memory_space<vmem_shared>>)
        tpu.yield
      }) : () -> ()
      "tpu.region"() ({
        %run_scoped3A = tpu.sem_alloc : memref<!tpu.dma_semaphore, #tpu.memory_space<semaphore_mem>>
        %dma_start3A_227 = arith.constant 0 : i32
        %dma_start3A_228 = arith.constant 0 : i32
        %dma_start3A_229 = tpu.memref_slice %arg27[%dma_start3A_227, %dma_start3A_228] : memref<320x128xf32, #tpu.memory_space<vmem_shared>> -> memref<320x128xf32, #tpu.memory_space<vmem_shared>>
        tpu.enqueue_indirect_dma source(%arg23 : memref<64x128xf32, #tpu.memory_space<vmem>>) target(%dma_start3A_229 : memref<320x128xf32, #tpu.memory_space<vmem_shared>>) offsets(%arg21 : memref<64xi32, #tpu.memory_space<vmem>>) semaphore(%run_scoped3A : memref<!tpu.dma_semaphore, #tpu.memory_space<semaphore_mem>>) {add = true}
        %dma_wait3A_230 = arith.constant 0 : i32
        %dma_wait3A_231 = arith.constant 0 : i32
        %dma_wait3A_232 = tpu.memref_slice %arg27[%dma_wait3A_230, %dma_wait3A_231] : memref<320x128xf32, #tpu.memory_space<vmem_shared>> -> memref<320x128xf32, #tpu.memory_space<vmem_shared>>
        tpu.wait_indirect_dma semaphore(%run_scoped3A : memref<!tpu.dma_semaphore, #tpu.memory_space<semaphore_mem>>) src(%arg23 : memref<64x128xf32, #tpu.memory_space<vmem>>) dst(%dma_wait3A_232 : memref<320x128xf32, #tpu.memory_space<vmem_shared>>)
        tpu.yield
      }) : () -> ()
      %add3A_220 = arith.constant 2 : i32
      %add3A_221 = arith.addi %add3A_207, %add3A_220 : i32
      %lt3A_222 = arith.constant 320 : i32
      %lt3A_223 = arith.cmpi slt, %add3A_221, %lt3A_222 : i32
      %convert_element_type3A_224 = arith.extui %lt3A_223 : i1 to i32
      %cond3A_225 = arith.constant 0 : i32
      %cond3A_226 = arith.cmpi ne, %convert_element_type3A_224, %cond3A_225 : i32
      scf.if %cond3A_226 {
        %add3A_227 = arith.constant 2 : i32
        %add3A_228 = arith.addi %add3A_207, %add3A_227 : i32
        %mul3A_229 = arith.constant 16 : i32
        %mul3A_230 = arith.muli %mul3A_229, %add3A_228 : i32
        %add3A_231 = arith.addi %arg1, %mul3A_230 : i32
        %mul3A_232 = arith.constant 64 : i32
        %mul3A_233 = arith.muli %add3A_231, %mul3A_232 : i32
        "tpu.region"() ({
          %run_scoped3A = tpu.sem_alloc : memref<!tpu.dma_semaphore, #tpu.memory_space<semaphore_mem>>
          %dma_start3A_246 = tpu.memref_slice %arg3[%mul3A_233] : memref<327680xi32, #tpu.memory_space<hbm>> -> memref<64xi32, #tpu.memory_space<hbm>>
          %dma_start3A_247 = tpu.memref_slice %arg3[%mul3A_233] : memref<327680xi32, #tpu.memory_space<hbm>> -> memref<64xi32, #tpu.memory_space<hbm>>
          tpu.enqueue_dma source(%dma_start3A_247 : memref<64xi32, #tpu.memory_space<hbm>>) target(%arg16 : memref<64xi32, #tpu.memory_space<vmem>>) target_semaphore(%run_scoped3A : memref<!tpu.dma_semaphore, #tpu.memory_space<semaphore_mem>>)
          %dma_wait3A_248 = tpu.memref_slice %arg3[%mul3A_233] : memref<327680xi32, #tpu.memory_space<hbm>> -> memref<64xi32, #tpu.memory_space<hbm>>
          %dma_wait3A_249 = tpu.memref_slice %arg3[%mul3A_233] : memref<327680xi32, #tpu.memory_space<hbm>> -> memref<64xi32, #tpu.memory_space<hbm>>
          tpu.wait_dma2 semaphore(%run_scoped3A : memref<!tpu.dma_semaphore, #tpu.memory_space<semaphore_mem>>) src(%dma_wait3A_249 : memref<64xi32, #tpu.memory_space<hbm>>) dst(%arg16 : memref<64xi32, #tpu.memory_space<vmem>>)
          tpu.yield
        }) : () -> ()
        "tpu.region"() ({
          %run_scoped3A = tpu.sem_alloc : memref<!tpu.dma_semaphore, #tpu.memory_space<semaphore_mem>>
          %dma_start3A_246 = tpu.memref_slice %arg4[%mul3A_233] : memref<327680xi32, #tpu.memory_space<hbm>> -> memref<64xi32, #tpu.memory_space<hbm>>
          %dma_start3A_247 = tpu.memref_slice %arg4[%mul3A_233] : memref<327680xi32, #tpu.memory_space<hbm>> -> memref<64xi32, #tpu.memory_space<hbm>>
          tpu.enqueue_dma source(%dma_start3A_247 : memref<64xi32, #tpu.memory_space<hbm>>) target(%arg17 : memref<64xi32, #tpu.memory_space<vmem>>) target_semaphore(%run_scoped3A : memref<!tpu.dma_semaphore, #tpu.memory_space<semaphore_mem>>)
          %dma_wait3A_248 = tpu.memref_slice %arg4[%mul3A_233] : memref<327680xi32, #tpu.memory_space<hbm>> -> memref<64xi32, #tpu.memory_space<hbm>>
          %dma_wait3A_249 = tpu.memref_slice %arg4[%mul3A_233] : memref<327680xi32, #tpu.memory_space<hbm>> -> memref<64xi32, #tpu.memory_space<hbm>>
          tpu.wait_dma2 semaphore(%run_scoped3A : memref<!tpu.dma_semaphore, #tpu.memory_space<semaphore_mem>>) src(%dma_wait3A_249 : memref<64xi32, #tpu.memory_space<hbm>>) dst(%arg17 : memref<64xi32, #tpu.memory_space<vmem>>)
          tpu.yield
        }) : () -> ()
        %scan3A_234 = arith.constant 0 : i32
        %scan3A_235 = arith.constant 0 : i32
        %scan3A_236 = arith.constant 4 : i32
        %scan3A_237 = arith.addi %scan3A_235, %scan3A_236 : i32
        %scan3A_238 = arith.constant 1 : i32
        scf.for %scan3A_246 = %scan3A_235 to %scan3A_237 step %scan3A_238  : i32 {
          %mul3A_247 = arith.constant 16 : i32
          %mul3A_248 = arith.muli %scan3A_246, %mul3A_247 : i32
          %get3A_249 = arith.index_cast %mul3A_248 : i32 to index
          %get3A_250 = tpu.vector_load %arg17[%get3A_249] {strides = array<i32>} : memref<64xi32, #tpu.memory_space<vmem>>, vector<16xi32>,
          %mul3A_251 = arith.constant 16 : i32
          %mul3A_252 = arith.muli %scan3A_246, %mul3A_251 : i32
          %get3A_253 = arith.index_cast %mul3A_252 : i32 to index
          %get3A_254 = tpu.vector_load %arg16[%get3A_253] {strides = array<i32>} : memref<64xi32, #tpu.memory_space<vmem>>, vector<16xi32>,
          %add3A_255 = vector.broadcast %mul3A_91 : i32 to vector<16xi32>
          %add3A_256 = arith.addi %get3A_254, %add3A_255 : vector<16xi32>
          %mul3A_257 = arith.constant 16 : i32
          %mul3A_258 = arith.muli %scan3A_246, %mul3A_257 : i32
          %swap3A = arith.index_cast %mul3A_258 : i32 to index
          %swap3A_259 = tpu.vector_load %arg19[%swap3A] {strides = array<i32>} : memref<64xi32, #tpu.memory_space<vmem>>, vector<16xi32>,
          tpu.vector_store %arg19[%swap3A], %add3A_256 {strides = array<i32>} : memref<64xi32, #tpu.memory_space<vmem>>, vector<16xi32>,
          %add3A_260 = vector.broadcast %mul3A_95 : i32 to vector<16xi32>
          %add3A_261 = arith.addi %get3A_250, %add3A_260 : vector<16xi32>
          %mul3A_262 = arith.constant 16 : i32
          %mul3A_263 = arith.muli %scan3A_246, %mul3A_262 : i32
          %swap3A_264 = arith.index_cast %mul3A_263 : i32 to index
          %swap3A_265 = tpu.vector_load %arg20[%swap3A_264] {strides = array<i32>} : memref<64xi32, #tpu.memory_space<vmem>>, vector<16xi32>,
          tpu.vector_store %arg20[%swap3A_264], %add3A_261 {strides = array<i32>} : memref<64xi32, #tpu.memory_space<vmem>>, vector<16xi32>,
          %shift_right_logical3A = arith.constant 5 : i32
          %shift_right_logical3A_266 = vector.broadcast %shift_right_logical3A : i32 to vector<16xi32>
          %shift_right_logical3A_267 = arith.shrui %get3A_250, %shift_right_logical3A_266 : vector<16xi32>
          %mul3A_268 = arith.constant 16 : i32
          %mul3A_269 = arith.muli %scan3A_246, %mul3A_268 : i32
          %swap3A_270 = arith.index_cast %mul3A_269 : i32 to index
          %swap3A_271 = tpu.vector_load %arg21[%swap3A_270] {strides = array<i32>} : memref<64xi32, #tpu.memory_space<vmem>>, vector<16xi32>,
          tpu.vector_store %arg21[%swap3A_270], %shift_right_logical3A_267 {strides = array<i32>} : memref<64xi32, #tpu.memory_space<vmem>>, vector<16xi32>,
          %mul3A_272 = arith.constant 16 : i32
          %mul3A_273 = arith.muli %scan3A_246, %mul3A_272 : i32
          %swap3A_274 = arith.index_cast %mul3A_273 : i32 to index
          %swap3A_275 = tpu.vector_load %arg18[%swap3A_274] {strides = array<i32>} : memref<80xi32, #tpu.memory_space<vmem>>, vector<16xi32>,
          tpu.vector_store %arg18[%swap3A_274], %get3A_250 {strides = array<i32>} : memref<80xi32, #tpu.memory_space<vmem>>, vector<16xi32>,
        }
        %scan3A_239 = arith.constant 4 : i32
        %dma_start3A_240 = arith.constant 0 : i32
        %dma_start3A_241 = arith.constant 0 : i32
        %dma_start3A_242 = tpu.memref_slice %arg2[%dma_start3A_240, %dma_start3A_241] : memref<40016x128xf32, #tpu.memory_space<hbm>> -> memref<40016x128xf32, #tpu.memory_space<hbm>>
        tpu.enqueue_indirect_dma source(%dma_start3A_242 : memref<40016x128xf32, #tpu.memory_space<hbm>>) target(%arg22 : memref<64x128xf32, #tpu.memory_space<vmem>>) offsets(%arg19 : memref<64xi32, #tpu.memory_space<vmem>>) semaphore(%arg30 : memref<!tpu.dma_semaphore, #tpu.memory_space<semaphore_mem>>)
        %dma_start3A_243 = arith.constant 0 : i32
        %dma_start3A_244 = arith.constant 0 : i32
        %dma_start3A_245 = tpu.memref_slice %arg2[%dma_start3A_243, %dma_start3A_244] : memref<40016x128xf32, #tpu.memory_space<hbm>> -> memref<40016x128xf32, #tpu.memory_space<hbm>>
        tpu.enqueue_indirect_dma source(%dma_start3A_245 : memref<40016x128xf32, #tpu.memory_space<hbm>>) target(%arg23 : memref<64x128xf32, #tpu.memory_space<vmem>>) offsets(%arg20 : memref<64xi32, #tpu.memory_space<vmem>>) semaphore(%arg31 : memref<!tpu.dma_semaphore, #tpu.memory_space<semaphore_mem>>)
      } else {
      }
    }
    %scan3A_132 = arith.constant 160 : i32
    %barrier3A_133 = arith.constant 0 : index
    tpu.barrier barrier_id(%barrier3A_133)
    %sub3A_134 = arith.constant 625 : i32
    %sub3A_135 = arith.subi %sub3A_134, %arg1 : i32
    %add3A_136 = arith.constant 16 : i32
    %add3A_137 = arith.addi %sub3A_135, %add3A_136 : i32
    %sub3A_138 = arith.constant 1 : i32
    %sub3A_139 = arith.subi %add3A_137, %sub3A_138 : i32
    %jit3A_140 = arith.constant 16 : i32
    %div3A_141 = arith.divsi %sub3A_139, %jit3A_140 : i32
    %sign3A_142 = arith.constant 0 : i32
    %sign3A_143 = arith.cmpi sgt, %sub3A_139, %sign3A_142 : i32
    %sign3A_144 = arith.extui %sign3A_143 : i1 to i32
    %sign3A_145 = arith.constant 0 : i32
    %sign3A_146 = arith.cmpi slt, %sub3A_139, %sign3A_145 : i32
    %sign3A_147 = arith.extui %sign3A_146 : i1 to i32
    %sign3A_148 = arith.subi %sign3A_144, %sign3A_147 : i32
    %sign3A_149 = arith.constant 0 : i32
    %sign3A_150 = arith.cmpi sgt, %jit3A_140, %sign3A_149 : i32
    %sign3A_151 = arith.extui %sign3A_150 : i1 to i32
    %sign3A_152 = arith.constant 0 : i32
    %sign3A_153 = arith.cmpi slt, %jit3A_140, %sign3A_152 : i32
    %sign3A_154 = arith.extui %sign3A_153 : i1 to i32
    %sign3A_155 = arith.subi %sign3A_151, %sign3A_154 : i32
    %ne3A_156 = arith.cmpi ne, %sign3A_148, %sign3A_155 : i32
    %rem3A_157 = arith.remsi %sub3A_139, %jit3A_140 : i32
    %ne3A_158 = arith.constant 0 : i32
    %ne3A_159 = arith.cmpi ne, %rem3A_157, %ne3A_158 : i32
    %and3A_160 = arith.andi %ne3A_156, %ne3A_159 : i1
    %sub3A_161 = arith.constant 1 : i32
    %sub3A_162 = arith.subi %div3A_141, %sub3A_161 : i32
    %select_n3A_163 = arith.select %and3A_160, %sub3A_162, %div3A_141 : i32
    %while3A_164 = arith.constant 0 : i32
    %while3A_165 = arith.constant 0 : i32
    %while3A_166 = arith.subi %select_n3A_163, %while3A_165 : i32
    %while3A_167 = arith.addi %while3A_165, %while3A_166 : i32
    %while3A_168 = arith.constant 1 : i32
    %while3A_169 = arith.divsi %while3A_166, %while3A_168 : i32
    %while3A_170 = arith.muli %while3A_169, %while3A_168 : i32
    %while3A_171 = arith.addi %while3A_165, %while3A_170 : i32
    %while3A_172 = arith.constant 1 : i32
    scf.for %while3A_184 = %while3A_165 to %while3A_171 step %while3A_172  : i32 {
      %mul3A_185 = arith.constant 16 : i32
      %mul3A_186 = arith.muli %mul3A_185, %while3A_184 : i32
      %add3A_187 = arith.addi %arg1, %mul3A_186 : i32
      %mul3A_188 = arith.constant 16 : i32
      %mul3A_189 = arith.muli %add3A_187, %mul3A_188 : i32
      "tpu.region"() ({
        %run_scoped3A = tpu.sem_alloc : memref<!tpu.dma_semaphore, #tpu.memory_space<semaphore_mem>>
        %dma_start3A_195 = arith.constant 0 : i32
        %dma_start3A_196 = tpu.memref_slice %arg26[%mul3A_189, %dma_start3A_195] : memref<10016x128xf32, #tpu.memory_space<vmem_shared>> -> memref<16x128xf32, #tpu.memory_space<vmem_shared>>
        %dma_start3A_197 = arith.constant 0 : i32
        %dma_start3A_198 = tpu.memref_slice %arg26[%mul3A_189, %dma_start3A_197] : memref<10016x128xf32, #tpu.memory_space<vmem_shared>> -> memref<16x128xf32, #tpu.memory_space<vmem_shared>>
        tpu.enqueue_dma source(%dma_start3A_198 : memref<16x128xf32, #tpu.memory_space<vmem_shared>>) target(%arg24 : memref<16x128xf32, #tpu.memory_space<vmem>>) target_semaphore(%run_scoped3A : memref<!tpu.dma_semaphore, #tpu.memory_space<semaphore_mem>>)
        %dma_wait3A = arith.constant 0 : i32
        %dma_wait3A_199 = tpu.memref_slice %arg26[%mul3A_189, %dma_wait3A] : memref<10016x128xf32, #tpu.memory_space<vmem_shared>> -> memref<16x128xf32, #tpu.memory_space<vmem_shared>>
        %dma_wait3A_200 = arith.constant 0 : i32
        %dma_wait3A_201 = tpu.memref_slice %arg26[%mul3A_189, %dma_wait3A_200] : memref<10016x128xf32, #tpu.memory_space<vmem_shared>> -> memref<16x128xf32, #tpu.memory_space<vmem_shared>>
        tpu.wait_dma2 semaphore(%run_scoped3A : memref<!tpu.dma_semaphore, #tpu.memory_space<semaphore_mem>>) src(%dma_wait3A_201 : memref<16x128xf32, #tpu.memory_space<vmem_shared>>) dst(%arg24 : memref<16x128xf32, #tpu.memory_space<vmem>>)
        tpu.yield
      }) : () -> ()
      %mul3A_190 = arith.constant 10000 : i32
      %mul3A_191 = arith.muli %arg0, %mul3A_190 : i32
      %mul3A_192 = arith.constant 16 : i32
      %mul3A_193 = arith.muli %add3A_187, %mul3A_192 : i32
      %add3A_194 = arith.addi %mul3A_191, %mul3A_193 : i32
      "tpu.region"() ({
        %run_scoped3A = tpu.sem_alloc : memref<!tpu.dma_semaphore, #tpu.memory_space<semaphore_mem>>
        %dma_start3A_195 = arith.constant 0 : i32
        %dma_start3A_196 = tpu.memref_slice %arg6[%add3A_194, %dma_start3A_195] : memref<20000x128xf32, #tpu.memory_space<hbm>> -> memref<16x128xf32, #tpu.memory_space<hbm>>
        %dma_start3A_197 = arith.constant 0 : i32
        %dma_start3A_198 = tpu.memref_slice %arg6[%add3A_194, %dma_start3A_197] : memref<20000x128xf32, #tpu.memory_space<hbm>> -> memref<16x128xf32, #tpu.memory_space<hbm>>
        tpu.enqueue_dma source(%arg24 : memref<16x128xf32, #tpu.memory_space<vmem>>) target(%dma_start3A_198 : memref<16x128xf32, #tpu.memory_space<hbm>>) target_semaphore(%run_scoped3A : memref<!tpu.dma_semaphore, #tpu.memory_space<semaphore_mem>>)
        %dma_wait3A = arith.constant 0 : i32
        %dma_wait3A_199 = tpu.memref_slice %arg6[%add3A_194, %dma_wait3A] : memref<20000x128xf32, #tpu.memory_space<hbm>> -> memref<16x128xf32, #tpu.memory_space<hbm>>
        %dma_wait3A_200 = arith.constant 0 : i32
        %dma_wait3A_201 = tpu.memref_slice %arg6[%add3A_194, %dma_wait3A_200] : memref<20000x128xf32, #tpu.memory_space<hbm>> -> memref<16x128xf32, #tpu.memory_space<hbm>>
        tpu.wait_dma2 semaphore(%run_scoped3A : memref<!tpu.dma_semaphore, #tpu.memory_space<semaphore_mem>>) src(%arg24 : memref<16x128xf32, #tpu.memory_space<vmem>>) dst(%dma_wait3A_201 : memref<16x128xf32, #tpu.memory_space<hbm>>)
        tpu.yield
      }) : () -> ()
    }
    %while3A_173 = arith.constant 1 : i32
    scf.for %while3A_184 = %while3A_171 to %while3A_167 step %while3A_173  : i32 {
      %mul3A_185 = arith.constant 16 : i32
      %mul3A_186 = arith.muli %mul3A_185, %while3A_184 : i32
      %add3A_187 = arith.addi %arg1, %mul3A_186 : i32
      %mul3A_188 = arith.constant 16 : i32
      %mul3A_189 = arith.muli %add3A_187, %mul3A_188 : i32
      "tpu.region"() ({
        %run_scoped3A = tpu.sem_alloc : memref<!tpu.dma_semaphore, #tpu.memory_space<semaphore_mem>>
        %dma_start3A_195 = arith.constant 0 : i32
        %dma_start3A_196 = tpu.memref_slice %arg26[%mul3A_189, %dma_start3A_195] : memref<10016x128xf32, #tpu.memory_space<vmem_shared>> -> memref<16x128xf32, #tpu.memory_space<vmem_shared>>
        %dma_start3A_197 = arith.constant 0 : i32
        %dma_start3A_198 = tpu.memref_slice %arg26[%mul3A_189, %dma_start3A_197] : memref<10016x128xf32, #tpu.memory_space<vmem_shared>> -> memref<16x128xf32, #tpu.memory_space<vmem_shared>>
        tpu.enqueue_dma source(%dma_start3A_198 : memref<16x128xf32, #tpu.memory_space<vmem_shared>>) target(%arg24 : memref<16x128xf32, #tpu.memory_space<vmem>>) target_semaphore(%run_scoped3A : memref<!tpu.dma_semaphore, #tpu.memory_space<semaphore_mem>>)
        %dma_wait3A = arith.constant 0 : i32
        %dma_wait3A_199 = tpu.memref_slice %arg26[%mul3A_189, %dma_wait3A] : memref<10016x128xf32, #tpu.memory_space<vmem_shared>> -> memref<16x128xf32, #tpu.memory_space<vmem_shared>>
        %dma_wait3A_200 = arith.constant 0 : i32
        %dma_wait3A_201 = tpu.memref_slice %arg26[%mul3A_189, %dma_wait3A_200] : memref<10016x128xf32, #tpu.memory_space<vmem_shared>> -> memref<16x128xf32, #tpu.memory_space<vmem_shared>>
        tpu.wait_dma2 semaphore(%run_scoped3A : memref<!tpu.dma_semaphore, #tpu.memory_space<semaphore_mem>>) src(%dma_wait3A_201 : memref<16x128xf32, #tpu.memory_space<vmem_shared>>) dst(%arg24 : memref<16x128xf32, #tpu.memory_space<vmem>>)
        tpu.yield
      }) : () -> ()
      %mul3A_190 = arith.constant 10000 : i32
      %mul3A_191 = arith.muli %arg0, %mul3A_190 : i32
      %mul3A_192 = arith.constant 16 : i32
      %mul3A_193 = arith.muli %add3A_187, %mul3A_192 : i32
      %add3A_194 = arith.addi %mul3A_191, %mul3A_193 : i32
      "tpu.region"() ({
        %run_scoped3A = tpu.sem_alloc : memref<!tpu.dma_semaphore, #tpu.memory_space<semaphore_mem>>
        %dma_start3A_195 = arith.constant 0 : i32
        %dma_start3A_196 = tpu.memref_slice %arg6[%add3A_194, %dma_start3A_195] : memref<20000x128xf32, #tpu.memory_space<hbm>> -> memref<16x128xf32, #tpu.memory_space<hbm>>
        %dma_start3A_197 = arith.constant 0 : i32
        %dma_start3A_198 = tpu.memref_slice %arg6[%add3A_194, %dma_start3A_197] : memref<20000x128xf32, #tpu.memory_space<hbm>> -> memref<16x128xf32, #tpu.memory_space<hbm>>
        tpu.enqueue_dma source(%arg24 : memref<16x128xf32, #tpu.memory_space<vmem>>) target(%dma_start3A_198 : memref<16x128xf32, #tpu.memory_space<hbm>>) target_semaphore(%run_scoped3A : memref<!tpu.dma_semaphore, #tpu.memory_space<semaphore_mem>>)
        %dma_wait3A = arith.constant 0 : i32
        %dma_wait3A_199 = tpu.memref_slice %arg6[%add3A_194, %dma_wait3A] : memref<20000x128xf32, #tpu.memory_space<hbm>> -> memref<16x128xf32, #tpu.memory_space<hbm>>
        %dma_wait3A_200 = arith.constant 0 : i32
        %dma_wait3A_201 = tpu.memref_slice %arg6[%add3A_194, %dma_wait3A_200] : memref<20000x128xf32, #tpu.memory_space<hbm>> -> memref<16x128xf32, #tpu.memory_space<hbm>>
        tpu.wait_dma2 semaphore(%run_scoped3A : memref<!tpu.dma_semaphore, #tpu.memory_space<semaphore_mem>>) src(%arg24 : memref<16x128xf32, #tpu.memory_space<vmem>>) dst(%dma_wait3A_201 : memref<16x128xf32, #tpu.memory_space<hbm>>)
        tpu.yield
      }) : () -> ()
    }
    %while3A_174 = arith.constant 0 : i32
    %while3A_175 = arith.constant 0 : i32
    %while3A_176 = arith.subi %select_n3A_65, %while3A_175 : i32
    %while3A_177 = arith.addi %while3A_175, %while3A_176 : i32
    %while3A_178 = arith.constant 1 : i32
    %while3A_179 = arith.divsi %while3A_176, %while3A_178 : i32
    %while3A_180 = arith.muli %while3A_179, %while3A_178 : i32
    %while3A_181 = arith.addi %while3A_175, %while3A_180 : i32
    %while3A_182 = arith.constant 1 : i32
    scf.for %while3A_184 = %while3A_175 to %while3A_181 step %while3A_182  : i32 {
      %mul3A_185 = arith.constant 16 : i32
      %mul3A_186 = arith.muli %mul3A_185, %while3A_184 : i32
      %add3A_187 = arith.addi %arg1, %mul3A_186 : i32
      %mul3A_188 = arith.constant 8 : i32
      %mul3A_189 = arith.muli %add3A_187, %mul3A_188 : i32
      "tpu.region"() ({
        %run_scoped3A = tpu.sem_alloc : memref<!tpu.dma_semaphore, #tpu.memory_space<semaphore_mem>>
        %dma_start3A_192 = arith.constant 0 : i32
        %dma_start3A_193 = arith.constant 0 : i32
        %dma_start3A_194 = tpu.memref_slice %arg24[%dma_start3A_192, %dma_start3A_193] : memref<16x128xf32, #tpu.memory_space<vmem>> -> memref<8x128xf32, #tpu.memory_space<vmem>>
        %dma_start3A_195 = arith.constant 0 : i32
        %dma_start3A_196 = tpu.memref_slice %arg27[%mul3A_189, %dma_start3A_195] : memref<320x128xf32, #tpu.memory_space<vmem_shared>> -> memref<8x128xf32, #tpu.memory_space<vmem_shared>>
        %dma_start3A_197 = arith.constant 0 : i32
        %dma_start3A_198 = arith.constant 0 : i32
        %dma_start3A_199 = tpu.memref_slice %arg24[%dma_start3A_197, %dma_start3A_198] : memref<16x128xf32, #tpu.memory_space<vmem>> -> memref<8x128xf32, #tpu.memory_space<vmem>>
        %dma_start3A_200 = arith.constant 0 : i32
        %dma_start3A_201 = tpu.memref_slice %arg27[%mul3A_189, %dma_start3A_200] : memref<320x128xf32, #tpu.memory_space<vmem_shared>> -> memref<8x128xf32, #tpu.memory_space<vmem_shared>>
        tpu.enqueue_dma source(%dma_start3A_201 : memref<8x128xf32, #tpu.memory_space<vmem_shared>>) target(%dma_start3A_199 : memref<8x128xf32, #tpu.memory_space<vmem>>) target_semaphore(%run_scoped3A : memref<!tpu.dma_semaphore, #tpu.memory_space<semaphore_mem>>)
        %dma_wait3A = arith.constant 0 : i32
        %dma_wait3A_202 = arith.constant 0 : i32
        %dma_wait3A_203 = tpu.memref_slice %arg24[%dma_wait3A, %dma_wait3A_202] : memref<16x128xf32, #tpu.memory_space<vmem>> -> memref<8x128xf32, #tpu.memory_space<vmem>>
        %dma_wait3A_204 = arith.constant 0 : i32
        %dma_wait3A_205 = tpu.memref_slice %arg27[%mul3A_189, %dma_wait3A_204] : memref<320x128xf32, #tpu.memory_space<vmem_shared>> -> memref<8x128xf32, #tpu.memory_space<vmem_shared>>
        %dma_wait3A_206 = arith.constant 0 : i32
        %dma_wait3A_207 = arith.constant 0 : i32
        %dma_wait3A_208 = tpu.memref_slice %arg24[%dma_wait3A_206, %dma_wait3A_207] : memref<16x128xf32, #tpu.memory_space<vmem>> -> memref<8x128xf32, #tpu.memory_space<vmem>>
        %dma_wait3A_209 = arith.constant 0 : i32
        %dma_wait3A_210 = tpu.memref_slice %arg27[%mul3A_189, %dma_wait3A_209] : memref<320x128xf32, #tpu.memory_space<vmem_shared>> -> memref<8x128xf32, #tpu.memory_space<vmem_shared>>
        tpu.wait_dma2 semaphore(%run_scoped3A : memref<!tpu.dma_semaphore, #tpu.memory_space<semaphore_mem>>) src(%dma_wait3A_210 : memref<8x128xf32, #tpu.memory_space<vmem_shared>>) dst(%dma_wait3A_208 : memref<8x128xf32, #tpu.memory_space<vmem>>)
        tpu.yield
      }) : () -> ()
      %mul3A_190 = arith.constant 8 : i32
      %mul3A_191 = arith.muli %add3A_187, %mul3A_190 : i32
      "tpu.region"() ({
        %run_scoped3A = tpu.sem_alloc : memref<!tpu.dma_semaphore, #tpu.memory_space<semaphore_mem>>
        %dma_start3A_192 = arith.constant 0 : i32
        %dma_start3A_193 = arith.constant 0 : i32
        %dma_start3A_194 = tpu.memref_slice %arg24[%dma_start3A_192, %dma_start3A_193] : memref<16x128xf32, #tpu.memory_space<vmem>> -> memref<8x128xf32, #tpu.memory_space<vmem>>
        %dma_start3A_195 = arith.constant 0 : i32
        %dma_start3A_196 = tpu.memref_slice %arg7[%arg0, %mul3A_191, %dma_start3A_195] : memref<2x320x128xf32, #tpu.memory_space<hbm>> -> memref<1x8x128xf32, #tpu.memory_space<hbm>>
        %dma_start3A_197 = tpu.memref_squeeze %dma_start3A_196 : memref<1x8x128xf32, #tpu.memory_space<hbm>> -> memref<8x128xf32, #tpu.memory_space<hbm>>
        %dma_start3A_198 = arith.constant 0 : i32
        %dma_start3A_199 = tpu.memref_slice %arg7[%arg0, %mul3A_191, %dma_start3A_198] : memref<2x320x128xf32, #tpu.memory_space<hbm>> -> memref<1x8x128xf32, #tpu.memory_space<hbm>>
        %dma_start3A_200 = tpu.memref_squeeze %dma_start3A_199 : memref<1x8x128xf32, #tpu.memory_space<hbm>> -> memref<8x128xf32, #tpu.memory_space<hbm>>
        %dma_start3A_201 = arith.constant 0 : i32
        %dma_start3A_202 = arith.constant 0 : i32
        %dma_start3A_203 = tpu.memref_slice %arg24[%dma_start3A_201, %dma_start3A_202] : memref<16x128xf32, #tpu.memory_space<vmem>> -> memref<8x128xf32, #tpu.memory_space<vmem>>
        tpu.enqueue_dma source(%dma_start3A_203 : memref<8x128xf32, #tpu.memory_space<vmem>>) target(%dma_start3A_200 : memref<8x128xf32, #tpu.memory_space<hbm>>) target_semaphore(%run_scoped3A : memref<!tpu.dma_semaphore, #tpu.memory_space<semaphore_mem>>)
        %dma_wait3A = arith.constant 0 : i32
        %dma_wait3A_204 = arith.constant 0 : i32
        %dma_wait3A_205 = tpu.memref_slice %arg24[%dma_wait3A, %dma_wait3A_204] : memref<16x128xf32, #tpu.memory_space<vmem>> -> memref<8x128xf32, #tpu.memory_space<vmem>>
        %dma_wait3A_206 = arith.constant 0 : i32
        %dma_wait3A_207 = tpu.memref_slice %arg7[%arg0, %mul3A_191, %dma_wait3A_206] : memref<2x320x128xf32, #tpu.memory_space<hbm>> -> memref<1x8x128xf32, #tpu.memory_space<hbm>>
        %dma_wait3A_208 = tpu.memref_squeeze %dma_wait3A_207 : memref<1x8x128xf32, #tpu.memory_space<hbm>> -> memref<8x128xf32, #tpu.memory_space<hbm>>
        %dma_wait3A_209 = arith.constant 0 : i32
        %dma_wait3A_210 = tpu.memref_slice %arg7[%arg0, %mul3A_191, %dma_wait3A_209] : memref<2x320x128xf32, #tpu.memory_space<hbm>> -> memref<1x8x128xf32, #tpu.memory_space<hbm>>
        %dma_wait3A_211 = tpu.memref_squeeze %dma_wait3A_210 : memref<1x8x128xf32, #tpu.memory_space<hbm>> -> memref<8x128xf32, #tpu.memory_space<hbm>>
        %dma_wait3A_212 = arith.constant 0 : i32
        %dma_wait3A_213 = arith.constant 0 : i32
        %dma_wait3A_214 = tpu.memref_slice %arg24[%dma_wait3A_212, %dma_wait3A_213] : memref<16x128xf32, #tpu.memory_space<vmem>> -> memref<8x128xf32, #tpu.memory_space<vmem>>
        tpu.wait_dma2 semaphore(%run_scoped3A : memref<!tpu.dma_semaphore, #tpu.memory_space<semaphore_mem>>) src(%dma_wait3A_214 : memref<8x128xf32, #tpu.memory_space<vmem>>) dst(%dma_wait3A_211 : memref<8x128xf32, #tpu.memory_space<hbm>>)
        tpu.yield
      }) : () -> ()
    }
    %while3A_183 = arith.constant 1 : i32
    scf.for %while3A_184 = %while3A_181 to %while3A_177 step %while3A_183  : i32 {
      %mul3A_185 = arith.constant 16 : i32
      %mul3A_186 = arith.muli %mul3A_185, %while3A_184 : i32
      %add3A_187 = arith.addi %arg1, %mul3A_186 : i32
      %mul3A_188 = arith.constant 8 : i32
      %mul3A_189 = arith.muli %add3A_187, %mul3A_188 : i32
      "tpu.region"() ({
        %run_scoped3A = tpu.sem_alloc : memref<!tpu.dma_semaphore, #tpu.memory_space<semaphore_mem>>
        %dma_start3A_192 = arith.constant 0 : i32
        %dma_start3A_193 = arith.constant 0 : i32
        %dma_start3A_194 = tpu.memref_slice %arg24[%dma_start3A_192, %dma_start3A_193] : memref<16x128xf32, #tpu.memory_space<vmem>> -> memref<8x128xf32, #tpu.memory_space<vmem>>
        %dma_start3A_195 = arith.constant 0 : i32
        %dma_start3A_196 = tpu.memref_slice %arg27[%mul3A_189, %dma_start3A_195] : memref<320x128xf32, #tpu.memory_space<vmem_shared>> -> memref<8x128xf32, #tpu.memory_space<vmem_shared>>
        %dma_start3A_197 = arith.constant 0 : i32
        %dma_start3A_198 = arith.constant 0 : i32
        %dma_start3A_199 = tpu.memref_slice %arg24[%dma_start3A_197, %dma_start3A_198] : memref<16x128xf32, #tpu.memory_space<vmem>> -> memref<8x128xf32, #tpu.memory_space<vmem>>
        %dma_start3A_200 = arith.constant 0 : i32
        %dma_start3A_201 = tpu.memref_slice %arg27[%mul3A_189, %dma_start3A_200] : memref<320x128xf32, #tpu.memory_space<vmem_shared>> -> memref<8x128xf32, #tpu.memory_space<vmem_shared>>
        tpu.enqueue_dma source(%dma_start3A_201 : memref<8x128xf32, #tpu.memory_space<vmem_shared>>) target(%dma_start3A_199 : memref<8x128xf32, #tpu.memory_space<vmem>>) target_semaphore(%run_scoped3A : memref<!tpu.dma_semaphore, #tpu.memory_space<semaphore_mem>>)
        %dma_wait3A = arith.constant 0 : i32
        %dma_wait3A_202 = arith.constant 0 : i32
        %dma_wait3A_203 = tpu.memref_slice %arg24[%dma_wait3A, %dma_wait3A_202] : memref<16x128xf32, #tpu.memory_space<vmem>> -> memref<8x128xf32, #tpu.memory_space<vmem>>
        %dma_wait3A_204 = arith.constant 0 : i32
        %dma_wait3A_205 = tpu.memref_slice %arg27[%mul3A_189, %dma_wait3A_204] : memref<320x128xf32, #tpu.memory_space<vmem_shared>> -> memref<8x128xf32, #tpu.memory_space<vmem_shared>>
        %dma_wait3A_206 = arith.constant 0 : i32
        %dma_wait3A_207 = arith.constant 0 : i32
        %dma_wait3A_208 = tpu.memref_slice %arg24[%dma_wait3A_206, %dma_wait3A_207] : memref<16x128xf32, #tpu.memory_space<vmem>> -> memref<8x128xf32, #tpu.memory_space<vmem>>
        %dma_wait3A_209 = arith.constant 0 : i32
        %dma_wait3A_210 = tpu.memref_slice %arg27[%mul3A_189, %dma_wait3A_209] : memref<320x128xf32, #tpu.memory_space<vmem_shared>> -> memref<8x128xf32, #tpu.memory_space<vmem_shared>>
        tpu.wait_dma2 semaphore(%run_scoped3A : memref<!tpu.dma_semaphore, #tpu.memory_space<semaphore_mem>>) src(%dma_wait3A_210 : memref<8x128xf32, #tpu.memory_space<vmem_shared>>) dst(%dma_wait3A_208 : memref<8x128xf32, #tpu.memory_space<vmem>>)
        tpu.yield
      }) : () -> ()
      %mul3A_190 = arith.constant 8 : i32
      %mul3A_191 = arith.muli %add3A_187, %mul3A_190 : i32
      "tpu.region"() ({
        %run_scoped3A = tpu.sem_alloc : memref<!tpu.dma_semaphore, #tpu.memory_space<semaphore_mem>>
        %dma_start3A_192 = arith.constant 0 : i32
        %dma_start3A_193 = arith.constant 0 : i32
        %dma_start3A_194 = tpu.memref_slice %arg24[%dma_start3A_192, %dma_start3A_193] : memref<16x128xf32, #tpu.memory_space<vmem>> -> memref<8x128xf32, #tpu.memory_space<vmem>>
        %dma_start3A_195 = arith.constant 0 : i32
        %dma_start3A_196 = tpu.memref_slice %arg7[%arg0, %mul3A_191, %dma_start3A_195] : memref<2x320x128xf32, #tpu.memory_space<hbm>> -> memref<1x8x128xf32, #tpu.memory_space<hbm>>
        %dma_start3A_197 = tpu.memref_squeeze %dma_start3A_196 : memref<1x8x128xf32, #tpu.memory_space<hbm>> -> memref<8x128xf32, #tpu.memory_space<hbm>>
        %dma_start3A_198 = arith.constant 0 : i32
        %dma_start3A_199 = tpu.memref_slice %arg7[%arg0, %mul3A_191, %dma_start3A_198] : memref<2x320x128xf32, #tpu.memory_space<hbm>> -> memref<1x8x128xf32, #tpu.memory_space<hbm>>
        %dma_start3A_200 = tpu.memref_squeeze %dma_start3A_199 : memref<1x8x128xf32, #tpu.memory_space<hbm>> -> memref<8x128xf32, #tpu.memory_space<hbm>>
        %dma_start3A_201 = arith.constant 0 : i32
        %dma_start3A_202 = arith.constant 0 : i32
        %dma_start3A_203 = tpu.memref_slice %arg24[%dma_start3A_201, %dma_start3A_202] : memref<16x128xf32, #tpu.memory_space<vmem>> -> memref<8x128xf32, #tpu.memory_space<vmem>>
        tpu.enqueue_dma source(%dma_start3A_203 : memref<8x128xf32, #tpu.memory_space<vmem>>) target(%dma_start3A_200 : memref<8x128xf32, #tpu.memory_space<hbm>>) target_semaphore(%run_scoped3A : memref<!tpu.dma_semaphore, #tpu.memory_space<semaphore_mem>>)
        %dma_wait3A = arith.constant 0 : i32
        %dma_wait3A_204 = arith.constant 0 : i32
        %dma_wait3A_205 = tpu.memref_slice %arg24[%dma_wait3A, %dma_wait3A_204] : memref<16x128xf32, #tpu.memory_space<vmem>> -> memref<8x128xf32, #tpu.memory_space<vmem>>
        %dma_wait3A_206 = arith.constant 0 : i32
        %dma_wait3A_207 = tpu.memref_slice %arg7[%arg0, %mul3A_191, %dma_wait3A_206] : memref<2x320x128xf32, #tpu.memory_space<hbm>> -> memref<1x8x128xf32, #tpu.memory_space<hbm>>
        %dma_wait3A_208 = tpu.memref_squeeze %dma_wait3A_207 : memref<1x8x128xf32, #tpu.memory_space<hbm>> -> memref<8x128xf32, #tpu.memory_space<hbm>>
        %dma_wait3A_209 = arith.constant 0 : i32
        %dma_wait3A_210 = tpu.memref_slice %arg7[%arg0, %mul3A_191, %dma_wait3A_209] : memref<2x320x128xf32, #tpu.memory_space<hbm>> -> memref<1x8x128xf32, #tpu.memory_space<hbm>>
        %dma_wait3A_211 = tpu.memref_squeeze %dma_wait3A_210 : memref<1x8x128xf32, #tpu.memory_space<hbm>> -> memref<8x128xf32, #tpu.memory_space<hbm>>
        %dma_wait3A_212 = arith.constant 0 : i32
        %dma_wait3A_213 = arith.constant 0 : i32
        %dma_wait3A_214 = tpu.memref_slice %arg24[%dma_wait3A_212, %dma_wait3A_213] : memref<16x128xf32, #tpu.memory_space<vmem>> -> memref<8x128xf32, #tpu.memory_space<vmem>>
        tpu.wait_dma2 semaphore(%run_scoped3A : memref<!tpu.dma_semaphore, #tpu.memory_space<semaphore_mem>>) src(%dma_wait3A_214 : memref<8x128xf32, #tpu.memory_space<vmem>>) dst(%dma_wait3A_211 : memref<8x128xf32, #tpu.memory_space<hbm>>)
        tpu.yield
      }) : () -> ()
    }
    return
  }
}

#map = affine_map<(d0, d1) -> (0, 0)>
#map1 = affine_map<(d0, d1) -> (0)>
#map2 = affine_map<(d0, d1) -> (0, 0, 0)>
module attributes {stable_mosaic.version = 14 : i64} {
  func.func @_sc_gat_body(%arg0: i32, %arg1: i32, %arg2: memref<40016x128xf32, #tpu.memory_space<hbm>>, %arg3: memref<327680xi32, #tpu.memory_space<hbm>>, %arg4: memref<327680xi32, #tpu.memory_space<hbm>>, %arg5: memref<2x128xf32, #tpu.memory_space<hbm>>, %arg6: memref<20000x128xf32, #tpu.memory_space<hbm>>, %arg7: memref<2x320x128xf32, #tpu.memory_space<hbm>>, %arg8: memref<64xi32, #tpu.memory_space<vmem>>, %arg9: memref<64xi32, #tpu.memory_space<vmem>>, %arg10: memref<80xi32, #tpu.memory_space<vmem>>, %arg11: memref<64xi32, #tpu.memory_space<vmem>>, %arg12: memref<64xi32, #tpu.memory_space<vmem>>, %arg13: memref<64xi32, #tpu.memory_space<vmem>>, %arg14: memref<64x128xf32, #tpu.memory_space<vmem>>, %arg15: memref<64x128xf32, #tpu.memory_space<vmem>>, %arg16: memref<64xi32, #tpu.memory_space<vmem>>, %arg17: memref<64xi32, #tpu.memory_space<vmem>>, %arg18: memref<80xi32, #tpu.memory_space<vmem>>, %arg19: memref<64xi32, #tpu.memory_space<vmem>>, %arg20: memref<64xi32, #tpu.memory_space<vmem>>, %arg21: memref<64xi32, #tpu.memory_space<vmem>>, %arg22: memref<64x128xf32, #tpu.memory_space<vmem>>, %arg23: memref<64x128xf32, #tpu.memory_space<vmem>>, %arg24: memref<16x128xf32, #tpu.memory_space<vmem>>, %arg25: memref<128xf32, #tpu.memory_space<vmem>>, %arg26: memref<10016x128xf32, #tpu.memory_space<vmem_shared>>, %arg27: memref<320x128xf32, #tpu.memory_space<vmem_shared>>, %arg28: memref<!tpu.dma_semaphore, #tpu.memory_space<semaphore_mem>>, %arg29: memref<!tpu.dma_semaphore, #tpu.memory_space<semaphore_mem>>, %arg30: memref<!tpu.dma_semaphore, #tpu.memory_space<semaphore_mem>>, %arg31: memref<!tpu.dma_semaphore, #tpu.memory_space<semaphore_mem>>) attributes {dimension_semantics = [#tpu.dimension_semantics<core_parallel>, #tpu.dimension_semantics<subcore_parallel>], iteration_bounds = array<i64: 2, 16>, scalar_prefetch = 0 : i64, scratch_operands = 24 : i64, tpu.core_type = #tpu.core_type<sc_vector_subcore>, window_params = [{transform_indices = #map}, {transform_indices = #map1}, {transform_indices = #map1}, {transform_indices = #map}, {transform_indices = #map}, {transform_indices = #map2}]} {
    "tpu.region"() ({
      %run_scoped3A = tpu.sem_alloc : memref<!tpu.dma_semaphore, #tpu.memory_space<semaphore_mem>>
      %dma_start3A_184 = arith.constant 0 : i32
      %dma_start3A_185 = tpu.memref_slice %arg5[%arg0, %dma_start3A_184] : memref<2x128xf32, #tpu.memory_space<hbm>> -> memref<1x128xf32, #tpu.memory_space<hbm>>
      %dma_start3A_186 = tpu.memref_squeeze %dma_start3A_185 : memref<1x128xf32, #tpu.memory_space<hbm>> -> memref<128xf32, #tpu.memory_space<hbm>>
      %dma_start3A_187 = arith.constant 0 : i32
      %dma_start3A_188 = tpu.memref_slice %arg5[%arg0, %dma_start3A_187] : memref<2x128xf32, #tpu.memory_space<hbm>> -> memref<1x128xf32, #tpu.memory_space<hbm>>
      %dma_start3A_189 = tpu.memref_squeeze %dma_start3A_188 : memref<1x128xf32, #tpu.memory_space<hbm>> -> memref<128xf32, #tpu.memory_space<hbm>>
      tpu.enqueue_dma source(%dma_start3A_189 : memref<128xf32, #tpu.memory_space<hbm>>) target(%arg25 : memref<128xf32, #tpu.memory_space<vmem>>) target_semaphore(%run_scoped3A : memref<!tpu.dma_semaphore, #tpu.memory_space<semaphore_mem>>)
      %dma_wait3A = arith.constant 0 : i32
      %dma_wait3A_190 = tpu.memref_slice %arg5[%arg0, %dma_wait3A] : memref<2x128xf32, #tpu.memory_space<hbm>> -> memref<1x128xf32, #tpu.memory_space<hbm>>
      %dma_wait3A_191 = tpu.memref_squeeze %dma_wait3A_190 : memref<1x128xf32, #tpu.memory_space<hbm>> -> memref<128xf32, #tpu.memory_space<hbm>>
      %dma_wait3A_192 = arith.constant 0 : i32
      %dma_wait3A_193 = tpu.memref_slice %arg5[%arg0, %dma_wait3A_192] : memref<2x128xf32, #tpu.memory_space<hbm>> -> memref<1x128xf32, #tpu.memory_space<hbm>>
      %dma_wait3A_194 = tpu.memref_squeeze %dma_wait3A_193 : memref<1x128xf32, #tpu.memory_space<hbm>> -> memref<128xf32, #tpu.memory_space<hbm>>
      tpu.wait_dma2 semaphore(%run_scoped3A : memref<!tpu.dma_semaphore, #tpu.memory_space<semaphore_mem>>) src(%dma_wait3A_194 : memref<128xf32, #tpu.memory_space<hbm>>) dst(%arg25 : memref<128xf32, #tpu.memory_space<vmem>>)
      tpu.yield
    }) : () -> ()
    %broadcast_in_dim3A = arith.constant 0.000000e+00 : f32
    %broadcast_in_dim3A_0 = vector.broadcast %broadcast_in_dim3A : f32 to vector<16xf32>
    %scan3A = arith.constant 0 : i32
    %scan3A_1 = arith.constant 0 : i32
    %scan3A_2 = arith.constant 16 : i32
    %scan3A_3 = arith.addi %scan3A_1, %scan3A_2 : i32
    %scan3A_4 = arith.constant 1 : i32
    scf.for %scan3A_184 = %scan3A_1 to %scan3A_3 step %scan3A_4  : i32 {
      %swap3A = arith.index_cast %scan3A_184 : i32 to index
      %swap3A_185 = arith.constant 0 : index
      %swap3A_186 = tpu.vector_load %arg24[%swap3A, %swap3A_185] {strides = array<i32>} : memref<16x128xf32, #tpu.memory_space<vmem>>, vector<16xf32>,
      tpu.vector_store %arg24[%swap3A, %swap3A_185], %broadcast_in_dim3A_0 {strides = array<i32>} : memref<16x128xf32, #tpu.memory_space<vmem>>, vector<16xf32>,
      %swap3A_187 = arith.index_cast %scan3A_184 : i32 to index
      %swap3A_188 = arith.constant 16 : index
      %swap3A_189 = tpu.vector_load %arg24[%swap3A_187, %swap3A_188] {strides = array<i32>} : memref<16x128xf32, #tpu.memory_space<vmem>>, vector<16xf32>,
      tpu.vector_store %arg24[%swap3A_187, %swap3A_188], %broadcast_in_dim3A_0 {strides = array<i32>} : memref<16x128xf32, #tpu.memory_space<vmem>>, vector<16xf32>,
      %swap3A_190 = arith.index_cast %scan3A_184 : i32 to index
      %swap3A_191 = arith.constant 32 : index
      %swap3A_192 = tpu.vector_load %arg24[%swap3A_190, %swap3A_191] {strides = array<i32>} : memref<16x128xf32, #tpu.memory_space<vmem>>, vector<16xf32>,
      tpu.vector_store %arg24[%swap3A_190, %swap3A_191], %broadcast_in_dim3A_0 {strides = array<i32>} : memref<16x128xf32, #tpu.memory_space<vmem>>, vector<16xf32>,
      %swap3A_193 = arith.index_cast %scan3A_184 : i32 to index
      %swap3A_194 = arith.constant 48 : index
      %swap3A_195 = tpu.vector_load %arg24[%swap3A_193, %swap3A_194] {strides = array<i32>} : memref<16x128xf32, #tpu.memory_space<vmem>>, vector<16xf32>,
      tpu.vector_store %arg24[%swap3A_193, %swap3A_194], %broadcast_in_dim3A_0 {strides = array<i32>} : memref<16x128xf32, #tpu.memory_space<vmem>>, vector<16xf32>,
      %swap3A_196 = arith.index_cast %scan3A_184 : i32 to index
      %swap3A_197 = arith.constant 64 : index
      %swap3A_198 = tpu.vector_load %arg24[%swap3A_196, %swap3A_197] {strides = array<i32>} : memref<16x128xf32, #tpu.memory_space<vmem>>, vector<16xf32>,
      tpu.vector_store %arg24[%swap3A_196, %swap3A_197], %broadcast_in_dim3A_0 {strides = array<i32>} : memref<16x128xf32, #tpu.memory_space<vmem>>, vector<16xf32>,
      %swap3A_199 = arith.index_cast %scan3A_184 : i32 to index
      %swap3A_200 = arith.constant 80 : index
      %swap3A_201 = tpu.vector_load %arg24[%swap3A_199, %swap3A_200] {strides = array<i32>} : memref<16x128xf32, #tpu.memory_space<vmem>>, vector<16xf32>,
      tpu.vector_store %arg24[%swap3A_199, %swap3A_200], %broadcast_in_dim3A_0 {strides = array<i32>} : memref<16x128xf32, #tpu.memory_space<vmem>>, vector<16xf32>,
      %swap3A_202 = arith.index_cast %scan3A_184 : i32 to index
      %swap3A_203 = arith.constant 96 : index
      %swap3A_204 = tpu.vector_load %arg24[%swap3A_202, %swap3A_203] {strides = array<i32>} : memref<16x128xf32, #tpu.memory_space<vmem>>, vector<16xf32>,
      tpu.vector_store %arg24[%swap3A_202, %swap3A_203], %broadcast_in_dim3A_0 {strides = array<i32>} : memref<16x128xf32, #tpu.memory_space<vmem>>, vector<16xf32>,
      %swap3A_205 = arith.index_cast %scan3A_184 : i32 to index
      %swap3A_206 = arith.constant 112 : index
      %swap3A_207 = tpu.vector_load %arg24[%swap3A_205, %swap3A_206] {strides = array<i32>} : memref<16x128xf32, #tpu.memory_space<vmem>>, vector<16xf32>,
      tpu.vector_store %arg24[%swap3A_205, %swap3A_206], %broadcast_in_dim3A_0 {strides = array<i32>} : memref<16x128xf32, #tpu.memory_space<vmem>>, vector<16xf32>,
    }
    %scan3A_5 = arith.constant 16 : i32
    %sub3A = arith.constant 626 : i32
    %sub3A_6 = arith.subi %sub3A, %arg1 : i32
    %add3A = arith.constant 16 : i32
    %add3A_7 = arith.addi %sub3A_6, %add3A : i32
    %sub3A_8 = arith.constant 1 : i32
    %sub3A_9 = arith.subi %add3A_7, %sub3A_8 : i32
    %jit3A = arith.constant 16 : i32
    %div3A = arith.divsi %sub3A_9, %jit3A : i32
    %sign3A = arith.constant 0 : i32
    %sign3A_10 = arith.cmpi sgt, %sub3A_9, %sign3A : i32
    %sign3A_11 = arith.extui %sign3A_10 : i1 to i32
    %sign3A_12 = arith.constant 0 : i32
    %sign3A_13 = arith.cmpi slt, %sub3A_9, %sign3A_12 : i32
    %sign3A_14 = arith.extui %sign3A_13 : i1 to i32
    %sign3A_15 = arith.subi %sign3A_11, %sign3A_14 : i32
    %sign3A_16 = arith.constant 0 : i32
    %sign3A_17 = arith.cmpi sgt, %jit3A, %sign3A_16 : i32
    %sign3A_18 = arith.extui %sign3A_17 : i1 to i32
    %sign3A_19 = arith.constant 0 : i32
    %sign3A_20 = arith.cmpi slt, %jit3A, %sign3A_19 : i32
    %sign3A_21 = arith.extui %sign3A_20 : i1 to i32
    %sign3A_22 = arith.subi %sign3A_18, %sign3A_21 : i32
    %ne3A = arith.cmpi ne, %sign3A_15, %sign3A_22 : i32
    %rem3A = arith.remsi %sub3A_9, %jit3A : i32
    %ne3A_23 = arith.constant 0 : i32
    %ne3A_24 = arith.cmpi ne, %rem3A, %ne3A_23 : i32
    %and3A = arith.andi %ne3A, %ne3A_24 : i1
    %sub3A_25 = arith.constant 1 : i32
    %sub3A_26 = arith.subi %div3A, %sub3A_25 : i32
    %select_n3A = arith.select %and3A, %sub3A_26, %div3A : i32
    %while3A = arith.constant 0 : i32
    %while3A_27 = arith.constant 0 : i32
    %while3A_28 = arith.subi %select_n3A, %while3A_27 : i32
    %while3A_29 = arith.addi %while3A_27, %while3A_28 : i32
    %while3A_30 = arith.constant 1 : i32
    %while3A_31 = arith.divsi %while3A_28, %while3A_30 : i32
    %while3A_32 = arith.muli %while3A_31, %while3A_30 : i32
    %while3A_33 = arith.addi %while3A_27, %while3A_32 : i32
    %while3A_34 = arith.constant 1 : i32
    scf.for %while3A_184 = %while3A_27 to %while3A_33 step %while3A_34  : i32 {
      %mul3A_185 = arith.constant 16 : i32
      %mul3A_186 = arith.muli %mul3A_185, %while3A_184 : i32
      %add3A_187 = arith.addi %arg1, %mul3A_186 : i32
      %mul3A_188 = arith.constant 16 : i32
      %mul3A_189 = arith.muli %add3A_187, %mul3A_188 : i32
      "tpu.region"() ({
        %run_scoped3A = tpu.sem_alloc : memref<!tpu.dma_semaphore, #tpu.memory_space<semaphore_mem>>
        %dma_start3A_190 = arith.constant 0 : i32
        %dma_start3A_191 = tpu.memref_slice %arg26[%mul3A_189, %dma_start3A_190] : memref<10016x128xf32, #tpu.memory_space<vmem_shared>> -> memref<16x128xf32, #tpu.memory_space<vmem_shared>>
        %dma_start3A_192 = arith.constant 0 : i32
        %dma_start3A_193 = tpu.memref_slice %arg26[%mul3A_189, %dma_start3A_192] : memref<10016x128xf32, #tpu.memory_space<vmem_shared>> -> memref<16x128xf32, #tpu.memory_space<vmem_shared>>
        tpu.enqueue_dma source(%arg24 : memref<16x128xf32, #tpu.memory_space<vmem>>) target(%dma_start3A_193 : memref<16x128xf32, #tpu.memory_space<vmem_shared>>) target_semaphore(%run_scoped3A : memref<!tpu.dma_semaphore, #tpu.memory_space<semaphore_mem>>)
        %dma_wait3A = arith.constant 0 : i32
        %dma_wait3A_194 = tpu.memref_slice %arg26[%mul3A_189, %dma_wait3A] : memref<10016x128xf32, #tpu.memory_space<vmem_shared>> -> memref<16x128xf32, #tpu.memory_space<vmem_shared>>
        %dma_wait3A_195 = arith.constant 0 : i32
        %dma_wait3A_196 = tpu.memref_slice %arg26[%mul3A_189, %dma_wait3A_195] : memref<10016x128xf32, #tpu.memory_space<vmem_shared>> -> memref<16x128xf32, #tpu.memory_space<vmem_shared>>
        tpu.wait_dma2 semaphore(%run_scoped3A : memref<!tpu.dma_semaphore, #tpu.memory_space<semaphore_mem>>) src(%arg24 : memref<16x128xf32, #tpu.memory_space<vmem>>) dst(%dma_wait3A_196 : memref<16x128xf32, #tpu.memory_space<vmem_shared>>)
        tpu.yield
      }) : () -> ()
    }
    %while3A_35 = arith.constant 1 : i32
    scf.for %while3A_184 = %while3A_33 to %while3A_29 step %while3A_35  : i32 {
      %mul3A_185 = arith.constant 16 : i32
      %mul3A_186 = arith.muli %mul3A_185, %while3A_184 : i32
      %add3A_187 = arith.addi %arg1, %mul3A_186 : i32
      %mul3A_188 = arith.constant 16 : i32
      %mul3A_189 = arith.muli %add3A_187, %mul3A_188 : i32
      "tpu.region"() ({
        %run_scoped3A = tpu.sem_alloc : memref<!tpu.dma_semaphore, #tpu.memory_space<semaphore_mem>>
        %dma_start3A_190 = arith.constant 0 : i32
        %dma_start3A_191 = tpu.memref_slice %arg26[%mul3A_189, %dma_start3A_190] : memref<10016x128xf32, #tpu.memory_space<vmem_shared>> -> memref<16x128xf32, #tpu.memory_space<vmem_shared>>
        %dma_start3A_192 = arith.constant 0 : i32
        %dma_start3A_193 = tpu.memref_slice %arg26[%mul3A_189, %dma_start3A_192] : memref<10016x128xf32, #tpu.memory_space<vmem_shared>> -> memref<16x128xf32, #tpu.memory_space<vmem_shared>>
        tpu.enqueue_dma source(%arg24 : memref<16x128xf32, #tpu.memory_space<vmem>>) target(%dma_start3A_193 : memref<16x128xf32, #tpu.memory_space<vmem_shared>>) target_semaphore(%run_scoped3A : memref<!tpu.dma_semaphore, #tpu.memory_space<semaphore_mem>>)
        %dma_wait3A = arith.constant 0 : i32
        %dma_wait3A_194 = tpu.memref_slice %arg26[%mul3A_189, %dma_wait3A] : memref<10016x128xf32, #tpu.memory_space<vmem_shared>> -> memref<16x128xf32, #tpu.memory_space<vmem_shared>>
        %dma_wait3A_195 = arith.constant 0 : i32
        %dma_wait3A_196 = tpu.memref_slice %arg26[%mul3A_189, %dma_wait3A_195] : memref<10016x128xf32, #tpu.memory_space<vmem_shared>> -> memref<16x128xf32, #tpu.memory_space<vmem_shared>>
        tpu.wait_dma2 semaphore(%run_scoped3A : memref<!tpu.dma_semaphore, #tpu.memory_space<semaphore_mem>>) src(%arg24 : memref<16x128xf32, #tpu.memory_space<vmem>>) dst(%dma_wait3A_196 : memref<16x128xf32, #tpu.memory_space<vmem_shared>>)
        tpu.yield
      }) : () -> ()
    }
    %sub3A_36 = arith.constant 40 : i32
    %sub3A_37 = arith.subi %sub3A_36, %arg1 : i32
    %add3A_38 = arith.constant 16 : i32
    %add3A_39 = arith.addi %sub3A_37, %add3A_38 : i32
    %sub3A_40 = arith.constant 1 : i32
    %sub3A_41 = arith.subi %add3A_39, %sub3A_40 : i32
    %jit3A_42 = arith.constant 16 : i32
    %div3A_43 = arith.divsi %sub3A_41, %jit3A_42 : i32
    %sign3A_44 = arith.constant 0 : i32
    %sign3A_45 = arith.cmpi sgt, %sub3A_41, %sign3A_44 : i32
    %sign3A_46 = arith.extui %sign3A_45 : i1 to i32
    %sign3A_47 = arith.constant 0 : i32
    %sign3A_48 = arith.cmpi slt, %sub3A_41, %sign3A_47 : i32
    %sign3A_49 = arith.extui %sign3A_48 : i1 to i32
    %sign3A_50 = arith.subi %sign3A_46, %sign3A_49 : i32
    %sign3A_51 = arith.constant 0 : i32
    %sign3A_52 = arith.cmpi sgt, %jit3A_42, %sign3A_51 : i32
    %sign3A_53 = arith.extui %sign3A_52 : i1 to i32
    %sign3A_54 = arith.constant 0 : i32
    %sign3A_55 = arith.cmpi slt, %jit3A_42, %sign3A_54 : i32
    %sign3A_56 = arith.extui %sign3A_55 : i1 to i32
    %sign3A_57 = arith.subi %sign3A_53, %sign3A_56 : i32
    %ne3A_58 = arith.cmpi ne, %sign3A_50, %sign3A_57 : i32
    %rem3A_59 = arith.remsi %sub3A_41, %jit3A_42 : i32
    %ne3A_60 = arith.constant 0 : i32
    %ne3A_61 = arith.cmpi ne, %rem3A_59, %ne3A_60 : i32
    %and3A_62 = arith.andi %ne3A_58, %ne3A_61 : i1
    %sub3A_63 = arith.constant 1 : i32
    %sub3A_64 = arith.subi %div3A_43, %sub3A_63 : i32
    %select_n3A_65 = arith.select %and3A_62, %sub3A_64, %div3A_43 : i32
    %while3A_66 = arith.constant 0 : i32
    %while3A_67 = arith.constant 0 : i32
    %while3A_68 = arith.subi %select_n3A_65, %while3A_67 : i32
    %while3A_69 = arith.addi %while3A_67, %while3A_68 : i32
    %while3A_70 = arith.constant 1 : i32
    %while3A_71 = arith.divsi %while3A_68, %while3A_70 : i32
    %while3A_72 = arith.muli %while3A_71, %while3A_70 : i32
    %while3A_73 = arith.addi %while3A_67, %while3A_72 : i32
    %while3A_74 = arith.constant 1 : i32
    scf.for %while3A_184 = %while3A_67 to %while3A_73 step %while3A_74  : i32 {
      %mul3A_185 = arith.constant 16 : i32
      %mul3A_186 = arith.muli %mul3A_185, %while3A_184 : i32
      %add3A_187 = arith.addi %arg1, %mul3A_186 : i32
      %mul3A_188 = arith.constant 8 : i32
      %mul3A_189 = arith.muli %add3A_187, %mul3A_188 : i32
      "tpu.region"() ({
        %run_scoped3A = tpu.sem_alloc : memref<!tpu.dma_semaphore, #tpu.memory_space<semaphore_mem>>
        %dma_start3A_190 = arith.constant 0 : i32
        %dma_start3A_191 = arith.constant 0 : i32
        %dma_start3A_192 = tpu.memref_slice %arg24[%dma_start3A_190, %dma_start3A_191] : memref<16x128xf32, #tpu.memory_space<vmem>> -> memref<8x128xf32, #tpu.memory_space<vmem>>
        %dma_start3A_193 = arith.constant 0 : i32
        %dma_start3A_194 = tpu.memref_slice %arg27[%mul3A_189, %dma_start3A_193] : memref<320x128xf32, #tpu.memory_space<vmem_shared>> -> memref<8x128xf32, #tpu.memory_space<vmem_shared>>
        %dma_start3A_195 = arith.constant 0 : i32
        %dma_start3A_196 = tpu.memref_slice %arg27[%mul3A_189, %dma_start3A_195] : memref<320x128xf32, #tpu.memory_space<vmem_shared>> -> memref<8x128xf32, #tpu.memory_space<vmem_shared>>
        %dma_start3A_197 = arith.constant 0 : i32
        %dma_start3A_198 = arith.constant 0 : i32
        %dma_start3A_199 = tpu.memref_slice %arg24[%dma_start3A_197, %dma_start3A_198] : memref<16x128xf32, #tpu.memory_space<vmem>> -> memref<8x128xf32, #tpu.memory_space<vmem>>
        tpu.enqueue_dma source(%dma_start3A_199 : memref<8x128xf32, #tpu.memory_space<vmem>>) target(%dma_start3A_196 : memref<8x128xf32, #tpu.memory_space<vmem_shared>>) target_semaphore(%run_scoped3A : memref<!tpu.dma_semaphore, #tpu.memory_space<semaphore_mem>>)
        %dma_wait3A = arith.constant 0 : i32
        %dma_wait3A_200 = arith.constant 0 : i32
        %dma_wait3A_201 = tpu.memref_slice %arg24[%dma_wait3A, %dma_wait3A_200] : memref<16x128xf32, #tpu.memory_space<vmem>> -> memref<8x128xf32, #tpu.memory_space<vmem>>
        %dma_wait3A_202 = arith.constant 0 : i32
        %dma_wait3A_203 = tpu.memref_slice %arg27[%mul3A_189, %dma_wait3A_202] : memref<320x128xf32, #tpu.memory_space<vmem_shared>> -> memref<8x128xf32, #tpu.memory_space<vmem_shared>>
        %dma_wait3A_204 = arith.constant 0 : i32
        %dma_wait3A_205 = tpu.memref_slice %arg27[%mul3A_189, %dma_wait3A_204] : memref<320x128xf32, #tpu.memory_space<vmem_shared>> -> memref<8x128xf32, #tpu.memory_space<vmem_shared>>
        %dma_wait3A_206 = arith.constant 0 : i32
        %dma_wait3A_207 = arith.constant 0 : i32
        %dma_wait3A_208 = tpu.memref_slice %arg24[%dma_wait3A_206, %dma_wait3A_207] : memref<16x128xf32, #tpu.memory_space<vmem>> -> memref<8x128xf32, #tpu.memory_space<vmem>>
        tpu.wait_dma2 semaphore(%run_scoped3A : memref<!tpu.dma_semaphore, #tpu.memory_space<semaphore_mem>>) src(%dma_wait3A_208 : memref<8x128xf32, #tpu.memory_space<vmem>>) dst(%dma_wait3A_205 : memref<8x128xf32, #tpu.memory_space<vmem_shared>>)
        tpu.yield
      }) : () -> ()
    }
    %while3A_75 = arith.constant 1 : i32
    scf.for %while3A_184 = %while3A_73 to %while3A_69 step %while3A_75  : i32 {
      %mul3A_185 = arith.constant 16 : i32
      %mul3A_186 = arith.muli %mul3A_185, %while3A_184 : i32
      %add3A_187 = arith.addi %arg1, %mul3A_186 : i32
      %mul3A_188 = arith.constant 8 : i32
      %mul3A_189 = arith.muli %add3A_187, %mul3A_188 : i32
      "tpu.region"() ({
        %run_scoped3A = tpu.sem_alloc : memref<!tpu.dma_semaphore, #tpu.memory_space<semaphore_mem>>
        %dma_start3A_190 = arith.constant 0 : i32
        %dma_start3A_191 = arith.constant 0 : i32
        %dma_start3A_192 = tpu.memref_slice %arg24[%dma_start3A_190, %dma_start3A_191] : memref<16x128xf32, #tpu.memory_space<vmem>> -> memref<8x128xf32, #tpu.memory_space<vmem>>
        %dma_start3A_193 = arith.constant 0 : i32
        %dma_start3A_194 = tpu.memref_slice %arg27[%mul3A_189, %dma_start3A_193] : memref<320x128xf32, #tpu.memory_space<vmem_shared>> -> memref<8x128xf32, #tpu.memory_space<vmem_shared>>
        %dma_start3A_195 = arith.constant 0 : i32
        %dma_start3A_196 = tpu.memref_slice %arg27[%mul3A_189, %dma_start3A_195] : memref<320x128xf32, #tpu.memory_space<vmem_shared>> -> memref<8x128xf32, #tpu.memory_space<vmem_shared>>
        %dma_start3A_197 = arith.constant 0 : i32
        %dma_start3A_198 = arith.constant 0 : i32
        %dma_start3A_199 = tpu.memref_slice %arg24[%dma_start3A_197, %dma_start3A_198] : memref<16x128xf32, #tpu.memory_space<vmem>> -> memref<8x128xf32, #tpu.memory_space<vmem>>
        tpu.enqueue_dma source(%dma_start3A_199 : memref<8x128xf32, #tpu.memory_space<vmem>>) target(%dma_start3A_196 : memref<8x128xf32, #tpu.memory_space<vmem_shared>>) target_semaphore(%run_scoped3A : memref<!tpu.dma_semaphore, #tpu.memory_space<semaphore_mem>>)
        %dma_wait3A = arith.constant 0 : i32
        %dma_wait3A_200 = arith.constant 0 : i32
        %dma_wait3A_201 = tpu.memref_slice %arg24[%dma_wait3A, %dma_wait3A_200] : memref<16x128xf32, #tpu.memory_space<vmem>> -> memref<8x128xf32, #tpu.memory_space<vmem>>
        %dma_wait3A_202 = arith.constant 0 : i32
        %dma_wait3A_203 = tpu.memref_slice %arg27[%mul3A_189, %dma_wait3A_202] : memref<320x128xf32, #tpu.memory_space<vmem_shared>> -> memref<8x128xf32, #tpu.memory_space<vmem_shared>>
        %dma_wait3A_204 = arith.constant 0 : i32
        %dma_wait3A_205 = tpu.memref_slice %arg27[%mul3A_189, %dma_wait3A_204] : memref<320x128xf32, #tpu.memory_space<vmem_shared>> -> memref<8x128xf32, #tpu.memory_space<vmem_shared>>
        %dma_wait3A_206 = arith.constant 0 : i32
        %dma_wait3A_207 = arith.constant 0 : i32
        %dma_wait3A_208 = tpu.memref_slice %arg24[%dma_wait3A_206, %dma_wait3A_207] : memref<16x128xf32, #tpu.memory_space<vmem>> -> memref<8x128xf32, #tpu.memory_space<vmem>>
        tpu.wait_dma2 semaphore(%run_scoped3A : memref<!tpu.dma_semaphore, #tpu.memory_space<semaphore_mem>>) src(%dma_wait3A_208 : memref<8x128xf32, #tpu.memory_space<vmem>>) dst(%dma_wait3A_205 : memref<8x128xf32, #tpu.memory_space<vmem_shared>>)
        tpu.yield
      }) : () -> ()
    }
    %barrier3A = arith.constant 0 : index
    tpu.barrier barrier_id(%barrier3A)
    %get3A = arith.constant 0 : index
    %get3A_76 = tpu.vector_load %arg25[%get3A] {strides = array<i32>} : memref<128xf32, #tpu.memory_space<vmem>>, vector<16xf32>,
    %get3A_77 = arith.constant 16 : index
    %get3A_78 = tpu.vector_load %arg25[%get3A_77] {strides = array<i32>} : memref<128xf32, #tpu.memory_space<vmem>>, vector<16xf32>,
    %get3A_79 = arith.constant 32 : index
    %get3A_80 = tpu.vector_load %arg25[%get3A_79] {strides = array<i32>} : memref<128xf32, #tpu.memory_space<vmem>>, vector<16xf32>,
    %get3A_81 = arith.constant 48 : index
    %get3A_82 = tpu.vector_load %arg25[%get3A_81] {strides = array<i32>} : memref<128xf32, #tpu.memory_space<vmem>>, vector<16xf32>,
    %get3A_83 = arith.constant 64 : index
    %get3A_84 = tpu.vector_load %arg25[%get3A_83] {strides = array<i32>} : memref<128xf32, #tpu.memory_space<vmem>>, vector<16xf32>,
    %get3A_85 = arith.constant 80 : index
    %get3A_86 = tpu.vector_load %arg25[%get3A_85] {strides = array<i32>} : memref<128xf32, #tpu.memory_space<vmem>>, vector<16xf32>,
    %get3A_87 = arith.constant 96 : index
    %get3A_88 = tpu.vector_load %arg25[%get3A_87] {strides = array<i32>} : memref<128xf32, #tpu.memory_space<vmem>>, vector<16xf32>,
    %get3A_89 = arith.constant 112 : index
    %get3A_90 = tpu.vector_load %arg25[%get3A_89] {strides = array<i32>} : memref<128xf32, #tpu.memory_space<vmem>>, vector<16xf32>,
    %iota3A = tpu.iota {dimensions = array<i32: 0>} : vector<16xi32>
    %mul3A = arith.constant 10000 : i32
    %mul3A_91 = arith.muli %arg0, %mul3A : i32
    %add3A_92 = arith.constant 2 : i32
    %add3A_93 = arith.addi %add3A_92, %arg0 : i32
    %mul3A_94 = arith.constant 10000 : i32
    %mul3A_95 = arith.muli %add3A_93, %mul3A_94 : i32
    %add3A_96 = arith.constant 0 : i32
    %add3A_97 = arith.addi %arg1, %add3A_96 : i32
    %mul3A_98 = arith.constant 64 : i32
    %mul3A_99 = arith.muli %add3A_97, %mul3A_98 : i32
    "tpu.region"() ({
      %run_scoped3A = tpu.sem_alloc : memref<!tpu.dma_semaphore, #tpu.memory_space<semaphore_mem>>
      %dma_start3A_184 = tpu.memref_slice %arg3[%mul3A_99] : memref<327680xi32, #tpu.memory_space<hbm>> -> memref<64xi32, #tpu.memory_space<hbm>>
      %dma_start3A_185 = tpu.memref_slice %arg3[%mul3A_99] : memref<327680xi32, #tpu.memory_space<hbm>> -> memref<64xi32, #tpu.memory_space<hbm>>
      tpu.enqueue_dma source(%dma_start3A_185 : memref<64xi32, #tpu.memory_space<hbm>>) target(%arg8 : memref<64xi32, #tpu.memory_space<vmem>>) target_semaphore(%run_scoped3A : memref<!tpu.dma_semaphore, #tpu.memory_space<semaphore_mem>>)
      %dma_wait3A = tpu.memref_slice %arg3[%mul3A_99] : memref<327680xi32, #tpu.memory_space<hbm>> -> memref<64xi32, #tpu.memory_space<hbm>>
      %dma_wait3A_186 = tpu.memref_slice %arg3[%mul3A_99] : memref<327680xi32, #tpu.memory_space<hbm>> -> memref<64xi32, #tpu.memory_space<hbm>>
      tpu.wait_dma2 semaphore(%run_scoped3A : memref<!tpu.dma_semaphore, #tpu.memory_space<semaphore_mem>>) src(%dma_wait3A_186 : memref<64xi32, #tpu.memory_space<hbm>>) dst(%arg8 : memref<64xi32, #tpu.memory_space<vmem>>)
      tpu.yield
    }) : () -> ()
    "tpu.region"() ({
      %run_scoped3A = tpu.sem_alloc : memref<!tpu.dma_semaphore, #tpu.memory_space<semaphore_mem>>
      %dma_start3A_184 = tpu.memref_slice %arg4[%mul3A_99] : memref<327680xi32, #tpu.memory_space<hbm>> -> memref<64xi32, #tpu.memory_space<hbm>>
      %dma_start3A_185 = tpu.memref_slice %arg4[%mul3A_99] : memref<327680xi32, #tpu.memory_space<hbm>> -> memref<64xi32, #tpu.memory_space<hbm>>
      tpu.enqueue_dma source(%dma_start3A_185 : memref<64xi32, #tpu.memory_space<hbm>>) target(%arg9 : memref<64xi32, #tpu.memory_space<vmem>>) target_semaphore(%run_scoped3A : memref<!tpu.dma_semaphore, #tpu.memory_space<semaphore_mem>>)
      %dma_wait3A = tpu.memref_slice %arg4[%mul3A_99] : memref<327680xi32, #tpu.memory_space<hbm>> -> memref<64xi32, #tpu.memory_space<hbm>>
      %dma_wait3A_186 = tpu.memref_slice %arg4[%mul3A_99] : memref<327680xi32, #tpu.memory_space<hbm>> -> memref<64xi32, #tpu.memory_space<hbm>>
      tpu.wait_dma2 semaphore(%run_scoped3A : memref<!tpu.dma_semaphore, #tpu.memory_space<semaphore_mem>>) src(%dma_wait3A_186 : memref<64xi32, #tpu.memory_space<hbm>>) dst(%arg9 : memref<64xi32, #tpu.memory_space<vmem>>)
      tpu.yield
    }) : () -> ()
    %scan3A_100 = arith.constant 0 : i32
    %scan3A_101 = arith.constant 0 : i32
    %scan3A_102 = arith.constant 4 : i32
    %scan3A_103 = arith.addi %scan3A_101, %scan3A_102 : i32
    %scan3A_104 = arith.constant 1 : i32
    scf.for %scan3A_184 = %scan3A_101 to %scan3A_103 step %scan3A_104  : i32 {
      %mul3A_185 = arith.constant 16 : i32
      %mul3A_186 = arith.muli %scan3A_184, %mul3A_185 : i32
      %get3A_187 = arith.index_cast %mul3A_186 : i32 to index
      %get3A_188 = tpu.vector_load %arg9[%get3A_187] {strides = array<i32>} : memref<64xi32, #tpu.memory_space<vmem>>, vector<16xi32>,
      %mul3A_189 = arith.constant 16 : i32
      %mul3A_190 = arith.muli %scan3A_184, %mul3A_189 : i32
      %get3A_191 = arith.index_cast %mul3A_190 : i32 to index
      %get3A_192 = tpu.vector_load %arg8[%get3A_191] {strides = array<i32>} : memref<64xi32, #tpu.memory_space<vmem>>, vector<16xi32>,
      %add3A_193 = vector.broadcast %mul3A_91 : i32 to vector<16xi32>
      %add3A_194 = arith.addi %get3A_192, %add3A_193 : vector<16xi32>
      %mul3A_195 = arith.constant 16 : i32
      %mul3A_196 = arith.muli %scan3A_184, %mul3A_195 : i32
      %swap3A = arith.index_cast %mul3A_196 : i32 to index
      %swap3A_197 = tpu.vector_load %arg11[%swap3A] {strides = array<i32>} : memref<64xi32, #tpu.memory_space<vmem>>, vector<16xi32>,
      tpu.vector_store %arg11[%swap3A], %add3A_194 {strides = array<i32>} : memref<64xi32, #tpu.memory_space<vmem>>, vector<16xi32>,
      %add3A_198 = vector.broadcast %mul3A_95 : i32 to vector<16xi32>
      %add3A_199 = arith.addi %get3A_188, %add3A_198 : vector<16xi32>
      %mul3A_200 = arith.constant 16 : i32
      %mul3A_201 = arith.muli %scan3A_184, %mul3A_200 : i32
      %swap3A_202 = arith.index_cast %mul3A_201 : i32 to index
      %swap3A_203 = tpu.vector_load %arg12[%swap3A_202] {strides = array<i32>} : memref<64xi32, #tpu.memory_space<vmem>>, vector<16xi32>,
      tpu.vector_store %arg12[%swap3A_202], %add3A_199 {strides = array<i32>} : memref<64xi32, #tpu.memory_space<vmem>>, vector<16xi32>,
      %shift_right_logical3A = arith.constant 5 : i32
      %shift_right_logical3A_204 = vector.broadcast %shift_right_logical3A : i32 to vector<16xi32>
      %shift_right_logical3A_205 = arith.shrui %get3A_188, %shift_right_logical3A_204 : vector<16xi32>
      %mul3A_206 = arith.constant 16 : i32
      %mul3A_207 = arith.muli %scan3A_184, %mul3A_206 : i32
      %swap3A_208 = arith.index_cast %mul3A_207 : i32 to index
      %swap3A_209 = tpu.vector_load %arg13[%swap3A_208] {strides = array<i32>} : memref<64xi32, #tpu.memory_space<vmem>>, vector<16xi32>,
      tpu.vector_store %arg13[%swap3A_208], %shift_right_logical3A_205 {strides = array<i32>} : memref<64xi32, #tpu.memory_space<vmem>>, vector<16xi32>,
      %mul3A_210 = arith.constant 16 : i32
      %mul3A_211 = arith.muli %scan3A_184, %mul3A_210 : i32
      %swap3A_212 = arith.index_cast %mul3A_211 : i32 to index
      %swap3A_213 = tpu.vector_load %arg10[%swap3A_212] {strides = array<i32>} : memref<80xi32, #tpu.memory_space<vmem>>, vector<16xi32>,
      tpu.vector_store %arg10[%swap3A_212], %get3A_188 {strides = array<i32>} : memref<80xi32, #tpu.memory_space<vmem>>, vector<16xi32>,
    }
    %scan3A_105 = arith.constant 4 : i32
    %dma_start3A = arith.constant 0 : i32
    %dma_start3A_106 = arith.constant 0 : i32
    %dma_start3A_107 = tpu.memref_slice %arg2[%dma_start3A, %dma_start3A_106] : memref<40016x128xf32, #tpu.memory_space<hbm>> -> memref<40016x128xf32, #tpu.memory_space<hbm>>
    tpu.enqueue_indirect_dma source(%dma_start3A_107 : memref<40016x128xf32, #tpu.memory_space<hbm>>) target(%arg14 : memref<64x128xf32, #tpu.memory_space<vmem>>) offsets(%arg11 : memref<64xi32, #tpu.memory_space<vmem>>) semaphore(%arg28 : memref<!tpu.dma_semaphore, #tpu.memory_space<semaphore_mem>>)
    %dma_start3A_108 = arith.constant 0 : i32
    %dma_start3A_109 = arith.constant 0 : i32
    %dma_start3A_110 = tpu.memref_slice %arg2[%dma_start3A_108, %dma_start3A_109] : memref<40016x128xf32, #tpu.memory_space<hbm>> -> memref<40016x128xf32, #tpu.memory_space<hbm>>
    tpu.enqueue_indirect_dma source(%dma_start3A_110 : memref<40016x128xf32, #tpu.memory_space<hbm>>) target(%arg15 : memref<64x128xf32, #tpu.memory_space<vmem>>) offsets(%arg12 : memref<64xi32, #tpu.memory_space<vmem>>) semaphore(%arg29 : memref<!tpu.dma_semaphore, #tpu.memory_space<semaphore_mem>>)
    %add3A_111 = arith.constant 16 : i32
    %add3A_112 = arith.addi %arg1, %add3A_111 : i32
    %mul3A_113 = arith.constant 64 : i32
    %mul3A_114 = arith.muli %add3A_112, %mul3A_113 : i32
    "tpu.region"() ({
      %run_scoped3A = tpu.sem_alloc : memref<!tpu.dma_semaphore, #tpu.memory_space<semaphore_mem>>
      %dma_start3A_184 = tpu.memref_slice %arg3[%mul3A_114] : memref<327680xi32, #tpu.memory_space<hbm>> -> memref<64xi32, #tpu.memory_space<hbm>>
      %dma_start3A_185 = tpu.memref_slice %arg3[%mul3A_114] : memref<327680xi32, #tpu.memory_space<hbm>> -> memref<64xi32, #tpu.memory_space<hbm>>
      tpu.enqueue_dma source(%dma_start3A_185 : memref<64xi32, #tpu.memory_space<hbm>>) target(%arg16 : memref<64xi32, #tpu.memory_space<vmem>>) target_semaphore(%run_scoped3A : memref<!tpu.dma_semaphore, #tpu.memory_space<semaphore_mem>>)
      %dma_wait3A = tpu.memref_slice %arg3[%mul3A_114] : memref<327680xi32, #tpu.memory_space<hbm>> -> memref<64xi32, #tpu.memory_space<hbm>>
      %dma_wait3A_186 = tpu.memref_slice %arg3[%mul3A_114] : memref<327680xi32, #tpu.memory_space<hbm>> -> memref<64xi32, #tpu.memory_space<hbm>>
      tpu.wait_dma2 semaphore(%run_scoped3A : memref<!tpu.dma_semaphore, #tpu.memory_space<semaphore_mem>>) src(%dma_wait3A_186 : memref<64xi32, #tpu.memory_space<hbm>>) dst(%arg16 : memref<64xi32, #tpu.memory_space<vmem>>)
      tpu.yield
    }) : () -> ()
    "tpu.region"() ({
      %run_scoped3A = tpu.sem_alloc : memref<!tpu.dma_semaphore, #tpu.memory_space<semaphore_mem>>
      %dma_start3A_184 = tpu.memref_slice %arg4[%mul3A_114] : memref<327680xi32, #tpu.memory_space<hbm>> -> memref<64xi32, #tpu.memory_space<hbm>>
      %dma_start3A_185 = tpu.memref_slice %arg4[%mul3A_114] : memref<327680xi32, #tpu.memory_space<hbm>> -> memref<64xi32, #tpu.memory_space<hbm>>
      tpu.enqueue_dma source(%dma_start3A_185 : memref<64xi32, #tpu.memory_space<hbm>>) target(%arg17 : memref<64xi32, #tpu.memory_space<vmem>>) target_semaphore(%run_scoped3A : memref<!tpu.dma_semaphore, #tpu.memory_space<semaphore_mem>>)
      %dma_wait3A = tpu.memref_slice %arg4[%mul3A_114] : memref<327680xi32, #tpu.memory_space<hbm>> -> memref<64xi32, #tpu.memory_space<hbm>>
      %dma_wait3A_186 = tpu.memref_slice %arg4[%mul3A_114] : memref<327680xi32, #tpu.memory_space<hbm>> -> memref<64xi32, #tpu.memory_space<hbm>>
      tpu.wait_dma2 semaphore(%run_scoped3A : memref<!tpu.dma_semaphore, #tpu.memory_space<semaphore_mem>>) src(%dma_wait3A_186 : memref<64xi32, #tpu.memory_space<hbm>>) dst(%arg17 : memref<64xi32, #tpu.memory_space<vmem>>)
      tpu.yield
    }) : () -> ()
    %scan3A_115 = arith.constant 0 : i32
    %scan3A_116 = arith.constant 0 : i32
    %scan3A_117 = arith.constant 4 : i32
    %scan3A_118 = arith.addi %scan3A_116, %scan3A_117 : i32
    %scan3A_119 = arith.constant 1 : i32
    scf.for %scan3A_184 = %scan3A_116 to %scan3A_118 step %scan3A_119  : i32 {
      %mul3A_185 = arith.constant 16 : i32
      %mul3A_186 = arith.muli %scan3A_184, %mul3A_185 : i32
      %get3A_187 = arith.index_cast %mul3A_186 : i32 to index
      %get3A_188 = tpu.vector_load %arg17[%get3A_187] {strides = array<i32>} : memref<64xi32, #tpu.memory_space<vmem>>, vector<16xi32>,
      %mul3A_189 = arith.constant 16 : i32
      %mul3A_190 = arith.muli %scan3A_184, %mul3A_189 : i32
      %get3A_191 = arith.index_cast %mul3A_190 : i32 to index
      %get3A_192 = tpu.vector_load %arg16[%get3A_191] {strides = array<i32>} : memref<64xi32, #tpu.memory_space<vmem>>, vector<16xi32>,
      %add3A_193 = vector.broadcast %mul3A_91 : i32 to vector<16xi32>
      %add3A_194 = arith.addi %get3A_192, %add3A_193 : vector<16xi32>
      %mul3A_195 = arith.constant 16 : i32
      %mul3A_196 = arith.muli %scan3A_184, %mul3A_195 : i32
      %swap3A = arith.index_cast %mul3A_196 : i32 to index
      %swap3A_197 = tpu.vector_load %arg19[%swap3A] {strides = array<i32>} : memref<64xi32, #tpu.memory_space<vmem>>, vector<16xi32>,
      tpu.vector_store %arg19[%swap3A], %add3A_194 {strides = array<i32>} : memref<64xi32, #tpu.memory_space<vmem>>, vector<16xi32>,
      %add3A_198 = vector.broadcast %mul3A_95 : i32 to vector<16xi32>
      %add3A_199 = arith.addi %get3A_188, %add3A_198 : vector<16xi32>
      %mul3A_200 = arith.constant 16 : i32
      %mul3A_201 = arith.muli %scan3A_184, %mul3A_200 : i32
      %swap3A_202 = arith.index_cast %mul3A_201 : i32 to index
      %swap3A_203 = tpu.vector_load %arg20[%swap3A_202] {strides = array<i32>} : memref<64xi32, #tpu.memory_space<vmem>>, vector<16xi32>,
      tpu.vector_store %arg20[%swap3A_202], %add3A_199 {strides = array<i32>} : memref<64xi32, #tpu.memory_space<vmem>>, vector<16xi32>,
      %shift_right_logical3A = arith.constant 5 : i32
      %shift_right_logical3A_204 = vector.broadcast %shift_right_logical3A : i32 to vector<16xi32>
      %shift_right_logical3A_205 = arith.shrui %get3A_188, %shift_right_logical3A_204 : vector<16xi32>
      %mul3A_206 = arith.constant 16 : i32
      %mul3A_207 = arith.muli %scan3A_184, %mul3A_206 : i32
      %swap3A_208 = arith.index_cast %mul3A_207 : i32 to index
      %swap3A_209 = tpu.vector_load %arg21[%swap3A_208] {strides = array<i32>} : memref<64xi32, #tpu.memory_space<vmem>>, vector<16xi32>,
      tpu.vector_store %arg21[%swap3A_208], %shift_right_logical3A_205 {strides = array<i32>} : memref<64xi32, #tpu.memory_space<vmem>>, vector<16xi32>,
      %mul3A_210 = arith.constant 16 : i32
      %mul3A_211 = arith.muli %scan3A_184, %mul3A_210 : i32
      %swap3A_212 = arith.index_cast %mul3A_211 : i32 to index
      %swap3A_213 = tpu.vector_load %arg18[%swap3A_212] {strides = array<i32>} : memref<80xi32, #tpu.memory_space<vmem>>, vector<16xi32>,
      tpu.vector_store %arg18[%swap3A_212], %get3A_188 {strides = array<i32>} : memref<80xi32, #tpu.memory_space<vmem>>, vector<16xi32>,
    }
    %scan3A_120 = arith.constant 4 : i32
    %dma_start3A_121 = arith.constant 0 : i32
    %dma_start3A_122 = arith.constant 0 : i32
    %dma_start3A_123 = tpu.memref_slice %arg2[%dma_start3A_121, %dma_start3A_122] : memref<40016x128xf32, #tpu.memory_space<hbm>> -> memref<40016x128xf32, #tpu.memory_space<hbm>>
    tpu.enqueue_indirect_dma source(%dma_start3A_123 : memref<40016x128xf32, #tpu.memory_space<hbm>>) target(%arg22 : memref<64x128xf32, #tpu.memory_space<vmem>>) offsets(%arg19 : memref<64xi32, #tpu.memory_space<vmem>>) semaphore(%arg30 : memref<!tpu.dma_semaphore, #tpu.memory_space<semaphore_mem>>)
    %dma_start3A_124 = arith.constant 0 : i32
    %dma_start3A_125 = arith.constant 0 : i32
    %dma_start3A_126 = tpu.memref_slice %arg2[%dma_start3A_124, %dma_start3A_125] : memref<40016x128xf32, #tpu.memory_space<hbm>> -> memref<40016x128xf32, #tpu.memory_space<hbm>>
    tpu.enqueue_indirect_dma source(%dma_start3A_126 : memref<40016x128xf32, #tpu.memory_space<hbm>>) target(%arg23 : memref<64x128xf32, #tpu.memory_space<vmem>>) offsets(%arg20 : memref<64xi32, #tpu.memory_space<vmem>>) semaphore(%arg31 : memref<!tpu.dma_semaphore, #tpu.memory_space<semaphore_mem>>)
    %scan3A_127 = arith.constant 0 : i32
    %scan3A_128 = arith.constant 0 : i32
    %scan3A_129 = arith.constant 160 : i32
    %scan3A_130 = arith.addi %scan3A_128, %scan3A_129 : i32
    %scan3A_131 = arith.constant 1 : i32
    scf.for %scan3A_184 = %scan3A_128 to %scan3A_130 step %scan3A_131  : i32 {
      %mul3A_185 = arith.constant 2 : i32
      %mul3A_186 = arith.muli %mul3A_185, %scan3A_184 : i32
      %add3A_187 = arith.constant 0 : i32
      %add3A_188 = arith.addi %mul3A_186, %add3A_187 : i32
      %dma_wait3A = arith.constant 0 : i32
      %dma_wait3A_189 = arith.constant 0 : i32
      %dma_wait3A_190 = tpu.memref_slice %arg2[%dma_wait3A, %dma_wait3A_189] : memref<40016x128xf32, #tpu.memory_space<hbm>> -> memref<40016x128xf32, #tpu.memory_space<hbm>>
      tpu.wait_indirect_dma semaphore(%arg28 : memref<!tpu.dma_semaphore, #tpu.memory_space<semaphore_mem>>) src(%dma_wait3A_190 : memref<40016x128xf32, #tpu.memory_space<hbm>>) dst(%arg14 : memref<64x128xf32, #tpu.memory_space<vmem>>)
      %dma_wait3A_191 = arith.constant 0 : i32
      %dma_wait3A_192 = arith.constant 0 : i32
      %dma_wait3A_193 = tpu.memref_slice %arg2[%dma_wait3A_191, %dma_wait3A_192] : memref<40016x128xf32, #tpu.memory_space<hbm>> -> memref<40016x128xf32, #tpu.memory_space<hbm>>
      tpu.wait_indirect_dma semaphore(%arg29 : memref<!tpu.dma_semaphore, #tpu.memory_space<semaphore_mem>>) src(%dma_wait3A_193 : memref<40016x128xf32, #tpu.memory_space<hbm>>) dst(%arg15 : memref<64x128xf32, #tpu.memory_space<vmem>>)
      %scan3A_194 = arith.constant 0 : i32
      %scan3A_195 = arith.constant 0 : i32
      %scan3A_196 = arith.constant 64 : i32
      %scan3A_197 = arith.addi %scan3A_195, %scan3A_196 : i32
      %scan3A_198 = arith.constant 1 : i32
      scf.for %scan3A_227 = %scan3A_195 to %scan3A_197 step %scan3A_198  : i32 {
        %get3A_228 = arith.index_cast %scan3A_227 : i32 to index
        %get3A_229 = arith.constant 0 : index
        %get3A_230 = tpu.vector_load %arg14[%get3A_228, %get3A_229] {strides = array<i32>} : memref<64x128xf32, #tpu.memory_space<vmem>>, vector<16xf32>,
        %get3A_231 = arith.index_cast %scan3A_227 : i32 to index
        %get3A_232 = arith.constant 16 : index
        %get3A_233 = tpu.vector_load %arg14[%get3A_231, %get3A_232] {strides = array<i32>} : memref<64x128xf32, #tpu.memory_space<vmem>>, vector<16xf32>,
        %get3A_234 = arith.index_cast %scan3A_227 : i32 to index
        %get3A_235 = arith.constant 0 : index
        %get3A_236 = tpu.vector_load %arg15[%get3A_234, %get3A_235] {strides = array<i32>} : memref<64x128xf32, #tpu.memory_space<vmem>>, vector<16xf32>,
        %get3A_237 = arith.index_cast %scan3A_227 : i32 to index
        %get3A_238 = arith.constant 16 : index
        %get3A_239 = tpu.vector_load %arg15[%get3A_237, %get3A_238] {strides = array<i32>} : memref<64x128xf32, #tpu.memory_space<vmem>>, vector<16xf32>,
        %add3A_240 = arith.addf %get3A_230, %get3A_236 : vector<16xf32>
        %add3A_241 = arith.addf %get3A_233, %get3A_239 : vector<16xf32>
        %mul3A_242 = arith.constant 2.000000e-01 : f32
        %mul3A_243 = vector.broadcast %mul3A_242 : f32 to vector<16xf32>
        %mul3A_244 = arith.mulf %mul3A_243, %add3A_240 : vector<16xf32>
        %max3A = arith.maximumf %add3A_240, %mul3A_244 : vector<16xf32>
        %mul3A_245 = arith.constant 2.000000e-01 : f32
        %mul3A_246 = vector.broadcast %mul3A_245 : f32 to vector<16xf32>
        %mul3A_247 = arith.mulf %mul3A_246, %add3A_241 : vector<16xf32>
        %max3A_248 = arith.maximumf %add3A_241, %mul3A_247 : vector<16xf32>
        %mul3A_249 = arith.mulf %max3A, %get3A_76 : vector<16xf32>
        %mul3A_250 = arith.mulf %max3A_248, %get3A_78 : vector<16xf32>
        %add3A_251 = arith.addf %mul3A_249, %mul3A_250 : vector<16xf32>
        %reduce_sum3A = arith.constant true
        %reduce_sum3A_252 = vector.broadcast %reduce_sum3A : i1 to vector<16xi1>
        %reduce_sum3A_253 = tpu.scan <sum>, %add3A_251 masked %reduce_sum3A_252 : vector<16xf32>, vector<16xi1> -> vector<16xf32>
        %reduce_sum3A_254 = vector.extract %reduce_sum3A_253[15] : f32 from vector<16xf32>
        %broadcast_in_dim3A_255 = vector.broadcast %reduce_sum3A_254 : f32 to vector<16xf32>
        %exp3A = math.exp %broadcast_in_dim3A_255 : vector<16xf32>
        %get3A_256 = arith.index_cast %scan3A_227 : i32 to index
        %get3A_257 = arith.constant 32 : index
        %get3A_258 = tpu.vector_load %arg14[%get3A_256, %get3A_257] {strides = array<i32>} : memref<64x128xf32, #tpu.memory_space<vmem>>, vector<16xf32>,
        %get3A_259 = arith.index_cast %scan3A_227 : i32 to index
        %get3A_260 = arith.constant 48 : index
        %get3A_261 = tpu.vector_load %arg14[%get3A_259, %get3A_260] {strides = array<i32>} : memref<64x128xf32, #tpu.memory_space<vmem>>, vector<16xf32>,
        %get3A_262 = arith.index_cast %scan3A_227 : i32 to index
        %get3A_263 = arith.constant 32 : index
        %get3A_264 = tpu.vector_load %arg15[%get3A_262, %get3A_263] {strides = array<i32>} : memref<64x128xf32, #tpu.memory_space<vmem>>, vector<16xf32>,
        %get3A_265 = arith.index_cast %scan3A_227 : i32 to index
        %get3A_266 = arith.constant 48 : index
        %get3A_267 = tpu.vector_load %arg15[%get3A_265, %get3A_266] {strides = array<i32>} : memref<64x128xf32, #tpu.memory_space<vmem>>, vector<16xf32>,
        %add3A_268 = arith.addf %get3A_258, %get3A_264 : vector<16xf32>
        %add3A_269 = arith.addf %get3A_261, %get3A_267 : vector<16xf32>
        %mul3A_270 = arith.constant 2.000000e-01 : f32
        %mul3A_271 = vector.broadcast %mul3A_270 : f32 to vector<16xf32>
        %mul3A_272 = arith.mulf %mul3A_271, %add3A_268 : vector<16xf32>
        %max3A_273 = arith.maximumf %add3A_268, %mul3A_272 : vector<16xf32>
        %mul3A_274 = arith.constant 2.000000e-01 : f32
        %mul3A_275 = vector.broadcast %mul3A_274 : f32 to vector<16xf32>
        %mul3A_276 = arith.mulf %mul3A_275, %add3A_269 : vector<16xf32>
        %max3A_277 = arith.maximumf %add3A_269, %mul3A_276 : vector<16xf32>
        %mul3A_278 = arith.mulf %max3A_273, %get3A_80 : vector<16xf32>
        %mul3A_279 = arith.mulf %max3A_277, %get3A_82 : vector<16xf32>
        %add3A_280 = arith.addf %mul3A_278, %mul3A_279 : vector<16xf32>
        %reduce_sum3A_281 = arith.constant true
        %reduce_sum3A_282 = vector.broadcast %reduce_sum3A_281 : i1 to vector<16xi1>
        %reduce_sum3A_283 = tpu.scan <sum>, %add3A_280 masked %reduce_sum3A_282 : vector<16xf32>, vector<16xi1> -> vector<16xf32>
        %reduce_sum3A_284 = vector.extract %reduce_sum3A_283[15] : f32 from vector<16xf32>
        %broadcast_in_dim3A_285 = vector.broadcast %reduce_sum3A_284 : f32 to vector<16xf32>
        %exp3A_286 = math.exp %broadcast_in_dim3A_285 : vector<16xf32>
        %get3A_287 = arith.index_cast %scan3A_227 : i32 to index
        %get3A_288 = arith.constant 64 : index
        %get3A_289 = tpu.vector_load %arg14[%get3A_287, %get3A_288] {strides = array<i32>} : memref<64x128xf32, #tpu.memory_space<vmem>>, vector<16xf32>,
        %get3A_290 = arith.index_cast %scan3A_227 : i32 to index
        %get3A_291 = arith.constant 80 : index
        %get3A_292 = tpu.vector_load %arg14[%get3A_290, %get3A_291] {strides = array<i32>} : memref<64x128xf32, #tpu.memory_space<vmem>>, vector<16xf32>,
        %get3A_293 = arith.index_cast %scan3A_227 : i32 to index
        %get3A_294 = arith.constant 64 : index
        %get3A_295 = tpu.vector_load %arg15[%get3A_293, %get3A_294] {strides = array<i32>} : memref<64x128xf32, #tpu.memory_space<vmem>>, vector<16xf32>,
        %get3A_296 = arith.index_cast %scan3A_227 : i32 to index
        %get3A_297 = arith.constant 80 : index
        %get3A_298 = tpu.vector_load %arg15[%get3A_296, %get3A_297] {strides = array<i32>} : memref<64x128xf32, #tpu.memory_space<vmem>>, vector<16xf32>,
        %add3A_299 = arith.addf %get3A_289, %get3A_295 : vector<16xf32>
        %add3A_300 = arith.addf %get3A_292, %get3A_298 : vector<16xf32>
        %mul3A_301 = arith.constant 2.000000e-01 : f32
        %mul3A_302 = vector.broadcast %mul3A_301 : f32 to vector<16xf32>
        %mul3A_303 = arith.mulf %mul3A_302, %add3A_299 : vector<16xf32>
        %max3A_304 = arith.maximumf %add3A_299, %mul3A_303 : vector<16xf32>
        %mul3A_305 = arith.constant 2.000000e-01 : f32
        %mul3A_306 = vector.broadcast %mul3A_305 : f32 to vector<16xf32>
        %mul3A_307 = arith.mulf %mul3A_306, %add3A_300 : vector<16xf32>
        %max3A_308 = arith.maximumf %add3A_300, %mul3A_307 : vector<16xf32>
        %mul3A_309 = arith.mulf %max3A_304, %get3A_84 : vector<16xf32>
        %mul3A_310 = arith.mulf %max3A_308, %get3A_86 : vector<16xf32>
        %add3A_311 = arith.addf %mul3A_309, %mul3A_310 : vector<16xf32>
        %reduce_sum3A_312 = arith.constant true
        %reduce_sum3A_313 = vector.broadcast %reduce_sum3A_312 : i1 to vector<16xi1>
        %reduce_sum3A_314 = tpu.scan <sum>, %add3A_311 masked %reduce_sum3A_313 : vector<16xf32>, vector<16xi1> -> vector<16xf32>
        %reduce_sum3A_315 = vector.extract %reduce_sum3A_314[15] : f32 from vector<16xf32>
        %broadcast_in_dim3A_316 = vector.broadcast %reduce_sum3A_315 : f32 to vector<16xf32>
        %exp3A_317 = math.exp %broadcast_in_dim3A_316 : vector<16xf32>
        %get3A_318 = arith.index_cast %scan3A_227 : i32 to index
        %get3A_319 = arith.constant 96 : index
        %get3A_320 = tpu.vector_load %arg14[%get3A_318, %get3A_319] {strides = array<i32>} : memref<64x128xf32, #tpu.memory_space<vmem>>, vector<16xf32>,
        %get3A_321 = arith.index_cast %scan3A_227 : i32 to index
        %get3A_322 = arith.constant 112 : index
        %get3A_323 = tpu.vector_load %arg14[%get3A_321, %get3A_322] {strides = array<i32>} : memref<64x128xf32, #tpu.memory_space<vmem>>, vector<16xf32>,
        %get3A_324 = arith.index_cast %scan3A_227 : i32 to index
        %get3A_325 = arith.constant 96 : index
        %get3A_326 = tpu.vector_load %arg15[%get3A_324, %get3A_325] {strides = array<i32>} : memref<64x128xf32, #tpu.memory_space<vmem>>, vector<16xf32>,
        %get3A_327 = arith.index_cast %scan3A_227 : i32 to index
        %get3A_328 = arith.constant 112 : index
        %get3A_329 = tpu.vector_load %arg15[%get3A_327, %get3A_328] {strides = array<i32>} : memref<64x128xf32, #tpu.memory_space<vmem>>, vector<16xf32>,
        %add3A_330 = arith.addf %get3A_320, %get3A_326 : vector<16xf32>
        %add3A_331 = arith.addf %get3A_323, %get3A_329 : vector<16xf32>
        %mul3A_332 = arith.constant 2.000000e-01 : f32
        %mul3A_333 = vector.broadcast %mul3A_332 : f32 to vector<16xf32>
        %mul3A_334 = arith.mulf %mul3A_333, %add3A_330 : vector<16xf32>
        %max3A_335 = arith.maximumf %add3A_330, %mul3A_334 : vector<16xf32>
        %mul3A_336 = arith.constant 2.000000e-01 : f32
        %mul3A_337 = vector.broadcast %mul3A_336 : f32 to vector<16xf32>
        %mul3A_338 = arith.mulf %mul3A_337, %add3A_331 : vector<16xf32>
        %max3A_339 = arith.maximumf %add3A_331, %mul3A_338 : vector<16xf32>
        %mul3A_340 = arith.mulf %max3A_335, %get3A_88 : vector<16xf32>
        %mul3A_341 = arith.mulf %max3A_339, %get3A_90 : vector<16xf32>
        %add3A_342 = arith.addf %mul3A_340, %mul3A_341 : vector<16xf32>
        %reduce_sum3A_343 = arith.constant true
        %reduce_sum3A_344 = vector.broadcast %reduce_sum3A_343 : i1 to vector<16xi1>
        %reduce_sum3A_345 = tpu.scan <sum>, %add3A_342 masked %reduce_sum3A_344 : vector<16xf32>, vector<16xi1> -> vector<16xf32>
        %reduce_sum3A_346 = vector.extract %reduce_sum3A_345[15] : f32 from vector<16xf32>
        %broadcast_in_dim3A_347 = vector.broadcast %reduce_sum3A_346 : f32 to vector<16xf32>
        %exp3A_348 = math.exp %broadcast_in_dim3A_347 : vector<16xf32>
        %mul3A_349 = arith.mulf %exp3A, %get3A_230 : vector<16xf32>
        %swap3A = arith.index_cast %scan3A_227 : i32 to index
        %swap3A_350 = arith.constant 0 : index
        %swap3A_351 = tpu.vector_load %arg14[%swap3A, %swap3A_350] {strides = array<i32>} : memref<64x128xf32, #tpu.memory_space<vmem>>, vector<16xf32>,
        tpu.vector_store %arg14[%swap3A, %swap3A_350], %mul3A_349 {strides = array<i32>} : memref<64x128xf32, #tpu.memory_space<vmem>>, vector<16xf32>,
        %mul3A_352 = arith.mulf %exp3A, %get3A_233 : vector<16xf32>
        %swap3A_353 = arith.index_cast %scan3A_227 : i32 to index
        %swap3A_354 = arith.constant 16 : index
        %swap3A_355 = tpu.vector_load %arg14[%swap3A_353, %swap3A_354] {strides = array<i32>} : memref<64x128xf32, #tpu.memory_space<vmem>>, vector<16xf32>,
        tpu.vector_store %arg14[%swap3A_353, %swap3A_354], %mul3A_352 {strides = array<i32>} : memref<64x128xf32, #tpu.memory_space<vmem>>, vector<16xf32>,
        %mul3A_356 = arith.mulf %exp3A_286, %get3A_258 : vector<16xf32>
        %swap3A_357 = arith.index_cast %scan3A_227 : i32 to index
        %swap3A_358 = arith.constant 32 : index
        %swap3A_359 = tpu.vector_load %arg14[%swap3A_357, %swap3A_358] {strides = array<i32>} : memref<64x128xf32, #tpu.memory_space<vmem>>, vector<16xf32>,
        tpu.vector_store %arg14[%swap3A_357, %swap3A_358], %mul3A_356 {strides = array<i32>} : memref<64x128xf32, #tpu.memory_space<vmem>>, vector<16xf32>,
        %mul3A_360 = arith.mulf %exp3A_286, %get3A_261 : vector<16xf32>
        %swap3A_361 = arith.index_cast %scan3A_227 : i32 to index
        %swap3A_362 = arith.constant 48 : index
        %swap3A_363 = tpu.vector_load %arg14[%swap3A_361, %swap3A_362] {strides = array<i32>} : memref<64x128xf32, #tpu.memory_space<vmem>>, vector<16xf32>,
        tpu.vector_store %arg14[%swap3A_361, %swap3A_362], %mul3A_360 {strides = array<i32>} : memref<64x128xf32, #tpu.memory_space<vmem>>, vector<16xf32>,
        %mul3A_364 = arith.mulf %exp3A_317, %get3A_289 : vector<16xf32>
        %swap3A_365 = arith.index_cast %scan3A_227 : i32 to index
        %swap3A_366 = arith.constant 64 : index
        %swap3A_367 = tpu.vector_load %arg14[%swap3A_365, %swap3A_366] {strides = array<i32>} : memref<64x128xf32, #tpu.memory_space<vmem>>, vector<16xf32>,
        tpu.vector_store %arg14[%swap3A_365, %swap3A_366], %mul3A_364 {strides = array<i32>} : memref<64x128xf32, #tpu.memory_space<vmem>>, vector<16xf32>,
        %mul3A_368 = arith.mulf %exp3A_317, %get3A_292 : vector<16xf32>
        %swap3A_369 = arith.index_cast %scan3A_227 : i32 to index
        %swap3A_370 = arith.constant 80 : index
        %swap3A_371 = tpu.vector_load %arg14[%swap3A_369, %swap3A_370] {strides = array<i32>} : memref<64x128xf32, #tpu.memory_space<vmem>>, vector<16xf32>,
        tpu.vector_store %arg14[%swap3A_369, %swap3A_370], %mul3A_368 {strides = array<i32>} : memref<64x128xf32, #tpu.memory_space<vmem>>, vector<16xf32>,
        %mul3A_372 = arith.mulf %exp3A_348, %get3A_320 : vector<16xf32>
        %swap3A_373 = arith.index_cast %scan3A_227 : i32 to index
        %swap3A_374 = arith.constant 96 : index
        %swap3A_375 = tpu.vector_load %arg14[%swap3A_373, %swap3A_374] {strides = array<i32>} : memref<64x128xf32, #tpu.memory_space<vmem>>, vector<16xf32>,
        tpu.vector_store %arg14[%swap3A_373, %swap3A_374], %mul3A_372 {strides = array<i32>} : memref<64x128xf32, #tpu.memory_space<vmem>>, vector<16xf32>,
        %mul3A_376 = arith.mulf %exp3A_348, %get3A_323 : vector<16xf32>
        %swap3A_377 = arith.index_cast %scan3A_227 : i32 to index
        %swap3A_378 = arith.constant 112 : index
        %swap3A_379 = tpu.vector_load %arg14[%swap3A_377, %swap3A_378] {strides = array<i32>} : memref<64x128xf32, #tpu.memory_space<vmem>>, vector<16xf32>,
        tpu.vector_store %arg14[%swap3A_377, %swap3A_378], %mul3A_376 {strides = array<i32>} : memref<64x128xf32, #tpu.memory_space<vmem>>, vector<16xf32>,
        %get3A_380 = arith.index_cast %scan3A_227 : i32 to index
        %get3A_381 = tpu.vector_load %arg10[%get3A_380] {strides = array<i32>} : memref<80xi32, #tpu.memory_space<vmem>>, vector<16xi32>,
        %slice3A = vector.extract_strided_slice %get3A_381 {offsets = [0], sizes = [1], strides = [1]} : vector<16xi32> to vector<1xi32>
        %squeeze3A = vector.extract %slice3A[0] : i32 from vector<1xi32>
        %and3A_382 = arith.constant 31 : i32
        %and3A_383 = arith.andi %squeeze3A, %and3A_382 : i32
        %shift_right_arithmetic3A = arith.constant 2 : i32
        %shift_right_arithmetic3A_384 = arith.shrsi %and3A_383, %shift_right_arithmetic3A : i32
        %and3A_385 = arith.constant 3 : i32
        %and3A_386 = arith.andi %and3A_383, %and3A_385 : i32
        %mul3A_387 = arith.constant 4 : i32
        %mul3A_388 = arith.muli %and3A_386, %mul3A_387 : i32
        %add3A_389 = arith.constant 0 : i32
        %add3A_390 = arith.addi %mul3A_388, %add3A_389 : i32
        %eq3A = vector.broadcast %add3A_390 : i32 to vector<16xi32>
        %eq3A_391 = arith.cmpi eq, %iota3A, %eq3A : vector<16xi32>
        %select_n3A_392 = arith.select %eq3A_391, %exp3A, %broadcast_in_dim3A_0 : vector<16xi1>, vector<16xf32>
        %add3A_393 = arith.constant 1 : i32
        %add3A_394 = arith.addi %mul3A_388, %add3A_393 : i32
        %eq3A_395 = vector.broadcast %add3A_394 : i32 to vector<16xi32>
        %eq3A_396 = arith.cmpi eq, %iota3A, %eq3A_395 : vector<16xi32>
        %select_n3A_397 = arith.select %eq3A_396, %exp3A_286, %select_n3A_392 : vector<16xi1>, vector<16xf32>
        %add3A_398 = arith.constant 2 : i32
        %add3A_399 = arith.addi %mul3A_388, %add3A_398 : i32
        %eq3A_400 = vector.broadcast %add3A_399 : i32 to vector<16xi32>
        %eq3A_401 = arith.cmpi eq, %iota3A, %eq3A_400 : vector<16xi32>
        %select_n3A_402 = arith.select %eq3A_401, %exp3A_317, %select_n3A_397 : vector<16xi1>, vector<16xf32>
        %add3A_403 = arith.constant 3 : i32
        %add3A_404 = arith.addi %mul3A_388, %add3A_403 : i32
        %eq3A_405 = vector.broadcast %add3A_404 : i32 to vector<16xi32>
        %eq3A_406 = arith.cmpi eq, %iota3A, %eq3A_405 : vector<16xi32>
        %select_n3A_407 = arith.select %eq3A_406, %exp3A_348, %select_n3A_402 : vector<16xi1>, vector<16xf32>
        %eq3A_408 = arith.constant 0 : i32
        %eq3A_409 = arith.cmpi eq, %shift_right_arithmetic3A_384, %eq3A_408 : i32
        %select_n3A_410 = arith.select %eq3A_409, %select_n3A_407, %broadcast_in_dim3A_0 : vector<16xf32>
        %swap3A_411 = arith.index_cast %scan3A_227 : i32 to index
        %swap3A_412 = arith.constant 0 : index
        %swap3A_413 = tpu.vector_load %arg15[%swap3A_411, %swap3A_412] {strides = array<i32>} : memref<64x128xf32, #tpu.memory_space<vmem>>, vector<16xf32>,
        tpu.vector_store %arg15[%swap3A_411, %swap3A_412], %select_n3A_410 {strides = array<i32>} : memref<64x128xf32, #tpu.memory_space<vmem>>, vector<16xf32>,
        %eq3A_414 = arith.constant 1 : i32
        %eq3A_415 = arith.cmpi eq, %shift_right_arithmetic3A_384, %eq3A_414 : i32
        %select_n3A_416 = arith.select %eq3A_415, %select_n3A_407, %broadcast_in_dim3A_0 : vector<16xf32>
        %swap3A_417 = arith.index_cast %scan3A_227 : i32 to index
        %swap3A_418 = arith.constant 16 : index
        %swap3A_419 = tpu.vector_load %arg15[%swap3A_417, %swap3A_418] {strides = array<i32>} : memref<64x128xf32, #tpu.memory_space<vmem>>, vector<16xf32>,
        tpu.vector_store %arg15[%swap3A_417, %swap3A_418], %select_n3A_416 {strides = array<i32>} : memref<64x128xf32, #tpu.memory_space<vmem>>, vector<16xf32>,
        %eq3A_420 = arith.constant 2 : i32
        %eq3A_421 = arith.cmpi eq, %shift_right_arithmetic3A_384, %eq3A_420 : i32
        %select_n3A_422 = arith.select %eq3A_421, %select_n3A_407, %broadcast_in_dim3A_0 : vector<16xf32>
        %swap3A_423 = arith.index_cast %scan3A_227 : i32 to index
        %swap3A_424 = arith.constant 32 : index
        %swap3A_425 = tpu.vector_load %arg15[%swap3A_423, %swap3A_424] {strides = array<i32>} : memref<64x128xf32, #tpu.memory_space<vmem>>, vector<16xf32>,
        tpu.vector_store %arg15[%swap3A_423, %swap3A_424], %select_n3A_422 {strides = array<i32>} : memref<64x128xf32, #tpu.memory_space<vmem>>, vector<16xf32>,
        %eq3A_426 = arith.constant 3 : i32
        %eq3A_427 = arith.cmpi eq, %shift_right_arithmetic3A_384, %eq3A_426 : i32
        %select_n3A_428 = arith.select %eq3A_427, %select_n3A_407, %broadcast_in_dim3A_0 : vector<16xf32>
        %swap3A_429 = arith.index_cast %scan3A_227 : i32 to index
        %swap3A_430 = arith.constant 48 : index
        %swap3A_431 = tpu.vector_load %arg15[%swap3A_429, %swap3A_430] {strides = array<i32>} : memref<64x128xf32, #tpu.memory_space<vmem>>, vector<16xf32>,
        tpu.vector_store %arg15[%swap3A_429, %swap3A_430], %select_n3A_428 {strides = array<i32>} : memref<64x128xf32, #tpu.memory_space<vmem>>, vector<16xf32>,
        %eq3A_432 = arith.constant 4 : i32
        %eq3A_433 = arith.cmpi eq, %shift_right_arithmetic3A_384, %eq3A_432 : i32
        %select_n3A_434 = arith.select %eq3A_433, %select_n3A_407, %broadcast_in_dim3A_0 : vector<16xf32>
        %swap3A_435 = arith.index_cast %scan3A_227 : i32 to index
        %swap3A_436 = arith.constant 64 : index
        %swap3A_437 = tpu.vector_load %arg15[%swap3A_435, %swap3A_436] {strides = array<i32>} : memref<64x128xf32, #tpu.memory_space<vmem>>, vector<16xf32>,
        tpu.vector_store %arg15[%swap3A_435, %swap3A_436], %select_n3A_434 {strides = array<i32>} : memref<64x128xf32, #tpu.memory_space<vmem>>, vector<16xf32>,
        %eq3A_438 = arith.constant 5 : i32
        %eq3A_439 = arith.cmpi eq, %shift_right_arithmetic3A_384, %eq3A_438 : i32
        %select_n3A_440 = arith.select %eq3A_439, %select_n3A_407, %broadcast_in_dim3A_0 : vector<16xf32>
        %swap3A_441 = arith.index_cast %scan3A_227 : i32 to index
        %swap3A_442 = arith.constant 80 : index
        %swap3A_443 = tpu.vector_load %arg15[%swap3A_441, %swap3A_442] {strides = array<i32>} : memref<64x128xf32, #tpu.memory_space<vmem>>, vector<16xf32>,
        tpu.vector_store %arg15[%swap3A_441, %swap3A_442], %select_n3A_440 {strides = array<i32>} : memref<64x128xf32, #tpu.memory_space<vmem>>, vector<16xf32>,
        %eq3A_444 = arith.constant 6 : i32
        %eq3A_445 = arith.cmpi eq, %shift_right_arithmetic3A_384, %eq3A_444 : i32
        %select_n3A_446 = arith.select %eq3A_445, %select_n3A_407, %broadcast_in_dim3A_0 : vector<16xf32>
        %swap3A_447 = arith.index_cast %scan3A_227 : i32 to index
        %swap3A_448 = arith.constant 96 : index
        %swap3A_449 = tpu.vector_load %arg15[%swap3A_447, %swap3A_448] {strides = array<i32>} : memref<64x128xf32, #tpu.memory_space<vmem>>, vector<16xf32>,
        tpu.vector_store %arg15[%swap3A_447, %swap3A_448], %select_n3A_446 {strides = array<i32>} : memref<64x128xf32, #tpu.memory_space<vmem>>, vector<16xf32>,
        %eq3A_450 = arith.constant 7 : i32
        %eq3A_451 = arith.cmpi eq, %shift_right_arithmetic3A_384, %eq3A_450 : i32
        %select_n3A_452 = arith.select %eq3A_451, %select_n3A_407, %broadcast_in_dim3A_0 : vector<16xf32>
        %swap3A_453 = arith.index_cast %scan3A_227 : i32 to index
        %swap3A_454 = arith.constant 112 : index
        %swap3A_455 = tpu.vector_load %arg15[%swap3A_453, %swap3A_454] {strides = array<i32>} : memref<64x128xf32, #tpu.memory_space<vmem>>, vector<16xf32>,
        tpu.vector_store %arg15[%swap3A_453, %swap3A_454], %select_n3A_452 {strides = array<i32>} : memref<64x128xf32, #tpu.memory_space<vmem>>, vector<16xf32>,
      }
      %scan3A_199 = arith.constant 64 : i32
      "tpu.region"() ({
        %run_scoped3A = tpu.sem_alloc : memref<!tpu.dma_semaphore, #tpu.memory_space<semaphore_mem>>
        %dma_start3A_227 = arith.constant 0 : i32
        %dma_start3A_228 = arith.constant 0 : i32
        %dma_start3A_229 = tpu.memref_slice %arg26[%dma_start3A_227, %dma_start3A_228] : memref<10016x128xf32, #tpu.memory_space<vmem_shared>> -> memref<10016x128xf32, #tpu.memory_space<vmem_shared>>
        tpu.enqueue_indirect_dma source(%arg14 : memref<64x128xf32, #tpu.memory_space<vmem>>) target(%dma_start3A_229 : memref<10016x128xf32, #tpu.memory_space<vmem_shared>>) offsets(%arg9 : memref<64xi32, #tpu.memory_space<vmem>>) semaphore(%run_scoped3A : memref<!tpu.dma_semaphore, #tpu.memory_space<semaphore_mem>>) {add = true}
        %dma_wait3A_230 = arith.constant 0 : i32
        %dma_wait3A_231 = arith.constant 0 : i32
        %dma_wait3A_232 = tpu.memref_slice %arg26[%dma_wait3A_230, %dma_wait3A_231] : memref<10016x128xf32, #tpu.memory_space<vmem_shared>> -> memref<10016x128xf32, #tpu.memory_space<vmem_shared>>
        tpu.wait_indirect_dma semaphore(%run_scoped3A : memref<!tpu.dma_semaphore, #tpu.memory_space<semaphore_mem>>) src(%arg14 : memref<64x128xf32, #tpu.memory_space<vmem>>) dst(%dma_wait3A_232 : memref<10016x128xf32, #tpu.memory_space<vmem_shared>>)
        tpu.yield
      }) : () -> ()
      "tpu.region"() ({
        %run_scoped3A = tpu.sem_alloc : memref<!tpu.dma_semaphore, #tpu.memory_space<semaphore_mem>>
        %dma_start3A_227 = arith.constant 0 : i32
        %dma_start3A_228 = arith.constant 0 : i32
        %dma_start3A_229 = tpu.memref_slice %arg27[%dma_start3A_227, %dma_start3A_228] : memref<320x128xf32, #tpu.memory_space<vmem_shared>> -> memref<320x128xf32, #tpu.memory_space<vmem_shared>>
        tpu.enqueue_indirect_dma source(%arg15 : memref<64x128xf32, #tpu.memory_space<vmem>>) target(%dma_start3A_229 : memref<320x128xf32, #tpu.memory_space<vmem_shared>>) offsets(%arg13 : memref<64xi32, #tpu.memory_space<vmem>>) semaphore(%run_scoped3A : memref<!tpu.dma_semaphore, #tpu.memory_space<semaphore_mem>>) {add = true}
        %dma_wait3A_230 = arith.constant 0 : i32
        %dma_wait3A_231 = arith.constant 0 : i32
        %dma_wait3A_232 = tpu.memref_slice %arg27[%dma_wait3A_230, %dma_wait3A_231] : memref<320x128xf32, #tpu.memory_space<vmem_shared>> -> memref<320x128xf32, #tpu.memory_space<vmem_shared>>
        tpu.wait_indirect_dma semaphore(%run_scoped3A : memref<!tpu.dma_semaphore, #tpu.memory_space<semaphore_mem>>) src(%arg15 : memref<64x128xf32, #tpu.memory_space<vmem>>) dst(%dma_wait3A_232 : memref<320x128xf32, #tpu.memory_space<vmem_shared>>)
        tpu.yield
      }) : () -> ()
      %add3A_200 = arith.constant 2 : i32
      %add3A_201 = arith.addi %add3A_188, %add3A_200 : i32
      %lt3A = arith.constant 320 : i32
      %lt3A_202 = arith.cmpi slt, %add3A_201, %lt3A : i32
      %convert_element_type3A = arith.extui %lt3A_202 : i1 to i32
      %cond3A = arith.constant 0 : i32
      %cond3A_203 = arith.cmpi ne, %convert_element_type3A, %cond3A : i32
      scf.if %cond3A_203 {
        %add3A_227 = arith.constant 2 : i32
        %add3A_228 = arith.addi %add3A_188, %add3A_227 : i32
        %mul3A_229 = arith.constant 16 : i32
        %mul3A_230 = arith.muli %mul3A_229, %add3A_228 : i32
        %add3A_231 = arith.addi %arg1, %mul3A_230 : i32
        %mul3A_232 = arith.constant 64 : i32
        %mul3A_233 = arith.muli %add3A_231, %mul3A_232 : i32
        "tpu.region"() ({
          %run_scoped3A = tpu.sem_alloc : memref<!tpu.dma_semaphore, #tpu.memory_space<semaphore_mem>>
          %dma_start3A_246 = tpu.memref_slice %arg3[%mul3A_233] : memref<327680xi32, #tpu.memory_space<hbm>> -> memref<64xi32, #tpu.memory_space<hbm>>
          %dma_start3A_247 = tpu.memref_slice %arg3[%mul3A_233] : memref<327680xi32, #tpu.memory_space<hbm>> -> memref<64xi32, #tpu.memory_space<hbm>>
          tpu.enqueue_dma source(%dma_start3A_247 : memref<64xi32, #tpu.memory_space<hbm>>) target(%arg8 : memref<64xi32, #tpu.memory_space<vmem>>) target_semaphore(%run_scoped3A : memref<!tpu.dma_semaphore, #tpu.memory_space<semaphore_mem>>)
          %dma_wait3A_248 = tpu.memref_slice %arg3[%mul3A_233] : memref<327680xi32, #tpu.memory_space<hbm>> -> memref<64xi32, #tpu.memory_space<hbm>>
          %dma_wait3A_249 = tpu.memref_slice %arg3[%mul3A_233] : memref<327680xi32, #tpu.memory_space<hbm>> -> memref<64xi32, #tpu.memory_space<hbm>>
          tpu.wait_dma2 semaphore(%run_scoped3A : memref<!tpu.dma_semaphore, #tpu.memory_space<semaphore_mem>>) src(%dma_wait3A_249 : memref<64xi32, #tpu.memory_space<hbm>>) dst(%arg8 : memref<64xi32, #tpu.memory_space<vmem>>)
          tpu.yield
        }) : () -> ()
        "tpu.region"() ({
          %run_scoped3A = tpu.sem_alloc : memref<!tpu.dma_semaphore, #tpu.memory_space<semaphore_mem>>
          %dma_start3A_246 = tpu.memref_slice %arg4[%mul3A_233] : memref<327680xi32, #tpu.memory_space<hbm>> -> memref<64xi32, #tpu.memory_space<hbm>>
          %dma_start3A_247 = tpu.memref_slice %arg4[%mul3A_233] : memref<327680xi32, #tpu.memory_space<hbm>> -> memref<64xi32, #tpu.memory_space<hbm>>
          tpu.enqueue_dma source(%dma_start3A_247 : memref<64xi32, #tpu.memory_space<hbm>>) target(%arg9 : memref<64xi32, #tpu.memory_space<vmem>>) target_semaphore(%run_scoped3A : memref<!tpu.dma_semaphore, #tpu.memory_space<semaphore_mem>>)
          %dma_wait3A_248 = tpu.memref_slice %arg4[%mul3A_233] : memref<327680xi32, #tpu.memory_space<hbm>> -> memref<64xi32, #tpu.memory_space<hbm>>
          %dma_wait3A_249 = tpu.memref_slice %arg4[%mul3A_233] : memref<327680xi32, #tpu.memory_space<hbm>> -> memref<64xi32, #tpu.memory_space<hbm>>
          tpu.wait_dma2 semaphore(%run_scoped3A : memref<!tpu.dma_semaphore, #tpu.memory_space<semaphore_mem>>) src(%dma_wait3A_249 : memref<64xi32, #tpu.memory_space<hbm>>) dst(%arg9 : memref<64xi32, #tpu.memory_space<vmem>>)
          tpu.yield
        }) : () -> ()
        %scan3A_234 = arith.constant 0 : i32
        %scan3A_235 = arith.constant 0 : i32
        %scan3A_236 = arith.constant 4 : i32
        %scan3A_237 = arith.addi %scan3A_235, %scan3A_236 : i32
        %scan3A_238 = arith.constant 1 : i32
        scf.for %scan3A_246 = %scan3A_235 to %scan3A_237 step %scan3A_238  : i32 {
          %mul3A_247 = arith.constant 16 : i32
          %mul3A_248 = arith.muli %scan3A_246, %mul3A_247 : i32
          %get3A_249 = arith.index_cast %mul3A_248 : i32 to index
          %get3A_250 = tpu.vector_load %arg9[%get3A_249] {strides = array<i32>} : memref<64xi32, #tpu.memory_space<vmem>>, vector<16xi32>,
          %mul3A_251 = arith.constant 16 : i32
          %mul3A_252 = arith.muli %scan3A_246, %mul3A_251 : i32
          %get3A_253 = arith.index_cast %mul3A_252 : i32 to index
          %get3A_254 = tpu.vector_load %arg8[%get3A_253] {strides = array<i32>} : memref<64xi32, #tpu.memory_space<vmem>>, vector<16xi32>,
          %add3A_255 = vector.broadcast %mul3A_91 : i32 to vector<16xi32>
          %add3A_256 = arith.addi %get3A_254, %add3A_255 : vector<16xi32>
          %mul3A_257 = arith.constant 16 : i32
          %mul3A_258 = arith.muli %scan3A_246, %mul3A_257 : i32
          %swap3A = arith.index_cast %mul3A_258 : i32 to index
          %swap3A_259 = tpu.vector_load %arg11[%swap3A] {strides = array<i32>} : memref<64xi32, #tpu.memory_space<vmem>>, vector<16xi32>,
          tpu.vector_store %arg11[%swap3A], %add3A_256 {strides = array<i32>} : memref<64xi32, #tpu.memory_space<vmem>>, vector<16xi32>,
          %add3A_260 = vector.broadcast %mul3A_95 : i32 to vector<16xi32>
          %add3A_261 = arith.addi %get3A_250, %add3A_260 : vector<16xi32>
          %mul3A_262 = arith.constant 16 : i32
          %mul3A_263 = arith.muli %scan3A_246, %mul3A_262 : i32
          %swap3A_264 = arith.index_cast %mul3A_263 : i32 to index
          %swap3A_265 = tpu.vector_load %arg12[%swap3A_264] {strides = array<i32>} : memref<64xi32, #tpu.memory_space<vmem>>, vector<16xi32>,
          tpu.vector_store %arg12[%swap3A_264], %add3A_261 {strides = array<i32>} : memref<64xi32, #tpu.memory_space<vmem>>, vector<16xi32>,
          %shift_right_logical3A = arith.constant 5 : i32
          %shift_right_logical3A_266 = vector.broadcast %shift_right_logical3A : i32 to vector<16xi32>
          %shift_right_logical3A_267 = arith.shrui %get3A_250, %shift_right_logical3A_266 : vector<16xi32>
          %mul3A_268 = arith.constant 16 : i32
          %mul3A_269 = arith.muli %scan3A_246, %mul3A_268 : i32
          %swap3A_270 = arith.index_cast %mul3A_269 : i32 to index
          %swap3A_271 = tpu.vector_load %arg13[%swap3A_270] {strides = array<i32>} : memref<64xi32, #tpu.memory_space<vmem>>, vector<16xi32>,
          tpu.vector_store %arg13[%swap3A_270], %shift_right_logical3A_267 {strides = array<i32>} : memref<64xi32, #tpu.memory_space<vmem>>, vector<16xi32>,
          %mul3A_272 = arith.constant 16 : i32
          %mul3A_273 = arith.muli %scan3A_246, %mul3A_272 : i32
          %swap3A_274 = arith.index_cast %mul3A_273 : i32 to index
          %swap3A_275 = tpu.vector_load %arg10[%swap3A_274] {strides = array<i32>} : memref<80xi32, #tpu.memory_space<vmem>>, vector<16xi32>,
          tpu.vector_store %arg10[%swap3A_274], %get3A_250 {strides = array<i32>} : memref<80xi32, #tpu.memory_space<vmem>>, vector<16xi32>,
        }
        %scan3A_239 = arith.constant 4 : i32
        %dma_start3A_240 = arith.constant 0 : i32
        %dma_start3A_241 = arith.constant 0 : i32
        %dma_start3A_242 = tpu.memref_slice %arg2[%dma_start3A_240, %dma_start3A_241] : memref<40016x128xf32, #tpu.memory_space<hbm>> -> memref<40016x128xf32, #tpu.memory_space<hbm>>
        tpu.enqueue_indirect_dma source(%dma_start3A_242 : memref<40016x128xf32, #tpu.memory_space<hbm>>) target(%arg14 : memref<64x128xf32, #tpu.memory_space<vmem>>) offsets(%arg11 : memref<64xi32, #tpu.memory_space<vmem>>) semaphore(%arg28 : memref<!tpu.dma_semaphore, #tpu.memory_space<semaphore_mem>>)
        %dma_start3A_243 = arith.constant 0 : i32
        %dma_start3A_244 = arith.constant 0 : i32
        %dma_start3A_245 = tpu.memref_slice %arg2[%dma_start3A_243, %dma_start3A_244] : memref<40016x128xf32, #tpu.memory_space<hbm>> -> memref<40016x128xf32, #tpu.memory_space<hbm>>
        tpu.enqueue_indirect_dma source(%dma_start3A_245 : memref<40016x128xf32, #tpu.memory_space<hbm>>) target(%arg15 : memref<64x128xf32, #tpu.memory_space<vmem>>) offsets(%arg12 : memref<64xi32, #tpu.memory_space<vmem>>) semaphore(%arg29 : memref<!tpu.dma_semaphore, #tpu.memory_space<semaphore_mem>>)
      } else {
      }
      %mul3A_204 = arith.constant 2 : i32
      %mul3A_205 = arith.muli %mul3A_204, %scan3A_184 : i32
      %add3A_206 = arith.constant 1 : i32
      %add3A_207 = arith.addi %mul3A_205, %add3A_206 : i32
      %dma_wait3A_208 = arith.constant 0 : i32
      %dma_wait3A_209 = arith.constant 0 : i32
      %dma_wait3A_210 = tpu.memref_slice %arg2[%dma_wait3A_208, %dma_wait3A_209] : memref<40016x128xf32, #tpu.memory_space<hbm>> -> memref<40016x128xf32, #tpu.memory_space<hbm>>
      tpu.wait_indirect_dma semaphore(%arg30 : memref<!tpu.dma_semaphore, #tpu.memory_space<semaphore_mem>>) src(%dma_wait3A_210 : memref<40016x128xf32, #tpu.memory_space<hbm>>) dst(%arg22 : memref<64x128xf32, #tpu.memory_space<vmem>>)
      %dma_wait3A_211 = arith.constant 0 : i32
      %dma_wait3A_212 = arith.constant 0 : i32
      %dma_wait3A_213 = tpu.memref_slice %arg2[%dma_wait3A_211, %dma_wait3A_212] : memref<40016x128xf32, #tpu.memory_space<hbm>> -> memref<40016x128xf32, #tpu.memory_space<hbm>>
      tpu.wait_indirect_dma semaphore(%arg31 : memref<!tpu.dma_semaphore, #tpu.memory_space<semaphore_mem>>) src(%dma_wait3A_213 : memref<40016x128xf32, #tpu.memory_space<hbm>>) dst(%arg23 : memref<64x128xf32, #tpu.memory_space<vmem>>)
      %scan3A_214 = arith.constant 0 : i32
      %scan3A_215 = arith.constant 0 : i32
      %scan3A_216 = arith.constant 64 : i32
      %scan3A_217 = arith.addi %scan3A_215, %scan3A_216 : i32
      %scan3A_218 = arith.constant 1 : i32
      scf.for %scan3A_227 = %scan3A_215 to %scan3A_217 step %scan3A_218  : i32 {
        %get3A_228 = arith.index_cast %scan3A_227 : i32 to index
        %get3A_229 = arith.constant 0 : index
        %get3A_230 = tpu.vector_load %arg22[%get3A_228, %get3A_229] {strides = array<i32>} : memref<64x128xf32, #tpu.memory_space<vmem>>, vector<16xf32>,
        %get3A_231 = arith.index_cast %scan3A_227 : i32 to index
        %get3A_232 = arith.constant 16 : index
        %get3A_233 = tpu.vector_load %arg22[%get3A_231, %get3A_232] {strides = array<i32>} : memref<64x128xf32, #tpu.memory_space<vmem>>, vector<16xf32>,
        %get3A_234 = arith.index_cast %scan3A_227 : i32 to index
        %get3A_235 = arith.constant 0 : index
        %get3A_236 = tpu.vector_load %arg23[%get3A_234, %get3A_235] {strides = array<i32>} : memref<64x128xf32, #tpu.memory_space<vmem>>, vector<16xf32>,
        %get3A_237 = arith.index_cast %scan3A_227 : i32 to index
        %get3A_238 = arith.constant 16 : index
        %get3A_239 = tpu.vector_load %arg23[%get3A_237, %get3A_238] {strides = array<i32>} : memref<64x128xf32, #tpu.memory_space<vmem>>, vector<16xf32>,
        %add3A_240 = arith.addf %get3A_230, %get3A_236 : vector<16xf32>
        %add3A_241 = arith.addf %get3A_233, %get3A_239 : vector<16xf32>
        %mul3A_242 = arith.constant 2.000000e-01 : f32
        %mul3A_243 = vector.broadcast %mul3A_242 : f32 to vector<16xf32>
        %mul3A_244 = arith.mulf %mul3A_243, %add3A_240 : vector<16xf32>
        %max3A = arith.maximumf %add3A_240, %mul3A_244 : vector<16xf32>
        %mul3A_245 = arith.constant 2.000000e-01 : f32
        %mul3A_246 = vector.broadcast %mul3A_245 : f32 to vector<16xf32>
        %mul3A_247 = arith.mulf %mul3A_246, %add3A_241 : vector<16xf32>
        %max3A_248 = arith.maximumf %add3A_241, %mul3A_247 : vector<16xf32>
        %mul3A_249 = arith.mulf %max3A, %get3A_76 : vector<16xf32>
        %mul3A_250 = arith.mulf %max3A_248, %get3A_78 : vector<16xf32>
        %add3A_251 = arith.addf %mul3A_249, %mul3A_250 : vector<16xf32>
        %reduce_sum3A = arith.constant true
        %reduce_sum3A_252 = vector.broadcast %reduce_sum3A : i1 to vector<16xi1>
        %reduce_sum3A_253 = tpu.scan <sum>, %add3A_251 masked %reduce_sum3A_252 : vector<16xf32>, vector<16xi1> -> vector<16xf32>
        %reduce_sum3A_254 = vector.extract %reduce_sum3A_253[15] : f32 from vector<16xf32>
        %broadcast_in_dim3A_255 = vector.broadcast %reduce_sum3A_254 : f32 to vector<16xf32>
        %exp3A = math.exp %broadcast_in_dim3A_255 : vector<16xf32>
        %get3A_256 = arith.index_cast %scan3A_227 : i32 to index
        %get3A_257 = arith.constant 32 : index
        %get3A_258 = tpu.vector_load %arg22[%get3A_256, %get3A_257] {strides = array<i32>} : memref<64x128xf32, #tpu.memory_space<vmem>>, vector<16xf32>,
        %get3A_259 = arith.index_cast %scan3A_227 : i32 to index
        %get3A_260 = arith.constant 48 : index
        %get3A_261 = tpu.vector_load %arg22[%get3A_259, %get3A_260] {strides = array<i32>} : memref<64x128xf32, #tpu.memory_space<vmem>>, vector<16xf32>,
        %get3A_262 = arith.index_cast %scan3A_227 : i32 to index
        %get3A_263 = arith.constant 32 : index
        %get3A_264 = tpu.vector_load %arg23[%get3A_262, %get3A_263] {strides = array<i32>} : memref<64x128xf32, #tpu.memory_space<vmem>>, vector<16xf32>,
        %get3A_265 = arith.index_cast %scan3A_227 : i32 to index
        %get3A_266 = arith.constant 48 : index
        %get3A_267 = tpu.vector_load %arg23[%get3A_265, %get3A_266] {strides = array<i32>} : memref<64x128xf32, #tpu.memory_space<vmem>>, vector<16xf32>,
        %add3A_268 = arith.addf %get3A_258, %get3A_264 : vector<16xf32>
        %add3A_269 = arith.addf %get3A_261, %get3A_267 : vector<16xf32>
        %mul3A_270 = arith.constant 2.000000e-01 : f32
        %mul3A_271 = vector.broadcast %mul3A_270 : f32 to vector<16xf32>
        %mul3A_272 = arith.mulf %mul3A_271, %add3A_268 : vector<16xf32>
        %max3A_273 = arith.maximumf %add3A_268, %mul3A_272 : vector<16xf32>
        %mul3A_274 = arith.constant 2.000000e-01 : f32
        %mul3A_275 = vector.broadcast %mul3A_274 : f32 to vector<16xf32>
        %mul3A_276 = arith.mulf %mul3A_275, %add3A_269 : vector<16xf32>
        %max3A_277 = arith.maximumf %add3A_269, %mul3A_276 : vector<16xf32>
        %mul3A_278 = arith.mulf %max3A_273, %get3A_80 : vector<16xf32>
        %mul3A_279 = arith.mulf %max3A_277, %get3A_82 : vector<16xf32>
        %add3A_280 = arith.addf %mul3A_278, %mul3A_279 : vector<16xf32>
        %reduce_sum3A_281 = arith.constant true
        %reduce_sum3A_282 = vector.broadcast %reduce_sum3A_281 : i1 to vector<16xi1>
        %reduce_sum3A_283 = tpu.scan <sum>, %add3A_280 masked %reduce_sum3A_282 : vector<16xf32>, vector<16xi1> -> vector<16xf32>
        %reduce_sum3A_284 = vector.extract %reduce_sum3A_283[15] : f32 from vector<16xf32>
        %broadcast_in_dim3A_285 = vector.broadcast %reduce_sum3A_284 : f32 to vector<16xf32>
        %exp3A_286 = math.exp %broadcast_in_dim3A_285 : vector<16xf32>
        %get3A_287 = arith.index_cast %scan3A_227 : i32 to index
        %get3A_288 = arith.constant 64 : index
        %get3A_289 = tpu.vector_load %arg22[%get3A_287, %get3A_288] {strides = array<i32>} : memref<64x128xf32, #tpu.memory_space<vmem>>, vector<16xf32>,
        %get3A_290 = arith.index_cast %scan3A_227 : i32 to index
        %get3A_291 = arith.constant 80 : index
        %get3A_292 = tpu.vector_load %arg22[%get3A_290, %get3A_291] {strides = array<i32>} : memref<64x128xf32, #tpu.memory_space<vmem>>, vector<16xf32>,
        %get3A_293 = arith.index_cast %scan3A_227 : i32 to index
        %get3A_294 = arith.constant 64 : index
        %get3A_295 = tpu.vector_load %arg23[%get3A_293, %get3A_294] {strides = array<i32>} : memref<64x128xf32, #tpu.memory_space<vmem>>, vector<16xf32>,
        %get3A_296 = arith.index_cast %scan3A_227 : i32 to index
        %get3A_297 = arith.constant 80 : index
        %get3A_298 = tpu.vector_load %arg23[%get3A_296, %get3A_297] {strides = array<i32>} : memref<64x128xf32, #tpu.memory_space<vmem>>, vector<16xf32>,
        %add3A_299 = arith.addf %get3A_289, %get3A_295 : vector<16xf32>
        %add3A_300 = arith.addf %get3A_292, %get3A_298 : vector<16xf32>
        %mul3A_301 = arith.constant 2.000000e-01 : f32
        %mul3A_302 = vector.broadcast %mul3A_301 : f32 to vector<16xf32>
        %mul3A_303 = arith.mulf %mul3A_302, %add3A_299 : vector<16xf32>
        %max3A_304 = arith.maximumf %add3A_299, %mul3A_303 : vector<16xf32>
        %mul3A_305 = arith.constant 2.000000e-01 : f32
        %mul3A_306 = vector.broadcast %mul3A_305 : f32 to vector<16xf32>
        %mul3A_307 = arith.mulf %mul3A_306, %add3A_300 : vector<16xf32>
        %max3A_308 = arith.maximumf %add3A_300, %mul3A_307 : vector<16xf32>
        %mul3A_309 = arith.mulf %max3A_304, %get3A_84 : vector<16xf32>
        %mul3A_310 = arith.mulf %max3A_308, %get3A_86 : vector<16xf32>
        %add3A_311 = arith.addf %mul3A_309, %mul3A_310 : vector<16xf32>
        %reduce_sum3A_312 = arith.constant true
        %reduce_sum3A_313 = vector.broadcast %reduce_sum3A_312 : i1 to vector<16xi1>
        %reduce_sum3A_314 = tpu.scan <sum>, %add3A_311 masked %reduce_sum3A_313 : vector<16xf32>, vector<16xi1> -> vector<16xf32>
        %reduce_sum3A_315 = vector.extract %reduce_sum3A_314[15] : f32 from vector<16xf32>
        %broadcast_in_dim3A_316 = vector.broadcast %reduce_sum3A_315 : f32 to vector<16xf32>
        %exp3A_317 = math.exp %broadcast_in_dim3A_316 : vector<16xf32>
        %get3A_318 = arith.index_cast %scan3A_227 : i32 to index
        %get3A_319 = arith.constant 96 : index
        %get3A_320 = tpu.vector_load %arg22[%get3A_318, %get3A_319] {strides = array<i32>} : memref<64x128xf32, #tpu.memory_space<vmem>>, vector<16xf32>,
        %get3A_321 = arith.index_cast %scan3A_227 : i32 to index
        %get3A_322 = arith.constant 112 : index
        %get3A_323 = tpu.vector_load %arg22[%get3A_321, %get3A_322] {strides = array<i32>} : memref<64x128xf32, #tpu.memory_space<vmem>>, vector<16xf32>,
        %get3A_324 = arith.index_cast %scan3A_227 : i32 to index
        %get3A_325 = arith.constant 96 : index
        %get3A_326 = tpu.vector_load %arg23[%get3A_324, %get3A_325] {strides = array<i32>} : memref<64x128xf32, #tpu.memory_space<vmem>>, vector<16xf32>,
        %get3A_327 = arith.index_cast %scan3A_227 : i32 to index
        %get3A_328 = arith.constant 112 : index
        %get3A_329 = tpu.vector_load %arg23[%get3A_327, %get3A_328] {strides = array<i32>} : memref<64x128xf32, #tpu.memory_space<vmem>>, vector<16xf32>,
        %add3A_330 = arith.addf %get3A_320, %get3A_326 : vector<16xf32>
        %add3A_331 = arith.addf %get3A_323, %get3A_329 : vector<16xf32>
        %mul3A_332 = arith.constant 2.000000e-01 : f32
        %mul3A_333 = vector.broadcast %mul3A_332 : f32 to vector<16xf32>
        %mul3A_334 = arith.mulf %mul3A_333, %add3A_330 : vector<16xf32>
        %max3A_335 = arith.maximumf %add3A_330, %mul3A_334 : vector<16xf32>
        %mul3A_336 = arith.constant 2.000000e-01 : f32
        %mul3A_337 = vector.broadcast %mul3A_336 : f32 to vector<16xf32>
        %mul3A_338 = arith.mulf %mul3A_337, %add3A_331 : vector<16xf32>
        %max3A_339 = arith.maximumf %add3A_331, %mul3A_338 : vector<16xf32>
        %mul3A_340 = arith.mulf %max3A_335, %get3A_88 : vector<16xf32>
        %mul3A_341 = arith.mulf %max3A_339, %get3A_90 : vector<16xf32>
        %add3A_342 = arith.addf %mul3A_340, %mul3A_341 : vector<16xf32>
        %reduce_sum3A_343 = arith.constant true
        %reduce_sum3A_344 = vector.broadcast %reduce_sum3A_343 : i1 to vector<16xi1>
        %reduce_sum3A_345 = tpu.scan <sum>, %add3A_342 masked %reduce_sum3A_344 : vector<16xf32>, vector<16xi1> -> vector<16xf32>
        %reduce_sum3A_346 = vector.extract %reduce_sum3A_345[15] : f32 from vector<16xf32>
        %broadcast_in_dim3A_347 = vector.broadcast %reduce_sum3A_346 : f32 to vector<16xf32>
        %exp3A_348 = math.exp %broadcast_in_dim3A_347 : vector<16xf32>
        %mul3A_349 = arith.mulf %exp3A, %get3A_230 : vector<16xf32>
        %swap3A = arith.index_cast %scan3A_227 : i32 to index
        %swap3A_350 = arith.constant 0 : index
        %swap3A_351 = tpu.vector_load %arg22[%swap3A, %swap3A_350] {strides = array<i32>} : memref<64x128xf32, #tpu.memory_space<vmem>>, vector<16xf32>,
        tpu.vector_store %arg22[%swap3A, %swap3A_350], %mul3A_349 {strides = array<i32>} : memref<64x128xf32, #tpu.memory_space<vmem>>, vector<16xf32>,
        %mul3A_352 = arith.mulf %exp3A, %get3A_233 : vector<16xf32>
        %swap3A_353 = arith.index_cast %scan3A_227 : i32 to index
        %swap3A_354 = arith.constant 16 : index
        %swap3A_355 = tpu.vector_load %arg22[%swap3A_353, %swap3A_354] {strides = array<i32>} : memref<64x128xf32, #tpu.memory_space<vmem>>, vector<16xf32>,
        tpu.vector_store %arg22[%swap3A_353, %swap3A_354], %mul3A_352 {strides = array<i32>} : memref<64x128xf32, #tpu.memory_space<vmem>>, vector<16xf32>,
        %mul3A_356 = arith.mulf %exp3A_286, %get3A_258 : vector<16xf32>
        %swap3A_357 = arith.index_cast %scan3A_227 : i32 to index
        %swap3A_358 = arith.constant 32 : index
        %swap3A_359 = tpu.vector_load %arg22[%swap3A_357, %swap3A_358] {strides = array<i32>} : memref<64x128xf32, #tpu.memory_space<vmem>>, vector<16xf32>,
        tpu.vector_store %arg22[%swap3A_357, %swap3A_358], %mul3A_356 {strides = array<i32>} : memref<64x128xf32, #tpu.memory_space<vmem>>, vector<16xf32>,
        %mul3A_360 = arith.mulf %exp3A_286, %get3A_261 : vector<16xf32>
        %swap3A_361 = arith.index_cast %scan3A_227 : i32 to index
        %swap3A_362 = arith.constant 48 : index
        %swap3A_363 = tpu.vector_load %arg22[%swap3A_361, %swap3A_362] {strides = array<i32>} : memref<64x128xf32, #tpu.memory_space<vmem>>, vector<16xf32>,
        tpu.vector_store %arg22[%swap3A_361, %swap3A_362], %mul3A_360 {strides = array<i32>} : memref<64x128xf32, #tpu.memory_space<vmem>>, vector<16xf32>,
        %mul3A_364 = arith.mulf %exp3A_317, %get3A_289 : vector<16xf32>
        %swap3A_365 = arith.index_cast %scan3A_227 : i32 to index
        %swap3A_366 = arith.constant 64 : index
        %swap3A_367 = tpu.vector_load %arg22[%swap3A_365, %swap3A_366] {strides = array<i32>} : memref<64x128xf32, #tpu.memory_space<vmem>>, vector<16xf32>,
        tpu.vector_store %arg22[%swap3A_365, %swap3A_366], %mul3A_364 {strides = array<i32>} : memref<64x128xf32, #tpu.memory_space<vmem>>, vector<16xf32>,
        %mul3A_368 = arith.mulf %exp3A_317, %get3A_292 : vector<16xf32>
        %swap3A_369 = arith.index_cast %scan3A_227 : i32 to index
        %swap3A_370 = arith.constant 80 : index
        %swap3A_371 = tpu.vector_load %arg22[%swap3A_369, %swap3A_370] {strides = array<i32>} : memref<64x128xf32, #tpu.memory_space<vmem>>, vector<16xf32>,
        tpu.vector_store %arg22[%swap3A_369, %swap3A_370], %mul3A_368 {strides = array<i32>} : memref<64x128xf32, #tpu.memory_space<vmem>>, vector<16xf32>,
        %mul3A_372 = arith.mulf %exp3A_348, %get3A_320 : vector<16xf32>
        %swap3A_373 = arith.index_cast %scan3A_227 : i32 to index
        %swap3A_374 = arith.constant 96 : index
        %swap3A_375 = tpu.vector_load %arg22[%swap3A_373, %swap3A_374] {strides = array<i32>} : memref<64x128xf32, #tpu.memory_space<vmem>>, vector<16xf32>,
        tpu.vector_store %arg22[%swap3A_373, %swap3A_374], %mul3A_372 {strides = array<i32>} : memref<64x128xf32, #tpu.memory_space<vmem>>, vector<16xf32>,
        %mul3A_376 = arith.mulf %exp3A_348, %get3A_323 : vector<16xf32>
        %swap3A_377 = arith.index_cast %scan3A_227 : i32 to index
        %swap3A_378 = arith.constant 112 : index
        %swap3A_379 = tpu.vector_load %arg22[%swap3A_377, %swap3A_378] {strides = array<i32>} : memref<64x128xf32, #tpu.memory_space<vmem>>, vector<16xf32>,
        tpu.vector_store %arg22[%swap3A_377, %swap3A_378], %mul3A_376 {strides = array<i32>} : memref<64x128xf32, #tpu.memory_space<vmem>>, vector<16xf32>,
        %get3A_380 = arith.index_cast %scan3A_227 : i32 to index
        %get3A_381 = tpu.vector_load %arg18[%get3A_380] {strides = array<i32>} : memref<80xi32, #tpu.memory_space<vmem>>, vector<16xi32>,
        %slice3A = vector.extract_strided_slice %get3A_381 {offsets = [0], sizes = [1], strides = [1]} : vector<16xi32> to vector<1xi32>
        %squeeze3A = vector.extract %slice3A[0] : i32 from vector<1xi32>
        %and3A_382 = arith.constant 31 : i32
        %and3A_383 = arith.andi %squeeze3A, %and3A_382 : i32
        %shift_right_arithmetic3A = arith.constant 2 : i32
        %shift_right_arithmetic3A_384 = arith.shrsi %and3A_383, %shift_right_arithmetic3A : i32
        %and3A_385 = arith.constant 3 : i32
        %and3A_386 = arith.andi %and3A_383, %and3A_385 : i32
        %mul3A_387 = arith.constant 4 : i32
        %mul3A_388 = arith.muli %and3A_386, %mul3A_387 : i32
        %add3A_389 = arith.constant 0 : i32
        %add3A_390 = arith.addi %mul3A_388, %add3A_389 : i32
        %eq3A = vector.broadcast %add3A_390 : i32 to vector<16xi32>
        %eq3A_391 = arith.cmpi eq, %iota3A, %eq3A : vector<16xi32>
        %select_n3A_392 = arith.select %eq3A_391, %exp3A, %broadcast_in_dim3A_0 : vector<16xi1>, vector<16xf32>
        %add3A_393 = arith.constant 1 : i32
        %add3A_394 = arith.addi %mul3A_388, %add3A_393 : i32
        %eq3A_395 = vector.broadcast %add3A_394 : i32 to vector<16xi32>
        %eq3A_396 = arith.cmpi eq, %iota3A, %eq3A_395 : vector<16xi32>
        %select_n3A_397 = arith.select %eq3A_396, %exp3A_286, %select_n3A_392 : vector<16xi1>, vector<16xf32>
        %add3A_398 = arith.constant 2 : i32
        %add3A_399 = arith.addi %mul3A_388, %add3A_398 : i32
        %eq3A_400 = vector.broadcast %add3A_399 : i32 to vector<16xi32>
        %eq3A_401 = arith.cmpi eq, %iota3A, %eq3A_400 : vector<16xi32>
        %select_n3A_402 = arith.select %eq3A_401, %exp3A_317, %select_n3A_397 : vector<16xi1>, vector<16xf32>
        %add3A_403 = arith.constant 3 : i32
        %add3A_404 = arith.addi %mul3A_388, %add3A_403 : i32
        %eq3A_405 = vector.broadcast %add3A_404 : i32 to vector<16xi32>
        %eq3A_406 = arith.cmpi eq, %iota3A, %eq3A_405 : vector<16xi32>
        %select_n3A_407 = arith.select %eq3A_406, %exp3A_348, %select_n3A_402 : vector<16xi1>, vector<16xf32>
        %eq3A_408 = arith.constant 0 : i32
        %eq3A_409 = arith.cmpi eq, %shift_right_arithmetic3A_384, %eq3A_408 : i32
        %select_n3A_410 = arith.select %eq3A_409, %select_n3A_407, %broadcast_in_dim3A_0 : vector<16xf32>
        %swap3A_411 = arith.index_cast %scan3A_227 : i32 to index
        %swap3A_412 = arith.constant 0 : index
        %swap3A_413 = tpu.vector_load %arg23[%swap3A_411, %swap3A_412] {strides = array<i32>} : memref<64x128xf32, #tpu.memory_space<vmem>>, vector<16xf32>,
        tpu.vector_store %arg23[%swap3A_411, %swap3A_412], %select_n3A_410 {strides = array<i32>} : memref<64x128xf32, #tpu.memory_space<vmem>>, vector<16xf32>,
        %eq3A_414 = arith.constant 1 : i32
        %eq3A_415 = arith.cmpi eq, %shift_right_arithmetic3A_384, %eq3A_414 : i32
        %select_n3A_416 = arith.select %eq3A_415, %select_n3A_407, %broadcast_in_dim3A_0 : vector<16xf32>
        %swap3A_417 = arith.index_cast %scan3A_227 : i32 to index
        %swap3A_418 = arith.constant 16 : index
        %swap3A_419 = tpu.vector_load %arg23[%swap3A_417, %swap3A_418] {strides = array<i32>} : memref<64x128xf32, #tpu.memory_space<vmem>>, vector<16xf32>,
        tpu.vector_store %arg23[%swap3A_417, %swap3A_418], %select_n3A_416 {strides = array<i32>} : memref<64x128xf32, #tpu.memory_space<vmem>>, vector<16xf32>,
        %eq3A_420 = arith.constant 2 : i32
        %eq3A_421 = arith.cmpi eq, %shift_right_arithmetic3A_384, %eq3A_420 : i32
        %select_n3A_422 = arith.select %eq3A_421, %select_n3A_407, %broadcast_in_dim3A_0 : vector<16xf32>
        %swap3A_423 = arith.index_cast %scan3A_227 : i32 to index
        %swap3A_424 = arith.constant 32 : index
        %swap3A_425 = tpu.vector_load %arg23[%swap3A_423, %swap3A_424] {strides = array<i32>} : memref<64x128xf32, #tpu.memory_space<vmem>>, vector<16xf32>,
        tpu.vector_store %arg23[%swap3A_423, %swap3A_424], %select_n3A_422 {strides = array<i32>} : memref<64x128xf32, #tpu.memory_space<vmem>>, vector<16xf32>,
        %eq3A_426 = arith.constant 3 : i32
        %eq3A_427 = arith.cmpi eq, %shift_right_arithmetic3A_384, %eq3A_426 : i32
        %select_n3A_428 = arith.select %eq3A_427, %select_n3A_407, %broadcast_in_dim3A_0 : vector<16xf32>
        %swap3A_429 = arith.index_cast %scan3A_227 : i32 to index
        %swap3A_430 = arith.constant 48 : index
        %swap3A_431 = tpu.vector_load %arg23[%swap3A_429, %swap3A_430] {strides = array<i32>} : memref<64x128xf32, #tpu.memory_space<vmem>>, vector<16xf32>,
        tpu.vector_store %arg23[%swap3A_429, %swap3A_430], %select_n3A_428 {strides = array<i32>} : memref<64x128xf32, #tpu.memory_space<vmem>>, vector<16xf32>,
        %eq3A_432 = arith.constant 4 : i32
        %eq3A_433 = arith.cmpi eq, %shift_right_arithmetic3A_384, %eq3A_432 : i32
        %select_n3A_434 = arith.select %eq3A_433, %select_n3A_407, %broadcast_in_dim3A_0 : vector<16xf32>
        %swap3A_435 = arith.index_cast %scan3A_227 : i32 to index
        %swap3A_436 = arith.constant 64 : index
        %swap3A_437 = tpu.vector_load %arg23[%swap3A_435, %swap3A_436] {strides = array<i32>} : memref<64x128xf32, #tpu.memory_space<vmem>>, vector<16xf32>,
        tpu.vector_store %arg23[%swap3A_435, %swap3A_436], %select_n3A_434 {strides = array<i32>} : memref<64x128xf32, #tpu.memory_space<vmem>>, vector<16xf32>,
        %eq3A_438 = arith.constant 5 : i32
        %eq3A_439 = arith.cmpi eq, %shift_right_arithmetic3A_384, %eq3A_438 : i32
        %select_n3A_440 = arith.select %eq3A_439, %select_n3A_407, %broadcast_in_dim3A_0 : vector<16xf32>
        %swap3A_441 = arith.index_cast %scan3A_227 : i32 to index
        %swap3A_442 = arith.constant 80 : index
        %swap3A_443 = tpu.vector_load %arg23[%swap3A_441, %swap3A_442] {strides = array<i32>} : memref<64x128xf32, #tpu.memory_space<vmem>>, vector<16xf32>,
        tpu.vector_store %arg23[%swap3A_441, %swap3A_442], %select_n3A_440 {strides = array<i32>} : memref<64x128xf32, #tpu.memory_space<vmem>>, vector<16xf32>,
        %eq3A_444 = arith.constant 6 : i32
        %eq3A_445 = arith.cmpi eq, %shift_right_arithmetic3A_384, %eq3A_444 : i32
        %select_n3A_446 = arith.select %eq3A_445, %select_n3A_407, %broadcast_in_dim3A_0 : vector<16xf32>
        %swap3A_447 = arith.index_cast %scan3A_227 : i32 to index
        %swap3A_448 = arith.constant 96 : index
        %swap3A_449 = tpu.vector_load %arg23[%swap3A_447, %swap3A_448] {strides = array<i32>} : memref<64x128xf32, #tpu.memory_space<vmem>>, vector<16xf32>,
        tpu.vector_store %arg23[%swap3A_447, %swap3A_448], %select_n3A_446 {strides = array<i32>} : memref<64x128xf32, #tpu.memory_space<vmem>>, vector<16xf32>,
        %eq3A_450 = arith.constant 7 : i32
        %eq3A_451 = arith.cmpi eq, %shift_right_arithmetic3A_384, %eq3A_450 : i32
        %select_n3A_452 = arith.select %eq3A_451, %select_n3A_407, %broadcast_in_dim3A_0 : vector<16xf32>
        %swap3A_453 = arith.index_cast %scan3A_227 : i32 to index
        %swap3A_454 = arith.constant 112 : index
        %swap3A_455 = tpu.vector_load %arg23[%swap3A_453, %swap3A_454] {strides = array<i32>} : memref<64x128xf32, #tpu.memory_space<vmem>>, vector<16xf32>,
        tpu.vector_store %arg23[%swap3A_453, %swap3A_454], %select_n3A_452 {strides = array<i32>} : memref<64x128xf32, #tpu.memory_space<vmem>>, vector<16xf32>,
      }
      %scan3A_219 = arith.constant 64 : i32
      "tpu.region"() ({
        %run_scoped3A = tpu.sem_alloc : memref<!tpu.dma_semaphore, #tpu.memory_space<semaphore_mem>>
        %dma_start3A_227 = arith.constant 0 : i32
        %dma_start3A_228 = arith.constant 0 : i32
        %dma_start3A_229 = tpu.memref_slice %arg26[%dma_start3A_227, %dma_start3A_228] : memref<10016x128xf32, #tpu.memory_space<vmem_shared>> -> memref<10016x128xf32, #tpu.memory_space<vmem_shared>>
        tpu.enqueue_indirect_dma source(%arg22 : memref<64x128xf32, #tpu.memory_space<vmem>>) target(%dma_start3A_229 : memref<10016x128xf32, #tpu.memory_space<vmem_shared>>) offsets(%arg17 : memref<64xi32, #tpu.memory_space<vmem>>) semaphore(%run_scoped3A : memref<!tpu.dma_semaphore, #tpu.memory_space<semaphore_mem>>) {add = true}
        %dma_wait3A_230 = arith.constant 0 : i32
        %dma_wait3A_231 = arith.constant 0 : i32
        %dma_wait3A_232 = tpu.memref_slice %arg26[%dma_wait3A_230, %dma_wait3A_231] : memref<10016x128xf32, #tpu.memory_space<vmem_shared>> -> memref<10016x128xf32, #tpu.memory_space<vmem_shared>>
        tpu.wait_indirect_dma semaphore(%run_scoped3A : memref<!tpu.dma_semaphore, #tpu.memory_space<semaphore_mem>>) src(%arg22 : memref<64x128xf32, #tpu.memory_space<vmem>>) dst(%dma_wait3A_232 : memref<10016x128xf32, #tpu.memory_space<vmem_shared>>)
        tpu.yield
      }) : () -> ()
      "tpu.region"() ({
        %run_scoped3A = tpu.sem_alloc : memref<!tpu.dma_semaphore, #tpu.memory_space<semaphore_mem>>
        %dma_start3A_227 = arith.constant 0 : i32
        %dma_start3A_228 = arith.constant 0 : i32
        %dma_start3A_229 = tpu.memref_slice %arg27[%dma_start3A_227, %dma_start3A_228] : memref<320x128xf32, #tpu.memory_space<vmem_shared>> -> memref<320x128xf32, #tpu.memory_space<vmem_shared>>
        tpu.enqueue_indirect_dma source(%arg23 : memref<64x128xf32, #tpu.memory_space<vmem>>) target(%dma_start3A_229 : memref<320x128xf32, #tpu.memory_space<vmem_shared>>) offsets(%arg21 : memref<64xi32, #tpu.memory_space<vmem>>) semaphore(%run_scoped3A : memref<!tpu.dma_semaphore, #tpu.memory_space<semaphore_mem>>) {add = true}
        %dma_wait3A_230 = arith.constant 0 : i32
        %dma_wait3A_231 = arith.constant 0 : i32
        %dma_wait3A_232 = tpu.memref_slice %arg27[%dma_wait3A_230, %dma_wait3A_231] : memref<320x128xf32, #tpu.memory_space<vmem_shared>> -> memref<320x128xf32, #tpu.memory_space<vmem_shared>>
        tpu.wait_indirect_dma semaphore(%run_scoped3A : memref<!tpu.dma_semaphore, #tpu.memory_space<semaphore_mem>>) src(%arg23 : memref<64x128xf32, #tpu.memory_space<vmem>>) dst(%dma_wait3A_232 : memref<320x128xf32, #tpu.memory_space<vmem_shared>>)
        tpu.yield
      }) : () -> ()
      %add3A_220 = arith.constant 2 : i32
      %add3A_221 = arith.addi %add3A_207, %add3A_220 : i32
      %lt3A_222 = arith.constant 320 : i32
      %lt3A_223 = arith.cmpi slt, %add3A_221, %lt3A_222 : i32
      %convert_element_type3A_224 = arith.extui %lt3A_223 : i1 to i32
      %cond3A_225 = arith.constant 0 : i32
      %cond3A_226 = arith.cmpi ne, %convert_element_type3A_224, %cond3A_225 : i32
      scf.if %cond3A_226 {
        %add3A_227 = arith.constant 2 : i32
        %add3A_228 = arith.addi %add3A_207, %add3A_227 : i32
        %mul3A_229 = arith.constant 16 : i32
        %mul3A_230 = arith.muli %mul3A_229, %add3A_228 : i32
        %add3A_231 = arith.addi %arg1, %mul3A_230 : i32
        %mul3A_232 = arith.constant 64 : i32
        %mul3A_233 = arith.muli %add3A_231, %mul3A_232 : i32
        "tpu.region"() ({
          %run_scoped3A = tpu.sem_alloc : memref<!tpu.dma_semaphore, #tpu.memory_space<semaphore_mem>>
          %dma_start3A_246 = tpu.memref_slice %arg3[%mul3A_233] : memref<327680xi32, #tpu.memory_space<hbm>> -> memref<64xi32, #tpu.memory_space<hbm>>
          %dma_start3A_247 = tpu.memref_slice %arg3[%mul3A_233] : memref<327680xi32, #tpu.memory_space<hbm>> -> memref<64xi32, #tpu.memory_space<hbm>>
          tpu.enqueue_dma source(%dma_start3A_247 : memref<64xi32, #tpu.memory_space<hbm>>) target(%arg16 : memref<64xi32, #tpu.memory_space<vmem>>) target_semaphore(%run_scoped3A : memref<!tpu.dma_semaphore, #tpu.memory_space<semaphore_mem>>)
          %dma_wait3A_248 = tpu.memref_slice %arg3[%mul3A_233] : memref<327680xi32, #tpu.memory_space<hbm>> -> memref<64xi32, #tpu.memory_space<hbm>>
          %dma_wait3A_249 = tpu.memref_slice %arg3[%mul3A_233] : memref<327680xi32, #tpu.memory_space<hbm>> -> memref<64xi32, #tpu.memory_space<hbm>>
          tpu.wait_dma2 semaphore(%run_scoped3A : memref<!tpu.dma_semaphore, #tpu.memory_space<semaphore_mem>>) src(%dma_wait3A_249 : memref<64xi32, #tpu.memory_space<hbm>>) dst(%arg16 : memref<64xi32, #tpu.memory_space<vmem>>)
          tpu.yield
        }) : () -> ()
        "tpu.region"() ({
          %run_scoped3A = tpu.sem_alloc : memref<!tpu.dma_semaphore, #tpu.memory_space<semaphore_mem>>
          %dma_start3A_246 = tpu.memref_slice %arg4[%mul3A_233] : memref<327680xi32, #tpu.memory_space<hbm>> -> memref<64xi32, #tpu.memory_space<hbm>>
          %dma_start3A_247 = tpu.memref_slice %arg4[%mul3A_233] : memref<327680xi32, #tpu.memory_space<hbm>> -> memref<64xi32, #tpu.memory_space<hbm>>
          tpu.enqueue_dma source(%dma_start3A_247 : memref<64xi32, #tpu.memory_space<hbm>>) target(%arg17 : memref<64xi32, #tpu.memory_space<vmem>>) target_semaphore(%run_scoped3A : memref<!tpu.dma_semaphore, #tpu.memory_space<semaphore_mem>>)
          %dma_wait3A_248 = tpu.memref_slice %arg4[%mul3A_233] : memref<327680xi32, #tpu.memory_space<hbm>> -> memref<64xi32, #tpu.memory_space<hbm>>
          %dma_wait3A_249 = tpu.memref_slice %arg4[%mul3A_233] : memref<327680xi32, #tpu.memory_space<hbm>> -> memref<64xi32, #tpu.memory_space<hbm>>
          tpu.wait_dma2 semaphore(%run_scoped3A : memref<!tpu.dma_semaphore, #tpu.memory_space<semaphore_mem>>) src(%dma_wait3A_249 : memref<64xi32, #tpu.memory_space<hbm>>) dst(%arg17 : memref<64xi32, #tpu.memory_space<vmem>>)
          tpu.yield
        }) : () -> ()
        %scan3A_234 = arith.constant 0 : i32
        %scan3A_235 = arith.constant 0 : i32
        %scan3A_236 = arith.constant 4 : i32
        %scan3A_237 = arith.addi %scan3A_235, %scan3A_236 : i32
        %scan3A_238 = arith.constant 1 : i32
        scf.for %scan3A_246 = %scan3A_235 to %scan3A_237 step %scan3A_238  : i32 {
          %mul3A_247 = arith.constant 16 : i32
          %mul3A_248 = arith.muli %scan3A_246, %mul3A_247 : i32
          %get3A_249 = arith.index_cast %mul3A_248 : i32 to index
          %get3A_250 = tpu.vector_load %arg17[%get3A_249] {strides = array<i32>} : memref<64xi32, #tpu.memory_space<vmem>>, vector<16xi32>,
          %mul3A_251 = arith.constant 16 : i32
          %mul3A_252 = arith.muli %scan3A_246, %mul3A_251 : i32
          %get3A_253 = arith.index_cast %mul3A_252 : i32 to index
          %get3A_254 = tpu.vector_load %arg16[%get3A_253] {strides = array<i32>} : memref<64xi32, #tpu.memory_space<vmem>>, vector<16xi32>,
          %add3A_255 = vector.broadcast %mul3A_91 : i32 to vector<16xi32>
          %add3A_256 = arith.addi %get3A_254, %add3A_255 : vector<16xi32>
          %mul3A_257 = arith.constant 16 : i32
          %mul3A_258 = arith.muli %scan3A_246, %mul3A_257 : i32
          %swap3A = arith.index_cast %mul3A_258 : i32 to index
          %swap3A_259 = tpu.vector_load %arg19[%swap3A] {strides = array<i32>} : memref<64xi32, #tpu.memory_space<vmem>>, vector<16xi32>,
          tpu.vector_store %arg19[%swap3A], %add3A_256 {strides = array<i32>} : memref<64xi32, #tpu.memory_space<vmem>>, vector<16xi32>,
          %add3A_260 = vector.broadcast %mul3A_95 : i32 to vector<16xi32>
          %add3A_261 = arith.addi %get3A_250, %add3A_260 : vector<16xi32>
          %mul3A_262 = arith.constant 16 : i32
          %mul3A_263 = arith.muli %scan3A_246, %mul3A_262 : i32
          %swap3A_264 = arith.index_cast %mul3A_263 : i32 to index
          %swap3A_265 = tpu.vector_load %arg20[%swap3A_264] {strides = array<i32>} : memref<64xi32, #tpu.memory_space<vmem>>, vector<16xi32>,
          tpu.vector_store %arg20[%swap3A_264], %add3A_261 {strides = array<i32>} : memref<64xi32, #tpu.memory_space<vmem>>, vector<16xi32>,
          %shift_right_logical3A = arith.constant 5 : i32
          %shift_right_logical3A_266 = vector.broadcast %shift_right_logical3A : i32 to vector<16xi32>
          %shift_right_logical3A_267 = arith.shrui %get3A_250, %shift_right_logical3A_266 : vector<16xi32>
          %mul3A_268 = arith.constant 16 : i32
          %mul3A_269 = arith.muli %scan3A_246, %mul3A_268 : i32
          %swap3A_270 = arith.index_cast %mul3A_269 : i32 to index
          %swap3A_271 = tpu.vector_load %arg21[%swap3A_270] {strides = array<i32>} : memref<64xi32, #tpu.memory_space<vmem>>, vector<16xi32>,
          tpu.vector_store %arg21[%swap3A_270], %shift_right_logical3A_267 {strides = array<i32>} : memref<64xi32, #tpu.memory_space<vmem>>, vector<16xi32>,
          %mul3A_272 = arith.constant 16 : i32
          %mul3A_273 = arith.muli %scan3A_246, %mul3A_272 : i32
          %swap3A_274 = arith.index_cast %mul3A_273 : i32 to index
          %swap3A_275 = tpu.vector_load %arg18[%swap3A_274] {strides = array<i32>} : memref<80xi32, #tpu.memory_space<vmem>>, vector<16xi32>,
          tpu.vector_store %arg18[%swap3A_274], %get3A_250 {strides = array<i32>} : memref<80xi32, #tpu.memory_space<vmem>>, vector<16xi32>,
        }
        %scan3A_239 = arith.constant 4 : i32
        %dma_start3A_240 = arith.constant 0 : i32
        %dma_start3A_241 = arith.constant 0 : i32
        %dma_start3A_242 = tpu.memref_slice %arg2[%dma_start3A_240, %dma_start3A_241] : memref<40016x128xf32, #tpu.memory_space<hbm>> -> memref<40016x128xf32, #tpu.memory_space<hbm>>
        tpu.enqueue_indirect_dma source(%dma_start3A_242 : memref<40016x128xf32, #tpu.memory_space<hbm>>) target(%arg22 : memref<64x128xf32, #tpu.memory_space<vmem>>) offsets(%arg19 : memref<64xi32, #tpu.memory_space<vmem>>) semaphore(%arg30 : memref<!tpu.dma_semaphore, #tpu.memory_space<semaphore_mem>>)
        %dma_start3A_243 = arith.constant 0 : i32
        %dma_start3A_244 = arith.constant 0 : i32
        %dma_start3A_245 = tpu.memref_slice %arg2[%dma_start3A_243, %dma_start3A_244] : memref<40016x128xf32, #tpu.memory_space<hbm>> -> memref<40016x128xf32, #tpu.memory_space<hbm>>
        tpu.enqueue_indirect_dma source(%dma_start3A_245 : memref<40016x128xf32, #tpu.memory_space<hbm>>) target(%arg23 : memref<64x128xf32, #tpu.memory_space<vmem>>) offsets(%arg20 : memref<64xi32, #tpu.memory_space<vmem>>) semaphore(%arg31 : memref<!tpu.dma_semaphore, #tpu.memory_space<semaphore_mem>>)
      } else {
      }
    }
    %scan3A_132 = arith.constant 160 : i32
    %barrier3A_133 = arith.constant 0 : index
    tpu.barrier barrier_id(%barrier3A_133)
    %sub3A_134 = arith.constant 625 : i32
    %sub3A_135 = arith.subi %sub3A_134, %arg1 : i32
    %add3A_136 = arith.constant 16 : i32
    %add3A_137 = arith.addi %sub3A_135, %add3A_136 : i32
    %sub3A_138 = arith.constant 1 : i32
    %sub3A_139 = arith.subi %add3A_137, %sub3A_138 : i32
    %jit3A_140 = arith.constant 16 : i32
    %div3A_141 = arith.divsi %sub3A_139, %jit3A_140 : i32
    %sign3A_142 = arith.constant 0 : i32
    %sign3A_143 = arith.cmpi sgt, %sub3A_139, %sign3A_142 : i32
    %sign3A_144 = arith.extui %sign3A_143 : i1 to i32
    %sign3A_145 = arith.constant 0 : i32
    %sign3A_146 = arith.cmpi slt, %sub3A_139, %sign3A_145 : i32
    %sign3A_147 = arith.extui %sign3A_146 : i1 to i32
    %sign3A_148 = arith.subi %sign3A_144, %sign3A_147 : i32
    %sign3A_149 = arith.constant 0 : i32
    %sign3A_150 = arith.cmpi sgt, %jit3A_140, %sign3A_149 : i32
    %sign3A_151 = arith.extui %sign3A_150 : i1 to i32
    %sign3A_152 = arith.constant 0 : i32
    %sign3A_153 = arith.cmpi slt, %jit3A_140, %sign3A_152 : i32
    %sign3A_154 = arith.extui %sign3A_153 : i1 to i32
    %sign3A_155 = arith.subi %sign3A_151, %sign3A_154 : i32
    %ne3A_156 = arith.cmpi ne, %sign3A_148, %sign3A_155 : i32
    %rem3A_157 = arith.remsi %sub3A_139, %jit3A_140 : i32
    %ne3A_158 = arith.constant 0 : i32
    %ne3A_159 = arith.cmpi ne, %rem3A_157, %ne3A_158 : i32
    %and3A_160 = arith.andi %ne3A_156, %ne3A_159 : i1
    %sub3A_161 = arith.constant 1 : i32
    %sub3A_162 = arith.subi %div3A_141, %sub3A_161 : i32
    %select_n3A_163 = arith.select %and3A_160, %sub3A_162, %div3A_141 : i32
    %while3A_164 = arith.constant 0 : i32
    %while3A_165 = arith.constant 0 : i32
    %while3A_166 = arith.subi %select_n3A_163, %while3A_165 : i32
    %while3A_167 = arith.addi %while3A_165, %while3A_166 : i32
    %while3A_168 = arith.constant 1 : i32
    %while3A_169 = arith.divsi %while3A_166, %while3A_168 : i32
    %while3A_170 = arith.muli %while3A_169, %while3A_168 : i32
    %while3A_171 = arith.addi %while3A_165, %while3A_170 : i32
    %while3A_172 = arith.constant 1 : i32
    scf.for %while3A_184 = %while3A_165 to %while3A_171 step %while3A_172  : i32 {
      %mul3A_185 = arith.constant 16 : i32
      %mul3A_186 = arith.muli %mul3A_185, %while3A_184 : i32
      %add3A_187 = arith.addi %arg1, %mul3A_186 : i32
      %mul3A_188 = arith.constant 16 : i32
      %mul3A_189 = arith.muli %add3A_187, %mul3A_188 : i32
      "tpu.region"() ({
        %run_scoped3A = tpu.sem_alloc : memref<!tpu.dma_semaphore, #tpu.memory_space<semaphore_mem>>
        %dma_start3A_195 = arith.constant 0 : i32
        %dma_start3A_196 = tpu.memref_slice %arg26[%mul3A_189, %dma_start3A_195] : memref<10016x128xf32, #tpu.memory_space<vmem_shared>> -> memref<16x128xf32, #tpu.memory_space<vmem_shared>>
        %dma_start3A_197 = arith.constant 0 : i32
        %dma_start3A_198 = tpu.memref_slice %arg26[%mul3A_189, %dma_start3A_197] : memref<10016x128xf32, #tpu.memory_space<vmem_shared>> -> memref<16x128xf32, #tpu.memory_space<vmem_shared>>
        tpu.enqueue_dma source(%dma_start3A_198 : memref<16x128xf32, #tpu.memory_space<vmem_shared>>) target(%arg24 : memref<16x128xf32, #tpu.memory_space<vmem>>) target_semaphore(%run_scoped3A : memref<!tpu.dma_semaphore, #tpu.memory_space<semaphore_mem>>)
        %dma_wait3A = arith.constant 0 : i32
        %dma_wait3A_199 = tpu.memref_slice %arg26[%mul3A_189, %dma_wait3A] : memref<10016x128xf32, #tpu.memory_space<vmem_shared>> -> memref<16x128xf32, #tpu.memory_space<vmem_shared>>
        %dma_wait3A_200 = arith.constant 0 : i32
        %dma_wait3A_201 = tpu.memref_slice %arg26[%mul3A_189, %dma_wait3A_200] : memref<10016x128xf32, #tpu.memory_space<vmem_shared>> -> memref<16x128xf32, #tpu.memory_space<vmem_shared>>
        tpu.wait_dma2 semaphore(%run_scoped3A : memref<!tpu.dma_semaphore, #tpu.memory_space<semaphore_mem>>) src(%dma_wait3A_201 : memref<16x128xf32, #tpu.memory_space<vmem_shared>>) dst(%arg24 : memref<16x128xf32, #tpu.memory_space<vmem>>)
        tpu.yield
      }) : () -> ()
      %mul3A_190 = arith.constant 10000 : i32
      %mul3A_191 = arith.muli %arg0, %mul3A_190 : i32
      %mul3A_192 = arith.constant 16 : i32
      %mul3A_193 = arith.muli %add3A_187, %mul3A_192 : i32
      %add3A_194 = arith.addi %mul3A_191, %mul3A_193 : i32
      "tpu.region"() ({
        %run_scoped3A = tpu.sem_alloc : memref<!tpu.dma_semaphore, #tpu.memory_space<semaphore_mem>>
        %dma_start3A_195 = arith.constant 0 : i32
        %dma_start3A_196 = tpu.memref_slice %arg6[%add3A_194, %dma_start3A_195] : memref<20000x128xf32, #tpu.memory_space<hbm>> -> memref<16x128xf32, #tpu.memory_space<hbm>>
        %dma_start3A_197 = arith.constant 0 : i32
        %dma_start3A_198 = tpu.memref_slice %arg6[%add3A_194, %dma_start3A_197] : memref<20000x128xf32, #tpu.memory_space<hbm>> -> memref<16x128xf32, #tpu.memory_space<hbm>>
        tpu.enqueue_dma source(%arg24 : memref<16x128xf32, #tpu.memory_space<vmem>>) target(%dma_start3A_198 : memref<16x128xf32, #tpu.memory_space<hbm>>) target_semaphore(%run_scoped3A : memref<!tpu.dma_semaphore, #tpu.memory_space<semaphore_mem>>)
        %dma_wait3A = arith.constant 0 : i32
        %dma_wait3A_199 = tpu.memref_slice %arg6[%add3A_194, %dma_wait3A] : memref<20000x128xf32, #tpu.memory_space<hbm>> -> memref<16x128xf32, #tpu.memory_space<hbm>>
        %dma_wait3A_200 = arith.constant 0 : i32
        %dma_wait3A_201 = tpu.memref_slice %arg6[%add3A_194, %dma_wait3A_200] : memref<20000x128xf32, #tpu.memory_space<hbm>> -> memref<16x128xf32, #tpu.memory_space<hbm>>
        tpu.wait_dma2 semaphore(%run_scoped3A : memref<!tpu.dma_semaphore, #tpu.memory_space<semaphore_mem>>) src(%arg24 : memref<16x128xf32, #tpu.memory_space<vmem>>) dst(%dma_wait3A_201 : memref<16x128xf32, #tpu.memory_space<hbm>>)
        tpu.yield
      }) : () -> ()
    }
    %while3A_173 = arith.constant 1 : i32
    scf.for %while3A_184 = %while3A_171 to %while3A_167 step %while3A_173  : i32 {
      %mul3A_185 = arith.constant 16 : i32
      %mul3A_186 = arith.muli %mul3A_185, %while3A_184 : i32
      %add3A_187 = arith.addi %arg1, %mul3A_186 : i32
      %mul3A_188 = arith.constant 16 : i32
      %mul3A_189 = arith.muli %add3A_187, %mul3A_188 : i32
      "tpu.region"() ({
        %run_scoped3A = tpu.sem_alloc : memref<!tpu.dma_semaphore, #tpu.memory_space<semaphore_mem>>
        %dma_start3A_195 = arith.constant 0 : i32
        %dma_start3A_196 = tpu.memref_slice %arg26[%mul3A_189, %dma_start3A_195] : memref<10016x128xf32, #tpu.memory_space<vmem_shared>> -> memref<16x128xf32, #tpu.memory_space<vmem_shared>>
        %dma_start3A_197 = arith.constant 0 : i32
        %dma_start3A_198 = tpu.memref_slice %arg26[%mul3A_189, %dma_start3A_197] : memref<10016x128xf32, #tpu.memory_space<vmem_shared>> -> memref<16x128xf32, #tpu.memory_space<vmem_shared>>
        tpu.enqueue_dma source(%dma_start3A_198 : memref<16x128xf32, #tpu.memory_space<vmem_shared>>) target(%arg24 : memref<16x128xf32, #tpu.memory_space<vmem>>) target_semaphore(%run_scoped3A : memref<!tpu.dma_semaphore, #tpu.memory_space<semaphore_mem>>)
        %dma_wait3A = arith.constant 0 : i32
        %dma_wait3A_199 = tpu.memref_slice %arg26[%mul3A_189, %dma_wait3A] : memref<10016x128xf32, #tpu.memory_space<vmem_shared>> -> memref<16x128xf32, #tpu.memory_space<vmem_shared>>
        %dma_wait3A_200 = arith.constant 0 : i32
        %dma_wait3A_201 = tpu.memref_slice %arg26[%mul3A_189, %dma_wait3A_200] : memref<10016x128xf32, #tpu.memory_space<vmem_shared>> -> memref<16x128xf32, #tpu.memory_space<vmem_shared>>
        tpu.wait_dma2 semaphore(%run_scoped3A : memref<!tpu.dma_semaphore, #tpu.memory_space<semaphore_mem>>) src(%dma_wait3A_201 : memref<16x128xf32, #tpu.memory_space<vmem_shared>>) dst(%arg24 : memref<16x128xf32, #tpu.memory_space<vmem>>)
        tpu.yield
      }) : () -> ()
      %mul3A_190 = arith.constant 10000 : i32
      %mul3A_191 = arith.muli %arg0, %mul3A_190 : i32
      %mul3A_192 = arith.constant 16 : i32
      %mul3A_193 = arith.muli %add3A_187, %mul3A_192 : i32
      %add3A_194 = arith.addi %mul3A_191, %mul3A_193 : i32
      "tpu.region"() ({
        %run_scoped3A = tpu.sem_alloc : memref<!tpu.dma_semaphore, #tpu.memory_space<semaphore_mem>>
        %dma_start3A_195 = arith.constant 0 : i32
        %dma_start3A_196 = tpu.memref_slice %arg6[%add3A_194, %dma_start3A_195] : memref<20000x128xf32, #tpu.memory_space<hbm>> -> memref<16x128xf32, #tpu.memory_space<hbm>>
        %dma_start3A_197 = arith.constant 0 : i32
        %dma_start3A_198 = tpu.memref_slice %arg6[%add3A_194, %dma_start3A_197] : memref<20000x128xf32, #tpu.memory_space<hbm>> -> memref<16x128xf32, #tpu.memory_space<hbm>>
        tpu.enqueue_dma source(%arg24 : memref<16x128xf32, #tpu.memory_space<vmem>>) target(%dma_start3A_198 : memref<16x128xf32, #tpu.memory_space<hbm>>) target_semaphore(%run_scoped3A : memref<!tpu.dma_semaphore, #tpu.memory_space<semaphore_mem>>)
        %dma_wait3A = arith.constant 0 : i32
        %dma_wait3A_199 = tpu.memref_slice %arg6[%add3A_194, %dma_wait3A] : memref<20000x128xf32, #tpu.memory_space<hbm>> -> memref<16x128xf32, #tpu.memory_space<hbm>>
        %dma_wait3A_200 = arith.constant 0 : i32
        %dma_wait3A_201 = tpu.memref_slice %arg6[%add3A_194, %dma_wait3A_200] : memref<20000x128xf32, #tpu.memory_space<hbm>> -> memref<16x128xf32, #tpu.memory_space<hbm>>
        tpu.wait_dma2 semaphore(%run_scoped3A : memref<!tpu.dma_semaphore, #tpu.memory_space<semaphore_mem>>) src(%arg24 : memref<16x128xf32, #tpu.memory_space<vmem>>) dst(%dma_wait3A_201 : memref<16x128xf32, #tpu.memory_space<hbm>>)
        tpu.yield
      }) : () -> ()
    }
    %while3A_174 = arith.constant 0 : i32
    %while3A_175 = arith.constant 0 : i32
    %while3A_176 = arith.subi %select_n3A_65, %while3A_175 : i32
    %while3A_177 = arith.addi %while3A_175, %while3A_176 : i32
    %while3A_178 = arith.constant 1 : i32
    %while3A_179 = arith.divsi %while3A_176, %while3A_178 : i32
    %while3A_180 = arith.muli %while3A_179, %while3A_178 : i32
    %while3A_181 = arith.addi %while3A_175, %while3A_180 : i32
    %while3A_182 = arith.constant 1 : i32
    scf.for %while3A_184 = %while3A_175 to %while3A_181 step %while3A_182  : i32 {
      %mul3A_185 = arith.constant 16 : i32
      %mul3A_186 = arith.muli %mul3A_185, %while3A_184 : i32
      %add3A_187 = arith.addi %arg1, %mul3A_186 : i32
      %mul3A_188 = arith.constant 8 : i32
      %mul3A_189 = arith.muli %add3A_187, %mul3A_188 : i32
      "tpu.region"() ({
        %run_scoped3A = tpu.sem_alloc : memref<!tpu.dma_semaphore, #tpu.memory_space<semaphore_mem>>
        %dma_start3A_192 = arith.constant 0 : i32
        %dma_start3A_193 = arith.constant 0 : i32
        %dma_start3A_194 = tpu.memref_slice %arg24[%dma_start3A_192, %dma_start3A_193] : memref<16x128xf32, #tpu.memory_space<vmem>> -> memref<8x128xf32, #tpu.memory_space<vmem>>
        %dma_start3A_195 = arith.constant 0 : i32
        %dma_start3A_196 = tpu.memref_slice %arg27[%mul3A_189, %dma_start3A_195] : memref<320x128xf32, #tpu.memory_space<vmem_shared>> -> memref<8x128xf32, #tpu.memory_space<vmem_shared>>
        %dma_start3A_197 = arith.constant 0 : i32
        %dma_start3A_198 = arith.constant 0 : i32
        %dma_start3A_199 = tpu.memref_slice %arg24[%dma_start3A_197, %dma_start3A_198] : memref<16x128xf32, #tpu.memory_space<vmem>> -> memref<8x128xf32, #tpu.memory_space<vmem>>
        %dma_start3A_200 = arith.constant 0 : i32
        %dma_start3A_201 = tpu.memref_slice %arg27[%mul3A_189, %dma_start3A_200] : memref<320x128xf32, #tpu.memory_space<vmem_shared>> -> memref<8x128xf32, #tpu.memory_space<vmem_shared>>
        tpu.enqueue_dma source(%dma_start3A_201 : memref<8x128xf32, #tpu.memory_space<vmem_shared>>) target(%dma_start3A_199 : memref<8x128xf32, #tpu.memory_space<vmem>>) target_semaphore(%run_scoped3A : memref<!tpu.dma_semaphore, #tpu.memory_space<semaphore_mem>>)
        %dma_wait3A = arith.constant 0 : i32
        %dma_wait3A_202 = arith.constant 0 : i32
        %dma_wait3A_203 = tpu.memref_slice %arg24[%dma_wait3A, %dma_wait3A_202] : memref<16x128xf32, #tpu.memory_space<vmem>> -> memref<8x128xf32, #tpu.memory_space<vmem>>
        %dma_wait3A_204 = arith.constant 0 : i32
        %dma_wait3A_205 = tpu.memref_slice %arg27[%mul3A_189, %dma_wait3A_204] : memref<320x128xf32, #tpu.memory_space<vmem_shared>> -> memref<8x128xf32, #tpu.memory_space<vmem_shared>>
        %dma_wait3A_206 = arith.constant 0 : i32
        %dma_wait3A_207 = arith.constant 0 : i32
        %dma_wait3A_208 = tpu.memref_slice %arg24[%dma_wait3A_206, %dma_wait3A_207] : memref<16x128xf32, #tpu.memory_space<vmem>> -> memref<8x128xf32, #tpu.memory_space<vmem>>
        %dma_wait3A_209 = arith.constant 0 : i32
        %dma_wait3A_210 = tpu.memref_slice %arg27[%mul3A_189, %dma_wait3A_209] : memref<320x128xf32, #tpu.memory_space<vmem_shared>> -> memref<8x128xf32, #tpu.memory_space<vmem_shared>>
        tpu.wait_dma2 semaphore(%run_scoped3A : memref<!tpu.dma_semaphore, #tpu.memory_space<semaphore_mem>>) src(%dma_wait3A_210 : memref<8x128xf32, #tpu.memory_space<vmem_shared>>) dst(%dma_wait3A_208 : memref<8x128xf32, #tpu.memory_space<vmem>>)
        tpu.yield
      }) : () -> ()
      %mul3A_190 = arith.constant 8 : i32
      %mul3A_191 = arith.muli %add3A_187, %mul3A_190 : i32
      "tpu.region"() ({
        %run_scoped3A = tpu.sem_alloc : memref<!tpu.dma_semaphore, #tpu.memory_space<semaphore_mem>>
        %dma_start3A_192 = arith.constant 0 : i32
        %dma_start3A_193 = arith.constant 0 : i32
        %dma_start3A_194 = tpu.memref_slice %arg24[%dma_start3A_192, %dma_start3A_193] : memref<16x128xf32, #tpu.memory_space<vmem>> -> memref<8x128xf32, #tpu.memory_space<vmem>>
        %dma_start3A_195 = arith.constant 0 : i32
        %dma_start3A_196 = tpu.memref_slice %arg7[%arg0, %mul3A_191, %dma_start3A_195] : memref<2x320x128xf32, #tpu.memory_space<hbm>> -> memref<1x8x128xf32, #tpu.memory_space<hbm>>
        %dma_start3A_197 = tpu.memref_squeeze %dma_start3A_196 : memref<1x8x128xf32, #tpu.memory_space<hbm>> -> memref<8x128xf32, #tpu.memory_space<hbm>>
        %dma_start3A_198 = arith.constant 0 : i32
        %dma_start3A_199 = tpu.memref_slice %arg7[%arg0, %mul3A_191, %dma_start3A_198] : memref<2x320x128xf32, #tpu.memory_space<hbm>> -> memref<1x8x128xf32, #tpu.memory_space<hbm>>
        %dma_start3A_200 = tpu.memref_squeeze %dma_start3A_199 : memref<1x8x128xf32, #tpu.memory_space<hbm>> -> memref<8x128xf32, #tpu.memory_space<hbm>>
        %dma_start3A_201 = arith.constant 0 : i32
        %dma_start3A_202 = arith.constant 0 : i32
        %dma_start3A_203 = tpu.memref_slice %arg24[%dma_start3A_201, %dma_start3A_202] : memref<16x128xf32, #tpu.memory_space<vmem>> -> memref<8x128xf32, #tpu.memory_space<vmem>>
        tpu.enqueue_dma source(%dma_start3A_203 : memref<8x128xf32, #tpu.memory_space<vmem>>) target(%dma_start3A_200 : memref<8x128xf32, #tpu.memory_space<hbm>>) target_semaphore(%run_scoped3A : memref<!tpu.dma_semaphore, #tpu.memory_space<semaphore_mem>>)
        %dma_wait3A = arith.constant 0 : i32
        %dma_wait3A_204 = arith.constant 0 : i32
        %dma_wait3A_205 = tpu.memref_slice %arg24[%dma_wait3A, %dma_wait3A_204] : memref<16x128xf32, #tpu.memory_space<vmem>> -> memref<8x128xf32, #tpu.memory_space<vmem>>
        %dma_wait3A_206 = arith.constant 0 : i32
        %dma_wait3A_207 = tpu.memref_slice %arg7[%arg0, %mul3A_191, %dma_wait3A_206] : memref<2x320x128xf32, #tpu.memory_space<hbm>> -> memref<1x8x128xf32, #tpu.memory_space<hbm>>
        %dma_wait3A_208 = tpu.memref_squeeze %dma_wait3A_207 : memref<1x8x128xf32, #tpu.memory_space<hbm>> -> memref<8x128xf32, #tpu.memory_space<hbm>>
        %dma_wait3A_209 = arith.constant 0 : i32
        %dma_wait3A_210 = tpu.memref_slice %arg7[%arg0, %mul3A_191, %dma_wait3A_209] : memref<2x320x128xf32, #tpu.memory_space<hbm>> -> memref<1x8x128xf32, #tpu.memory_space<hbm>>
        %dma_wait3A_211 = tpu.memref_squeeze %dma_wait3A_210 : memref<1x8x128xf32, #tpu.memory_space<hbm>> -> memref<8x128xf32, #tpu.memory_space<hbm>>
        %dma_wait3A_212 = arith.constant 0 : i32
        %dma_wait3A_213 = arith.constant 0 : i32
        %dma_wait3A_214 = tpu.memref_slice %arg24[%dma_wait3A_212, %dma_wait3A_213] : memref<16x128xf32, #tpu.memory_space<vmem>> -> memref<8x128xf32, #tpu.memory_space<vmem>>
        tpu.wait_dma2 semaphore(%run_scoped3A : memref<!tpu.dma_semaphore, #tpu.memory_space<semaphore_mem>>) src(%dma_wait3A_214 : memref<8x128xf32, #tpu.memory_space<vmem>>) dst(%dma_wait3A_211 : memref<8x128xf32, #tpu.memory_space<hbm>>)
        tpu.yield
      }) : () -> ()
    }
    %while3A_183 = arith.constant 1 : i32
    scf.for %while3A_184 = %while3A_181 to %while3A_177 step %while3A_183  : i32 {
      %mul3A_185 = arith.constant 16 : i32
      %mul3A_186 = arith.muli %mul3A_185, %while3A_184 : i32
      %add3A_187 = arith.addi %arg1, %mul3A_186 : i32
      %mul3A_188 = arith.constant 8 : i32
      %mul3A_189 = arith.muli %add3A_187, %mul3A_188 : i32
      "tpu.region"() ({
        %run_scoped3A = tpu.sem_alloc : memref<!tpu.dma_semaphore, #tpu.memory_space<semaphore_mem>>
        %dma_start3A_192 = arith.constant 0 : i32
        %dma_start3A_193 = arith.constant 0 : i32
        %dma_start3A_194 = tpu.memref_slice %arg24[%dma_start3A_192, %dma_start3A_193] : memref<16x128xf32, #tpu.memory_space<vmem>> -> memref<8x128xf32, #tpu.memory_space<vmem>>
        %dma_start3A_195 = arith.constant 0 : i32
        %dma_start3A_196 = tpu.memref_slice %arg27[%mul3A_189, %dma_start3A_195] : memref<320x128xf32, #tpu.memory_space<vmem_shared>> -> memref<8x128xf32, #tpu.memory_space<vmem_shared>>
        %dma_start3A_197 = arith.constant 0 : i32
        %dma_start3A_198 = arith.constant 0 : i32
        %dma_start3A_199 = tpu.memref_slice %arg24[%dma_start3A_197, %dma_start3A_198] : memref<16x128xf32, #tpu.memory_space<vmem>> -> memref<8x128xf32, #tpu.memory_space<vmem>>
        %dma_start3A_200 = arith.constant 0 : i32
        %dma_start3A_201 = tpu.memref_slice %arg27[%mul3A_189, %dma_start3A_200] : memref<320x128xf32, #tpu.memory_space<vmem_shared>> -> memref<8x128xf32, #tpu.memory_space<vmem_shared>>
        tpu.enqueue_dma source(%dma_start3A_201 : memref<8x128xf32, #tpu.memory_space<vmem_shared>>) target(%dma_start3A_199 : memref<8x128xf32, #tpu.memory_space<vmem>>) target_semaphore(%run_scoped3A : memref<!tpu.dma_semaphore, #tpu.memory_space<semaphore_mem>>)
        %dma_wait3A = arith.constant 0 : i32
        %dma_wait3A_202 = arith.constant 0 : i32
        %dma_wait3A_203 = tpu.memref_slice %arg24[%dma_wait3A, %dma_wait3A_202] : memref<16x128xf32, #tpu.memory_space<vmem>> -> memref<8x128xf32, #tpu.memory_space<vmem>>
        %dma_wait3A_204 = arith.constant 0 : i32
        %dma_wait3A_205 = tpu.memref_slice %arg27[%mul3A_189, %dma_wait3A_204] : memref<320x128xf32, #tpu.memory_space<vmem_shared>> -> memref<8x128xf32, #tpu.memory_space<vmem_shared>>
        %dma_wait3A_206 = arith.constant 0 : i32
        %dma_wait3A_207 = arith.constant 0 : i32
        %dma_wait3A_208 = tpu.memref_slice %arg24[%dma_wait3A_206, %dma_wait3A_207] : memref<16x128xf32, #tpu.memory_space<vmem>> -> memref<8x128xf32, #tpu.memory_space<vmem>>
        %dma_wait3A_209 = arith.constant 0 : i32
        %dma_wait3A_210 = tpu.memref_slice %arg27[%mul3A_189, %dma_wait3A_209] : memref<320x128xf32, #tpu.memory_space<vmem_shared>> -> memref<8x128xf32, #tpu.memory_space<vmem_shared>>
        tpu.wait_dma2 semaphore(%run_scoped3A : memref<!tpu.dma_semaphore, #tpu.memory_space<semaphore_mem>>) src(%dma_wait3A_210 : memref<8x128xf32, #tpu.memory_space<vmem_shared>>) dst(%dma_wait3A_208 : memref<8x128xf32, #tpu.memory_space<vmem>>)
        tpu.yield
      }) : () -> ()
      %mul3A_190 = arith.constant 8 : i32
      %mul3A_191 = arith.muli %add3A_187, %mul3A_190 : i32
      "tpu.region"() ({
        %run_scoped3A = tpu.sem_alloc : memref<!tpu.dma_semaphore, #tpu.memory_space<semaphore_mem>>
        %dma_start3A_192 = arith.constant 0 : i32
        %dma_start3A_193 = arith.constant 0 : i32
        %dma_start3A_194 = tpu.memref_slice %arg24[%dma_start3A_192, %dma_start3A_193] : memref<16x128xf32, #tpu.memory_space<vmem>> -> memref<8x128xf32, #tpu.memory_space<vmem>>
        %dma_start3A_195 = arith.constant 0 : i32
        %dma_start3A_196 = tpu.memref_slice %arg7[%arg0, %mul3A_191, %dma_start3A_195] : memref<2x320x128xf32, #tpu.memory_space<hbm>> -> memref<1x8x128xf32, #tpu.memory_space<hbm>>
        %dma_start3A_197 = tpu.memref_squeeze %dma_start3A_196 : memref<1x8x128xf32, #tpu.memory_space<hbm>> -> memref<8x128xf32, #tpu.memory_space<hbm>>
        %dma_start3A_198 = arith.constant 0 : i32
        %dma_start3A_199 = tpu.memref_slice %arg7[%arg0, %mul3A_191, %dma_start3A_198] : memref<2x320x128xf32, #tpu.memory_space<hbm>> -> memref<1x8x128xf32, #tpu.memory_space<hbm>>
        %dma_start3A_200 = tpu.memref_squeeze %dma_start3A_199 : memref<1x8x128xf32, #tpu.memory_space<hbm>> -> memref<8x128xf32, #tpu.memory_space<hbm>>
        %dma_start3A_201 = arith.constant 0 : i32
        %dma_start3A_202 = arith.constant 0 : i32
        %dma_start3A_203 = tpu.memref_slice %arg24[%dma_start3A_201, %dma_start3A_202] : memref<16x128xf32, #tpu.memory_space<vmem>> -> memref<8x128xf32, #tpu.memory_space<vmem>>
        tpu.enqueue_dma source(%dma_start3A_203 : memref<8x128xf32, #tpu.memory_space<vmem>>) target(%dma_start3A_200 : memref<8x128xf32, #tpu.memory_space<hbm>>) target_semaphore(%run_scoped3A : memref<!tpu.dma_semaphore, #tpu.memory_space<semaphore_mem>>)
        %dma_wait3A = arith.constant 0 : i32
        %dma_wait3A_204 = arith.constant 0 : i32
        %dma_wait3A_205 = tpu.memref_slice %arg24[%dma_wait3A, %dma_wait3A_204] : memref<16x128xf32, #tpu.memory_space<vmem>> -> memref<8x128xf32, #tpu.memory_space<vmem>>
        %dma_wait3A_206 = arith.constant 0 : i32
        %dma_wait3A_207 = tpu.memref_slice %arg7[%arg0, %mul3A_191, %dma_wait3A_206] : memref<2x320x128xf32, #tpu.memory_space<hbm>> -> memref<1x8x128xf32, #tpu.memory_space<hbm>>
        %dma_wait3A_208 = tpu.memref_squeeze %dma_wait3A_207 : memref<1x8x128xf32, #tpu.memory_space<hbm>> -> memref<8x128xf32, #tpu.memory_space<hbm>>
        %dma_wait3A_209 = arith.constant 0 : i32
        %dma_wait3A_210 = tpu.memref_slice %arg7[%arg0, %mul3A_191, %dma_wait3A_209] : memref<2x320x128xf32, #tpu.memory_space<hbm>> -> memref<1x8x128xf32, #tpu.memory_space<hbm>>
        %dma_wait3A_211 = tpu.memref_squeeze %dma_wait3A_210 : memref<1x8x128xf32, #tpu.memory_space<hbm>> -> memref<8x128xf32, #tpu.memory_space<hbm>>
        %dma_wait3A_212 = arith.constant 0 : i32
        %dma_wait3A_213 = arith.constant 0 : i32
        %dma_wait3A_214 = tpu.memref_slice %arg24[%dma_wait3A_212, %dma_wait3A_213] : memref<16x128xf32, #tpu.memory_space<vmem>> -> memref<8x128xf32, #tpu.memory_space<vmem>>
        tpu.wait_dma2 semaphore(%run_scoped3A : memref<!tpu.dma_semaphore, #tpu.memory_space<semaphore_mem>>) src(%dma_wait3A_214 : memref<8x128xf32, #tpu.memory_space<vmem>>) dst(%dma_wait3A_211 : memref<8x128xf32, #tpu.memory_space<hbm>>)
        tpu.yield
      }) : () -> ()
    }
    return
  }
}

module attributes {stable_mosaic.version = 14 : i64} {
  func.func @_mm1_block(%arg0: i32, %arg1: i32, %arg2: memref<1000x128xf32, #tpu.memory_space<vmem>>, %arg3: memref<1x128x128xf32, #tpu.memory_space<vmem>>, %arg4: memref<1x1x128xf32, #tpu.memory_space<vmem>>, %arg5: memref<1x1000x128xf32, #tpu.memory_space<vmem>>) attributes {dimension_semantics = [#tpu.dimension_semantics<arbitrary>, #tpu.dimension_semantics<arbitrary>], iteration_bounds = array<i64: 10, 4>, scalar_prefetch = 0 : i64, scratch_operands = 0 : i64, tpu.core_type = #tpu.core_type<tc>, window_params = [{transform_indices = @transform_0, window_bounds = array<i64: 1000, 128>}, {transform_indices = @transform_1, window_bounds = array<i64: 1, 128, 128>}, {transform_indices = @transform_2, window_bounds = array<i64: 1, 1, 128>}, {transform_indices = @transform_3, window_bounds = array<i64: 1, 1000, 128>}]} {
    %get3A = arith.constant 0 : index
    %get3A_0 = arith.constant 0 : index
    %get3A_1 = vector.load %arg2[%get3A, %get3A_0] : memref<1000x128xf32, #tpu.memory_space<vmem>>, vector<1000x128xf32>
    %get3A_2 = arith.constant 0 : index
    %get3A_3 = arith.constant 0 : index
    %get3A_4 = arith.constant 0 : index
    %get3A_5 = vector.load %arg3[%get3A_2, %get3A_3, %get3A_4] : memref<1x128x128xf32, #tpu.memory_space<vmem>>, vector<1x128x128xf32>
    %get3A_6 = vector.shape_cast %get3A_5 : vector<1x128x128xf32> to vector<128x128xf32>
    %dot_general3A = arith.constant dense<0.000000e+00> : vector<1000x128xf32>
    %dot_general3A_7 = tpu.matmul %get3A_1, %get3A_6, %dot_general3A {dimension_numbers = #tpu.dot_dimension_numbers<[1], [0], [0], [1], [0, 0, 1, 1], [], []>, transpose_lhs_hint = false} : vector<1000x128xf32>, vector<128x128xf32>, vector<1000x128xf32> -> vector<1000x128xf32>
    %get3A_8 = arith.constant 0 : index
    %get3A_9 = arith.constant 0 : index
    %get3A_10 = arith.constant 0 : index
    %get3A_11 = vector.load %arg4[%get3A_8, %get3A_9, %get3A_10] : memref<1x1x128xf32, #tpu.memory_space<vmem>>, vector<1x1x128xf32>
    %get3A_12 = vector.shape_cast %get3A_11 : vector<1x1x128xf32> to vector<128xf32>
    %broadcast_in_dim3A = vector.shape_cast %get3A_12 : vector<128xf32> to vector<1x128xf32>
    %add3A = vector.broadcast %broadcast_in_dim3A : vector<1x128xf32> to vector<1000x128xf32>
    %add3A_13 = arith.addf %dot_general3A_7, %add3A : vector<1000x128xf32>
    %swap3A = arith.constant 0 : index
    %swap3A_14 = arith.constant 0 : index
    %swap3A_15 = arith.constant 0 : index
    %swap3A_16 = vector.load %arg5[%swap3A, %swap3A_14, %swap3A_15] : memref<1x1000x128xf32, #tpu.memory_space<vmem>>, vector<1x1000x128xf32>
    %swap3A_17 = vector.shape_cast %swap3A_16 : vector<1x1000x128xf32> to vector<1000x128xf32>
    %swap3A_18 = vector.shape_cast %add3A_13 : vector<1000x128xf32> to vector<1x1000x128xf32>
    tpu.vector_store %arg5[%swap3A, %swap3A_14, %swap3A_15], %swap3A_18 {strides = array<i32>} : memref<1x1000x128xf32, #tpu.memory_space<vmem>>, vector<1x1000x128xf32>,
    return
  }
  func.func @transform_0(%arg0: i32, %arg1: i32) -> (i32, i32) {
    %c0_i32 = arith.constant 0 : i32
    %c0_i32_0 = arith.constant 0 : i32
    return %arg0, %c0_i32 : i32, i32
  }
  func.func @transform_1(%arg0: i32, %arg1: i32) -> (i32, i32, i32) {
    %c0_i32 = arith.constant 0 : i32
    %c0_i32_0 = arith.constant 0 : i32
    %c0_i32_1 = arith.constant 0 : i32
    return %arg1, %c0_i32, %c0_i32_0 : i32, i32, i32
  }
  func.func @transform_2(%arg0: i32, %arg1: i32) -> (i32, i32, i32) {
    %c0_i32 = arith.constant 0 : i32
    %c0_i32_0 = arith.constant 0 : i32
    %c0_i32_1 = arith.constant 0 : i32
    return %arg1, %c0_i32, %c0_i32_0 : i32, i32, i32
  }
  func.func @transform_3(%arg0: i32, %arg1: i32) -> (i32, i32, i32) {
    %c0_i32 = arith.constant 0 : i32
    %c0_i32_0 = arith.constant 0 : i32
    return %arg1, %arg0, %c0_i32 : i32, i32, i32
  }
}

module attributes {stable_mosaic.version = 14 : i64} {
  func.func @_mm2_block(%arg0: i32, %arg1: i32, %arg2: memref<1000x128xf32, #tpu.memory_space<vmem>>, %arg3: memref<1000x128xf32, #tpu.memory_space<vmem>>, %arg4: memref<1x1000x4xf32, #tpu.memory_space<vmem>>, %arg5: memref<1x1000x4xf32, #tpu.memory_space<vmem>>, %arg6: memref<1x2x128x128xf32, #tpu.memory_space<vmem>>, %arg7: memref<1x1x128xf32, #tpu.memory_space<vmem>>, %arg8: memref<4x128xf32, #tpu.memory_space<vmem>>, %arg9: memref<2x128xf32, #tpu.memory_space<vmem>>, %arg10: memref<1x1000x128xf32, #tpu.memory_space<vmem>>) attributes {dimension_semantics = [#tpu.dimension_semantics<arbitrary>, #tpu.dimension_semantics<arbitrary>], iteration_bounds = array<i64: 10, 4>, scalar_prefetch = 0 : i64, scratch_operands = 0 : i64, tpu.core_type = #tpu.core_type<tc>, window_params = [{transform_indices = @transform_0, window_bounds = array<i64: 1000, 128>}, {transform_indices = @transform_1, window_bounds = array<i64: 1000, 128>}, {transform_indices = @transform_2, window_bounds = array<i64: 1, 1000, 4>}, {transform_indices = @transform_3, window_bounds = array<i64: 1, 1000, 4>}, {transform_indices = @transform_4, window_bounds = array<i64: 1, 2, 128, 128>}, {transform_indices = @transform_5, window_bounds = array<i64: 1, 1, 128>}, {pipeline_mode = #tpu.pipeline_mode<synchronous>, transform_indices = @transform_6, window_bounds = array<i64: 4, 128>}, {pipeline_mode = #tpu.pipeline_mode<synchronous>, transform_indices = @transform_7, window_bounds = array<i64: 2, 128>}, {transform_indices = @transform_8, window_bounds = array<i64: 1, 1000, 128>}]} {
    %get3A = arith.constant 0 : index
    %get3A_0 = arith.constant 0 : index
    %get3A_1 = vector.load %arg2[%get3A, %get3A_0] : memref<1000x128xf32, #tpu.memory_space<vmem>>, vector<1000x128xf32>
    %get3A_2 = arith.constant 0 : index
    %get3A_3 = arith.constant 0 : index
    %get3A_4 = vector.load %arg8[%get3A_2, %get3A_3] : memref<4x128xf32, #tpu.memory_space<vmem>>, vector<4x128xf32>
    %get3A_5 = arith.constant 0 : index
    %get3A_6 = arith.constant 0 : index
    %get3A_7 = vector.load %arg9[%get3A_5, %get3A_6] : memref<2x128xf32, #tpu.memory_space<vmem>>, vector<1x128xf32>
    %get3A_8 = vector.shape_cast %get3A_7 : vector<1x128xf32> to vector<128xf32>
    %get3A_9 = arith.constant 0 : index
    %get3A_10 = arith.constant 0 : index
    %get3A_11 = arith.constant 0 : index
    %get3A_12 = vector.load %arg4[%get3A_9, %get3A_10, %get3A_11] : memref<1x1000x4xf32, #tpu.memory_space<vmem>>, vector<1x1000x4xf32>
    %get3A_13 = vector.shape_cast %get3A_12 : vector<1x1000x4xf32> to vector<1000x4xf32>
    %add3A = arith.constant 1.000000e-16 : f32
    %add3A_14 = vector.broadcast %add3A : f32 to vector<1000x4xf32>
    %add3A_15 = arith.addf %get3A_13, %add3A_14 : vector<1000x4xf32>
    %div3A = arith.constant 1.000000e+00 : f32
    %div3A_16 = vector.broadcast %div3A : f32 to vector<1000x4xf32>
    %div3A_17 = arith.divf %div3A_16, %add3A_15 : vector<1000x4xf32>
    %dot_general3A = arith.constant dense<0.000000e+00> : vector<1000x128xf32>
    %dot_general3A_18 = tpu.matmul %div3A_17, %get3A_4, %dot_general3A {dimension_numbers = #tpu.dot_dimension_numbers<[1], [0], [0], [1], [0, 0, 1, 1], [], []>, transpose_lhs_hint = false} : vector<1000x4xf32>, vector<4x128xf32>, vector<1000x128xf32> -> vector<1000x128xf32>
    %mul3A = arith.mulf %get3A_1, %dot_general3A_18 : vector<1000x128xf32>
    %broadcast_in_dim3A = vector.shape_cast %get3A_8 : vector<128xf32> to vector<1x128xf32>
    %add3A_19 = vector.broadcast %broadcast_in_dim3A : vector<1x128xf32> to vector<1000x128xf32>
    %add3A_20 = arith.addf %mul3A, %add3A_19 : vector<1000x128xf32>
    %max3A = arith.constant 0.000000e+00 : f32
    %max3A_21 = vector.broadcast %max3A : f32 to vector<1000x128xf32>
    %max3A_22 = arith.maximumf %add3A_20, %max3A_21 : vector<1000x128xf32>
    %get3A_23 = arith.constant 0 : index
    %get3A_24 = arith.constant 0 : index
    %get3A_25 = vector.load %arg3[%get3A_23, %get3A_24] : memref<1000x128xf32, #tpu.memory_space<vmem>>, vector<1000x128xf32>
    %get3A_26 = arith.constant 0 : index
    %get3A_27 = arith.constant 0 : index
    %get3A_28 = vector.load %arg8[%get3A_26, %get3A_27] : memref<4x128xf32, #tpu.memory_space<vmem>>, vector<4x128xf32>
    %get3A_29 = arith.constant 1 : index
    %get3A_30 = arith.constant 0 : index
    %get3A_31 = vector.load %arg9[%get3A_29, %get3A_30] : memref<2x128xf32, #tpu.memory_space<vmem>>, vector<1x128xf32>
    %get3A_32 = vector.shape_cast %get3A_31 : vector<1x128xf32> to vector<128xf32>
    %get3A_33 = arith.constant 0 : index
    %get3A_34 = arith.constant 0 : index
    %get3A_35 = arith.constant 0 : index
    %get3A_36 = vector.load %arg5[%get3A_33, %get3A_34, %get3A_35] : memref<1x1000x4xf32, #tpu.memory_space<vmem>>, vector<1x1000x4xf32>
    %get3A_37 = vector.shape_cast %get3A_36 : vector<1x1000x4xf32> to vector<1000x4xf32>
    %add3A_38 = arith.constant 1.000000e-16 : f32
    %add3A_39 = vector.broadcast %add3A_38 : f32 to vector<1000x4xf32>
    %add3A_40 = arith.addf %get3A_37, %add3A_39 : vector<1000x4xf32>
    %div3A_41 = arith.constant 1.000000e+00 : f32
    %div3A_42 = vector.broadcast %div3A_41 : f32 to vector<1000x4xf32>
    %div3A_43 = arith.divf %div3A_42, %add3A_40 : vector<1000x4xf32>
    %dot_general3A_44 = arith.constant dense<0.000000e+00> : vector<1000x128xf32>
    %dot_general3A_45 = tpu.matmul %div3A_43, %get3A_28, %dot_general3A_44 {dimension_numbers = #tpu.dot_dimension_numbers<[1], [0], [0], [1], [0, 0, 1, 1], [], []>, transpose_lhs_hint = false} : vector<1000x4xf32>, vector<4x128xf32>, vector<1000x128xf32> -> vector<1000x128xf32>
    %mul3A_46 = arith.mulf %get3A_25, %dot_general3A_45 : vector<1000x128xf32>
    %broadcast_in_dim3A_47 = vector.shape_cast %get3A_32 : vector<128xf32> to vector<1x128xf32>
    %add3A_48 = vector.broadcast %broadcast_in_dim3A_47 : vector<1x128xf32> to vector<1000x128xf32>
    %add3A_49 = arith.addf %mul3A_46, %add3A_48 : vector<1000x128xf32>
    %max3A_50 = arith.constant 0.000000e+00 : f32
    %max3A_51 = vector.broadcast %max3A_50 : f32 to vector<1000x128xf32>
    %max3A_52 = arith.maximumf %add3A_49, %max3A_51 : vector<1000x128xf32>
    %get3A_53 = arith.constant 0 : index
    %get3A_54 = arith.constant 0 : index
    %get3A_55 = arith.constant 0 : index
    %get3A_56 = arith.constant 0 : index
    %get3A_57 = vector.load %arg6[%get3A_53, %get3A_54, %get3A_55, %get3A_56] : memref<1x2x128x128xf32, #tpu.memory_space<vmem>>, vector<1x1x128x128xf32>
    %get3A_58 = vector.shape_cast %get3A_57 : vector<1x1x128x128xf32> to vector<128x128xf32>
    %dot_general3A_59 = arith.constant dense<0.000000e+00> : vector<1000x128xf32>
    %dot_general3A_60 = tpu.matmul %max3A_22, %get3A_58, %dot_general3A_59 {dimension_numbers = #tpu.dot_dimension_numbers<[1], [0], [0], [1], [0, 0, 1, 1], [], []>, transpose_lhs_hint = false} : vector<1000x128xf32>, vector<128x128xf32>, vector<1000x128xf32> -> vector<1000x128xf32>
    %get3A_61 = arith.constant 0 : index
    %get3A_62 = arith.constant 1 : index
    %get3A_63 = arith.constant 0 : index
    %get3A_64 = arith.constant 0 : index
    %get3A_65 = vector.load %arg6[%get3A_61, %get3A_62, %get3A_63, %get3A_64] : memref<1x2x128x128xf32, #tpu.memory_space<vmem>>, vector<1x1x128x128xf32>
    %get3A_66 = vector.shape_cast %get3A_65 : vector<1x1x128x128xf32> to vector<128x128xf32>
    %dot_general3A_67 = arith.constant dense<0.000000e+00> : vector<1000x128xf32>
    %dot_general3A_68 = tpu.matmul %max3A_52, %get3A_66, %dot_general3A_67 {dimension_numbers = #tpu.dot_dimension_numbers<[1], [0], [0], [1], [0, 0, 1, 1], [], []>, transpose_lhs_hint = false} : vector<1000x128xf32>, vector<128x128xf32>, vector<1000x128xf32> -> vector<1000x128xf32>
    %add3A_69 = arith.addf %dot_general3A_60, %dot_general3A_68 : vector<1000x128xf32>
    %get3A_70 = arith.constant 0 : index
    %get3A_71 = arith.constant 0 : index
    %get3A_72 = arith.constant 0 : index
    %get3A_73 = vector.load %arg7[%get3A_70, %get3A_71, %get3A_72] : memref<1x1x128xf32, #tpu.memory_space<vmem>>, vector<1x1x128xf32>
    %get3A_74 = vector.shape_cast %get3A_73 : vector<1x1x128xf32> to vector<128xf32>
    %broadcast_in_dim3A_75 = vector.shape_cast %get3A_74 : vector<128xf32> to vector<1x128xf32>
    %add3A_76 = vector.broadcast %broadcast_in_dim3A_75 : vector<1x128xf32> to vector<1000x128xf32>
    %add3A_77 = arith.addf %add3A_69, %add3A_76 : vector<1000x128xf32>
    %swap3A = arith.constant 0 : index
    %swap3A_78 = arith.constant 0 : index
    %swap3A_79 = arith.constant 0 : index
    %swap3A_80 = vector.load %arg10[%swap3A, %swap3A_78, %swap3A_79] : memref<1x1000x128xf32, #tpu.memory_space<vmem>>, vector<1x1000x128xf32>
    %swap3A_81 = vector.shape_cast %swap3A_80 : vector<1x1000x128xf32> to vector<1000x128xf32>
    %swap3A_82 = vector.shape_cast %add3A_77 : vector<1000x128xf32> to vector<1x1000x128xf32>
    tpu.vector_store %arg10[%swap3A, %swap3A_78, %swap3A_79], %swap3A_82 {strides = array<i32>} : memref<1x1000x128xf32, #tpu.memory_space<vmem>>, vector<1x1000x128xf32>,
    return
  }
  func.func @transform_0(%arg0: i32, %arg1: i32) -> (i32, i32) {
    %c0_i32 = arith.constant 0 : i32
    %c0_i32_0 = arith.constant 0 : i32
    return %arg0, %c0_i32 : i32, i32
  }
  func.func @transform_1(%arg0: i32, %arg1: i32) -> (i32, i32) {
    %add3A = arith.constant 10 : i32
    %add3A_0 = arith.addi %add3A, %arg0 : i32
    %c0_i32 = arith.constant 0 : i32
    %c0_i32_1 = arith.constant 0 : i32
    return %add3A_0, %c0_i32 : i32, i32
  }
  func.func @transform_2(%arg0: i32, %arg1: i32) -> (i32, i32, i32) {
    %c0_i32 = arith.constant 0 : i32
    %c0_i32_0 = arith.constant 0 : i32
    %c0_i32_1 = arith.constant 0 : i32
    return %c0_i32, %arg0, %c0_i32_0 : i32, i32, i32
  }
  func.func @transform_3(%arg0: i32, %arg1: i32) -> (i32, i32, i32) {
    %c1_i32 = arith.constant 1 : i32
    %c0_i32 = arith.constant 0 : i32
    %c0_i32_0 = arith.constant 0 : i32
    return %c1_i32, %arg0, %c0_i32 : i32, i32, i32
  }
  func.func @transform_4(%arg0: i32, %arg1: i32) -> (i32, i32, i32, i32) {
    %c0_i32 = arith.constant 0 : i32
    %c0_i32_0 = arith.constant 0 : i32
    %c0_i32_1 = arith.constant 0 : i32
    %c0_i32_2 = arith.constant 0 : i32
    return %arg1, %c0_i32, %c0_i32_0, %c0_i32_1 : i32, i32, i32, i32
  }
  func.func @transform_5(%arg0: i32, %arg1: i32) -> (i32, i32, i32) {
    %c0_i32 = arith.constant 0 : i32
    %c0_i32_0 = arith.constant 0 : i32
    %c0_i32_1 = arith.constant 0 : i32
    return %arg1, %c0_i32, %c0_i32_0 : i32, i32, i32
  }
  func.func @transform_6(%arg0: i32, %arg1: i32) -> (i32, i32) {
    %c0_i32 = arith.constant 0 : i32
    %c0_i32_0 = arith.constant 0 : i32
    %c0_i32_1 = arith.constant 0 : i32
    return %c0_i32, %c0_i32_0 : i32, i32
  }
  func.func @transform_7(%arg0: i32, %arg1: i32) -> (i32, i32) {
    %c0_i32 = arith.constant 0 : i32
    %c0_i32_0 = arith.constant 0 : i32
    %c0_i32_1 = arith.constant 0 : i32
    return %c0_i32, %c0_i32_0 : i32, i32
  }
  func.func @transform_8(%arg0: i32, %arg1: i32) -> (i32, i32, i32) {
    %c0_i32 = arith.constant 0 : i32
    %c0_i32_0 = arith.constant 0 : i32
    return %arg1, %arg0, %c0_i32 : i32, i32, i32
  }
}

module attributes {stable_mosaic.version = 14 : i64} {
  func.func @_fin_block(%arg0: i32, %arg1: memref<1000x128xf32, #tpu.memory_space<vmem>>, %arg2: memref<1000x128xf32, #tpu.memory_space<vmem>>, %arg3: memref<1000x128xf32, #tpu.memory_space<vmem>>, %arg4: memref<1000x128xf32, #tpu.memory_space<vmem>>, %arg5: memref<1x1000x4xf32, #tpu.memory_space<vmem>>, %arg6: memref<1x1000x4xf32, #tpu.memory_space<vmem>>, %arg7: memref<1x1000x4xf32, #tpu.memory_space<vmem>>, %arg8: memref<1x1000x4xf32, #tpu.memory_space<vmem>>, %arg9: memref<4x128x128xf32, #tpu.memory_space<vmem>>, %arg10: memref<4x128xf32, #tpu.memory_space<vmem>>, %arg11: memref<4x128xf32, #tpu.memory_space<vmem>>, %arg12: memref<1x128xf32, #tpu.memory_space<vmem>>, %arg13: memref<1000x128xf32, #tpu.memory_space<vmem>>) attributes {dimension_semantics = [#tpu.dimension_semantics<arbitrary>], iteration_bounds = array<i64: 10>, scalar_prefetch = 0 : i64, scratch_operands = 0 : i64, tpu.core_type = #tpu.core_type<tc>, window_params = [{transform_indices = @transform_0, window_bounds = array<i64: 1000, 128>}, {transform_indices = @transform_1, window_bounds = array<i64: 1000, 128>}, {transform_indices = @transform_2, window_bounds = array<i64: 1000, 128>}, {transform_indices = @transform_3, window_bounds = array<i64: 1000, 128>}, {transform_indices = @transform_4, window_bounds = array<i64: 1, 1000, 4>}, {transform_indices = @transform_5, window_bounds = array<i64: 1, 1000, 4>}, {transform_indices = @transform_6, window_bounds = array<i64: 1, 1000, 4>}, {transform_indices = @transform_7, window_bounds = array<i64: 1, 1000, 4>}, {pipeline_mode = #tpu.pipeline_mode<synchronous>, transform_indices = @transform_8, window_bounds = array<i64: 4, 128, 128>}, {pipeline_mode = #tpu.pipeline_mode<synchronous>, transform_indices = @transform_9, window_bounds = array<i64: 4, 128>}, {pipeline_mode = #tpu.pipeline_mode<synchronous>, transform_indices = @transform_10, window_bounds = array<i64: 4, 128>}, {pipeline_mode = #tpu.pipeline_mode<synchronous>, transform_indices = @transform_11, window_bounds = array<i64: 1, 128>}, {transform_indices = @transform_12, window_bounds = array<i64: 1000, 128>}]} {
    %get3A = arith.constant 0 : index
    %get3A_0 = arith.constant 0 : index
    %get3A_1 = vector.load %arg12[%get3A, %get3A_0] : memref<1x128xf32, #tpu.memory_space<vmem>>, vector<1x128xf32>
    %get3A_2 = vector.shape_cast %get3A_1 : vector<1x128xf32> to vector<128xf32>
    %get3A_3 = arith.constant 0 : index
    %get3A_4 = arith.constant 0 : index
    %get3A_5 = vector.load %arg1[%get3A_3, %get3A_4] : memref<1000x128xf32, #tpu.memory_space<vmem>>, vector<1000x128xf32>
    %get3A_6 = arith.constant 0 : index
    %get3A_7 = arith.constant 0 : index
    %get3A_8 = vector.load %arg10[%get3A_6, %get3A_7] : memref<4x128xf32, #tpu.memory_space<vmem>>, vector<4x128xf32>
    %get3A_9 = arith.constant 0 : index
    %get3A_10 = arith.constant 0 : index
    %get3A_11 = vector.load %arg11[%get3A_9, %get3A_10] : memref<4x128xf32, #tpu.memory_space<vmem>>, vector<1x128xf32>
    %get3A_12 = vector.shape_cast %get3A_11 : vector<1x128xf32> to vector<128xf32>
    %get3A_13 = arith.constant 0 : index
    %get3A_14 = arith.constant 0 : index
    %get3A_15 = arith.constant 0 : index
    %get3A_16 = vector.load %arg5[%get3A_13, %get3A_14, %get3A_15] : memref<1x1000x4xf32, #tpu.memory_space<vmem>>, vector<1x1000x4xf32>
    %get3A_17 = vector.shape_cast %get3A_16 : vector<1x1000x4xf32> to vector<1000x4xf32>
    %add3A = arith.constant 1.000000e-16 : f32
    %add3A_18 = vector.broadcast %add3A : f32 to vector<1000x4xf32>
    %add3A_19 = arith.addf %get3A_17, %add3A_18 : vector<1000x4xf32>
    %div3A = arith.constant 1.000000e+00 : f32
    %div3A_20 = vector.broadcast %div3A : f32 to vector<1000x4xf32>
    %div3A_21 = arith.divf %div3A_20, %add3A_19 : vector<1000x4xf32>
    %dot_general3A = arith.constant dense<0.000000e+00> : vector<1000x128xf32>
    %dot_general3A_22 = tpu.matmul %div3A_21, %get3A_8, %dot_general3A {dimension_numbers = #tpu.dot_dimension_numbers<[1], [0], [0], [1], [0, 0, 1, 1], [], []>, transpose_lhs_hint = false} : vector<1000x4xf32>, vector<4x128xf32>, vector<1000x128xf32> -> vector<1000x128xf32>
    %mul3A = arith.mulf %get3A_5, %dot_general3A_22 : vector<1000x128xf32>
    %broadcast_in_dim3A = vector.shape_cast %get3A_12 : vector<128xf32> to vector<1x128xf32>
    %add3A_23 = vector.broadcast %broadcast_in_dim3A : vector<1x128xf32> to vector<1000x128xf32>
    %add3A_24 = arith.addf %mul3A, %add3A_23 : vector<1000x128xf32>
    %max3A = arith.constant 0.000000e+00 : f32
    %max3A_25 = vector.broadcast %max3A : f32 to vector<1000x128xf32>
    %max3A_26 = arith.maximumf %add3A_24, %max3A_25 : vector<1000x128xf32>
    %get3A_27 = arith.constant 0 : index
    %get3A_28 = arith.constant 0 : index
    %get3A_29 = arith.constant 0 : index
    %get3A_30 = vector.load %arg9[%get3A_27, %get3A_28, %get3A_29] : memref<4x128x128xf32, #tpu.memory_space<vmem>>, vector<1x128x128xf32>
    %get3A_31 = vector.shape_cast %get3A_30 : vector<1x128x128xf32> to vector<128x128xf32>
    %dot_general3A_32 = arith.constant dense<0.000000e+00> : vector<1000x128xf32>
    %dot_general3A_33 = tpu.matmul %max3A_26, %get3A_31, %dot_general3A_32 {dimension_numbers = #tpu.dot_dimension_numbers<[1], [0], [0], [1], [0, 0, 1, 1], [], []>, transpose_lhs_hint = false} : vector<1000x128xf32>, vector<128x128xf32>, vector<1000x128xf32> -> vector<1000x128xf32>
    %broadcast_in_dim3A_34 = vector.shape_cast %get3A_2 : vector<128xf32> to vector<1x128xf32>
    %add3A_35 = vector.broadcast %broadcast_in_dim3A_34 : vector<1x128xf32> to vector<1000x128xf32>
    %add3A_36 = arith.addf %add3A_35, %dot_general3A_33 : vector<1000x128xf32>
    %get3A_37 = arith.constant 0 : index
    %get3A_38 = arith.constant 0 : index
    %get3A_39 = vector.load %arg2[%get3A_37, %get3A_38] : memref<1000x128xf32, #tpu.memory_space<vmem>>, vector<1000x128xf32>
    %get3A_40 = arith.constant 0 : index
    %get3A_41 = arith.constant 0 : index
    %get3A_42 = vector.load %arg10[%get3A_40, %get3A_41] : memref<4x128xf32, #tpu.memory_space<vmem>>, vector<4x128xf32>
    %get3A_43 = arith.constant 1 : index
    %get3A_44 = arith.constant 0 : index
    %get3A_45 = vector.load %arg11[%get3A_43, %get3A_44] : memref<4x128xf32, #tpu.memory_space<vmem>>, vector<1x128xf32>
    %get3A_46 = vector.shape_cast %get3A_45 : vector<1x128xf32> to vector<128xf32>
    %get3A_47 = arith.constant 0 : index
    %get3A_48 = arith.constant 0 : index
    %get3A_49 = arith.constant 0 : index
    %get3A_50 = vector.load %arg6[%get3A_47, %get3A_48, %get3A_49] : memref<1x1000x4xf32, #tpu.memory_space<vmem>>, vector<1x1000x4xf32>
    %get3A_51 = vector.shape_cast %get3A_50 : vector<1x1000x4xf32> to vector<1000x4xf32>
    %add3A_52 = arith.constant 1.000000e-16 : f32
    %add3A_53 = vector.broadcast %add3A_52 : f32 to vector<1000x4xf32>
    %add3A_54 = arith.addf %get3A_51, %add3A_53 : vector<1000x4xf32>
    %div3A_55 = arith.constant 1.000000e+00 : f32
    %div3A_56 = vector.broadcast %div3A_55 : f32 to vector<1000x4xf32>
    %div3A_57 = arith.divf %div3A_56, %add3A_54 : vector<1000x4xf32>
    %dot_general3A_58 = arith.constant dense<0.000000e+00> : vector<1000x128xf32>
    %dot_general3A_59 = tpu.matmul %div3A_57, %get3A_42, %dot_general3A_58 {dimension_numbers = #tpu.dot_dimension_numbers<[1], [0], [0], [1], [0, 0, 1, 1], [], []>, transpose_lhs_hint = false} : vector<1000x4xf32>, vector<4x128xf32>, vector<1000x128xf32> -> vector<1000x128xf32>
    %mul3A_60 = arith.mulf %get3A_39, %dot_general3A_59 : vector<1000x128xf32>
    %broadcast_in_dim3A_61 = vector.shape_cast %get3A_46 : vector<128xf32> to vector<1x128xf32>
    %add3A_62 = vector.broadcast %broadcast_in_dim3A_61 : vector<1x128xf32> to vector<1000x128xf32>
    %add3A_63 = arith.addf %mul3A_60, %add3A_62 : vector<1000x128xf32>
    %max3A_64 = arith.constant 0.000000e+00 : f32
    %max3A_65 = vector.broadcast %max3A_64 : f32 to vector<1000x128xf32>
    %max3A_66 = arith.maximumf %add3A_63, %max3A_65 : vector<1000x128xf32>
    %get3A_67 = arith.constant 1 : index
    %get3A_68 = arith.constant 0 : index
    %get3A_69 = arith.constant 0 : index
    %get3A_70 = vector.load %arg9[%get3A_67, %get3A_68, %get3A_69] : memref<4x128x128xf32, #tpu.memory_space<vmem>>, vector<1x128x128xf32>
    %get3A_71 = vector.shape_cast %get3A_70 : vector<1x128x128xf32> to vector<128x128xf32>
    %dot_general3A_72 = arith.constant dense<0.000000e+00> : vector<1000x128xf32>
    %dot_general3A_73 = tpu.matmul %max3A_66, %get3A_71, %dot_general3A_72 {dimension_numbers = #tpu.dot_dimension_numbers<[1], [0], [0], [1], [0, 0, 1, 1], [], []>, transpose_lhs_hint = false} : vector<1000x128xf32>, vector<128x128xf32>, vector<1000x128xf32> -> vector<1000x128xf32>
    %add3A_74 = arith.addf %add3A_36, %dot_general3A_73 : vector<1000x128xf32>
    %get3A_75 = arith.constant 0 : index
    %get3A_76 = arith.constant 0 : index
    %get3A_77 = vector.load %arg3[%get3A_75, %get3A_76] : memref<1000x128xf32, #tpu.memory_space<vmem>>, vector<1000x128xf32>
    %get3A_78 = arith.constant 0 : index
    %get3A_79 = arith.constant 0 : index
    %get3A_80 = vector.load %arg10[%get3A_78, %get3A_79] : memref<4x128xf32, #tpu.memory_space<vmem>>, vector<4x128xf32>
    %get3A_81 = arith.constant 2 : index
    %get3A_82 = arith.constant 0 : index
    %get3A_83 = vector.load %arg11[%get3A_81, %get3A_82] : memref<4x128xf32, #tpu.memory_space<vmem>>, vector<1x128xf32>
    %get3A_84 = vector.shape_cast %get3A_83 : vector<1x128xf32> to vector<128xf32>
    %get3A_85 = arith.constant 0 : index
    %get3A_86 = arith.constant 0 : index
    %get3A_87 = arith.constant 0 : index
    %get3A_88 = vector.load %arg7[%get3A_85, %get3A_86, %get3A_87] : memref<1x1000x4xf32, #tpu.memory_space<vmem>>, vector<1x1000x4xf32>
    %get3A_89 = vector.shape_cast %get3A_88 : vector<1x1000x4xf32> to vector<1000x4xf32>
    %add3A_90 = arith.constant 1.000000e-16 : f32
    %add3A_91 = vector.broadcast %add3A_90 : f32 to vector<1000x4xf32>
    %add3A_92 = arith.addf %get3A_89, %add3A_91 : vector<1000x4xf32>
    %div3A_93 = arith.constant 1.000000e+00 : f32
    %div3A_94 = vector.broadcast %div3A_93 : f32 to vector<1000x4xf32>
    %div3A_95 = arith.divf %div3A_94, %add3A_92 : vector<1000x4xf32>
    %dot_general3A_96 = arith.constant dense<0.000000e+00> : vector<1000x128xf32>
    %dot_general3A_97 = tpu.matmul %div3A_95, %get3A_80, %dot_general3A_96 {dimension_numbers = #tpu.dot_dimension_numbers<[1], [0], [0], [1], [0, 0, 1, 1], [], []>, transpose_lhs_hint = false} : vector<1000x4xf32>, vector<4x128xf32>, vector<1000x128xf32> -> vector<1000x128xf32>
    %mul3A_98 = arith.mulf %get3A_77, %dot_general3A_97 : vector<1000x128xf32>
    %broadcast_in_dim3A_99 = vector.shape_cast %get3A_84 : vector<128xf32> to vector<1x128xf32>
    %add3A_100 = vector.broadcast %broadcast_in_dim3A_99 : vector<1x128xf32> to vector<1000x128xf32>
    %add3A_101 = arith.addf %mul3A_98, %add3A_100 : vector<1000x128xf32>
    %max3A_102 = arith.constant 0.000000e+00 : f32
    %max3A_103 = vector.broadcast %max3A_102 : f32 to vector<1000x128xf32>
    %max3A_104 = arith.maximumf %add3A_101, %max3A_103 : vector<1000x128xf32>
    %get3A_105 = arith.constant 2 : index
    %get3A_106 = arith.constant 0 : index
    %get3A_107 = arith.constant 0 : index
    %get3A_108 = vector.load %arg9[%get3A_105, %get3A_106, %get3A_107] : memref<4x128x128xf32, #tpu.memory_space<vmem>>, vector<1x128x128xf32>
    %get3A_109 = vector.shape_cast %get3A_108 : vector<1x128x128xf32> to vector<128x128xf32>
    %dot_general3A_110 = arith.constant dense<0.000000e+00> : vector<1000x128xf32>
    %dot_general3A_111 = tpu.matmul %max3A_104, %get3A_109, %dot_general3A_110 {dimension_numbers = #tpu.dot_dimension_numbers<[1], [0], [0], [1], [0, 0, 1, 1], [], []>, transpose_lhs_hint = false} : vector<1000x128xf32>, vector<128x128xf32>, vector<1000x128xf32> -> vector<1000x128xf32>
    %add3A_112 = arith.addf %add3A_74, %dot_general3A_111 : vector<1000x128xf32>
    %get3A_113 = arith.constant 0 : index
    %get3A_114 = arith.constant 0 : index
    %get3A_115 = vector.load %arg4[%get3A_113, %get3A_114] : memref<1000x128xf32, #tpu.memory_space<vmem>>, vector<1000x128xf32>
    %get3A_116 = arith.constant 0 : index
    %get3A_117 = arith.constant 0 : index
    %get3A_118 = vector.load %arg10[%get3A_116, %get3A_117] : memref<4x128xf32, #tpu.memory_space<vmem>>, vector<4x128xf32>
    %get3A_119 = arith.constant 3 : index
    %get3A_120 = arith.constant 0 : index
    %get3A_121 = vector.load %arg11[%get3A_119, %get3A_120] : memref<4x128xf32, #tpu.memory_space<vmem>>, vector<1x128xf32>
    %get3A_122 = vector.shape_cast %get3A_121 : vector<1x128xf32> to vector<128xf32>
    %get3A_123 = arith.constant 0 : index
    %get3A_124 = arith.constant 0 : index
    %get3A_125 = arith.constant 0 : index
    %get3A_126 = vector.load %arg8[%get3A_123, %get3A_124, %get3A_125] : memref<1x1000x4xf32, #tpu.memory_space<vmem>>, vector<1x1000x4xf32>
    %get3A_127 = vector.shape_cast %get3A_126 : vector<1x1000x4xf32> to vector<1000x4xf32>
    %add3A_128 = arith.constant 1.000000e-16 : f32
    %add3A_129 = vector.broadcast %add3A_128 : f32 to vector<1000x4xf32>
    %add3A_130 = arith.addf %get3A_127, %add3A_129 : vector<1000x4xf32>
    %div3A_131 = arith.constant 1.000000e+00 : f32
    %div3A_132 = vector.broadcast %div3A_131 : f32 to vector<1000x4xf32>
    %div3A_133 = arith.divf %div3A_132, %add3A_130 : vector<1000x4xf32>
    %dot_general3A_134 = arith.constant dense<0.000000e+00> : vector<1000x128xf32>
    %dot_general3A_135 = tpu.matmul %div3A_133, %get3A_118, %dot_general3A_134 {dimension_numbers = #tpu.dot_dimension_numbers<[1], [0], [0], [1], [0, 0, 1, 1], [], []>, transpose_lhs_hint = false} : vector<1000x4xf32>, vector<4x128xf32>, vector<1000x128xf32> -> vector<1000x128xf32>
    %mul3A_136 = arith.mulf %get3A_115, %dot_general3A_135 : vector<1000x128xf32>
    %broadcast_in_dim3A_137 = vector.shape_cast %get3A_122 : vector<128xf32> to vector<1x128xf32>
    %add3A_138 = vector.broadcast %broadcast_in_dim3A_137 : vector<1x128xf32> to vector<1000x128xf32>
    %add3A_139 = arith.addf %mul3A_136, %add3A_138 : vector<1000x128xf32>
    %max3A_140 = arith.constant 0.000000e+00 : f32
    %max3A_141 = vector.broadcast %max3A_140 : f32 to vector<1000x128xf32>
    %max3A_142 = arith.maximumf %add3A_139, %max3A_141 : vector<1000x128xf32>
    %get3A_143 = arith.constant 3 : index
    %get3A_144 = arith.constant 0 : index
    %get3A_145 = arith.constant 0 : index
    %get3A_146 = vector.load %arg9[%get3A_143, %get3A_144, %get3A_145] : memref<4x128x128xf32, #tpu.memory_space<vmem>>, vector<1x128x128xf32>
    %get3A_147 = vector.shape_cast %get3A_146 : vector<1x128x128xf32> to vector<128x128xf32>
    %dot_general3A_148 = arith.constant dense<0.000000e+00> : vector<1000x128xf32>
    %dot_general3A_149 = tpu.matmul %max3A_142, %get3A_147, %dot_general3A_148 {dimension_numbers = #tpu.dot_dimension_numbers<[1], [0], [0], [1], [0, 0, 1, 1], [], []>, transpose_lhs_hint = false} : vector<1000x128xf32>, vector<128x128xf32>, vector<1000x128xf32> -> vector<1000x128xf32>
    %add3A_150 = arith.addf %add3A_112, %dot_general3A_149 : vector<1000x128xf32>
    %swap3A = arith.constant 0 : index
    %swap3A_151 = arith.constant 0 : index
    %swap3A_152 = vector.load %arg13[%swap3A, %swap3A_151] : memref<1000x128xf32, #tpu.memory_space<vmem>>, vector<1000x128xf32>
    tpu.vector_store %arg13[%swap3A, %swap3A_151], %add3A_150 {strides = array<i32>} : memref<1000x128xf32, #tpu.memory_space<vmem>>, vector<1000x128xf32>,
    return
  }
  func.func @transform_0(%arg0: i32) -> (i32, i32) {
    %c0_i32 = arith.constant 0 : i32
    %c0_i32_0 = arith.constant 0 : i32
    return %arg0, %c0_i32 : i32, i32
  }
  func.func @transform_1(%arg0: i32) -> (i32, i32) {
    %add3A = arith.constant 10 : i32
    %add3A_0 = arith.addi %add3A, %arg0 : i32
    %c0_i32 = arith.constant 0 : i32
    %c0_i32_1 = arith.constant 0 : i32
    return %add3A_0, %c0_i32 : i32, i32
  }
  func.func @transform_2(%arg0: i32) -> (i32, i32) {
    %c0_i32 = arith.constant 0 : i32
    %c0_i32_0 = arith.constant 0 : i32
    return %arg0, %c0_i32 : i32, i32
  }
  func.func @transform_3(%arg0: i32) -> (i32, i32) {
    %add3A = arith.constant 10 : i32
    %add3A_0 = arith.addi %add3A, %arg0 : i32
    %c0_i32 = arith.constant 0 : i32
    %c0_i32_1 = arith.constant 0 : i32
    return %add3A_0, %c0_i32 : i32, i32
  }
  func.func @transform_4(%arg0: i32) -> (i32, i32, i32) {
    %c0_i32 = arith.constant 0 : i32
    %c0_i32_0 = arith.constant 0 : i32
    %c0_i32_1 = arith.constant 0 : i32
    return %c0_i32, %arg0, %c0_i32_0 : i32, i32, i32
  }
  func.func @transform_5(%arg0: i32) -> (i32, i32, i32) {
    %c1_i32 = arith.constant 1 : i32
    %c0_i32 = arith.constant 0 : i32
    %c0_i32_0 = arith.constant 0 : i32
    return %c1_i32, %arg0, %c0_i32 : i32, i32, i32
  }
  func.func @transform_6(%arg0: i32) -> (i32, i32, i32) {
    %c0_i32 = arith.constant 0 : i32
    %c0_i32_0 = arith.constant 0 : i32
    %c0_i32_1 = arith.constant 0 : i32
    return %c0_i32, %arg0, %c0_i32_0 : i32, i32, i32
  }
  func.func @transform_7(%arg0: i32) -> (i32, i32, i32) {
    %c1_i32 = arith.constant 1 : i32
    %c0_i32 = arith.constant 0 : i32
    %c0_i32_0 = arith.constant 0 : i32
    return %c1_i32, %arg0, %c0_i32 : i32, i32, i32
  }
  func.func @transform_8(%arg0: i32) -> (i32, i32, i32) {
    %c0_i32 = arith.constant 0 : i32
    %c0_i32_0 = arith.constant 0 : i32
    %c0_i32_1 = arith.constant 0 : i32
    %c0_i32_2 = arith.constant 0 : i32
    return %c0_i32, %c0_i32_0, %c0_i32_1 : i32, i32, i32
  }
  func.func @transform_9(%arg0: i32) -> (i32, i32) {
    %c0_i32 = arith.constant 0 : i32
    %c0_i32_0 = arith.constant 0 : i32
    %c0_i32_1 = arith.constant 0 : i32
    return %c0_i32, %c0_i32_0 : i32, i32
  }
  func.func @transform_10(%arg0: i32) -> (i32, i32) {
    %c0_i32 = arith.constant 0 : i32
    %c0_i32_0 = arith.constant 0 : i32
    %c0_i32_1 = arith.constant 0 : i32
    return %c0_i32, %c0_i32_0 : i32, i32
  }
  func.func @transform_11(%arg0: i32) -> (i32, i32) {
    %c0_i32 = arith.constant 0 : i32
    %c0_i32_0 = arith.constant 0 : i32
    %c0_i32_1 = arith.constant 0 : i32
    return %c0_i32, %c0_i32_0 : i32, i32
  }
  func.func @transform_12(%arg0: i32) -> (i32, i32) {
    %c0_i32 = arith.constant 0 : i32
    %c0_i32_0 = arith.constant 0 : i32
    return %arg0, %c0_i32 : i32, i32
  }
}

</mosaic_0001>

<sc_bundles>
// kernel: kernel.10.cloned.1.call-start
scs
__scs_entry_jumppad:
0x0: {  	(pc) =	sbr.rel $0x88, $3  }
0x1: {  	(tag) =	ssettag $0x0;
	lr =	simm.s32 $0x1  }
0x2: {  	[smem:$0x3F91] =	sst lr;
	_ =	strace $0xD0000000  }
0x3: {  	_ = 	snop  }
0x4: {  	_ = 	snop  }
0x5: {  	_ = 	snop  }
0x6: {  	_ = 	snop  }
0x7: {  	_ = 	snop  }
__scs_overlays_trampoline_lowered:
0x8: {  	[smem:$0x3FA0] =	sst s0  }
0x9: {  	[smem:$0x3FA1] =	sst s1  }
0xa: {  	[smem:$0x3FA2] =	sst s2  }
0xb: {  	[smem:$0x3FA3] =	sst s3  }
0xc: {  	[smem:$0x3FA4] =	sst s4  }
0xd: {  	[smem:$0x3FA5] =	sst s5  }
0xe: {  	[smem:$0x3FA6] =	sst s6  }
0xf: {  	[smem:$0x3FA7] =	sst s7  }
0x10: {  	[smem:$0x3FA8] =	sst s8  }
0x11: {  	[smem:$0x3FA9] =	sst s9;
	s0 =	simm.s32 @!p0 $0x0  }
0x12: {  	s1 =	sld [smem:$0x3F8F];
	s0 =	simm.s32 @p0 $0x1  }
0x13: {  	[smem:$0x3FAA] =	sst s0;
	s0 =	simm.s32 @!p1 $0x0  }
0x14: {  	s2 =	sld [smem:$0x3F8E];
	s0 =	simm.s32 @p1 $0x1  }
0x15: {  	[smem:$0x3FAB] =	sst s0;
	s0 =	simm.s32 @!p2 $0x0  }
0x16: {  	s3 =	sld [smem:$0x3FDB];
	s0 =	simm.s32 @p2 $0x1  }
0x17: {  	s4 =	simm.s32 $0x1BF5;
	[smem:$0x3FAD] =	sst s0  }
0x18: {  	s0 =	sld [smem:$0x3F90];
	_ =	swait.ge [sflag:s4], $0x0  }
0x19: {  	s7 =	sld [smem:$0x3F91]  }
0x1a: {  	s8 =	sadd.s32 $0xFFFFE003, lr  }
0x1b: {  	s9 =	sadd.s32 $0xFFFFFEF7, lr;
	s5 =	simm.s32 $0xFFFFFFFF;
	p2 =	slt.u32 s8, $0xFFFFF086  }
0x1c: {  	p1 =	slt.u32 s9, $0xF7A;
	s5 =	simm.s32 @!p2 $0x0  }
0x1d: {  	s5 =	simm.s32 @p1 $0x1;
	p0 =	seq.s32 s7, s2  }
0x1e: {  	s7 =	smul.u32 @!p0 $0xF7A, s2;
	p2 =	seq.s32 @!p0 s5, $0x0  }
0x1f: {  	s9 =	smul.u32 $0xF7A, s1;
	s8 =	simm.s32 @!p0 $0x1BF5;
	p2 =	por !p2, p0  }
0x20: {  	[sflag:s8] =	ssyncset.s32 @!p0 $0xFFFFF086;
	s6 =	sadd.s32 @!p0 s3, s7;
	s7 =	simm.s32 @!p0 $0x108  }
0x21: {  	s3 =	sadd.s32 s3, s9;
	s6 =	sadd.s32 @!p0 $0x88, s6;
	s7 =	simm.s32 @p2 $0x1082  }
0x22: {  	[simem:s7], [sflag:s8] =	dma.local @!p0 [hbm:s6], $0xF7A  }
0x23: {  	s9 =	sor.u32 $0xD0000000, s2;
	s6 =	simm.s32 $0x108;
	_ =	swait.ge @!p0 [sflag:s8], $0x0  }
0x24: {  	s3 =	sadd.s32 $0x88, s3;
	s6 =	simm.s32 @!p1 $0x1082;
	[sflag:s4] =	ssyncset.s32 $0xFFFFF086  }
0x25: {  	[simem:s6], [sflag:s4] =	dma.local [hbm:s3], $0xF7A  }
0x26: {  	[smem:$0x3F91] =	sst s1;
	(tag) =	ssettag s2;
	_ =	strace s9  }
0x27: {  	s1 =	sld [smem:$0x3FA1]  }
0x28: {  	s2 =	sld [smem:$0x3FA2]  }
0x29: {  	s4 =	sld [smem:$0x3FA4]  }
0x2a: {  	p0 =	seq.s32 s5, $0x0;
	s5 =	sld [smem:$0x3FA5]  }
0x2b: {  	s6 =	sld [smem:$0x3FA6]  }
0x2c: {  	s7 =	sld [smem:$0x3FA7]  }
0x2d: {  	s3 =	simm.s32 $0x108;
	s8 =	sld [smem:$0x3FA8]  }
0x2e: {  	s3 =	simm.s32 @!p0 $0x1082;
	s9 =	sld [smem:$0x3FA9]  }
0x2f: {  	lr =	sadd.s32 s0, s3;
	s0 =	sld [smem:$0x3FA0]  }
0x30: {  	s3 =	sld [smem:$0x3FA3]  }
0x31: {  	[smem:$0x3FAC] =	sst s10  }
0x32: {  	s10 =	sld [smem:$0x3FAA];
	_ =	sdelay $0x3  }
0x33: {  	p0 =	seq.s32 s10, $0x1;
	s10 =	sld [smem:$0x3FAC];
	_ =	sdelay $0x3  }
0x34: {  	[smem:$0x3FAC] =	sst s10  }
0x35: {  	s10 =	sld [smem:$0x3FAB];
	_ =	sdelay $0x3  }
0x36: {  	p1 =	seq.s32 s10, $0x1;
	s10 =	sld [smem:$0x3FAC];
	_ =	sdelay $0x3  }
0x37: {  	[smem:$0x3FAC] =	sst s10  }
0x38: {  	s10 =	sld [smem:$0x3FAD]  }
0x39: {  	_ = 	snop;
	(pc) =	sbr.ind lr, $3  }
0x3a: {  	_ = 	snop  }
0x3b: {  	_ = 	snop  }
0x3c: {  	p2 =	seq.s32 s10, $0x1;
	s10 =	sld [smem:$0x3FAC]  }
0x3d: {  	_ =	shalt  }
0x3e: {  	_ =	shalt  }
0x3f: {  	_ =	shalt  }
0x40: {  	_ =	shalt  }
0x41: {  	_ =	shalt  }
0x42: {  	_ =	shalt  }
0x43: {  	_ =	shalt  }
0x44: {  	_ =	shalt  }
0x45: {  	_ =	shalt  }
0x46: {  	_ =	shalt  }
0x47: {  	_ =	shalt  }
0x48: {  	_ =	shalt  }
0x49: {  	_ =	shalt  }
0x4a: {  	_ =	shalt  }
0x4b: {  	_ =	shalt  }
0x4c: {  	_ =	shalt  }
0x4d: {  	_ =	shalt  }
0x4e: {  	_ =	shalt  }
0x4f: {  	_ =	shalt  }
0x50: {  	_ =	shalt  }
0x51: {  	_ =	shalt  }
0x52: {  	_ =	shalt  }
0x53: {  	_ =	shalt  }
0x54: {  	_ =	shalt  }
0x55: {  	_ =	shalt  }
0x56: {  	_ =	shalt  }
0x57: {  	_ =	shalt  }
0x58: {  	_ =	shalt  }
0x59: {  	_ =	shalt  }
0x5a: {  	_ =	shalt  }
0x5b: {  	_ =	shalt  }
0x5c: {  	_ =	shalt  }
0x5d: {  	_ =	shalt  }
0x5e: {  	_ =	shalt  }
0x5f: {  	_ =	shalt  }
0x60: {  	_ =	shalt  }
0x61: {  	_ =	shalt  }
0x62: {  	_ =	shalt  }
0x63: {  	_ =	shalt  }
0x64: {  	_ =	shalt  }
0x65: {  	_ =	shalt  }
0x66: {  	_ =	shalt  }
0x67: {  	_ =	shalt  }
0x68: {  	_ =	shalt  }
0x69: {  	_ =	shalt  }
0x6a: {  	_ =	shalt  }
0x6b: {  	_ =	shalt  }
0x6c: {  	_ =	shalt  }
0x6d: {  	_ =	shalt  }
0x6e: {  	_ =	shalt  }
0x6f: {  	_ =	shalt  }
0x70: {  	_ =	shalt  }
0x71: {  	_ =	shalt  }
0x72: {  	_ =	shalt  }
0x73: {  	_ =	shalt  }
0x74: {  	_ =	shalt  }
0x75: {  	_ =	shalt  }
0x76: {  	_ =	shalt  }
0x77: {  	_ =	shalt  }
0x78: {  	_ =	shalt  }
0x79: {  	_ =	shalt  }
0x7a: {  	_ =	shalt  }
0x7b: {  	_ =	shalt  }
0x7c: {  	_ =	shalt  }
0x7d: {  	_ =	shalt  }
0x7e: {  	_ =	shalt  }
0x7f: {  	_ =	shalt  }
0x80: {  	_ =	shalt  }
0x81: {  	_ =	shalt  }
0x82: {  	_ =	shalt  }
0x83: {  	_ =	shalt  }
0x84: {  	_ =	shalt  }
0x85: {  	_ =	shalt  }
0x86: {  	_ =	shalt  }
0x87: {  	_ =	shalt  }
.Lfunc_end0:
.L_simem_size_0:
called_computation.1_lowered:
.L_overlay_start_0:
0x88: {  	s2 =	sld [smem:$0x3FD9]  }
0x89: {  	s3 =	sld [smem:$0x3FFE];
	_ =	sdelay $0x1  }
0x8a: {  	s1 =	srdreg.scid  }
0x8b: {  	s0 =	sand.u32 $0x1, s1  }
0x8c: {  	s16 =	sshll.u32 s0, $0xA;
	s2 =	sadd.s32 s3, s2  }
0x8d: {  	s2 =	sadd.s32 s2, s16  }
0x8e: {  	[smem:$0x3FB8] =	sst s2  }
0x8f: {  	_ = 	snop  }
0x90: {  	(tm) =	ssettm $0x1  }
0x91: {  	s17 =	sld [smem:$0x3FFB];
	_ =	sdelay $0x3  }
0x92: {  	_ =	strace s17  }
0x93: {  	s2 =	sld [smem:$0x3FFC];
	_ =	sdelay $0x3  }
0x94: {  	_ =	strace s2  }
0x95: {  	s2 =	sld [smem:$0x3FFD];
	_ =	sdelay $0x3  }
0x96: {  	_ =	strace s2  }
0x97: {  	_ =	strace $0x8FFFFFFF  }
0x98: {  	s18 =	sld [smem:$0x3FDB];
	_ =	sdelay $0x1  }
0x99: {  	s19 =	simm.s32 $_scs_section_size  }
0x9a: {  	s4 =	simm.s32 $_size__tile_overlayer_lowered;
	s5 =	simm.s32 $_tile_overlayer_lowered  }
0x9b: {  	s22 =	simm.s32 $0x1BFF;
	s21 =	sshll.u32 s5, $0x1;
	s2 =	sadd.s32 s19, s18  }
0x9c: {  	s6 =	simm.s32 $0x0;
	s20 =	sshll.u32 s4, $0x1;
	s4 =	sadd.s32 s21, s2  }
0x9d: {  	[timem:s6], [sflag:s22] =	dma.local [hbm:s4], s20  }
0x9e: {  	_ =	swait.ge [sflag:s22], s20  }
0x9f: {  	s3 =	ssub.s32 $0x0, s20;
	[sflag:s22] =	ssyncset.done $0x0  }
0xa0: {  	[sflag:s22] =	ssyncadd.s32 s3;
	_ =	sdelay $0x1  }
0xa1: {  	s23 =	simm.s32 $0x1B8B  }
0xa2: {  	_ =	swait.ge [sflag:s23], $0x1  }
0xa3: {  	[sflag:s23] =	ssyncset.done $0x0  }
0xa4: {  	s25 =	simm.s32 $0x1B8E;
	s24 =	sld [smem:$0x3FFE];
	[sflag:s23] =	ssyncadd.s32 $0xFFFFFFFF  }
0xa5: {  	s26 =	simm.s32 $execute0_lowered;
	[smem:$0x3FD2] =	sst s25  }
0xa6: {  	s4 =	sshll.u32 s26, $0x1;
	_ =	strace $0x80000049;
	[dreg:$0x1] =	wrdreg $0xFFFFFFFF  }
0xa7: {  	s28 =	simm.s32 $_size_execute0_lowered;
	s2 =	sadd.s32 s2, s4;
	[dreg:$0x0] =	wrdreg $0x0  }
0xa8: {  	s4 =	sshll.u32 s28, $0x1;
	[dreg:$0x2] =	wrdreg s2  }
0xa9: {  	[dreg:$0x3] =	wrdreg s4  }
0xaa: {  	[dreg:$0x4] =	wrdreg $0xC0  }
0xab: {  	_ =	task [dreg:s6], $0x5FFFF  }
0xac: {  	[dreg:$0x1] =	wrdreg $0xFFFFFFFF  }
0xad: {  	[dreg:$0x0] =	wrdreg $0x60  }
0xae: {  	[dreg:$0x2] =	wrdreg s24  }
0xaf: {  	[dreg:$0x3] =	wrdreg $0x8E800  }
0xb0: {  	[dreg:$0x4] =	wrdreg $0x1C7800  }
0xb1: {  	[dreg:$0x5] =	wrdreg $0x9  }
0xb2: {  	_ =	task.clear_ibuf [dreg:s6], $0x6FFFF;
	_ =	strace $0x90000049  }
0xb3: {  	s29 =	simm.s32 $0x9;
	_ =	strace $0x8000004B  }
0xb4: {  	_ =	swait.ge [sflag:s29], $0x1  }
0xb5: {  	[sflag:s29] =	ssyncadd.s32 $0xFFFFFFFF  }
0xb6: {  	_ =	strace $0x9000004B  }
0xb7: {  	_ =	sfence  }
0xb8: {  	s30 =	sld [smem:$0x0];
	_ =	sdelay $0x2  }
0xb9: {  	s31 =	sshll.u32 s1, $0xD;
	s1 =	sshrl.u32 s1, $0x2  }
0xba: {  	s3 =	sand.u32 $0x4000, s31;
	s1 =	sadd.s32 s1, s30  }
0xbb: {  	s0 =	sor.u32 s3, s0;
	s1 =	sshll.u32 s1, $0x11  }
0xbc: {  	s0 =	sor.u32 s1, s0  }
0xbd: {  	s0 =	sadd.s32 $0x8F2B, s0  }
0xbe: {  	[sflag:s0] =	ssyncadd.remote.s32 $0x1  }
0xbf: {  	_ =	sfence.sel $0xFFFF  }
0xc0: {  	[dreg:$0x0] =	wrdreg $0xFFFFFFFF;
	(pc) =	sbr.abs _section_cstart, $3  }
0xc1: {  	[dreg:$0x1] =	wrdreg $0xFFFFFFFF  }
0xc2: {  	_ =	task.clear_ibuf [dreg:s6], $0x2FFFF;
	_ =	strace $0x9FFFFFFF  }
0xc3: {  	(tm) =	ssettm $0x7FFFFFFF  }
tec
execute0_lowered:
.L_overlay_start_1:
0x0: {  	(tag) =	ssettag $0x1  }
0x1: {  	s0 =	rddreg [dreg:$0x0]  }
0x2: {  	s1 =	rddreg [dreg:$0x1]  }
0x3: {  	s2 =	rddreg [dreg:$0x2]  }
0x4: {  	s3 =	simm.s32 $0x0;
	s4 =	srdreg.scid;
	s14 =	stileid.u32  }
0x5: {  	s28 =	simm.s32 $0x40;
	s30 =	simm.s32 $0x300;
	s31 =	simm.s32 $0x4600  }
0x6: {  	[smem:$0x7FF] =	sst s3;
	s4 =	sand.u32 $0x1, s4;
	s5 =	sadd.s32 $0x153400, s0  }
0x7: {  	s6 =	sadd.s32 $0xE200, s0;
	s7 =	sadd.s32 $0x4200, s0;
	s9 =	sshll.u32 s14, $0xA  }
0x8: {  	s16 =	ssub.s32 $0x281, s14;
	s17 =	sshll.u32 s14, $0xB;
	s13 =	ssub.s32 $0x37, s14  }
0x9: {  	s18 =	sshll.u32 s14, $0x3;
	s25 =	ssub.s32 $0x280, s14;
	s26 =	sshll.u32 s14, $0x8  }
0xa: {  	s14 =	simm.s32 $0x1;
	_ =	strace $0x8000004A;
	s8 =	smul.u32 $0xA000, s4  }
0xb: {  	s10 =	sshll.u32 s4, $0x4;
	s11 =	smul.u32 $0x27100, s4;
	s12 =	ssub.s32 $0x2, s4  }
0xc: {  	s4 =	smul.u32 $0x2710, s4;
	s19 =	sshrl.u32 s13, $0x4;
	s20 =	sadd.s32 s6, s18  }
0xd: {  	s21 =	sadd.s32 s9, s2;
	s22 =	sadd.s32 s7, s18;
	[dreg:$0x9] =	wrdreg s20  }
0xe: {  	s23 =	sor.u32 $0x80, s18;
	s13 =	simm.s32 $0x6600;
	[dreg:$0xa] =	wrdreg s22  }
0xf: {  	s10 =	sadd.s32 s10, s0;
	s15 =	sshrl.u32 s12, $0x1;
	[dreg:$0x7] =	wrdreg s19  }
0x10: {  	s24 =	sadd.s32 s6, s23;
	s20 =	simm.s32 $0x3;
	[dreg:$0x8] =	wrdreg s21  }
0x11: {  	s8 =	sadd.s32 s9, s8;
	s11 =	sadd.s32 s11, s0;
	s10 =	sadd.s32 $0x68C00, s10  }
0x12: {  	s9 =	sadd.s32 $0x4E20, s4;
	[dreg:$0xb] =	wrdreg s24;
	s24 =	simm.s32 $0x5  }
0x13: {  	s8 =	sshrl.u32 s8, $0x3;
	[dreg:$0x4] =	wrdreg s10;
	s10 =	sshrl.u32 s16, $0x4  }
0x14: {  	s16 =	sadd.s32 s17, s1;
	s17 =	sor.u32 $0x100, s18;
	s18 =	sor.u32 $0x180, s18  }
0x15: {  	s29 =	sadd.s32 s26, s11;
	s0 =	sadd.s32 s8, s0;
	[dreg:$0x5] =	wrdreg s10  }
0x16: {  	s8 =	ssub.s32 s12, s15;
	s12 =	sadd.s32 s7, s23;
	[dreg:$0x6] =	wrdreg s16  }
0x17: {  	v1 =	vmov s9;
	s9 =	simm.s32 $0x4;
	s10 =	sshrl.u32 s25, $0x4;
	[dreg:$0xc] =	wrdreg s12  }
0x18: {  	s25 =	simm.s32 $0x8600;
	[dreg:$0xd] =	wrdreg s10;
	s8 =	smax.u32 s8, $0x1  }
0x19: {  	s23 =	simm.s32 $0x4380;
	s0 =	sadd.s32 $0x18200, s0;
	[dreg:$0xe] =	wrdreg s8  }
0x1a: {  	s15 =	simm.s32 $0x2;
	s8 =	sadd.s32 $0x1AA00, s29;
	[dreg:$0x10] =	wrdreg s0  }
0x1b: {  	v2 =	vimm.f32 $0.0e+00;
	v3 =	vlaneseq.u32;
	v0 =	vmov s4;
	s0 =	simm.s32 $0x2300;
	[dreg:$0xf] =	wrdreg s8;
	s8 =	simm.s32 $0x0  }
.LBB2_1:
0x1c: {  	[dreg:$0x11] =	wrdreg s8  }
0x1d: {  	s4 =	rddreg [dreg:$0x4];
	s29 =	simm.s32 $0x8E00  }
0x1e: {  	[tilespmem:s29], [sflag:$0x5] =	stream.linear.gather [hbm4b:s4+s3], $0x80, $0x38;
	[tilespmem:$0x1D180] =	vst v63  }
0x1f: {  	_ =	swait.ge [sflag:s24], $0x80  }
0x20: {  	[sflag:s24] =	ssyncset.done $0x0  }
0x21: {  	s10 =	simm.s32 $0x200;
	s4 =	simm.s32 $0x0;
	[sflag:s24] =	ssyncadd.s32 $0xFFFFFF80  }
.LBB2_2:
0x22: {  	p0 =	sne.s32 s10, $0x1E00;
	[tilespmem:s4+$0x8670] =	vst v2  }
0x23: {  	[tilespmem:s4+$0x8600] =	vst v2  }
0x24: {  	[tilespmem:s4+$0x8610] =	vst v2  }
.Ltmp0:
0x25: {  	[tilespmem:s4+$0x8620] =	vst v2;
	(pc) =	sbr.rel @p0 .LBB2_2-.Ltmp0, $4  }
0x26: {  	[tilespmem:s4+$0x8630] =	vst v2  }
0x27: {  	[tilespmem:s4+$0x8640] =	vst v2  }
0x28: {  	[tilespmem:s4+$0x8650] =	vst v2  }
0x29: {  	[tilespmem:s4+$0x8660] =	vst v2;
	s4 =	sshra.s32 s10, $0x2;
	s10 =	sadd.s32 $0x200, s10  }
0x2a: {  	[tilespmem:s4+$0x8670] =	vst v2  }
0x2b: {  	[tilespmem:s4+$0x8600] =	vst v2  }
0x2c: {  	[tilespmem:s4+$0x8610] =	vst v2  }
0x2d: {  	[tilespmem:s4+$0x8620] =	vst v2  }
0x2e: {  	[tilespmem:s4+$0x8630] =	vst v2;
	s29 =	rddreg [dreg:$0x5]  }
0x2f: {  	[tilespmem:s4+$0x8640] =	vst v2;
	p0 =	sne.s32 s29, $0x1  }
.Ltmp1:
0x30: {  	[tilespmem:s4+$0x8650] =	vst v2;
	(pc) =	sbr.rel @!p0 .LBB2_5-.Ltmp1, $4  }
0x31: {  	[tilespmem:s4+$0x8660] =	vst v2  }
0x32: {  	[spmem:s16] =	stream.linear.scatter [tilespmem:s25], [sflag:$0x5], $0x800, $0x38;
	[tilespmem:$0x1D180] =	vst v63  }
0x33: {  	_ =	swait.ge [sflag:s24], $0x800  }
0x34: {  	s10 =	smov.u32 s16;
	s4 =	sadd.s32 $0xFFFFFFFF, s29;
	[sflag:s24] =	ssyncset.done $0x0  }
.LBB2_4:
0x35: {  	p0 =	sne.s32 s4, $0x1;
	[sflag:s24] =	ssyncadd.s32 $0xFFFFF800;
	s10 =	sadd.s32 $0x8000, s10  }
.Ltmp2:
0x36: {  	s4 =	sadd.s32 $0xFFFFFFFF, s4;
	(pc) =	sbr.rel @p0 .LBB2_4-.Ltmp2, $4  }
0x37: {  	_ = 	snop  }
0x38: {  	[spmem:s10] =	stream.linear.scatter [tilespmem:s25], [sflag:$0x5], $0x800, $0x38;
	[tilespmem:$0x1D180] =	vst v63  }
0x39: {  	_ =	swait.ge [sflag:s24], $0x800  }
0x3a: {  	[sflag:s24] =	ssyncset.done $0x0  }
.LBB2_5:
0x3b: {  	p0 =	sne.s32 s19, $0x1  }
.Ltmp3:
0x3c: {  	[sflag:s24] =	ssyncadd.s32 $0xFFFFF800;
	(pc) =	sbr.rel @!p0 .LBB2_7-.Ltmp3, $4  }
0x3d: {  	[spmem:s21] =	stream.linear.scatter [tilespmem:s25], [sflag:$0x5], $0x400, $0x38;
	[tilespmem:$0x1D180] =	vst v63  }
0x3e: {  	s8 =	simm.s32 @!p0 $0x0  }
0x3f: {  	s4 =	sadd.s32 $0xFFFFFFFF, s19;
	_ =	swait.ge [sflag:s24], $0x400;
	s8 =	simm.s32 @p0 $0x1  }
0x40: {  	s10 =	smov.u32 s21;
	[sflag:s24] =	ssyncset.done $0x0;
	[smem:$0x7FD] =	sst s8  }
.LBB2_6:
0x41: {  	p1 =	sne.s32 s4, $0x1;
	[sflag:s24] =	ssyncadd.s32 $0xFFFFFC00;
	s10 =	sadd.s32 $0x4000, s10  }
.Ltmp4:
0x42: {  	s4 =	sadd.s32 $0xFFFFFFFF, s4;
	(pc) =	sbr.rel @p1 .LBB2_6-.Ltmp4, $4  }
0x43: {  	_ = 	snop  }
0x44: {  	[spmem:s10] =	stream.linear.scatter [tilespmem:s25], [sflag:$0x5], $0x400, $0x38;
	[tilespmem:$0x1D180] =	vst v63  }
0x45: {  	_ =	swait.ge [sflag:s24], $0x400  }
0x46: {  	[sflag:s24] =	ssyncset.done $0x0  }
.LBB2_7:
0x47: {  	[sflag:s24] =	ssyncadd.s32 $0xFFFFFC00  }
0x48: {  	[bflag:$0x0] =	sbarrier.arrive $0xFFFF  }
0x49: {  	v4 =	vld [tilespmem:$0x8E00]  }
0x4a: {  	v5 =	vld [tilespmem:$0x8E10]  }
0x4b: {  	v6 =	vld [tilespmem:$0x8E20]  }
0x4c: {  	v7 =	vld [tilespmem:$0x8E30]  }
0x4d: {  	v8 =	vld [tilespmem:$0x8E40]  }
0x4e: {  	v9 =	vld [tilespmem:$0x8E50]  }
0x4f: {  	s22 =	simm.s32 $0x0;
	v10 =	vld [tilespmem:$0x8E60];
	s4 =	rddreg [dreg:$0x9]  }
0x50: {  	v11 =	vld [tilespmem:$0x8E70];
	[tilespmem:s22], [sflag:$0x5] =	stream.linear.gather [hbm4b:s4+s22], $0x40, $0x38  }
0x51: {  	_ =	swait.ge [sflag:s24], $0x40  }
0x52: {  	[sflag:s24] =	ssyncset.done $0x0  }
0x53: {  	s8 =	simm.s32 $0x80;
	s10 =	rddreg [dreg:$0xa];
	[sflag:s24] =	ssyncadd.s32 $0xFFFFFFC0  }
0x54: {  	[tilespmem:s8], [sflag:$0x5] =	stream.linear.gather [hbm4b:s10+s22], $0x40, $0x38;
	[tilespmem:$0x1D180] =	vst v63  }
0x55: {  	_ =	swait.ge [sflag:s24], $0x40  }
0x56: {  	[sflag:s24] =	ssyncset.done $0x0  }
0x57: {  	[sflag:s24] =	ssyncadd.s32 $0xFFFFFFC0  }
0x58: {  	v12 =	vld [tilespmem:$0x0]  }
0x59: {  	v13 =	vld [tilespmem:$0x80]  }
0x5a: {  	v15 =	vld [tilespmem:$0x90]  }
0x5b: {  	v36 =	vld [tilespmem:$0xA0]  }
0x5c: {  	v40 =	vld [tilespmem:$0xB0];
	_ =	sdelay $0x1  }
0x5d: {  	[tilespmem:$0x100] =	vst v13  }
0x5e: {  	v14 =	vld [tilespmem:$0x10];
	[tilespmem:$0x110] =	vst v15  }
0x5f: {  	[tilespmem:$0x120] =	vst v36  }
0x60: {  	v12 =	vadd.s32 v0, v12;
	[tilespmem:$0x130] =	vst v40  }
0x61: {  	v32 =	vadd.s32 v1, v13;
	[tilespmem:$0x180] =	vst v12  }
0x62: {  	v33 =	vshrl.u32 v13, $0x5;
	[tilespmem:$0x200] =	vst v32  }
0x63: {  	v39 =	vld [tilespmem:$0x30];
	v35 =	vadd.s32 v0, v14;
	[tilespmem:$0x280] =	vst v33  }
0x64: {  	v37 =	vadd.s32 v1, v15;
	[tilespmem:$0x190] =	vst v35  }
0x65: {  	v38 =	vshrl.u32 v15, $0x5;
	[tilespmem:$0x210] =	vst v37  }
0x66: {  	v34 =	vld [tilespmem:$0x20];
	v41 =	vadd.s32 v1, v36;
	[tilespmem:$0x290] =	vst v38  }
0x67: {  	v42 =	vshrl.u32 v36, $0x5;
	[tilespmem:$0x220] =	vst v41  }
0x68: {  	v43 =	vadd.s32 v0, v39;
	[tilespmem:$0x2A0] =	vst v42  }
0x69: {  	v44 =	vadd.s32 v1, v40;
	[tilespmem:$0x1B0] =	vst v43  }
0x6a: {  	v45 =	vshrl.u32 v40, $0x5;
	[tilespmem:$0x230] =	vst v44  }
0x6b: {  	v12 =	vadd.s32 v0, v34;
	[tilespmem:$0x2B0] =	vst v45  }
0x6c: {  	s11 =	simm.s32 $0x180;
	[tilespmem:$0x1A0] =	vst v12  }
0x6d: {  	[tilespmem:s30], [sflag:$0x1] =	stream.indirect.gather [hbm4b:s5+s28], $0x80, s11, s28, $0xb8;
	[tilespmem:$0x1D180] =	vst v63  }
0x6e: {  	s12 =	simm.s32 $0x200  }
0x6f: {  	[tilespmem:s0], [sflag:$0x2] =	stream.indirect.gather [hbm4b:s5+s28], $0x80, s12, s28, $0xb8;
	[tilespmem:$0x1D180] =	vst v63  }
0x70: {  	s19 =	simm.s32 $0x4300;
	s16 =	rddreg [dreg:$0xb]  }
0x71: {  	[tilespmem:s19], [sflag:$0x5] =	stream.linear.gather [hbm4b:s16+s22], $0x40, $0x38;
	[tilespmem:$0x1D180] =	vst v63  }
0x72: {  	_ =	swait.ge [sflag:s24], $0x40  }
0x73: {  	[sflag:s24] =	ssyncset.done $0x0  }
0x74: {  	s21 =	rddreg [dreg:$0xc];
	[sflag:s24] =	ssyncadd.s32 $0xFFFFFFC0  }
0x75: {  	[tilespmem:s23], [sflag:$0x5] =	stream.linear.gather [hbm4b:s21+s22], $0x40, $0x38;
	[tilespmem:$0x1D180] =	vst v63  }
0x76: {  	_ =	swait.ge [sflag:s24], $0x40  }
0x77: {  	[sflag:s24] =	ssyncset.done $0x0  }
0x78: {  	[sflag:s24] =	ssyncadd.s32 $0xFFFFFFC0  }
0x79: {  	v46 =	vld [tilespmem:$0x4300]  }
0x7a: {  	v47 =	vld [tilespmem:$0x4380]  }
0x7b: {  	v49 =	vld [tilespmem:$0x4390]  }
0x7c: {  	v54 =	vld [tilespmem:$0x43A0]  }
0x7d: {  	v58 =	vld [tilespmem:$0x43B0];
	_ =	sdelay $0x1  }
0x7e: {  	[tilespmem:$0x4400] =	vst v47  }
0x7f: {  	v48 =	vld [tilespmem:$0x4310];
	[tilespmem:$0x4410] =	vst v49  }
0x80: {  	[tilespmem:$0x4420] =	vst v54  }
0x81: {  	v12 =	vadd.s32 v0, v46;
	[tilespmem:$0x4430] =	vst v58  }
0x82: {  	v50 =	vadd.s32 v1, v47;
	[tilespmem:$0x4480] =	vst v12  }
0x83: {  	v51 =	vshrl.u32 v47, $0x5;
	[tilespmem:$0x4500] =	vst v50  }
0x84: {  	v57 =	vld [tilespmem:$0x4330];
	v53 =	vadd.s32 v0, v48;
	[tilespmem:$0x4580] =	vst v51  }
0x85: {  	v55 =	vadd.s32 v1, v49;
	[tilespmem:$0x4490] =	vst v53  }
0x86: {  	v56 =	vshrl.u32 v49, $0x5;
	[tilespmem:$0x4510] =	vst v55  }
0x87: {  	v52 =	vld [tilespmem:$0x4320];
	v59 =	vadd.s32 v1, v54;
	[tilespmem:$0x4590] =	vst v56  }
0x88: {  	v60 =	vshrl.u32 v54, $0x5;
	[tilespmem:$0x4520] =	vst v59  }
0x89: {  	v61 =	vadd.s32 v0, v57;
	[tilespmem:$0x45A0] =	vst v60  }
0x8a: {  	v62 =	vadd.s32 v1, v58;
	[tilespmem:$0x44B0] =	vst v61  }
0x8b: {  	v63 =	vshrl.u32 v58, $0x5;
	[tilespmem:$0x4530] =	vst v62  }
0x8c: {  	v12 =	vadd.s32 v0, v52;
	[tilespmem:$0x45B0] =	vst v63  }
0x8d: {  	s26 =	simm.s32 $0x4480;
	[tilespmem:$0x44A0] =	vst v12  }
0x8e: {  	[tilespmem:s31], [sflag:$0x3] =	stream.indirect.gather [hbm4b:s5+s28], $0x80, s26, s28, $0xb8;
	[tilespmem:$0x1D180] =	vst v63  }
0x8f: {  	s29 =	simm.s32 $0x4500  }
0x90: {  	[tilespmem:s13], [sflag:$0x4] =	stream.indirect.gather [hbm4b:s5+s28], $0x80, s29, s28, $0xb8;
	[tilespmem:$0x1D180] =	vst v63  }
.LBB2_8:
0x91: {  	_ =	swait.ge [sflag:s14], $0x2000  }
0x92: {  	[sflag:s14] =	ssyncset.done $0x0  }
0x93: {  	[sflag:s14] =	ssyncadd.s32 $0xFFFFE000  }
0x94: {  	_ =	swait.ge [sflag:s15], $0x2000  }
0x95: {  	[sflag:s15] =	ssyncset.done $0x0  }
0x96: {  	s11 =	simm.s32 $0x0;
	[sflag:s15] =	ssyncadd.s32 $0xFFFFE000  }
0x97: {  	v19 =	vld [tilespmem:s11+$0x320]  }
0x98: {  	v18 =	vld [tilespmem:s11+$0x2330]  }
0x99: {  	v17 =	vld [tilespmem:s11+$0x330]  }
0x9a: {  	v20 =	vld [tilespmem:s11+$0x2320]  }
0x9b: {  	v12 =	vld [tilespmem:s11+$0x300]  }
0x9c: {  	v13 =	vld [tilespmem:s11+$0x310]  }
0x9d: {  	v15 =	vld [tilespmem:s11+$0x340]  }
0x9e: {  	v16 =	vld [tilespmem:s11+$0x350]  }
0x9f: {  	v21 =	vld [tilespmem:s11+$0x2350];
	v22 =	vadd.f32 v18, v17;
	v20 =	vadd.f32 v20, v19  }
0xa0: {  	v23 =	vld [tilespmem:s11+$0x2340]  }
0xa1: {  	v24 =	vld [tilespmem:s11+$0x2310];
	v25 =	vmul.f32 $2.000000030e-01, v22;
	v27 =	vmul.f32 $2.000000030e-01, v20  }
0xa2: {  	v26 =	vld [tilespmem:s11+$0x2300]  }
0xa3: {  	v22 =	vmax.f32 v22, v25;
	v20 =	vmax.f32 v20, v27  }
0xa4: {  	v14 =	vld [tilespmem:s11+$0x370];
	v22 =	vmul.f32 v22, v7;
	v20 =	vmul.f32 v20, v6  }
0xa5: {  	v59 =	vld [tilespmem:s11+$0x2370];
	v23 =	vadd.f32 v23, v15;
	v21 =	vadd.f32 v21, v16  }
0xa6: {  	v58 =	vld [tilespmem:s11+$0x2360];
	v24 =	vadd.f32 v24, v13;
	v20 =	vadd.f32 v22, v20  }
0xa7: {  	v18 =	vld [tilespmem:s11+$0x360];
	v28 =	vmul.f32 $2.000000030e-01, v23;
	v22 =	vadd.f32 v26, v12  }
0xa8: {  	v60 =	vmul.f32 $2.000000030e-01, v21;
	v61 =	vmul.f32 $2.000000030e-01, v24;
	(xrf2) =	vadd.scan.msk.f32 $0xffff, v20  }
0xa9: {  	v23 =	vmax.f32 v23, v28;
	v20 =	vmul.f32 $2.000000030e-01, v22  }
0xaa: {  	v27 =	vadd.f32 v59, v14;
	v21 =	vmax.f32 v21, v60;
	v24 =	vmax.f32 v24, v61  }
0xab: {  	v23 =	vmul.f32 v23, v8;
	v21 =	vmul.f32 v21, v9;
	v20 =	vmax.f32 v22, v20  }
0xac: {  	v25 =	vadd.f32 v58, v18;
	v24 =	vmul.f32 v24, v5;
	v20 =	vmul.f32 v20, v4  }
0xad: {  	v21 =	vadd.f32 v21, v23  }
0xae: {  	v62 =	vmul.f32 $2.000000030e-01, v27;
	v22 =	vmul.f32 $2.000000030e-01, v25;
	v20 =	vadd.f32 v24, v20  }
0xaf: {  	(xrf2) =	vadd.scan.msk.f32 $0xffff, v21  }
0xb0: {  	v63 =	vmax.f32 v27, v62;
	v22 =	vmax.f32 v25, v22  }
0xb1: {  	v23 =	vmul.f32 v63, v11;
	v22 =	vmul.f32 v22, v10  }
0xb2: {  	(xrf2) =	vadd.scan.msk.f32 $0xffff, v20;
	v20, _, _ =	vpop (xrf2)  }
0xb3: {  	v21 =	vadd.f32 v23, v22;
	v20 =	vmul.f32 $1.442695020e+00, v20;
	_ =	sdelay $0x1  }
0xb4: {  	(xrf2) =	vadd.scan.msk.f32 $0xffff, v21;
	v20 =	vbroadcast v20, $0xF;
	_ =	sdelay $0x3  }
0xb5: {  	(erf) = vpow2.f32 v20;
	v20, _, _ =	vpop (xrf2)  }
0xb6: {  	v20 =	vmul.f32 $1.442695020e+00, v20;
	_ =	sdelay $0x1  }
0xb7: {  	v21, _, _ =	vpop (xrf2);
	v20 =	vbroadcast v20, $0xF  }
0xb8: {  	v21 =	vmul.f32 $1.442695020e+00, v21  }
0xb9: {  	(erf) = vpow2.f32 v20  }
0xba: {  	v22, _, _ =	vpop (xrf2);
	v21 =	vbroadcast v21, $0xF  }
0xbb: {  	v22 =	vmul.f32 $1.442695020e+00, v22  }
0xbc: {  	(erf) = vpow2.f32 v21  }
0xbd: {  	v22 =	vbroadcast v22, $0xF  }
0xbe: {  	v20 =	vpop (erf)  }
0xbf: {  	s12 =	simm.s32 $0x100;
	s21 =	simm.s32 $0x200;
	s10 =	simm.s32 $0x100;
	v19 =	vmul.f32 v20, v19;
	(erf) = vpow2.f32 v22  }
.LBB2_9:
0xc0: {  	p1 =	sne.s32 s21, $0x7E00  }
0xc1: {  	v17 =	vmul.f32 v20, v17;
	s12 =	sadd.s32 $0x1, s12;
	s4 =	smov.u32 s21;
	s21 =	sadd.s32 $0x200, s21  }
0xc2: {  	[tilespmem:s11+$0x320] =	vst v19;
	v21 =	vpop (erf)  }
0xc3: {  	[tilespmem:s11+$0x330] =	vst v17;
	v15 =	vmul.f32 v21, v15;
	v16 =	vmul.f32 v21, v16;
	_ =	sdelay $0x1  }
0xc4: {  	[tilespmem:s11+$0x340] =	vst v15;
	v17 =	vpop (erf)  }
0xc5: {  	v12 =	vmul.f32 v17, v12;
	v13 =	vmul.f32 v17, v13;
	[tilespmem:s11+$0x350] =	vst v16;
	_ =	sdelay $0x1  }
0xc6: {  	[tilespmem:s11+$0x300] =	vst v12  }
0xc7: {  	[tilespmem:s11+$0x310] =	vst v13;
	v22 =	vpop (erf)  }
0xc8: {  	v12 =	vmul.f32 v22, v18;
	v13 =	vmul.f32 v22, v14;
	_ =	sdelay $0x1  }
0xc9: {  	[tilespmem:s11+$0x360] =	vst v12  }
0xca: {  	[tilespmem:s11+$0x370] =	vst v13  }
0xcb: {  	v14 =	vld [tilespmem:s10+$0x0];
	s10 =	smov.u32 s12;
	_ =	sdelay $0x2  }
0xcc: {  	s4 =	sshra.s32 s4, $0x2  }
0xcd: {  	v12 =	vld [tilespmem:s4+$0x300]  }
0xce: {  	v13 =	vld [tilespmem:s4+$0x310];
	(v2sf) =	vpush v14, $0x0  }
0xcf: {  	v15 =	vld [tilespmem:s4+$0x340]  }
0xd0: {  	v16 =	vld [tilespmem:s4+$0x350];
	_ =	sdelay $0x4  }
0xd1: {  	v19 =	vld [tilespmem:s4+$0x320]  }
0xd2: {  	v14 =	vld [tilespmem:s4+$0x370];
	_ =	sdelay $0x6  }
0xd3: {  	s29 =	spop (v2sf)  }
0xd4: {  	s8 =	sshrl.u32 s29, $0x2;
	s29 =	sshll.u32 s29, $0x2  }
0xd5: {  	s8 =	sand.u32 $0x7, s8;
	s29 =	sand.u32 $0xC, s29  }
0xd6: {  	v18 =	vmov s29;
	s16 =	sor.u32 $0x1, s29;
	s19 =	sor.u32 $0x2, s29;
	s29 =	sor.u32 $0x3, s29  }
0xd7: {  	vm0 =	veq.s32 v18, v3;
	v18 =	vmov s16;
	v23 =	vmov s19  }
0xd8: {  	v17 =	vnsel vm0, $0x0, v17;
	vm0 =	veq.s32 v18, v3;
	v18 =	vmov s29  }
0xd9: {  	v17 =	vsel vm0, v20, v17;
	vm0 =	veq.s32 v23, v3  }
0xda: {  	v17 =	vsel vm0, v21, v17;
	vm0 =	veq.s32 v18, v3  }
0xdb: {  	p2 =	seq.s32 s8, $0x2;
	p3 =	seq.s32 s8, $0x3;
	p4 =	seq.s32 s8, $0x5;
	v17 =	vsel vm0, v22, v17  }
0xdc: {  	p5 =	seq.s32 s8, $0x0;
	p6 =	seq.s32 s8, $0x1;
	v18 =	vpsel !p2, $0x0, v17;
	v20 =	vpsel !p3, $0x0, v17;
	p2 =	seq.s32 s8, $0x4;
	v21 =	vpsel !p4, $0x0, v17  }
0xdd: {  	v22 =	vpsel !p5, $0x0, v17;
	v23 =	vpsel !p6, $0x0, v17;
	p3 =	seq.s32 s8, $0x7;
	[tilespmem:s11+$0x2330] =	vst v20;
	v20 =	vpsel !p2, $0x0, v17;
	p2 =	seq.s32 s8, $0x6  }
0xde: {  	v24 =	vpsel !p3, $0x0, v17;
	[tilespmem:s11+$0x2320] =	vst v18;
	v18 =	vpsel !p2, $0x0, v17  }
0xdf: {  	v25 =	vld [tilespmem:s4+$0x2330];
	[tilespmem:s11+$0x2350] =	vst v21  }
0xe0: {  	v17 =	vld [tilespmem:s4+$0x330];
	[tilespmem:s11+$0x2300] =	vst v22  }
0xe1: {  	[tilespmem:s11+$0x2310] =	vst v23  }
0xe2: {  	v21 =	vld [tilespmem:s4+$0x2320];
	[tilespmem:s11+$0x2360] =	vst v18  }
0xe3: {  	[tilespmem:s11+$0x2340] =	vst v20  }
0xe4: {  	v18 =	vld [tilespmem:s4+$0x2350];
	[tilespmem:s11+$0x2370] =	vst v24;
	s11 =	smov.u32 s4  }
0xe5: {  	v20 =	vadd.f32 v25, v17;
	v22 =	vld [tilespmem:s11+$0x2340];
	_ =	sdelay $0x1  }
0xe6: {  	v21 =	vadd.f32 v21, v19;
	v23 =	vmul.f32 $2.000000030e-01, v20  }
0xe7: {  	v24 =	vld [tilespmem:s11+$0x2310]  }
0xe8: {  	v25 =	vld [tilespmem:s11+$0x2300];
	v26 =	vmul.f32 $2.000000030e-01, v21;
	v20 =	vmax.f32 v20, v23;
	v23 =	vadd.f32 v18, v16  }
0xe9: {  	v20 =	vmul.f32 v20, v7;
	v22 =	vadd.f32 v22, v15  }
0xea: {  	v21 =	vmax.f32 v21, v26;
	v26 =	vmul.f32 $2.000000030e-01, v23;
	v18 =	vld [tilespmem:s11+$0x360]  }
0xeb: {  	v21 =	vmul.f32 v21, v6;
	v27 =	vmul.f32 $2.000000030e-01, v22;
	v28 =	vld [tilespmem:s11+$0x2360]  }
0xec: {  	v24 =	vadd.f32 v24, v13;
	v29 =	vld [tilespmem:s11+$0x2370]  }
0xed: {  	v23 =	vmax.f32 v23, v26;
	v25 =	vadd.f32 v25, v12;
	v22 =	vmax.f32 v22, v27  }
0xee: {  	v20 =	vadd.f32 v20, v21;
	v21 =	vmul.f32 v22, v8;
	v22 =	vmul.f32 v23, v9  }
0xef: {  	v26 =	vmul.f32 $2.000000030e-01, v24;
	v23 =	vmul.f32 $2.000000030e-01, v25  }
0xf0: {  	v21 =	vadd.f32 v22, v21;
	v22 =	vadd.f32 v28, v18;
	(xrf2) =	vadd.scan.msk.f32 $0xffff, v20  }
0xf1: {  	v20 =	vmax.f32 v25, v23;
	v23 =	vmax.f32 v24, v26;
	v24 =	vadd.f32 v29, v14  }
0xf2: {  	v20 =	vmul.f32 v20, v4;
	v23 =	vmul.f32 v23, v5  }
0xf3: {  	v25 =	vmul.f32 $2.000000030e-01, v22;
	v26 =	vmul.f32 $2.000000030e-01, v24;
	(xrf2) =	vadd.scan.msk.f32 $0xffff, v21  }
0xf4: {  	v20 =	vadd.f32 v23, v20  }
0xf5: {  	v21 =	vmax.f32 v22, v25;
	v22 =	vmax.f32 v24, v26  }
0xf6: {  	v21 =	vmul.f32 v21, v10;
	v22 =	vmul.f32 v22, v11;
	(xrf2) =	vadd.scan.msk.f32 $0xffff, v20;
	_ =	sdelay $0x1  }
0xf7: {  	v20 =	vadd.f32 v22, v21;
	_ =	sdelay $0x1  }
0xf8: {  	v21, _, _ =	vpop (xrf2);
	(xrf2) =	vadd.scan.msk.f32 $0xffff, v20  }
0xf9: {  	v20 =	vmul.f32 $1.442695020e+00, v21;
	_ =	sdelay $0x1  }
0xfa: {  	v20 =	vbroadcast v20, $0xF;
	v21, _, _ =	vpop (xrf2)  }
0xfb: {  	v22 =	vmul.f32 $1.442695020e+00, v21  }
0xfc: {  	(erf) = vpow2.f32 v20  }
0xfd: {  	v20 =	vbroadcast v22, $0xF;
	v21, _, _ =	vpop (xrf2)  }
0xfe: {  	v22 =	vmul.f32 $1.442695020e+00, v21  }
0xff: {  	(erf) = vpow2.f32 v20  }
0x100: {  	v20 =	vbroadcast v22, $0xF  }
0x101: {  	v21, _, _ =	vpop (xrf2)  }
.Ltmp5:
0x102: {  	v21 =	vmul.f32 $1.442695020e+00, v21;
	(erf) = vpow2.f32 v20;
	(pc) =	sbr.rel @p1 .LBB2_9-.Ltmp5, $4  }
0x103: {  	_ = 	snop  }
0x104: {  	v21 =	vbroadcast v21, $0xF  }
0x105: {  	v20 =	vpop (erf)  }
0x106: {  	v19 =	vmul.f32 v20, v19;
	(erf) = vpow2.f32 v21  }
0x107: {  	_ =	sdelay $0x1  }
0x108: {  	v17 =	vmul.f32 v20, v17  }
0x109: {  	v21 =	vpop (erf)  }
0x10a: {  	v15 =	vmul.f32 v21, v15  }
0x10b: {  	[tilespmem:s11+$0x320] =	vst v19  }
0x10c: {  	[tilespmem:s11+$0x330] =	vst v17;
	v16 =	vmul.f32 v21, v16;
	v17 =	vpop (erf)  }
0x10d: {  	[tilespmem:s11+$0x340] =	vst v15;
	v12 =	vmul.f32 v17, v12  }
0x10e: {  	[tilespmem:s11+$0x350] =	vst v16;
	v13 =	vmul.f32 v17, v13;
	v15 =	vpop (erf)  }
0x10f: {  	[tilespmem:s11+$0x300] =	vst v12;
	v12 =	vmul.f32 v15, v18  }
0x110: {  	[tilespmem:s11+$0x310] =	vst v13;
	v13 =	vmul.f32 v15, v14  }
0x111: {  	[tilespmem:s11+$0x360] =	vst v12  }
0x112: {  	[tilespmem:s11+$0x370] =	vst v13  }
0x113: {  	v12 =	vld [tilespmem:s10+$0x0];
	_ =	sdelay $0x4  }
0x114: {  	(v2sf) =	vpush v12, $0x0;
	_ =	sdelay $0xe  }
0x115: {  	s4 =	spop (v2sf)  }
0x116: {  	s8 =	sshll.u32 s4, $0x2  }
0x117: {  	s8 =	sand.u32 $0xC, s8  }
0x118: {  	v12 =	vmov s8;
	s21 =	sor.u32 $0x1, s8  }
0x119: {  	s12 =	sor.u32 $0x2, s8;
	vm0 =	veq.s32 v12, v3;
	v12 =	vmov s21  }
0x11a: {  	s8 =	sor.u32 $0x3, s8;
	v13 =	vmov s12;
	v14 =	vnsel vm0, $0x0, v17;
	vm13 =	veq.s32 v12, v3  }
0x11b: {  	s4 =	sshrl.u32 s4, $0x2;
	v12 =	vmov s8;
	vm14 =	veq.s32 v13, v3;
	v14 =	vsel vm13, v20, v14  }
0x11c: {  	s4 =	sand.u32 $0x7, s4;
	vm15 =	veq.s32 v12, v3;
	v13 =	vsel vm14, v21, v14  }
0x11d: {  	p1 =	seq.s32 s4, $0x3;
	v12 =	vsel vm15, v15, v13  }
0x11e: {  	p2 =	seq.s32 s4, $0x2;
	v13 =	vpsel !p1, $0x0, v12  }
0x11f: {  	p6 =	seq.s32 s4, $0x5;
	v14 =	vpsel !p2, $0x0, v12;
	[tilespmem:s11+$0x2330] =	vst v13  }
0x120: {  	p0 =	seq.s32 s4, $0x0;
	v13 =	vpsel !p6, $0x0, v12;
	[tilespmem:s11+$0x2320] =	vst v14  }
0x121: {  	p3 =	seq.s32 s4, $0x1;
	v14 =	vpsel !p0, $0x0, v12;
	[tilespmem:s11+$0x2350] =	vst v13  }
0x122: {  	p4 =	seq.s32 s4, $0x6;
	v13 =	vpsel !p3, $0x0, v12;
	[tilespmem:s11+$0x2300] =	vst v14  }
0x123: {  	p5 =	seq.s32 s4, $0x4;
	v14 =	vpsel !p4, $0x0, v12;
	[tilespmem:s11+$0x2310] =	vst v13  }
0x124: {  	p6 =	seq.s32 s4, $0x7;
	v13 =	vpsel !p5, $0x0, v12;
	[tilespmem:s11+$0x2360] =	vst v14  }
0x125: {  	v12 =	vpsel !p6, $0x0, v12;
	[tilespmem:s11+$0x2340] =	vst v13  }
0x126: {  	s26 =	simm.s32 $0x80;
	[tilespmem:s11+$0x2370] =	vst v12  }
0x127: {  	[spmem:s1] =	stream.indirect.scatter.add.f32 [tilespmem:s30], [sflag:$0x5], $0x80, s26, s28, $0xb8;
	[tilespmem:$0x1D180] =	vst v63  }
0x128: {  	_ =	swait.ge [sflag:s24], $0x2000  }
0x129: {  	[sflag:s24] =	ssyncset.done $0x0  }
0x12a: {  	s29 =	simm.s32 $0x280;
	[sflag:s24] =	ssyncadd.s32 $0xFFFFE000  }
0x12b: {  	[spmem:s2] =	stream.indirect.scatter.add.f32 [tilespmem:s0], [sflag:$0x5], $0x80, s29, s28, $0xb8;
	[tilespmem:$0x1D180] =	vst v63  }
0x12c: {  	p1 =	seq.s32 s22, $0x9F;
	s11 =	sshll.u32 s22, $0x8;
	_ =	swait.ge [sflag:s24], $0x2000  }
0x12d: {  	s4 =	sadd.s32 @!p1 s17, s11;
	[sflag:s24] =	ssyncset.done $0x0  }
0x12e: {  	s10 =	simm.s32 @!p1 $0x0;
	s8 =	sadd.s32 @!p1 s6, s4;
	[sflag:s24] =	ssyncadd.s32 $0xFFFFE000  }
0x12f: {  	[tilespmem:s10], [sflag:$0x5] =	stream.linear.gather @!p1 [hbm4b:s8+s10], $0x40, $0x38;
	[tilespmem:$0x1D180] =	vst v63  }
0x130: {  	s8 =	simm.s32 @!p1 $0x5  }
0x131: {  	_ =	swait.ge @!p1 [sflag:s8], $0x40  }
0x132: {  	[sflag:s8] =	ssyncset.done @!p1 $0x0  }
0x133: {  	s12 =	simm.s32 @!p1 $0x80;
	s4 =	sadd.s32 @!p1 s7, s4;
	[sflag:s8] =	ssyncadd.s32 @!p1 $0xFFFFFFC0  }
0x134: {  	[tilespmem:s12], [sflag:$0x5] =	stream.linear.gather @!p1 [hbm4b:s4+s10], $0x40, $0x38;
	[tilespmem:$0x1D180] =	vst v63  }
0x135: {  	_ =	swait.ge @!p1 [sflag:s8], $0x40  }
0x136: {  	[sflag:s8] =	ssyncset.done @!p1 $0x0  }
0x137: {  	[sflag:s8] =	ssyncadd.s32 @!p1 $0xFFFFFFC0  }
0x138: {  	v12 =	vld @!p1 [tilespmem:$0x0]  }
0x139: {  	v13 =	vld @!p1 [tilespmem:$0x80]  }
0x13a: {  	v15 =	vld @!p1 [tilespmem:$0x90];
	_ =	sdelay $0x1  }
0x13b: {  	v14 =	vld @!p1 [tilespmem:$0x10];
	_ =	sdelay $0x1  }
0x13c: {  	[tilespmem:$0x100] =	vst @!p1 v13  }
0x13d: {  	v12 =	vadd.s32 @!p1 v0, v12;
	[tilespmem:$0x110] =	vst @!p1 v15  }
0x13e: {  	[tilespmem:$0x180] =	vst @!p1 v12;
	v12 =	vadd.s32 @!p1 v1, v13  }
0x13f: {  	[tilespmem:$0x200] =	vst @!p1 v12;
	v12 =	vshrl.u32 @!p1 v13, $0x5;
	v13 =	vadd.s32 @!p1 v0, v14;
	v14 =	vld @!p1 [tilespmem:$0xA0]  }
0x140: {  	[tilespmem:$0x280] =	vst @!p1 v12;
	v12 =	vld @!p1 [tilespmem:$0x20]  }
0x141: {  	[tilespmem:$0x190] =	vst @!p1 v13;
	v13 =	vadd.s32 @!p1 v1, v15  }
0x142: {  	[tilespmem:$0x210] =	vst @!p1 v13;
	v13 =	vshrl.u32 @!p1 v15, $0x5;
	v15 =	vld @!p1 [tilespmem:$0xB0];
	_ =	sdelay $0x1  }
0x143: {  	[tilespmem:$0x290] =	vst @!p1 v13;
	v13 =	vld @!p1 [tilespmem:$0x30]  }
0x144: {  	[tilespmem:$0x120] =	vst @!p1 v14;
	v12 =	vadd.s32 @!p1 v0, v12  }
0x145: {  	[tilespmem:$0x1A0] =	vst @!p1 v12  }
0x146: {  	v12 =	vadd.s32 @!p1 v1, v14;
	[tilespmem:$0x130] =	vst @!p1 v15  }
0x147: {  	[tilespmem:$0x220] =	vst @!p1 v12;
	v12 =	vshrl.u32 @!p1 v14, $0x5  }
0x148: {  	[tilespmem:$0x2A0] =	vst @!p1 v12;
	v12 =	vadd.s32 @!p1 v0, v13  }
0x149: {  	[tilespmem:$0x1B0] =	vst @!p1 v12;
	v12 =	vadd.s32 @!p1 v1, v15  }
0x14a: {  	[tilespmem:$0x230] =	vst @!p1 v12;
	v12 =	vshrl.u32 @!p1 v15, $0x5  }
0x14b: {  	s4 =	simm.s32 @!p1 $0x40;
	s10 =	simm.s32 @!p1 $0x300;
	s8 =	simm.s32 @!p1 $0x180;
	[tilespmem:$0x2B0] =	vst @!p1 v12  }
0x14c: {  	[tilespmem:s10], [sflag:$0x1] =	stream.indirect.gather @!p1 [hbm4b:s5+s4], $0x80, s8, s4, $0xb8;
	[tilespmem:$0x1D180] =	vst v63  }
0x14d: {  	s8 =	simm.s32 @!p1 $0x200;
	s10 =	simm.s32 @!p1 $0x2300  }
0x14e: {  	[tilespmem:s10], [sflag:$0x2] =	stream.indirect.gather @!p1 [hbm4b:s5+s4], $0x80, s8, s4, $0xb8;
	[tilespmem:$0x1D180] =	vst v63  }
0x14f: {  	_ =	swait.ge [sflag:s20], $0x2000  }
0x150: {  	[sflag:s20] =	ssyncset.done $0x0  }
0x151: {  	[sflag:s20] =	ssyncadd.s32 $0xFFFFE000  }
0x152: {  	_ =	swait.ge [sflag:s9], $0x2000  }
0x153: {  	[sflag:s9] =	ssyncset.done $0x0  }
0x154: {  	s10 =	simm.s32 $0x0;
	[sflag:s9] =	ssyncadd.s32 $0xFFFFE000  }
0x155: {  	v19 =	vld [tilespmem:s10+$0x4620]  }
0x156: {  	v18 =	vld [tilespmem:s10+$0x6630]  }
0x157: {  	v17 =	vld [tilespmem:s10+$0x4630]  }
0x158: {  	v20 =	vld [tilespmem:s10+$0x6620]  }
0x159: {  	v12 =	vld [tilespmem:s10+$0x4600]  }
0x15a: {  	v13 =	vld [tilespmem:s10+$0x4610]  }
0x15b: {  	v15 =	vld [tilespmem:s10+$0x4640]  }
0x15c: {  	v16 =	vld [tilespmem:s10+$0x4650]  }
0x15d: {  	v21 =	vld [tilespmem:s10+$0x6650];
	v22 =	vadd.f32 v18, v17;
	v20 =	vadd.f32 v20, v19  }
0x15e: {  	v23 =	vld [tilespmem:s10+$0x6640]  }
0x15f: {  	v24 =	vld [tilespmem:s10+$0x6610];
	v25 =	vmul.f32 $2.000000030e-01, v22;
	v27 =	vmul.f32 $2.000000030e-01, v20  }
0x160: {  	v26 =	vld [tilespmem:s10+$0x6600]  }
0x161: {  	v22 =	vmax.f32 v22, v25;
	v20 =	vmax.f32 v20, v27  }
0x162: {  	v14 =	vld [tilespmem:s10+$0x4670];
	v22 =	vmul.f32 v22, v7;
	v20 =	vmul.f32 v20, v6  }
0x163: {  	v59 =	vld [tilespmem:s10+$0x6670];
	v23 =	vadd.f32 v23, v15;
	v21 =	vadd.f32 v21, v16  }
0x164: {  	v58 =	vld [tilespmem:s10+$0x6660];
	v24 =	vadd.f32 v24, v13;
	v20 =	vadd.f32 v22, v20  }
0x165: {  	v18 =	vld [tilespmem:s10+$0x4660];
	v28 =	vmul.f32 $2.000000030e-01, v23;
	v22 =	vadd.f32 v26, v12  }
0x166: {  	v60 =	vmul.f32 $2.000000030e-01, v21;
	v61 =	vmul.f32 $2.000000030e-01, v24;
	(xrf2) =	vadd.scan.msk.f32 $0xffff, v20  }
0x167: {  	v23 =	vmax.f32 v23, v28;
	v20 =	vmul.f32 $2.000000030e-01, v22  }
0x168: {  	v27 =	vadd.f32 v59, v14;
	v21 =	vmax.f32 v21, v60;
	v24 =	vmax.f32 v24, v61  }
0x169: {  	v23 =	vmul.f32 v23, v8;
	v21 =	vmul.f32 v21, v9;
	v20 =	vmax.f32 v22, v20  }
0x16a: {  	v25 =	vadd.f32 v58, v18;
	v24 =	vmul.f32 v24, v5;
	v20 =	vmul.f32 v20, v4  }
0x16b: {  	v21 =	vadd.f32 v21, v23  }
0x16c: {  	v62 =	vmul.f32 $2.000000030e-01, v27;
	v22 =	vmul.f32 $2.000000030e-01, v25;
	v20 =	vadd.f32 v24, v20  }
0x16d: {  	(xrf2) =	vadd.scan.msk.f32 $0xffff, v21  }
0x16e: {  	v63 =	vmax.f32 v27, v62;
	v22 =	vmax.f32 v25, v22  }
0x16f: {  	v23 =	vmul.f32 v63, v11;
	v22 =	vmul.f32 v22, v10  }
0x170: {  	(xrf2) =	vadd.scan.msk.f32 $0xffff, v20;
	v20, _, _ =	vpop (xrf2)  }
0x171: {  	v21 =	vadd.f32 v23, v22;
	v20 =	vmul.f32 $1.442695020e+00, v20;
	_ =	sdelay $0x1  }
0x172: {  	(xrf2) =	vadd.scan.msk.f32 $0xffff, v21;
	v20 =	vbroadcast v20, $0xF;
	_ =	sdelay $0x3  }
0x173: {  	(erf) = vpow2.f32 v20;
	v20, _, _ =	vpop (xrf2)  }
0x174: {  	v20 =	vmul.f32 $1.442695020e+00, v20;
	_ =	sdelay $0x1  }
0x175: {  	v21, _, _ =	vpop (xrf2);
	v20 =	vbroadcast v20, $0xF  }
0x176: {  	v21 =	vmul.f32 $1.442695020e+00, v21  }
0x177: {  	(erf) = vpow2.f32 v20  }
0x178: {  	v22, _, _ =	vpop (xrf2);
	v21 =	vbroadcast v21, $0xF  }
0x179: {  	v22 =	vmul.f32 $1.442695020e+00, v22  }
0x17a: {  	(erf) = vpow2.f32 v21  }
0x17b: {  	v22 =	vbroadcast v22, $0xF  }
0x17c: {  	v20 =	vpop (erf)  }
0x17d: {  	s21 =	simm.s32 $0x4400;
	s12 =	simm.s32 $0x4400;
	s4 =	simm.s32 $0x200;
	v19 =	vmul.f32 v20, v19;
	(erf) = vpow2.f32 v22  }
.LBB2_11:
0x17e: {  	p2 =	sne.s32 s4, $0x7E00  }
0x17f: {  	v17 =	vmul.f32 v20, v17;
	s21 =	sadd.s32 $0x1, s21;
	s8 =	smov.u32 s4;
	s4 =	sadd.s32 $0x200, s4  }
0x180: {  	[tilespmem:s10+$0x4620] =	vst v19;
	v21 =	vpop (erf)  }
0x181: {  	[tilespmem:s10+$0x4630] =	vst v17;
	v15 =	vmul.f32 v21, v15;
	v16 =	vmul.f32 v21, v16;
	_ =	sdelay $0x1  }
0x182: {  	[tilespmem:s10+$0x4640] =	vst v15;
	v17 =	vpop (erf)  }
0x183: {  	v12 =	vmul.f32 v17, v12;
	v13 =	vmul.f32 v17, v13;
	[tilespmem:s10+$0x4650] =	vst v16;
	_ =	sdelay $0x1  }
0x184: {  	[tilespmem:s10+$0x4600] =	vst v12  }
0x185: {  	[tilespmem:s10+$0x4610] =	vst v13;
	v22 =	vpop (erf)  }
0x186: {  	v12 =	vmul.f32 v22, v18;
	v13 =	vmul.f32 v22, v14;
	_ =	sdelay $0x1  }
0x187: {  	[tilespmem:s10+$0x4660] =	vst v12  }
0x188: {  	[tilespmem:s10+$0x4670] =	vst v13  }
0x189: {  	v14 =	vld [tilespmem:s12+$0x0];
	s12 =	smov.u32 s21;
	_ =	sdelay $0x2  }
0x18a: {  	s29 =	sshra.s32 s8, $0x2  }
0x18b: {  	v12 =	vld [tilespmem:s29+$0x4600]  }
0x18c: {  	v13 =	vld [tilespmem:s29+$0x4610];
	(v2sf) =	vpush v14, $0x0  }
0x18d: {  	v15 =	vld [tilespmem:s29+$0x4640]  }
0x18e: {  	v16 =	vld [tilespmem:s29+$0x4650];
	_ =	sdelay $0x4  }
0x18f: {  	v19 =	vld [tilespmem:s29+$0x4620]  }
0x190: {  	v14 =	vld [tilespmem:s29+$0x4670];
	_ =	sdelay $0x6  }
0x191: {  	s8 =	spop (v2sf)  }
0x192: {  	s16 =	sshrl.u32 s8, $0x2;
	s8 =	sshll.u32 s8, $0x2  }
0x193: {  	s16 =	sand.u32 $0x7, s16;
	s8 =	sand.u32 $0xC, s8  }
0x194: {  	v18 =	vmov s8;
	s19 =	sor.u32 $0x1, s8;
	s26 =	sor.u32 $0x2, s8;
	s8 =	sor.u32 $0x3, s8  }
0x195: {  	vm0 =	veq.s32 v18, v3;
	v18 =	vmov s19;
	v23 =	vmov s26  }
0x196: {  	v17 =	vnsel vm0, $0x0, v17;
	vm0 =	veq.s32 v18, v3;
	v18 =	vmov s8  }
0x197: {  	v17 =	vsel vm0, v20, v17;
	vm0 =	veq.s32 v23, v3  }
0x198: {  	v17 =	vsel vm0, v21, v17;
	vm0 =	veq.s32 v18, v3  }
0x199: {  	p3 =	seq.s32 s16, $0x2;
	p4 =	seq.s32 s16, $0x3;
	p5 =	seq.s32 s16, $0x5;
	v17 =	vsel vm0, v22, v17  }
0x19a: {  	p6 =	seq.s32 s16, $0x0;
	p0 =	seq.s32 s16, $0x1;
	v18 =	vpsel !p3, $0x0, v17;
	v20 =	vpsel !p4, $0x0, v17;
	p3 =	seq.s32 s16, $0x4;
	v21 =	vpsel !p5, $0x0, v17  }
0x19b: {  	v22 =	vpsel !p6, $0x0, v17;
	v23 =	vpsel !p0, $0x0, v17;
	p0 =	seq.s32 s16, $0x6;
	[tilespmem:s10+$0x6630] =	vst v20;
	v20 =	vpsel !p3, $0x0, v17;
	p3 =	seq.s32 s16, $0x7  }
0x19c: {  	[tilespmem:s10+$0x6620] =	vst v18;
	v18 =	vpsel !p0, $0x0, v17;
	v24 =	vpsel !p3, $0x0, v17  }
0x19d: {  	v25 =	vld [tilespmem:s29+$0x6630];
	[tilespmem:s10+$0x6650] =	vst v21  }
0x19e: {  	v17 =	vld [tilespmem:s29+$0x4630];
	[tilespmem:s10+$0x6600] =	vst v22  }
0x19f: {  	[tilespmem:s10+$0x6610] =	vst v23  }
0x1a0: {  	v21 =	vld [tilespmem:s29+$0x6620];
	[tilespmem:s10+$0x6660] =	vst v18  }
0x1a1: {  	[tilespmem:s10+$0x6640] =	vst v20  }
0x1a2: {  	v18 =	vld [tilespmem:s29+$0x6650];
	[tilespmem:s10+$0x6670] =	vst v24;
	s10 =	smov.u32 s29  }
0x1a3: {  	v20 =	vadd.f32 v25, v17;
	v22 =	vld [tilespmem:s10+$0x6640];
	_ =	sdelay $0x1  }
0x1a4: {  	v21 =	vadd.f32 v21, v19;
	v23 =	vmul.f32 $2.000000030e-01, v20  }
0x1a5: {  	v24 =	vld [tilespmem:s10+$0x6610]  }
0x1a6: {  	v25 =	vld [tilespmem:s10+$0x6600];
	v26 =	vmul.f32 $2.000000030e-01, v21;
	v20 =	vmax.f32 v20, v23;
	v23 =	vadd.f32 v18, v16  }
0x1a7: {  	v20 =	vmul.f32 v20, v7;
	v22 =	vadd.f32 v22, v15  }
0x1a8: {  	v21 =	vmax.f32 v21, v26;
	v26 =	vmul.f32 $2.000000030e-01, v23;
	v18 =	vld [tilespmem:s10+$0x4660]  }
0x1a9: {  	v21 =	vmul.f32 v21, v6;
	v27 =	vmul.f32 $2.000000030e-01, v22;
	v28 =	vld [tilespmem:s10+$0x6660]  }
0x1aa: {  	v24 =	vadd.f32 v24, v13;
	v29 =	vld [tilespmem:s10+$0x6670]  }
0x1ab: {  	v23 =	vmax.f32 v23, v26;
	v25 =	vadd.f32 v25, v12;
	v22 =	vmax.f32 v22, v27  }
0x1ac: {  	v20 =	vadd.f32 v20, v21;
	v21 =	vmul.f32 v22, v8;
	v22 =	vmul.f32 v23, v9  }
0x1ad: {  	v26 =	vmul.f32 $2.000000030e-01, v24;
	v23 =	vmul.f32 $2.000000030e-01, v25  }
0x1ae: {  	v21 =	vadd.f32 v22, v21;
	v22 =	vadd.f32 v28, v18;
	(xrf2) =	vadd.scan.msk.f32 $0xffff, v20  }
0x1af: {  	v20 =	vmax.f32 v25, v23;
	v23 =	vmax.f32 v24, v26;
	v24 =	vadd.f32 v29, v14  }
0x1b0: {  	v20 =	vmul.f32 v20, v4;
	v23 =	vmul.f32 v23, v5  }
0x1b1: {  	v25 =	vmul.f32 $2.000000030e-01, v22;
	v26 =	vmul.f32 $2.000000030e-01, v24;
	(xrf2) =	vadd.scan.msk.f32 $0xffff, v21  }
0x1b2: {  	v20 =	vadd.f32 v23, v20  }
0x1b3: {  	v21 =	vmax.f32 v22, v25;
	v22 =	vmax.f32 v24, v26  }
0x1b4: {  	v21 =	vmul.f32 v21, v10;
	v22 =	vmul.f32 v22, v11;
	(xrf2) =	vadd.scan.msk.f32 $0xffff, v20;
	_ =	sdelay $0x1  }
0x1b5: {  	v20 =	vadd.f32 v22, v21;
	_ =	sdelay $0x1  }
0x1b6: {  	v21, _, _ =	vpop (xrf2);
	(xrf2) =	vadd.scan.msk.f32 $0xffff, v20  }
0x1b7: {  	v20 =	vmul.f32 $1.442695020e+00, v21;
	_ =	sdelay $0x1  }
0x1b8: {  	v20 =	vbroadcast v20, $0xF;
	v21, _, _ =	vpop (xrf2)  }
0x1b9: {  	v22 =	vmul.f32 $1.442695020e+00, v21  }
0x1ba: {  	(erf) = vpow2.f32 v20  }
0x1bb: {  	v20 =	vbroadcast v22, $0xF;
	v21, _, _ =	vpop (xrf2)  }
0x1bc: {  	v22 =	vmul.f32 $1.442695020e+00, v21  }
0x1bd: {  	(erf) = vpow2.f32 v20  }
0x1be: {  	v20 =	vbroadcast v22, $0xF  }
0x1bf: {  	v21, _, _ =	vpop (xrf2)  }
.Ltmp6:
0x1c0: {  	v21 =	vmul.f32 $1.442695020e+00, v21;
	(erf) = vpow2.f32 v20;
	(pc) =	sbr.rel @p2 .LBB2_11-.Ltmp6, $4  }
0x1c1: {  	_ = 	snop  }
0x1c2: {  	v21 =	vbroadcast v21, $0xF  }
0x1c3: {  	v20 =	vpop (erf)  }
0x1c4: {  	v19 =	vmul.f32 v20, v19;
	(erf) = vpow2.f32 v21  }
0x1c5: {  	_ =	sdelay $0x3  }
0x1c6: {  	v17 =	vmul.f32 v20, v17;
	v21 =	vpop (erf)  }
0x1c7: {  	[tilespmem:s10+$0x4620] =	vst v19;
	v15 =	vmul.f32 v21, v15  }
0x1c8: {  	[tilespmem:s10+$0x4630] =	vst v17;
	v16 =	vmul.f32 v21, v16;
	v49 =	vpop (erf)  }
0x1c9: {  	[tilespmem:s10+$0x4640] =	vst v15;
	v12 =	vmul.f32 v49, v12  }
0x1ca: {  	[tilespmem:s10+$0x4650] =	vst v16;
	v13 =	vmul.f32 v49, v13;
	v50 =	vpop (erf)  }
0x1cb: {  	[tilespmem:s10+$0x4600] =	vst v12;
	v51 =	vmul.f32 v50, v18  }
0x1cc: {  	[tilespmem:s10+$0x4610] =	vst v13;
	v52 =	vmul.f32 v50, v14  }
0x1cd: {  	[tilespmem:s10+$0x4660] =	vst v51  }
0x1ce: {  	[tilespmem:s10+$0x4670] =	vst v52  }
0x1cf: {  	v12 =	vld [tilespmem:s12+$0x0];
	_ =	sdelay $0x4  }
0x1d0: {  	(v2sf) =	vpush v12, $0x0;
	_ =	sdelay $0xe  }
0x1d1: {  	s4 =	spop (v2sf)  }
0x1d2: {  	s8 =	sshll.u32 s4, $0x2  }
0x1d3: {  	s8 =	sand.u32 $0xC, s8  }
0x1d4: {  	v53 =	vmov s8;
	s26 =	sor.u32 $0x1, s8  }
0x1d5: {  	s16 =	sor.u32 $0x2, s8;
	vm0 =	veq.s32 v53, v3;
	v54 =	vmov s26  }
0x1d6: {  	s8 =	sor.u32 $0x3, s8;
	v55 =	vmov s16;
	v56 =	vnsel vm0, $0x0, v49;
	vm13 =	veq.s32 v54, v3  }
0x1d7: {  	s4 =	sshrl.u32 s4, $0x2;
	v57 =	vmov s8;
	vm14 =	veq.s32 v55, v3;
	v14 =	vsel vm13, v20, v56  }
0x1d8: {  	s4 =	sand.u32 $0x7, s4;
	vm15 =	veq.s32 v57, v3;
	v13 =	vsel vm14, v21, v14  }
0x1d9: {  	p0 =	seq.s32 s4, $0x3;
	v12 =	vsel vm15, v50, v13  }
0x1da: {  	p2 =	seq.s32 s4, $0x2;
	v13 =	vpsel !p0, $0x0, v12  }
0x1db: {  	p5 =	seq.s32 s4, $0x5;
	v58 =	vpsel !p2, $0x0, v12;
	[tilespmem:s10+$0x6630] =	vst v13  }
0x1dc: {  	p6 =	seq.s32 s4, $0x0;
	v59 =	vpsel !p5, $0x0, v12;
	[tilespmem:s10+$0x6620] =	vst v58  }
0x1dd: {  	p3 =	seq.s32 s4, $0x1;
	v60 =	vpsel !p6, $0x0, v12;
	[tilespmem:s10+$0x6650] =	vst v59  }
0x1de: {  	p4 =	seq.s32 s4, $0x6;
	v61 =	vpsel !p3, $0x0, v12;
	[tilespmem:s10+$0x6600] =	vst v60  }
0x1df: {  	p5 =	seq.s32 s4, $0x4;
	v62 =	vpsel !p4, $0x0, v12;
	[tilespmem:s10+$0x6610] =	vst v61  }
0x1e0: {  	p6 =	seq.s32 s4, $0x7;
	v63 =	vpsel !p5, $0x0, v12;
	[tilespmem:s10+$0x6660] =	vst v62  }
0x1e1: {  	v12 =	vpsel !p6, $0x0, v12;
	[tilespmem:s10+$0x6640] =	vst v63  }
0x1e2: {  	[tilespmem:s10+$0x6670] =	vst v12  }
0x1e3: {  	[spmem:s1] =	stream.indirect.scatter.add.f32 [tilespmem:s31], [sflag:$0x5], $0x80, s23, s28, $0xb8;
	[tilespmem:$0x1D180] =	vst v63  }
0x1e4: {  	_ =	swait.ge [sflag:s24], $0x2000  }
0x1e5: {  	[sflag:s24] =	ssyncset.done $0x0  }
.Ltmp7:
0x1e6: {  	s29 =	simm.s32 $0x4580;
	[sflag:s24] =	ssyncadd.s32 $0xFFFFE000;
	(pc) =	sbr.rel @p1 .LBB2_14-.Ltmp7, $4  }
0x1e7: {  	[spmem:s2] =	stream.indirect.scatter.add.f32 [tilespmem:s13], [sflag:$0x5], $0x80, s29, s28, $0xb8;
	[tilespmem:$0x1D180] =	vst v63  }
0x1e8: {  	_ =	swait.ge [sflag:s24], $0x2000  }
0x1e9: {  	[sflag:s24] =	ssyncset.done $0x0  }
0x1ea: {  	[sflag:s24] =	ssyncadd.s32 $0xFFFFE000  }
0x1eb: {  	s4 =	sadd.s32 s18, s11  }
0x1ec: {  	s10 =	simm.s32 $0x4300;
	s8 =	sadd.s32 s6, s4  }
0x1ed: {  	[tilespmem:s10], [sflag:$0x5] =	stream.linear.gather [hbm4b:s8+s3], $0x40, $0x38;
	[tilespmem:$0x1D180] =	vst v63  }
0x1ee: {  	_ =	swait.ge [sflag:s24], $0x40  }
0x1ef: {  	[sflag:s24] =	ssyncset.done $0x0  }
0x1f0: {  	s4 =	sadd.s32 s7, s4;
	[sflag:s24] =	ssyncadd.s32 $0xFFFFFFC0  }
0x1f1: {  	[tilespmem:s23], [sflag:$0x5] =	stream.linear.gather [hbm4b:s4+s3], $0x40, $0x38;
	[tilespmem:$0x1D180] =	vst v63  }
0x1f2: {  	_ =	swait.ge [sflag:s24], $0x40  }
0x1f3: {  	[sflag:s24] =	ssyncset.done $0x0  }
0x1f4: {  	[sflag:s24] =	ssyncadd.s32 $0xFFFFFFC0  }
0x1f5: {  	v12 =	vld [tilespmem:$0x4300]  }
0x1f6: {  	v13 =	vld [tilespmem:$0x4380]  }
0x1f7: {  	v15 =	vld [tilespmem:$0x4390]  }
0x1f8: {  	v54 =	vld [tilespmem:$0x43A0]  }
0x1f9: {  	v58 =	vld [tilespmem:$0x43B0];
	_ =	sdelay $0x1  }
0x1fa: {  	[tilespmem:$0x4400] =	vst v13  }
0x1fb: {  	v14 =	vld [tilespmem:$0x4310];
	[tilespmem:$0x4410] =	vst v15  }
0x1fc: {  	[tilespmem:$0x4420] =	vst v54  }
0x1fd: {  	v12 =	vadd.s32 v0, v12;
	[tilespmem:$0x4430] =	vst v58  }
0x1fe: {  	v50 =	vadd.s32 v1, v13;
	[tilespmem:$0x4480] =	vst v12  }
0x1ff: {  	v51 =	vshrl.u32 v13, $0x5;
	[tilespmem:$0x4500] =	vst v50  }
0x200: {  	v57 =	vld [tilespmem:$0x4330];
	v53 =	vadd.s32 v0, v14;
	[tilespmem:$0x4580] =	vst v51  }
0x201: {  	v55 =	vadd.s32 v1, v15;
	[tilespmem:$0x4490] =	vst v53  }
0x202: {  	v56 =	vshrl.u32 v15, $0x5;
	[tilespmem:$0x4510] =	vst v55  }
0x203: {  	v52 =	vld [tilespmem:$0x4320];
	v59 =	vadd.s32 v1, v54;
	[tilespmem:$0x4590] =	vst v56  }
0x204: {  	v60 =	vshrl.u32 v54, $0x5;
	[tilespmem:$0x4520] =	vst v59  }
0x205: {  	v61 =	vadd.s32 v0, v57;
	[tilespmem:$0x45A0] =	vst v60  }
0x206: {  	v62 =	vadd.s32 v1, v58;
	[tilespmem:$0x44B0] =	vst v61  }
0x207: {  	v63 =	vshrl.u32 v58, $0x5;
	[tilespmem:$0x4530] =	vst v62  }
.Ltmp8:
0x208: {  	v12 =	vadd.s32 v0, v52;
	[tilespmem:$0x45B0] =	vst v63;
	(pc) =	sbr.rel .LBB2_8-.Ltmp8, $4  }
0x209: {  	s26 =	simm.s32 $0x4480;
	[tilespmem:$0x44A0] =	vst v12  }
0x20a: {  	[tilespmem:s31], [sflag:$0x3] =	stream.indirect.gather [hbm4b:s5+s28], $0x80, s26, s28, $0xb8;
	[tilespmem:$0x1D180] =	vst v63  }
0x20b: {  	s29 =	simm.s32 $0x4500;
	s22 =	sadd.s32 $0x1, s22  }
0x20c: {  	[tilespmem:s13], [sflag:$0x4] =	stream.indirect.gather [hbm4b:s5+s28], $0x80, s29, s28, $0xb8;
	[tilespmem:$0x1D180] =	vst v63  }
.LBB2_14:
0x20d: {  	[bflag:$0x0] =	sbarrier.arrive $0xFFFF  }
0x20e: {  	s16 =	rddreg [dreg:$0x6]  }
0x20f: {  	[tilespmem:s25], [sflag:$0x5] =	stream.linear.gather [spmem:s16], $0x800, $0x38;
	[tilespmem:$0x1D180] =	vst v63  }
0x210: {  	_ =	swait.ge [sflag:s24], $0x800  }
0x211: {  	s4 =	rddreg [dreg:$0xd]  }
0x212: {  	p0 =	sne.s32 s4, $0x1  }
.Ltmp9:
0x213: {  	[sflag:s24] =	ssyncset.done $0x0;
	(pc) =	sbr.rel @!p0 .LBB2_16-.Ltmp9, $4  }
0x214: {  	s10 =	rddreg [dreg:$0xf];
	[sflag:s24] =	ssyncadd.s32 $0xFFFFF800  }
0x215: {  	[hbm4b:s10+s3] =	stream.linear.scatter [tilespmem:s25], [sflag:$0x5], $0x800, $0x38;
	[tilespmem:$0x1D180] =	vst v63  }
0x216: {  	s11 =	smov.u32 s16;
	_ =	swait.ge [sflag:s24], $0x800  }
0x217: {  	s4 =	sadd.s32 $0xFFFFFFFF, s4;
	[sflag:s24] =	ssyncset.done $0x0;
	s19 =	rddreg [dreg:$0x7]  }
.LBB2_15:
0x218: {  	[sflag:s24] =	ssyncadd.s32 $0xFFFFF800;
	s10 =	sadd.s32 $0x1000, s10;
	s11 =	sadd.s32 $0x8000, s11  }
0x219: {  	[tilespmem:s25], [sflag:$0x5] =	stream.linear.gather [spmem:s11], $0x800, $0x38;
	[tilespmem:$0x1D180] =	vst v63  }
0x21a: {  	p0 =	sne.s32 s4, $0x1;
	s4 =	sadd.s32 $0xFFFFFFFF, s4;
	_ =	swait.ge [sflag:s24], $0x800  }
.Ltmp10:
0x21b: {  	[sflag:s24] =	ssyncset.done $0x0;
	(pc) =	sbr.rel @p0 .LBB2_15-.Ltmp10, $4  }
0x21c: {  	[sflag:s24] =	ssyncadd.s32 $0xFFFFF800  }
0x21d: {  	[hbm4b:s10+s3] =	stream.linear.scatter [tilespmem:s25], [sflag:$0x5], $0x800, $0x38;
	[tilespmem:$0x1D180] =	vst v63  }
0x21e: {  	_ =	swait.ge [sflag:s24], $0x800  }
0x21f: {  	[sflag:s24] =	ssyncset.done $0x0  }
.LBB2_16:
0x220: {  	[sflag:s24] =	ssyncadd.s32 $0xFFFFF800;
	s21 =	rddreg [dreg:$0x8]  }
0x221: {  	[tilespmem:s25], [sflag:$0x5] =	stream.linear.gather [spmem:s21], $0x400, $0x38;
	[tilespmem:$0x1D180] =	vst v63  }
0x222: {  	_ =	swait.ge [sflag:s24], $0x400  }
0x223: {  	[sflag:s24] =	ssyncset.done $0x0  }
0x224: {  	s10 =	rddreg [dreg:$0x10];
	[sflag:s24] =	ssyncadd.s32 $0xFFFFFC00  }
0x225: {  	[hbm4b:s10+s3] =	stream.linear.scatter [tilespmem:s25], [sflag:$0x5], $0x400, $0x38;
	[tilespmem:$0x1D180] =	vst v63  }
0x226: {  	_ =	swait.ge [sflag:s24], $0x400  }
0x227: {  	s12 =	sld [smem:$0x7FD];
	_ =	sdelay $0x2  }
0x228: {  	p0 =	seq.s32 s12, $0x1  }
.Ltmp11:
0x229: {  	_ = 	snop;
	(pc) =	sbr.rel @!p0 .LBB2_18-.Ltmp11, $3  }
0x22a: {  	_ =	sdelay $0x1  }
0x22b: {  	s4 =	sadd.s32 $0xFFFFFFFF, s19  }
0x22c: {  	s11 =	smov.u32 s21;
	[sflag:s24] =	ssyncset.done $0x0;
	s8 =	rddreg [dreg:$0x11]  }
.LBB2_17:
0x22d: {  	[sflag:s24] =	ssyncadd.s32 $0xFFFFFC00;
	s10 =	sadd.s32 $0x800, s10;
	s11 =	sadd.s32 $0x4000, s11  }
0x22e: {  	[tilespmem:s25], [sflag:$0x5] =	stream.linear.gather [spmem:s11], $0x400, $0x38;
	[tilespmem:$0x1D180] =	vst v63  }
0x22f: {  	p0 =	sne.s32 s4, $0x1;
	s4 =	sadd.s32 $0xFFFFFFFF, s4;
	_ =	swait.ge [sflag:s24], $0x400  }
.Ltmp12:
0x230: {  	[sflag:s24] =	ssyncset.done $0x0;
	(pc) =	sbr.rel @p0 .LBB2_17-.Ltmp12, $4  }
0x231: {  	[sflag:s24] =	ssyncadd.s32 $0xFFFFFC00  }
0x232: {  	[hbm4b:s10+s3] =	stream.linear.scatter [tilespmem:s25], [sflag:$0x5], $0x400, $0x38;
	[tilespmem:$0x1D180] =	vst v63  }
0x233: {  	_ =	swait.ge [sflag:s24], $0x400  }
0x234: {  	[sflag:s24] =	ssyncset.done $0x0  }
.LBB2_18:
0x235: {  	s8 =	sadd.s32 $0x1, s8;
	s4 =	rddreg [dreg:$0xe]  }
0x236: {  	p0 =	sne.s32 s8, s4  }
.Ltmp13:
0x237: {  	_ = 	snop;
	(pc) =	sbr.rel @p0 .LBB2_1-.Ltmp13, $2  }
0x238: {  	_ =	sdelay $0x2  }
0x239: {  	[sflag:s24] =	ssyncadd.s32 $0xFFFFFC00  }
0x23a: {  	_ =	sfence.sel $0x180000  }
0x23b: {  	[bflag:$0x0] =	sbarrier.arrive $0xFFFF  }
0x23c: {  	_ =	strace $0x9000004A  }
0x23d: {  	s0 =	stileid.u32;
	[bflag:$0x2] =	sbarrier.arrive $0xFFFF  }
0x23e: {  	p0 =	sne.s32 s0, $0x0;
	s0 =	rddreg [dreg:$0x3]  }
0x23f: {  	s0 =	sadd.s32 @!p0 $0x100000, s0  }
0x240: {  	[sflag:s0] =	ssyncadd.tile.s32 @!p0 $0x1;
	_ =	shalt  }
.Lfunc_end2:
_tile_overlayer_lowered:
.L_overlay_start_2:
0x241: {  	(tag) =	ssettag $0x2  }
0x242: {  	s0 =	rddreg [dreg:$0x0];
	s2 =	stileid.u32  }
0x243: {  	s1 =	rddreg [dreg:$0x1];
	p0 =	sne.s32 s2, $0x0  }
0x244: {  	s3 =	rddreg [dreg:$0x2];
	[bflag:$0x3] =	sbarrier.arrive $0xFFFF;
	s2 =	simm.s32 @!p0 $0x1C05  }
0x245: {  	[timem:s3], [sflag:s2] =	dma.local @!p0 [hbm:s0], s1  }
0x246: {  	s0 =	simm.s32 @!p0 $0x5  }
0x247: {  	_ =	swait.ge @!p0 [sflag:s0], s1  }
0x248: {  	s1 =	ssub.s32 @!p0 $0x0, s1;
	[sflag:s0] =	ssyncset.done @!p0 $0x0  }
0x249: {  	[sflag:s0] =	ssyncadd.s32 @!p0 s1  }
0x24a: {  	[bflag:$0x3] =	sbarrier.arrive $0xFFFF  }
0x24b: {  	_ =	shalt  }

// kernel: kernel.7.cloned.1.call-start
scs
__scs_entry_jumppad:
0x0: {  	(pc) =	sbr.rel $0x88, $3  }
0x1: {  	(tag) =	ssettag $0x0;
	lr =	simm.s32 $0x1  }
0x2: {  	[smem:$0x3F91] =	sst lr;
	_ =	strace $0xD0000000  }
0x3: {  	_ = 	snop  }
0x4: {  	_ = 	snop  }
0x5: {  	_ = 	snop  }
0x6: {  	_ = 	snop  }
0x7: {  	_ = 	snop  }
__scs_overlays_trampoline_lowered:
0x8: {  	[smem:$0x3FA0] =	sst s0  }
0x9: {  	[smem:$0x3FA1] =	sst s1  }
0xa: {  	[smem:$0x3FA2] =	sst s2  }
0xb: {  	[smem:$0x3FA3] =	sst s3  }
0xc: {  	[smem:$0x3FA4] =	sst s4  }
0xd: {  	[smem:$0x3FA5] =	sst s5  }
0xe: {  	[smem:$0x3FA6] =	sst s6  }
0xf: {  	[smem:$0x3FA7] =	sst s7  }
0x10: {  	[smem:$0x3FA8] =	sst s8  }
0x11: {  	[smem:$0x3FA9] =	sst s9;
	s0 =	simm.s32 @!p0 $0x0  }
0x12: {  	s1 =	sld [smem:$0x3F8F];
	s0 =	simm.s32 @p0 $0x1  }
0x13: {  	[smem:$0x3FAA] =	sst s0;
	s0 =	simm.s32 @!p1 $0x0  }
0x14: {  	s2 =	sld [smem:$0x3F8E];
	s0 =	simm.s32 @p1 $0x1  }
0x15: {  	[smem:$0x3FAB] =	sst s0;
	s0 =	simm.s32 @!p2 $0x0  }
0x16: {  	s3 =	sld [smem:$0x3FDB];
	s0 =	simm.s32 @p2 $0x1  }
0x17: {  	s4 =	simm.s32 $0x1BF5;
	[smem:$0x3FAD] =	sst s0  }
0x18: {  	s0 =	sld [smem:$0x3F90];
	_ =	swait.ge [sflag:s4], $0x0  }
0x19: {  	s7 =	sld [smem:$0x3F91]  }
0x1a: {  	s8 =	sadd.s32 $0xFFFFE003, lr  }
0x1b: {  	s9 =	sadd.s32 $0xFFFFFEF7, lr;
	s5 =	simm.s32 $0xFFFFFFFF;
	p2 =	slt.u32 s8, $0xFFFFF086  }
0x1c: {  	p1 =	slt.u32 s9, $0xF7A;
	s5 =	simm.s32 @!p2 $0x0  }
0x1d: {  	s5 =	simm.s32 @p1 $0x1;
	p0 =	seq.s32 s7, s2  }
0x1e: {  	s7 =	smul.u32 @!p0 $0xF7A, s2;
	p2 =	seq.s32 @!p0 s5, $0x0  }
0x1f: {  	s9 =	smul.u32 $0xF7A, s1;
	s8 =	simm.s32 @!p0 $0x1BF5;
	p2 =	por !p2, p0  }
0x20: {  	[sflag:s8] =	ssyncset.s32 @!p0 $0xFFFFF086;
	s6 =	sadd.s32 @!p0 s3, s7;
	s7 =	simm.s32 @!p0 $0x108  }
0x21: {  	s3 =	sadd.s32 s3, s9;
	s6 =	sadd.s32 @!p0 $0x88, s6;
	s7 =	simm.s32 @p2 $0x1082  }
0x22: {  	[simem:s7], [sflag:s8] =	dma.local @!p0 [hbm:s6], $0xF7A  }
0x23: {  	s9 =	sor.u32 $0xD0000000, s2;
	s6 =	simm.s32 $0x108;
	_ =	swait.ge @!p0 [sflag:s8], $0x0  }
0x24: {  	s3 =	sadd.s32 $0x88, s3;
	s6 =	simm.s32 @!p1 $0x1082;
	[sflag:s4] =	ssyncset.s32 $0xFFFFF086  }
0x25: {  	[simem:s6], [sflag:s4] =	dma.local [hbm:s3], $0xF7A  }
0x26: {  	[smem:$0x3F91] =	sst s1;
	(tag) =	ssettag s2;
	_ =	strace s9  }
0x27: {  	s1 =	sld [smem:$0x3FA1]  }
0x28: {  	s2 =	sld [smem:$0x3FA2]  }
0x29: {  	s4 =	sld [smem:$0x3FA4]  }
0x2a: {  	p0 =	seq.s32 s5, $0x0;
	s5 =	sld [smem:$0x3FA5]  }
0x2b: {  	s6 =	sld [smem:$0x3FA6]  }
0x2c: {  	s7 =	sld [smem:$0x3FA7]  }
0x2d: {  	s3 =	simm.s32 $0x108;
	s8 =	sld [smem:$0x3FA8]  }
0x2e: {  	s3 =	simm.s32 @!p0 $0x1082;
	s9 =	sld [smem:$0x3FA9]  }
0x2f: {  	lr =	sadd.s32 s0, s3;
	s0 =	sld [smem:$0x3FA0]  }
0x30: {  	s3 =	sld [smem:$0x3FA3]  }
0x31: {  	[smem:$0x3FAC] =	sst s10  }
0x32: {  	s10 =	sld [smem:$0x3FAA];
	_ =	sdelay $0x3  }
0x33: {  	p0 =	seq.s32 s10, $0x1;
	s10 =	sld [smem:$0x3FAC];
	_ =	sdelay $0x3  }
0x34: {  	[smem:$0x3FAC] =	sst s10  }
0x35: {  	s10 =	sld [smem:$0x3FAB];
	_ =	sdelay $0x3  }
0x36: {  	p1 =	seq.s32 s10, $0x1;
	s10 =	sld [smem:$0x3FAC];
	_ =	sdelay $0x3  }
0x37: {  	[smem:$0x3FAC] =	sst s10  }
0x38: {  	s10 =	sld [smem:$0x3FAD]  }
0x39: {  	_ = 	snop;
	(pc) =	sbr.ind lr, $3  }
0x3a: {  	_ = 	snop  }
0x3b: {  	_ = 	snop  }
0x3c: {  	p2 =	seq.s32 s10, $0x1;
	s10 =	sld [smem:$0x3FAC]  }
0x3d: {  	_ =	shalt  }
0x3e: {  	_ =	shalt  }
0x3f: {  	_ =	shalt  }
0x40: {  	_ =	shalt  }
0x41: {  	_ =	shalt  }
0x42: {  	_ =	shalt  }
0x43: {  	_ =	shalt  }
0x44: {  	_ =	shalt  }
0x45: {  	_ =	shalt  }
0x46: {  	_ =	shalt  }
0x47: {  	_ =	shalt  }
0x48: {  	_ =	shalt  }
0x49: {  	_ =	shalt  }
0x4a: {  	_ =	shalt  }
0x4b: {  	_ =	shalt  }
0x4c: {  	_ =	shalt  }
0x4d: {  	_ =	shalt  }
0x4e: {  	_ =	shalt  }
0x4f: {  	_ =	shalt  }
0x50: {  	_ =	shalt  }
0x51: {  	_ =	shalt  }
0x52: {  	_ =	shalt  }
0x53: {  	_ =	shalt  }
0x54: {  	_ =	shalt  }
0x55: {  	_ =	shalt  }
0x56: {  	_ =	shalt  }
0x57: {  	_ =	shalt  }
0x58: {  	_ =	shalt  }
0x59: {  	_ =	shalt  }
0x5a: {  	_ =	shalt  }
0x5b: {  	_ =	shalt  }
0x5c: {  	_ =	shalt  }
0x5d: {  	_ =	shalt  }
0x5e: {  	_ =	shalt  }
0x5f: {  	_ =	shalt  }
0x60: {  	_ =	shalt  }
0x61: {  	_ =	shalt  }
0x62: {  	_ =	shalt  }
0x63: {  	_ =	shalt  }
0x64: {  	_ =	shalt  }
0x65: {  	_ =	shalt  }
0x66: {  	_ =	shalt  }
0x67: {  	_ =	shalt  }
0x68: {  	_ =	shalt  }
0x69: {  	_ =	shalt  }
0x6a: {  	_ =	shalt  }
0x6b: {  	_ =	shalt  }
0x6c: {  	_ =	shalt  }
0x6d: {  	_ =	shalt  }
0x6e: {  	_ =	shalt  }
0x6f: {  	_ =	shalt  }
0x70: {  	_ =	shalt  }
0x71: {  	_ =	shalt  }
0x72: {  	_ =	shalt  }
0x73: {  	_ =	shalt  }
0x74: {  	_ =	shalt  }
0x75: {  	_ =	shalt  }
0x76: {  	_ =	shalt  }
0x77: {  	_ =	shalt  }
0x78: {  	_ =	shalt  }
0x79: {  	_ =	shalt  }
0x7a: {  	_ =	shalt  }
0x7b: {  	_ =	shalt  }
0x7c: {  	_ =	shalt  }
0x7d: {  	_ =	shalt  }
0x7e: {  	_ =	shalt  }
0x7f: {  	_ =	shalt  }
0x80: {  	_ =	shalt  }
0x81: {  	_ =	shalt  }
0x82: {  	_ =	shalt  }
0x83: {  	_ =	shalt  }
0x84: {  	_ =	shalt  }
0x85: {  	_ =	shalt  }
0x86: {  	_ =	shalt  }
0x87: {  	_ =	shalt  }
.Lfunc_end0:
.L_simem_size_0:
called_computation_lowered:
.L_overlay_start_0:
0x88: {  	s2 =	sld [smem:$0x3FD9]  }
0x89: {  	s3 =	sld [smem:$0x3FFE];
	_ =	sdelay $0x1  }
0x8a: {  	s1 =	srdreg.scid  }
0x8b: {  	s0 =	sand.u32 $0x1, s1  }
0x8c: {  	s17 =	sshll.u32 s0, $0xA;
	s2 =	sadd.s32 s3, s2  }
0x8d: {  	s2 =	sadd.s32 s2, s17  }
0x8e: {  	[smem:$0x3FB8] =	sst s2  }
0x8f: {  	_ = 	snop  }
0x90: {  	s2 =	sld [smem:$0x3FD0];
	(tm) =	ssettm $0x1  }
0x91: {  	s18 =	sld [smem:$0x3FFB];
	_ =	sdelay $0x3  }
0x92: {  	_ =	strace s18  }
0x93: {  	s3 =	sld [smem:$0x3FFC];
	_ =	sdelay $0x3  }
0x94: {  	_ =	strace s3  }
0x95: {  	s3 =	sld [smem:$0x3FFD];
	_ =	sdelay $0x3  }
0x96: {  	_ =	strace s3  }
0x97: {  	_ =	strace $0x8FFFFFFF  }
0x98: {  	s19 =	sld [smem:$0x3FDB];
	_ =	sdelay $0x1  }
0x99: {  	s4 =	simm.s32 $_scs_section_size  }
0x9a: {  	s5 =	simm.s32 $_size__tile_overlayer_lowered;
	s6 =	simm.s32 $_tile_overlayer_lowered  }
0x9b: {  	s22 =	simm.s32 $0x1BFF;
	s21 =	sshll.u32 s6, $0x1;
	s3 =	sadd.s32 s4, s19  }
0x9c: {  	s7 =	simm.s32 $0x0;
	s20 =	sshll.u32 s5, $0x1;
	s5 =	sadd.s32 s21, s3  }
0x9d: {  	[timem:s7], [sflag:s22] =	dma.local [hbm:s5], s20  }
0x9e: {  	_ =	swait.ge [sflag:s22], s20  }
0x9f: {  	s4 =	ssub.s32 $0x0, s20;
	[sflag:s22] =	ssyncset.done $0x0  }
0xa0: {  	[sflag:s22] =	ssyncadd.s32 s4;
	_ =	sdelay $0x1  }
0xa1: {  	s23 =	simm.s32 $0x1B8B  }
0xa2: {  	_ =	swait.ge [sflag:s23], $0x1  }
0xa3: {  	[sflag:s23] =	ssyncset.done $0x0  }
0xa4: {  	s25 =	simm.s32 $0x1B8E;
	s24 =	sld [smem:$0x3FFE];
	[sflag:s23] =	ssyncadd.s32 $0xFFFFFFFF  }
0xa5: {  	s26 =	simm.s32 $execute0_lowered;
	[smem:$0x3FD2] =	sst s25  }
0xa6: {  	s5 =	sshll.u32 s26, $0x1;
	_ =	strace $0x80000046;
	[dreg:$0x1] =	wrdreg $0xFFFFFFFF  }
0xa7: {  	s28 =	simm.s32 $_size_execute0_lowered;
	s3 =	sadd.s32 s3, s5;
	[dreg:$0x0] =	wrdreg $0x0  }
0xa8: {  	s5 =	sshll.u32 s28, $0x1;
	[dreg:$0x2] =	wrdreg s3  }
0xa9: {  	[dreg:$0x3] =	wrdreg s5  }
0xaa: {  	[dreg:$0x4] =	wrdreg $0xC0  }
0xab: {  	_ =	task [dreg:s7], $0x5FFFF  }
0xac: {  	[dreg:$0x1] =	wrdreg $0xFFFFFFFF  }
0xad: {  	[dreg:$0x0] =	wrdreg $0x60  }
0xae: {  	[dreg:$0x2] =	wrdreg s24  }
0xaf: {  	[dreg:$0x3] =	wrdreg s2  }
0xb0: {  	[dreg:$0x4] =	wrdreg $0x8E800  }
0xb1: {  	[dreg:$0x5] =	wrdreg $0x1C7800  }
0xb2: {  	[dreg:$0x6] =	wrdreg $0x9  }
0xb3: {  	_ =	task.clear_ibuf [dreg:s7], $0x7FFFF;
	_ =	strace $0x90000046  }
0xb4: {  	s29 =	simm.s32 $0x9;
	_ =	strace $0x80000048  }
0xb5: {  	_ =	swait.ge [sflag:s29], $0x1  }
0xb6: {  	[sflag:s29] =	ssyncadd.s32 $0xFFFFFFFF  }
0xb7: {  	_ =	strace $0x90000048  }
0xb8: {  	_ =	sfence  }
0xb9: {  	s30 =	sld [smem:$0x0];
	_ =	sdelay $0x2  }
0xba: {  	s31 =	sshll.u32 s1, $0xD;
	s1 =	sshrl.u32 s1, $0x2  }
0xbb: {  	s3 =	sand.u32 $0x4000, s31;
	s1 =	sadd.s32 s1, s30  }
0xbc: {  	s0 =	sor.u32 s3, s0;
	s1 =	sshll.u32 s1, $0x11  }
0xbd: {  	s0 =	sor.u32 s1, s0  }
0xbe: {  	s0 =	sadd.s32 $0x8F2B, s0  }
0xbf: {  	[sflag:s0] =	ssyncadd.remote.s32 $0x1  }
0xc0: {  	_ =	sfence.sel $0xFFFF  }
0xc1: {  	[dreg:$0x0] =	wrdreg $0xFFFFFFFF;
	(pc) =	sbr.abs _section_cstart, $3  }
0xc2: {  	[dreg:$0x1] =	wrdreg $0xFFFFFFFF  }
0xc3: {  	_ =	task.clear_ibuf [dreg:s7], $0x2FFFF;
	_ =	strace $0x9FFFFFFF  }
0xc4: {  	(tm) =	ssettm $0x7FFFFFFF  }
0xc5: {  	_ =	shalt  }
tec
execute0_lowered:
.L_overlay_start_1:
0x0: {  	(tag) =	ssettag $0x1  }
0x1: {  	s0 =	rddreg [dreg:$0x0]  }
0x2: {  	s4 =	rddreg [dreg:$0x1]  }
0x3: {  	s1 =	rddreg [dreg:$0x2]  }
0x4: {  	s2 =	rddreg [dreg:$0x3];
	s3 =	simm.s32 $0x0;
	s5 =	srdreg.scid  }
0x5: {  	s14 =	stileid.u32;
	s28 =	simm.s32 $0x40;
	s30 =	simm.s32 $0x300  }
0x6: {  	s31 =	simm.s32 $0x4600;
	[smem:$0x7FF] =	sst s3;
	s8 =	sand.u32 $0x1, s5  }
0x7: {  	s5 =	sadd.s32 $0xA0600, s0;
	s11 =	sshll.u32 s14, $0xA;
	s6 =	sadd.s32 $0xE200, s0  }
0x8: {  	s7 =	sadd.s32 $0x4200, s0;
	s16 =	sshll.u32 s14, $0xB;
	s17 =	ssub.s32 $0x37, s14  }
0x9: {  	s18 =	sshll.u32 s14, $0x3;
	s24 =	ssub.s32 $0x280, s14;
	s9 =	smul.u32 $0xA000, s8  }
0xa: {  	s25 =	sshll.u32 s14, $0x8;
	_ =	strace $0x80000047;
	s10 =	smul.u32 $0x27100, s8  }
0xb: {  	s12 =	ssub.s32 $0x2, s8;
	s13 =	sshll.u32 s8, $0x4;
	s15 =	smul.u32 $0x2710, s8  }
0xc: {  	s19 =	sadd.s32 s11, s2;
	s20 =	sadd.s32 s6, s18;
	s21 =	sadd.s32 s7, s18  }
0xd: {  	s22 =	sor.u32 $0x80, s18;
	s8 =	sshrl.u32 s24, $0x4;
	[dreg:$0xa] =	wrdreg s20  }
0xe: {  	s24 =	simm.s32 $0x5;
	s29 =	sshrl.u32 s12, $0x1;
	[dreg:$0xb] =	wrdreg s21  }
0xf: {  	s4 =	sadd.s32 s4, s13;
	s13 =	ssub.s32 $0x281, s14;
	[dreg:$0xe] =	wrdreg s8  }
0x10: {  	s23 =	sadd.s32 s6, s22;
	s14 =	simm.s32 $0x1;
	[dreg:$0x9] =	wrdreg s19  }
0x11: {  	s20 =	simm.s32 $0x3;
	s9 =	sadd.s32 s11, s9;
	[dreg:$0x5] =	wrdreg s4  }
0x12: {  	s10 =	sadd.s32 s10, s0;
	s4 =	sshrl.u32 s13, $0x4;
	[dreg:$0xc] =	wrdreg s23  }
0x13: {  	s11 =	sadd.s32 s7, s22;
	s23 =	simm.s32 $0x4380;
	s13 =	simm.s32 $0x6600  }
0x14: {  	s9 =	sshrl.u32 s9, $0x3;
	[dreg:$0x6] =	wrdreg s4;
	s4 =	sadd.s32 $0x4E20, s15  }
0x15: {  	v0 =	vmov s15;
	[dreg:$0xd] =	wrdreg s11;
	s15 =	simm.s32 $0x2;
	s0 =	sadd.s32 s9, s0  }
0x16: {  	s9 =	ssub.s32 s12, s29;
	s12 =	sadd.s32 s16, s1;
	s16 =	sshrl.u32 s17, $0x4  }
0x17: {  	s17 =	sor.u32 $0x100, s18;
	s18 =	sor.u32 $0x180, s18;
	[dreg:$0x7] =	wrdreg s12  }
0x18: {  	s29 =	sadd.s32 s25, s10;
	s26 =	smax.u32 s9, $0x1;
	[dreg:$0x8] =	wrdreg s16  }
0x19: {  	s25 =	simm.s32 $0x8600;
	s8 =	sadd.s32 $0x1AA00, s29;
	[dreg:$0xf] =	wrdreg s26  }
0x1a: {  	s0 =	sadd.s32 $0x18200, s0;
	s9 =	simm.s32 $0x4;
	[dreg:$0x10] =	wrdreg s8  }
0x1b: {  	v2 =	vimm.f32 $0.0e+00;
	v3 =	vlaneseq.u32;
	v1 =	vmov s4;
	[dreg:$0x11] =	wrdreg s0;
	s0 =	simm.s32 $0x2300;
	s8 =	simm.s32 $0x0  }
.LBB2_1:
0x1c: {  	[dreg:$0x12] =	wrdreg s8  }
0x1d: {  	s4 =	rddreg [dreg:$0x5];
	s29 =	simm.s32 $0x8E00  }
0x1e: {  	[tilespmem:s29], [sflag:$0x5] =	stream.linear.gather [hbm4b:s4+s3], $0x80, $0x38;
	[tilespmem:$0x1D180] =	vst v63  }
0x1f: {  	_ =	swait.ge [sflag:s24], $0x80  }
0x20: {  	[sflag:s24] =	ssyncset.done $0x0  }
0x21: {  	s10 =	simm.s32 $0x200;
	s4 =	simm.s32 $0x0;
	[sflag:s24] =	ssyncadd.s32 $0xFFFFFF80  }
.LBB2_2:
0x22: {  	p0 =	sne.s32 s10, $0x1E00;
	[tilespmem:s4+$0x8670] =	vst v2  }
0x23: {  	[tilespmem:s4+$0x8600] =	vst v2  }
0x24: {  	[tilespmem:s4+$0x8610] =	vst v2  }
.Ltmp0:
0x25: {  	[tilespmem:s4+$0x8620] =	vst v2;
	(pc) =	sbr.rel @p0 .LBB2_2-.Ltmp0, $4  }
0x26: {  	[tilespmem:s4+$0x8630] =	vst v2  }
0x27: {  	[tilespmem:s4+$0x8640] =	vst v2  }
0x28: {  	[tilespmem:s4+$0x8650] =	vst v2  }
0x29: {  	[tilespmem:s4+$0x8660] =	vst v2;
	s4 =	sshra.s32 s10, $0x2;
	s10 =	sadd.s32 $0x200, s10  }
0x2a: {  	[tilespmem:s4+$0x8670] =	vst v2  }
0x2b: {  	[tilespmem:s4+$0x8600] =	vst v2  }
0x2c: {  	[tilespmem:s4+$0x8610] =	vst v2  }
0x2d: {  	[tilespmem:s4+$0x8620] =	vst v2  }
0x2e: {  	[tilespmem:s4+$0x8630] =	vst v2;
	s29 =	rddreg [dreg:$0x6]  }
0x2f: {  	[tilespmem:s4+$0x8640] =	vst v2;
	p0 =	sne.s32 s29, $0x1  }
.Ltmp1:
0x30: {  	[tilespmem:s4+$0x8650] =	vst v2;
	(pc) =	sbr.rel @!p0 .LBB2_5-.Ltmp1, $4  }
0x31: {  	[tilespmem:s4+$0x8660] =	vst v2  }
0x32: {  	[spmem:s12] =	stream.linear.scatter [tilespmem:s25], [sflag:$0x5], $0x800, $0x38;
	[tilespmem:$0x1D180] =	vst v63  }
0x33: {  	_ =	swait.ge [sflag:s24], $0x800  }
0x34: {  	s10 =	smov.u32 s12;
	s4 =	sadd.s32 $0xFFFFFFFF, s29;
	[sflag:s24] =	ssyncset.done $0x0  }
.LBB2_4:
0x35: {  	p0 =	sne.s32 s4, $0x1;
	[sflag:s24] =	ssyncadd.s32 $0xFFFFF800;
	s10 =	sadd.s32 $0x8000, s10  }
.Ltmp2:
0x36: {  	s4 =	sadd.s32 $0xFFFFFFFF, s4;
	(pc) =	sbr.rel @p0 .LBB2_4-.Ltmp2, $4  }
0x37: {  	_ = 	snop  }
0x38: {  	[spmem:s10] =	stream.linear.scatter [tilespmem:s25], [sflag:$0x5], $0x800, $0x38;
	[tilespmem:$0x1D180] =	vst v63  }
0x39: {  	_ =	swait.ge [sflag:s24], $0x800  }
0x3a: {  	[sflag:s24] =	ssyncset.done $0x0  }
.LBB2_5:
0x3b: {  	p0 =	sne.s32 s16, $0x1  }
.Ltmp3:
0x3c: {  	[sflag:s24] =	ssyncadd.s32 $0xFFFFF800;
	(pc) =	sbr.rel @!p0 .LBB2_7-.Ltmp3, $4  }
0x3d: {  	[spmem:s19] =	stream.linear.scatter [tilespmem:s25], [sflag:$0x5], $0x400, $0x38;
	[tilespmem:$0x1D180] =	vst v63  }
0x3e: {  	s8 =	simm.s32 @!p0 $0x0  }
0x3f: {  	s4 =	sadd.s32 $0xFFFFFFFF, s16;
	_ =	swait.ge [sflag:s24], $0x400;
	s8 =	simm.s32 @p0 $0x1  }
0x40: {  	s10 =	smov.u32 s19;
	[sflag:s24] =	ssyncset.done $0x0;
	[smem:$0x7FD] =	sst s8  }
.LBB2_6:
0x41: {  	p1 =	sne.s32 s4, $0x1;
	[sflag:s24] =	ssyncadd.s32 $0xFFFFFC00;
	s10 =	sadd.s32 $0x4000, s10  }
.Ltmp4:
0x42: {  	s4 =	sadd.s32 $0xFFFFFFFF, s4;
	(pc) =	sbr.rel @p1 .LBB2_6-.Ltmp4, $4  }
0x43: {  	_ = 	snop  }
0x44: {  	[spmem:s10] =	stream.linear.scatter [tilespmem:s25], [sflag:$0x5], $0x400, $0x38;
	[tilespmem:$0x1D180] =	vst v63  }
0x45: {  	_ =	swait.ge [sflag:s24], $0x400  }
0x46: {  	[sflag:s24] =	ssyncset.done $0x0  }
.LBB2_7:
0x47: {  	[sflag:s24] =	ssyncadd.s32 $0xFFFFFC00  }
0x48: {  	[bflag:$0x0] =	sbarrier.arrive $0xFFFF  }
0x49: {  	v4 =	vld [tilespmem:$0x8E00]  }
0x4a: {  	v5 =	vld [tilespmem:$0x8E10]  }
0x4b: {  	v6 =	vld [tilespmem:$0x8E20]  }
0x4c: {  	v7 =	vld [tilespmem:$0x8E30]  }
0x4d: {  	v8 =	vld [tilespmem:$0x8E40]  }
0x4e: {  	v9 =	vld [tilespmem:$0x8E50]  }
0x4f: {  	s22 =	simm.s32 $0x0;
	v10 =	vld [tilespmem:$0x8E60];
	s4 =	rddreg [dreg:$0xa]  }
0x50: {  	v11 =	vld [tilespmem:$0x8E70];
	[tilespmem:s22], [sflag:$0x5] =	stream.linear.gather [hbm4b:s4+s22], $0x40, $0x38  }
0x51: {  	_ =	swait.ge [sflag:s24], $0x40  }
0x52: {  	[sflag:s24] =	ssyncset.done $0x0  }
0x53: {  	s8 =	simm.s32 $0x80;
	s10 =	rddreg [dreg:$0xb];
	[sflag:s24] =	ssyncadd.s32 $0xFFFFFFC0  }
0x54: {  	[tilespmem:s8], [sflag:$0x5] =	stream.linear.gather [hbm4b:s10+s22], $0x40, $0x38;
	[tilespmem:$0x1D180] =	vst v63  }
0x55: {  	_ =	swait.ge [sflag:s24], $0x40  }
0x56: {  	[sflag:s24] =	ssyncset.done $0x0  }
0x57: {  	[sflag:s24] =	ssyncadd.s32 $0xFFFFFFC0  }
0x58: {  	v12 =	vld [tilespmem:$0x0]  }
0x59: {  	v13 =	vld [tilespmem:$0x80]  }
0x5a: {  	v15 =	vld [tilespmem:$0x90]  }
0x5b: {  	v36 =	vld [tilespmem:$0xA0]  }
0x5c: {  	v40 =	vld [tilespmem:$0xB0];
	_ =	sdelay $0x1  }
0x5d: {  	[tilespmem:$0x100] =	vst v13  }
0x5e: {  	v14 =	vld [tilespmem:$0x10];
	[tilespmem:$0x110] =	vst v15  }
0x5f: {  	[tilespmem:$0x120] =	vst v36  }
0x60: {  	v12 =	vadd.s32 v0, v12;
	[tilespmem:$0x130] =	vst v40  }
0x61: {  	v32 =	vadd.s32 v1, v13;
	[tilespmem:$0x180] =	vst v12  }
0x62: {  	v33 =	vshrl.u32 v13, $0x5;
	[tilespmem:$0x200] =	vst v32  }
0x63: {  	v39 =	vld [tilespmem:$0x30];
	v35 =	vadd.s32 v0, v14;
	[tilespmem:$0x280] =	vst v33  }
0x64: {  	v37 =	vadd.s32 v1, v15;
	[tilespmem:$0x190] =	vst v35  }
0x65: {  	v38 =	vshrl.u32 v15, $0x5;
	[tilespmem:$0x210] =	vst v37  }
0x66: {  	v34 =	vld [tilespmem:$0x20];
	v41 =	vadd.s32 v1, v36;
	[tilespmem:$0x290] =	vst v38  }
0x67: {  	v42 =	vshrl.u32 v36, $0x5;
	[tilespmem:$0x220] =	vst v41  }
0x68: {  	v43 =	vadd.s32 v0, v39;
	[tilespmem:$0x2A0] =	vst v42  }
0x69: {  	v44 =	vadd.s32 v1, v40;
	[tilespmem:$0x1B0] =	vst v43  }
0x6a: {  	v45 =	vshrl.u32 v40, $0x5;
	[tilespmem:$0x230] =	vst v44  }
0x6b: {  	v12 =	vadd.s32 v0, v34;
	[tilespmem:$0x2B0] =	vst v45  }
0x6c: {  	s11 =	simm.s32 $0x180;
	[tilespmem:$0x1A0] =	vst v12  }
0x6d: {  	[tilespmem:s30], [sflag:$0x1] =	stream.indirect.gather [hbm4b:s5+s28], $0x80, s11, s28, $0xb8;
	[tilespmem:$0x1D180] =	vst v63  }
0x6e: {  	s12 =	simm.s32 $0x200  }
0x6f: {  	[tilespmem:s0], [sflag:$0x2] =	stream.indirect.gather [hbm4b:s5+s28], $0x80, s12, s28, $0xb8;
	[tilespmem:$0x1D180] =	vst v63  }
0x70: {  	s19 =	simm.s32 $0x4300;
	s16 =	rddreg [dreg:$0xc]  }
0x71: {  	[tilespmem:s19], [sflag:$0x5] =	stream.linear.gather [hbm4b:s16+s22], $0x40, $0x38;
	[tilespmem:$0x1D180] =	vst v63  }
0x72: {  	_ =	swait.ge [sflag:s24], $0x40  }
0x73: {  	[sflag:s24] =	ssyncset.done $0x0  }
0x74: {  	s21 =	rddreg [dreg:$0xd];
	[sflag:s24] =	ssyncadd.s32 $0xFFFFFFC0  }
0x75: {  	[tilespmem:s23], [sflag:$0x5] =	stream.linear.gather [hbm4b:s21+s22], $0x40, $0x38;
	[tilespmem:$0x1D180] =	vst v63  }
0x76: {  	_ =	swait.ge [sflag:s24], $0x40  }
0x77: {  	[sflag:s24] =	ssyncset.done $0x0  }
0x78: {  	[sflag:s24] =	ssyncadd.s32 $0xFFFFFFC0  }
0x79: {  	v46 =	vld [tilespmem:$0x4300]  }
0x7a: {  	v47 =	vld [tilespmem:$0x4380]  }
0x7b: {  	v49 =	vld [tilespmem:$0x4390]  }
0x7c: {  	v54 =	vld [tilespmem:$0x43A0]  }
0x7d: {  	v58 =	vld [tilespmem:$0x43B0];
	_ =	sdelay $0x1  }
0x7e: {  	[tilespmem:$0x4400] =	vst v47  }
0x7f: {  	v48 =	vld [tilespmem:$0x4310];
	[tilespmem:$0x4410] =	vst v49  }
0x80: {  	[tilespmem:$0x4420] =	vst v54  }
0x81: {  	v12 =	vadd.s32 v0, v46;
	[tilespmem:$0x4430] =	vst v58  }
0x82: {  	v50 =	vadd.s32 v1, v47;
	[tilespmem:$0x4480] =	vst v12  }
0x83: {  	v51 =	vshrl.u32 v47, $0x5;
	[tilespmem:$0x4500] =	vst v50  }
0x84: {  	v57 =	vld [tilespmem:$0x4330];
	v53 =	vadd.s32 v0, v48;
	[tilespmem:$0x4580] =	vst v51  }
0x85: {  	v55 =	vadd.s32 v1, v49;
	[tilespmem:$0x4490] =	vst v53  }
0x86: {  	v56 =	vshrl.u32 v49, $0x5;
	[tilespmem:$0x4510] =	vst v55  }
0x87: {  	v52 =	vld [tilespmem:$0x4320];
	v59 =	vadd.s32 v1, v54;
	[tilespmem:$0x4590] =	vst v56  }
0x88: {  	v60 =	vshrl.u32 v54, $0x5;
	[tilespmem:$0x4520] =	vst v59  }
0x89: {  	v61 =	vadd.s32 v0, v57;
	[tilespmem:$0x45A0] =	vst v60  }
0x8a: {  	v62 =	vadd.s32 v1, v58;
	[tilespmem:$0x44B0] =	vst v61  }
0x8b: {  	v63 =	vshrl.u32 v58, $0x5;
	[tilespmem:$0x4530] =	vst v62  }
0x8c: {  	v12 =	vadd.s32 v0, v52;
	[tilespmem:$0x45B0] =	vst v63  }
0x8d: {  	s26 =	simm.s32 $0x4480;
	[tilespmem:$0x44A0] =	vst v12  }
0x8e: {  	[tilespmem:s31], [sflag:$0x3] =	stream.indirect.gather [hbm4b:s5+s28], $0x80, s26, s28, $0xb8;
	[tilespmem:$0x1D180] =	vst v63  }
0x8f: {  	s29 =	simm.s32 $0x4500  }
0x90: {  	[tilespmem:s13], [sflag:$0x4] =	stream.indirect.gather [hbm4b:s5+s28], $0x80, s29, s28, $0xb8;
	[tilespmem:$0x1D180] =	vst v63  }
.LBB2_8:
0x91: {  	_ =	swait.ge [sflag:s14], $0x2000  }
0x92: {  	[sflag:s14] =	ssyncset.done $0x0  }
0x93: {  	[sflag:s14] =	ssyncadd.s32 $0xFFFFE000  }
0x94: {  	_ =	swait.ge [sflag:s15], $0x2000  }
0x95: {  	[sflag:s15] =	ssyncset.done $0x0  }
0x96: {  	s11 =	simm.s32 $0x0;
	[sflag:s15] =	ssyncadd.s32 $0xFFFFE000  }
0x97: {  	v19 =	vld [tilespmem:s11+$0x320]  }
0x98: {  	v18 =	vld [tilespmem:s11+$0x2330]  }
0x99: {  	v17 =	vld [tilespmem:s11+$0x330]  }
0x9a: {  	v20 =	vld [tilespmem:s11+$0x2320]  }
0x9b: {  	v12 =	vld [tilespmem:s11+$0x300]  }
0x9c: {  	v13 =	vld [tilespmem:s11+$0x310]  }
0x9d: {  	v15 =	vld [tilespmem:s11+$0x340]  }
0x9e: {  	v16 =	vld [tilespmem:s11+$0x350]  }
0x9f: {  	v21 =	vld [tilespmem:s11+$0x2350];
	v22 =	vadd.f32 v18, v17;
	v20 =	vadd.f32 v20, v19  }
0xa0: {  	v23 =	vld [tilespmem:s11+$0x2340]  }
0xa1: {  	v24 =	vld [tilespmem:s11+$0x2310];
	v25 =	vmul.f32 $2.000000030e-01, v22;
	v27 =	vmul.f32 $2.000000030e-01, v20  }
0xa2: {  	v26 =	vld [tilespmem:s11+$0x2300]  }
0xa3: {  	v22 =	vmax.f32 v22, v25;
	v20 =	vmax.f32 v20, v27  }
0xa4: {  	v14 =	vld [tilespmem:s11+$0x370];
	v22 =	vmul.f32 v22, v7;
	v20 =	vmul.f32 v20, v6  }
0xa5: {  	v59 =	vld [tilespmem:s11+$0x2370];
	v23 =	vadd.f32 v23, v15;
	v21 =	vadd.f32 v21, v16  }
0xa6: {  	v58 =	vld [tilespmem:s11+$0x2360];
	v24 =	vadd.f32 v24, v13;
	v20 =	vadd.f32 v22, v20  }
0xa7: {  	v18 =	vld [tilespmem:s11+$0x360];
	v28 =	vmul.f32 $2.000000030e-01, v23;
	v22 =	vadd.f32 v26, v12  }
0xa8: {  	v60 =	vmul.f32 $2.000000030e-01, v21;
	v61 =	vmul.f32 $2.000000030e-01, v24;
	(xrf2) =	vadd.scan.msk.f32 $0xffff, v20  }
0xa9: {  	v23 =	vmax.f32 v23, v28;
	v20 =	vmul.f32 $2.000000030e-01, v22  }
0xaa: {  	v27 =	vadd.f32 v59, v14;
	v21 =	vmax.f32 v21, v60;
	v24 =	vmax.f32 v24, v61  }
0xab: {  	v23 =	vmul.f32 v23, v8;
	v21 =	vmul.f32 v21, v9;
	v20 =	vmax.f32 v22, v20  }
0xac: {  	v25 =	vadd.f32 v58, v18;
	v24 =	vmul.f32 v24, v5;
	v20 =	vmul.f32 v20, v4  }
0xad: {  	v21 =	vadd.f32 v21, v23  }
0xae: {  	v62 =	vmul.f32 $2.000000030e-01, v27;
	v22 =	vmul.f32 $2.000000030e-01, v25;
	v20 =	vadd.f32 v24, v20  }
0xaf: {  	(xrf2) =	vadd.scan.msk.f32 $0xffff, v21  }
0xb0: {  	v63 =	vmax.f32 v27, v62;
	v22 =	vmax.f32 v25, v22  }
0xb1: {  	v23 =	vmul.f32 v63, v11;
	v22 =	vmul.f32 v22, v10  }
0xb2: {  	(xrf2) =	vadd.scan.msk.f32 $0xffff, v20;
	v20, _, _ =	vpop (xrf2)  }
0xb3: {  	v21 =	vadd.f32 v23, v22;
	v20 =	vmul.f32 $1.442695020e+00, v20;
	_ =	sdelay $0x1  }
0xb4: {  	(xrf2) =	vadd.scan.msk.f32 $0xffff, v21;
	v20 =	vbroadcast v20, $0xF;
	_ =	sdelay $0x3  }
0xb5: {  	(erf) = vpow2.f32 v20;
	v20, _, _ =	vpop (xrf2)  }
0xb6: {  	v20 =	vmul.f32 $1.442695020e+00, v20;
	_ =	sdelay $0x1  }
0xb7: {  	v21, _, _ =	vpop (xrf2);
	v20 =	vbroadcast v20, $0xF  }
0xb8: {  	v21 =	vmul.f32 $1.442695020e+00, v21  }
0xb9: {  	(erf) = vpow2.f32 v20  }
0xba: {  	v22, _, _ =	vpop (xrf2);
	v21 =	vbroadcast v21, $0xF  }
0xbb: {  	v22 =	vmul.f32 $1.442695020e+00, v22  }
0xbc: {  	(erf) = vpow2.f32 v21  }
0xbd: {  	v22 =	vbroadcast v22, $0xF  }
0xbe: {  	v20 =	vpop (erf)  }
0xbf: {  	s12 =	simm.s32 $0x100;
	s21 =	simm.s32 $0x200;
	s10 =	simm.s32 $0x100;
	v19 =	vmul.f32 v20, v19;
	(erf) = vpow2.f32 v22  }
.LBB2_9:
0xc0: {  	p1 =	sne.s32 s21, $0x7E00  }
0xc1: {  	v17 =	vmul.f32 v20, v17;
	s12 =	sadd.s32 $0x1, s12;
	s4 =	smov.u32 s21;
	s21 =	sadd.s32 $0x200, s21  }
0xc2: {  	[tilespmem:s11+$0x320] =	vst v19;
	v21 =	vpop (erf)  }
0xc3: {  	[tilespmem:s11+$0x330] =	vst v17;
	v15 =	vmul.f32 v21, v15;
	v16 =	vmul.f32 v21, v16;
	_ =	sdelay $0x1  }
0xc4: {  	[tilespmem:s11+$0x340] =	vst v15;
	v17 =	vpop (erf)  }
0xc5: {  	v12 =	vmul.f32 v17, v12;
	v13 =	vmul.f32 v17, v13;
	[tilespmem:s11+$0x350] =	vst v16;
	_ =	sdelay $0x1  }
0xc6: {  	[tilespmem:s11+$0x300] =	vst v12  }
0xc7: {  	[tilespmem:s11+$0x310] =	vst v13;
	v22 =	vpop (erf)  }
0xc8: {  	v12 =	vmul.f32 v22, v18;
	v13 =	vmul.f32 v22, v14;
	_ =	sdelay $0x1  }
0xc9: {  	[tilespmem:s11+$0x360] =	vst v12  }
0xca: {  	[tilespmem:s11+$0x370] =	vst v13  }
0xcb: {  	v14 =	vld [tilespmem:s10+$0x0];
	s10 =	smov.u32 s12;
	_ =	sdelay $0x2  }
0xcc: {  	s4 =	sshra.s32 s4, $0x2  }
0xcd: {  	v12 =	vld [tilespmem:s4+$0x300]  }
0xce: {  	v13 =	vld [tilespmem:s4+$0x310];
	(v2sf) =	vpush v14, $0x0  }
0xcf: {  	v15 =	vld [tilespmem:s4+$0x340]  }
0xd0: {  	v16 =	vld [tilespmem:s4+$0x350];
	_ =	sdelay $0x4  }
0xd1: {  	v19 =	vld [tilespmem:s4+$0x320]  }
0xd2: {  	v14 =	vld [tilespmem:s4+$0x370];
	_ =	sdelay $0x6  }
0xd3: {  	s29 =	spop (v2sf)  }
0xd4: {  	s8 =	sshrl.u32 s29, $0x2;
	s29 =	sshll.u32 s29, $0x2  }
0xd5: {  	s8 =	sand.u32 $0x7, s8;
	s29 =	sand.u32 $0xC, s29  }
0xd6: {  	v18 =	vmov s29;
	s16 =	sor.u32 $0x1, s29;
	s19 =	sor.u32 $0x2, s29;
	s29 =	sor.u32 $0x3, s29  }
0xd7: {  	vm0 =	veq.s32 v18, v3;
	v18 =	vmov s16;
	v23 =	vmov s19  }
0xd8: {  	v17 =	vnsel vm0, $0x0, v17;
	vm0 =	veq.s32 v18, v3;
	v18 =	vmov s29  }
0xd9: {  	v17 =	vsel vm0, v20, v17;
	vm0 =	veq.s32 v23, v3  }
0xda: {  	v17 =	vsel vm0, v21, v17;
	vm0 =	veq.s32 v18, v3  }
0xdb: {  	p2 =	seq.s32 s8, $0x2;
	p3 =	seq.s32 s8, $0x3;
	p4 =	seq.s32 s8, $0x5;
	v17 =	vsel vm0, v22, v17  }
0xdc: {  	p5 =	seq.s32 s8, $0x0;
	p6 =	seq.s32 s8, $0x1;
	v18 =	vpsel !p2, $0x0, v17;
	v20 =	vpsel !p3, $0x0, v17;
	p2 =	seq.s32 s8, $0x4;
	v21 =	vpsel !p4, $0x0, v17  }
0xdd: {  	v22 =	vpsel !p5, $0x0, v17;
	v23 =	vpsel !p6, $0x0, v17;
	p3 =	seq.s32 s8, $0x7;
	[tilespmem:s11+$0x2330] =	vst v20;
	v20 =	vpsel !p2, $0x0, v17;
	p2 =	seq.s32 s8, $0x6  }
0xde: {  	v24 =	vpsel !p3, $0x0, v17;
	[tilespmem:s11+$0x2320] =	vst v18;
	v18 =	vpsel !p2, $0x0, v17  }
0xdf: {  	v25 =	vld [tilespmem:s4+$0x2330];
	[tilespmem:s11+$0x2350] =	vst v21  }
0xe0: {  	v17 =	vld [tilespmem:s4+$0x330];
	[tilespmem:s11+$0x2300] =	vst v22  }
0xe1: {  	[tilespmem:s11+$0x2310] =	vst v23  }
0xe2: {  	v21 =	vld [tilespmem:s4+$0x2320];
	[tilespmem:s11+$0x2360] =	vst v18  }
0xe3: {  	[tilespmem:s11+$0x2340] =	vst v20  }
0xe4: {  	v18 =	vld [tilespmem:s4+$0x2350];
	[tilespmem:s11+$0x2370] =	vst v24;
	s11 =	smov.u32 s4  }
0xe5: {  	v20 =	vadd.f32 v25, v17;
	v22 =	vld [tilespmem:s11+$0x2340];
	_ =	sdelay $0x1  }
0xe6: {  	v21 =	vadd.f32 v21, v19;
	v23 =	vmul.f32 $2.000000030e-01, v20  }
0xe7: {  	v24 =	vld [tilespmem:s11+$0x2310]  }
0xe8: {  	v25 =	vld [tilespmem:s11+$0x2300];
	v26 =	vmul.f32 $2.000000030e-01, v21;
	v20 =	vmax.f32 v20, v23;
	v23 =	vadd.f32 v18, v16  }
0xe9: {  	v20 =	vmul.f32 v20, v7;
	v22 =	vadd.f32 v22, v15  }
0xea: {  	v21 =	vmax.f32 v21, v26;
	v26 =	vmul.f32 $2.000000030e-01, v23;
	v18 =	vld [tilespmem:s11+$0x360]  }
0xeb: {  	v21 =	vmul.f32 v21, v6;
	v27 =	vmul.f32 $2.000000030e-01, v22;
	v28 =	vld [tilespmem:s11+$0x2360]  }
0xec: {  	v24 =	vadd.f32 v24, v13;
	v29 =	vld [tilespmem:s11+$0x2370]  }
0xed: {  	v23 =	vmax.f32 v23, v26;
	v25 =	vadd.f32 v25, v12;
	v22 =	vmax.f32 v22, v27  }
0xee: {  	v20 =	vadd.f32 v20, v21;
	v21 =	vmul.f32 v22, v8;
	v22 =	vmul.f32 v23, v9  }
0xef: {  	v26 =	vmul.f32 $2.000000030e-01, v24;
	v23 =	vmul.f32 $2.000000030e-01, v25  }
0xf0: {  	v21 =	vadd.f32 v22, v21;
	v22 =	vadd.f32 v28, v18;
	(xrf2) =	vadd.scan.msk.f32 $0xffff, v20  }
0xf1: {  	v20 =	vmax.f32 v25, v23;
	v23 =	vmax.f32 v24, v26;
	v24 =	vadd.f32 v29, v14  }
0xf2: {  	v20 =	vmul.f32 v20, v4;
	v23 =	vmul.f32 v23, v5  }
0xf3: {  	v25 =	vmul.f32 $2.000000030e-01, v22;
	v26 =	vmul.f32 $2.000000030e-01, v24;
	(xrf2) =	vadd.scan.msk.f32 $0xffff, v21  }
0xf4: {  	v20 =	vadd.f32 v23, v20  }
0xf5: {  	v21 =	vmax.f32 v22, v25;
	v22 =	vmax.f32 v24, v26  }
0xf6: {  	v21 =	vmul.f32 v21, v10;
	v22 =	vmul.f32 v22, v11;
	(xrf2) =	vadd.scan.msk.f32 $0xffff, v20;
	_ =	sdelay $0x1  }
0xf7: {  	v20 =	vadd.f32 v22, v21;
	_ =	sdelay $0x1  }
0xf8: {  	v21, _, _ =	vpop (xrf2);
	(xrf2) =	vadd.scan.msk.f32 $0xffff, v20  }
0xf9: {  	v20 =	vmul.f32 $1.442695020e+00, v21;
	_ =	sdelay $0x1  }
0xfa: {  	v20 =	vbroadcast v20, $0xF;
	v21, _, _ =	vpop (xrf2)  }
0xfb: {  	v22 =	vmul.f32 $1.442695020e+00, v21  }
0xfc: {  	(erf) = vpow2.f32 v20  }
0xfd: {  	v20 =	vbroadcast v22, $0xF;
	v21, _, _ =	vpop (xrf2)  }
0xfe: {  	v22 =	vmul.f32 $1.442695020e+00, v21  }
0xff: {  	(erf) = vpow2.f32 v20  }
0x100: {  	v20 =	vbroadcast v22, $0xF  }
0x101: {  	v21, _, _ =	vpop (xrf2)  }
.Ltmp5:
0x102: {  	v21 =	vmul.f32 $1.442695020e+00, v21;
	(erf) = vpow2.f32 v20;
	(pc) =	sbr.rel @p1 .LBB2_9-.Ltmp5, $4  }
0x103: {  	_ = 	snop  }
0x104: {  	v21 =	vbroadcast v21, $0xF  }
0x105: {  	v20 =	vpop (erf)  }
0x106: {  	v19 =	vmul.f32 v20, v19;
	(erf) = vpow2.f32 v21  }
0x107: {  	_ =	sdelay $0x1  }
0x108: {  	v17 =	vmul.f32 v20, v17  }
0x109: {  	v21 =	vpop (erf)  }
0x10a: {  	v15 =	vmul.f32 v21, v15  }
0x10b: {  	[tilespmem:s11+$0x320] =	vst v19  }
0x10c: {  	[tilespmem:s11+$0x330] =	vst v17;
	v16 =	vmul.f32 v21, v16;
	v17 =	vpop (erf)  }
0x10d: {  	[tilespmem:s11+$0x340] =	vst v15;
	v12 =	vmul.f32 v17, v12  }
0x10e: {  	[tilespmem:s11+$0x350] =	vst v16;
	v13 =	vmul.f32 v17, v13;
	v15 =	vpop (erf)  }
0x10f: {  	[tilespmem:s11+$0x300] =	vst v12;
	v12 =	vmul.f32 v15, v18  }
0x110: {  	[tilespmem:s11+$0x310] =	vst v13;
	v13 =	vmul.f32 v15, v14  }
0x111: {  	[tilespmem:s11+$0x360] =	vst v12  }
0x112: {  	[tilespmem:s11+$0x370] =	vst v13  }
0x113: {  	v12 =	vld [tilespmem:s10+$0x0];
	_ =	sdelay $0x4  }
0x114: {  	(v2sf) =	vpush v12, $0x0;
	_ =	sdelay $0xe  }
0x115: {  	s4 =	spop (v2sf)  }
0x116: {  	s8 =	sshll.u32 s4, $0x2  }
0x117: {  	s8 =	sand.u32 $0xC, s8  }
0x118: {  	v12 =	vmov s8;
	s21 =	sor.u32 $0x1, s8  }
0x119: {  	s12 =	sor.u32 $0x2, s8;
	vm0 =	veq.s32 v12, v3;
	v12 =	vmov s21  }
0x11a: {  	s8 =	sor.u32 $0x3, s8;
	v13 =	vmov s12;
	v14 =	vnsel vm0, $0x0, v17;
	vm13 =	veq.s32 v12, v3  }
0x11b: {  	s4 =	sshrl.u32 s4, $0x2;
	v12 =	vmov s8;
	vm14 =	veq.s32 v13, v3;
	v14 =	vsel vm13, v20, v14  }
0x11c: {  	s4 =	sand.u32 $0x7, s4;
	vm15 =	veq.s32 v12, v3;
	v13 =	vsel vm14, v21, v14  }
0x11d: {  	p1 =	seq.s32 s4, $0x3;
	v12 =	vsel vm15, v15, v13  }
0x11e: {  	p2 =	seq.s32 s4, $0x2;
	v13 =	vpsel !p1, $0x0, v12  }
0x11f: {  	p6 =	seq.s32 s4, $0x5;
	v14 =	vpsel !p2, $0x0, v12;
	[tilespmem:s11+$0x2330] =	vst v13  }
0x120: {  	p0 =	seq.s32 s4, $0x0;
	v13 =	vpsel !p6, $0x0, v12;
	[tilespmem:s11+$0x2320] =	vst v14  }
0x121: {  	p3 =	seq.s32 s4, $0x1;
	v14 =	vpsel !p0, $0x0, v12;
	[tilespmem:s11+$0x2350] =	vst v13  }
0x122: {  	p4 =	seq.s32 s4, $0x6;
	v13 =	vpsel !p3, $0x0, v12;
	[tilespmem:s11+$0x2300] =	vst v14  }
0x123: {  	p5 =	seq.s32 s4, $0x4;
	v14 =	vpsel !p4, $0x0, v12;
	[tilespmem:s11+$0x2310] =	vst v13  }
0x124: {  	p6 =	seq.s32 s4, $0x7;
	v13 =	vpsel !p5, $0x0, v12;
	[tilespmem:s11+$0x2360] =	vst v14  }
0x125: {  	v12 =	vpsel !p6, $0x0, v12;
	[tilespmem:s11+$0x2340] =	vst v13  }
0x126: {  	s26 =	simm.s32 $0x80;
	[tilespmem:s11+$0x2370] =	vst v12  }
0x127: {  	[spmem:s1] =	stream.indirect.scatter.add.f32 [tilespmem:s30], [sflag:$0x5], $0x80, s26, s28, $0xb8;
	[tilespmem:$0x1D180] =	vst v63  }
0x128: {  	_ =	swait.ge [sflag:s24], $0x2000  }
0x129: {  	[sflag:s24] =	ssyncset.done $0x0  }
0x12a: {  	s29 =	simm.s32 $0x280;
	[sflag:s24] =	ssyncadd.s32 $0xFFFFE000  }
0x12b: {  	[spmem:s2] =	stream.indirect.scatter.add.f32 [tilespmem:s0], [sflag:$0x5], $0x80, s29, s28, $0xb8;
	[tilespmem:$0x1D180] =	vst v63  }
0x12c: {  	p1 =	seq.s32 s22, $0x9F;
	s11 =	sshll.u32 s22, $0x8;
	_ =	swait.ge [sflag:s24], $0x2000  }
0x12d: {  	s4 =	sadd.s32 @!p1 s17, s11;
	[sflag:s24] =	ssyncset.done $0x0  }
0x12e: {  	s10 =	simm.s32 @!p1 $0x0;
	s8 =	sadd.s32 @!p1 s6, s4;
	[sflag:s24] =	ssyncadd.s32 $0xFFFFE000  }
0x12f: {  	[tilespmem:s10], [sflag:$0x5] =	stream.linear.gather @!p1 [hbm4b:s8+s10], $0x40, $0x38;
	[tilespmem:$0x1D180] =	vst v63  }
0x130: {  	s8 =	simm.s32 @!p1 $0x5  }
0x131: {  	_ =	swait.ge @!p1 [sflag:s8], $0x40  }
0x132: {  	[sflag:s8] =	ssyncset.done @!p1 $0x0  }
0x133: {  	s12 =	simm.s32 @!p1 $0x80;
	s4 =	sadd.s32 @!p1 s7, s4;
	[sflag:s8] =	ssyncadd.s32 @!p1 $0xFFFFFFC0  }
0x134: {  	[tilespmem:s12], [sflag:$0x5] =	stream.linear.gather @!p1 [hbm4b:s4+s10], $0x40, $0x38;
	[tilespmem:$0x1D180] =	vst v63  }
0x135: {  	_ =	swait.ge @!p1 [sflag:s8], $0x40  }
0x136: {  	[sflag:s8] =	ssyncset.done @!p1 $0x0  }
0x137: {  	[sflag:s8] =	ssyncadd.s32 @!p1 $0xFFFFFFC0  }
0x138: {  	v12 =	vld @!p1 [tilespmem:$0x0]  }
0x139: {  	v13 =	vld @!p1 [tilespmem:$0x80]  }
0x13a: {  	v15 =	vld @!p1 [tilespmem:$0x90];
	_ =	sdelay $0x1  }
0x13b: {  	v14 =	vld @!p1 [tilespmem:$0x10];
	_ =	sdelay $0x1  }
0x13c: {  	[tilespmem:$0x100] =	vst @!p1 v13  }
0x13d: {  	v12 =	vadd.s32 @!p1 v0, v12;
	[tilespmem:$0x110] =	vst @!p1 v15  }
0x13e: {  	[tilespmem:$0x180] =	vst @!p1 v12;
	v12 =	vadd.s32 @!p1 v1, v13  }
0x13f: {  	[tilespmem:$0x200] =	vst @!p1 v12;
	v12 =	vshrl.u32 @!p1 v13, $0x5;
	v13 =	vadd.s32 @!p1 v0, v14;
	v14 =	vld @!p1 [tilespmem:$0xA0]  }
0x140: {  	[tilespmem:$0x280] =	vst @!p1 v12;
	v12 =	vld @!p1 [tilespmem:$0x20]  }
0x141: {  	[tilespmem:$0x190] =	vst @!p1 v13;
	v13 =	vadd.s32 @!p1 v1, v15  }
0x142: {  	[tilespmem:$0x210] =	vst @!p1 v13;
	v13 =	vshrl.u32 @!p1 v15, $0x5;
	v15 =	vld @!p1 [tilespmem:$0xB0];
	_ =	sdelay $0x1  }
0x143: {  	[tilespmem:$0x290] =	vst @!p1 v13;
	v13 =	vld @!p1 [tilespmem:$0x30]  }
0x144: {  	[tilespmem:$0x120] =	vst @!p1 v14;
	v12 =	vadd.s32 @!p1 v0, v12  }
0x145: {  	[tilespmem:$0x1A0] =	vst @!p1 v12  }
0x146: {  	v12 =	vadd.s32 @!p1 v1, v14;
	[tilespmem:$0x130] =	vst @!p1 v15  }
0x147: {  	[tilespmem:$0x220] =	vst @!p1 v12;
	v12 =	vshrl.u32 @!p1 v14, $0x5  }
0x148: {  	[tilespmem:$0x2A0] =	vst @!p1 v12;
	v12 =	vadd.s32 @!p1 v0, v13  }
0x149: {  	[tilespmem:$0x1B0] =	vst @!p1 v12;
	v12 =	vadd.s32 @!p1 v1, v15  }
0x14a: {  	[tilespmem:$0x230] =	vst @!p1 v12;
	v12 =	vshrl.u32 @!p1 v15, $0x5  }
0x14b: {  	s4 =	simm.s32 @!p1 $0x40;
	s10 =	simm.s32 @!p1 $0x300;
	s8 =	simm.s32 @!p1 $0x180;
	[tilespmem:$0x2B0] =	vst @!p1 v12  }
0x14c: {  	[tilespmem:s10], [sflag:$0x1] =	stream.indirect.gather @!p1 [hbm4b:s5+s4], $0x80, s8, s4, $0xb8;
	[tilespmem:$0x1D180] =	vst v63  }
0x14d: {  	s8 =	simm.s32 @!p1 $0x200;
	s10 =	simm.s32 @!p1 $0x2300  }
0x14e: {  	[tilespmem:s10], [sflag:$0x2] =	stream.indirect.gather @!p1 [hbm4b:s5+s4], $0x80, s8, s4, $0xb8;
	[tilespmem:$0x1D180] =	vst v63  }
0x14f: {  	_ =	swait.ge [sflag:s20], $0x2000  }
0x150: {  	[sflag:s20] =	ssyncset.done $0x0  }
0x151: {  	[sflag:s20] =	ssyncadd.s32 $0xFFFFE000  }
0x152: {  	_ =	swait.ge [sflag:s9], $0x2000  }
0x153: {  	[sflag:s9] =	ssyncset.done $0x0  }
0x154: {  	s10 =	simm.s32 $0x0;
	[sflag:s9] =	ssyncadd.s32 $0xFFFFE000  }
0x155: {  	v19 =	vld [tilespmem:s10+$0x4620]  }
0x156: {  	v18 =	vld [tilespmem:s10+$0x6630]  }
0x157: {  	v17 =	vld [tilespmem:s10+$0x4630]  }
0x158: {  	v20 =	vld [tilespmem:s10+$0x6620]  }
0x159: {  	v12 =	vld [tilespmem:s10+$0x4600]  }
0x15a: {  	v13 =	vld [tilespmem:s10+$0x4610]  }
0x15b: {  	v15 =	vld [tilespmem:s10+$0x4640]  }
0x15c: {  	v16 =	vld [tilespmem:s10+$0x4650]  }
0x15d: {  	v21 =	vld [tilespmem:s10+$0x6650];
	v22 =	vadd.f32 v18, v17;
	v20 =	vadd.f32 v20, v19  }
0x15e: {  	v23 =	vld [tilespmem:s10+$0x6640]  }
0x15f: {  	v24 =	vld [tilespmem:s10+$0x6610];
	v25 =	vmul.f32 $2.000000030e-01, v22;
	v27 =	vmul.f32 $2.000000030e-01, v20  }
0x160: {  	v26 =	vld [tilespmem:s10+$0x6600]  }
0x161: {  	v22 =	vmax.f32 v22, v25;
	v20 =	vmax.f32 v20, v27  }
0x162: {  	v14 =	vld [tilespmem:s10+$0x4670];
	v22 =	vmul.f32 v22, v7;
	v20 =	vmul.f32 v20, v6  }
0x163: {  	v59 =	vld [tilespmem:s10+$0x6670];
	v23 =	vadd.f32 v23, v15;
	v21 =	vadd.f32 v21, v16  }
0x164: {  	v58 =	vld [tilespmem:s10+$0x6660];
	v24 =	vadd.f32 v24, v13;
	v20 =	vadd.f32 v22, v20  }
0x165: {  	v18 =	vld [tilespmem:s10+$0x4660];
	v28 =	vmul.f32 $2.000000030e-01, v23;
	v22 =	vadd.f32 v26, v12  }
0x166: {  	v60 =	vmul.f32 $2.000000030e-01, v21;
	v61 =	vmul.f32 $2.000000030e-01, v24;
	(xrf2) =	vadd.scan.msk.f32 $0xffff, v20  }
0x167: {  	v23 =	vmax.f32 v23, v28;
	v20 =	vmul.f32 $2.000000030e-01, v22  }
0x168: {  	v27 =	vadd.f32 v59, v14;
	v21 =	vmax.f32 v21, v60;
	v24 =	vmax.f32 v24, v61  }
0x169: {  	v23 =	vmul.f32 v23, v8;
	v21 =	vmul.f32 v21, v9;
	v20 =	vmax.f32 v22, v20  }
0x16a: {  	v25 =	vadd.f32 v58, v18;
	v24 =	vmul.f32 v24, v5;
	v20 =	vmul.f32 v20, v4  }
0x16b: {  	v21 =	vadd.f32 v21, v23  }
0x16c: {  	v62 =	vmul.f32 $2.000000030e-01, v27;
	v22 =	vmul.f32 $2.000000030e-01, v25;
	v20 =	vadd.f32 v24, v20  }
0x16d: {  	(xrf2) =	vadd.scan.msk.f32 $0xffff, v21  }
0x16e: {  	v63 =	vmax.f32 v27, v62;
	v22 =	vmax.f32 v25, v22  }
0x16f: {  	v23 =	vmul.f32 v63, v11;
	v22 =	vmul.f32 v22, v10  }
0x170: {  	(xrf2) =	vadd.scan.msk.f32 $0xffff, v20;
	v20, _, _ =	vpop (xrf2)  }
0x171: {  	v21 =	vadd.f32 v23, v22;
	v20 =	vmul.f32 $1.442695020e+00, v20;
	_ =	sdelay $0x1  }
0x172: {  	(xrf2) =	vadd.scan.msk.f32 $0xffff, v21;
	v20 =	vbroadcast v20, $0xF;
	_ =	sdelay $0x3  }
0x173: {  	(erf) = vpow2.f32 v20;
	v20, _, _ =	vpop (xrf2)  }
0x174: {  	v20 =	vmul.f32 $1.442695020e+00, v20;
	_ =	sdelay $0x1  }
0x175: {  	v21, _, _ =	vpop (xrf2);
	v20 =	vbroadcast v20, $0xF  }
0x176: {  	v21 =	vmul.f32 $1.442695020e+00, v21  }
0x177: {  	(erf) = vpow2.f32 v20  }
0x178: {  	v22, _, _ =	vpop (xrf2);
	v21 =	vbroadcast v21, $0xF  }
0x179: {  	v22 =	vmul.f32 $1.442695020e+00, v22  }
0x17a: {  	(erf) = vpow2.f32 v21  }
0x17b: {  	v22 =	vbroadcast v22, $0xF  }
0x17c: {  	v20 =	vpop (erf)  }
0x17d: {  	s21 =	simm.s32 $0x4400;
	s12 =	simm.s32 $0x4400;
	s4 =	simm.s32 $0x200;
	v19 =	vmul.f32 v20, v19;
	(erf) = vpow2.f32 v22  }
.LBB2_11:
0x17e: {  	p2 =	sne.s32 s4, $0x7E00  }
0x17f: {  	v17 =	vmul.f32 v20, v17;
	s21 =	sadd.s32 $0x1, s21;
	s8 =	smov.u32 s4;
	s4 =	sadd.s32 $0x200, s4  }
0x180: {  	[tilespmem:s10+$0x4620] =	vst v19;
	v21 =	vpop (erf)  }
0x181: {  	[tilespmem:s10+$0x4630] =	vst v17;
	v15 =	vmul.f32 v21, v15;
	v16 =	vmul.f32 v21, v16;
	_ =	sdelay $0x1  }
0x182: {  	[tilespmem:s10+$0x4640] =	vst v15;
	v17 =	vpop (erf)  }
0x183: {  	v12 =	vmul.f32 v17, v12;
	v13 =	vmul.f32 v17, v13;
	[tilespmem:s10+$0x4650] =	vst v16;
	_ =	sdelay $0x1  }
0x184: {  	[tilespmem:s10+$0x4600] =	vst v12  }
0x185: {  	[tilespmem:s10+$0x4610] =	vst v13;
	v22 =	vpop (erf)  }
0x186: {  	v12 =	vmul.f32 v22, v18;
	v13 =	vmul.f32 v22, v14;
	_ =	sdelay $0x1  }
0x187: {  	[tilespmem:s10+$0x4660] =	vst v12  }
0x188: {  	[tilespmem:s10+$0x4670] =	vst v13  }
0x189: {  	v14 =	vld [tilespmem:s12+$0x0];
	s12 =	smov.u32 s21;
	_ =	sdelay $0x2  }
0x18a: {  	s29 =	sshra.s32 s8, $0x2  }
0x18b: {  	v12 =	vld [tilespmem:s29+$0x4600]  }
0x18c: {  	v13 =	vld [tilespmem:s29+$0x4610];
	(v2sf) =	vpush v14, $0x0  }
0x18d: {  	v15 =	vld [tilespmem:s29+$0x4640]  }
0x18e: {  	v16 =	vld [tilespmem:s29+$0x4650];
	_ =	sdelay $0x4  }
0x18f: {  	v19 =	vld [tilespmem:s29+$0x4620]  }
0x190: {  	v14 =	vld [tilespmem:s29+$0x4670];
	_ =	sdelay $0x6  }
0x191: {  	s8 =	spop (v2sf)  }
0x192: {  	s16 =	sshrl.u32 s8, $0x2;
	s8 =	sshll.u32 s8, $0x2  }
0x193: {  	s16 =	sand.u32 $0x7, s16;
	s8 =	sand.u32 $0xC, s8  }
0x194: {  	v18 =	vmov s8;
	s19 =	sor.u32 $0x1, s8;
	s26 =	sor.u32 $0x2, s8;
	s8 =	sor.u32 $0x3, s8  }
0x195: {  	vm0 =	veq.s32 v18, v3;
	v18 =	vmov s19;
	v23 =	vmov s26  }
0x196: {  	v17 =	vnsel vm0, $0x0, v17;
	vm0 =	veq.s32 v18, v3;
	v18 =	vmov s8  }
0x197: {  	v17 =	vsel vm0, v20, v17;
	vm0 =	veq.s32 v23, v3  }
0x198: {  	v17 =	vsel vm0, v21, v17;
	vm0 =	veq.s32 v18, v3  }
0x199: {  	p3 =	seq.s32 s16, $0x2;
	p4 =	seq.s32 s16, $0x3;
	p5 =	seq.s32 s16, $0x5;
	v17 =	vsel vm0, v22, v17  }
0x19a: {  	p6 =	seq.s32 s16, $0x0;
	p0 =	seq.s32 s16, $0x1;
	v18 =	vpsel !p3, $0x0, v17;
	v20 =	vpsel !p4, $0x0, v17;
	p3 =	seq.s32 s16, $0x4;
	v21 =	vpsel !p5, $0x0, v17  }
0x19b: {  	v22 =	vpsel !p6, $0x0, v17;
	v23 =	vpsel !p0, $0x0, v17;
	p0 =	seq.s32 s16, $0x6;
	[tilespmem:s10+$0x6630] =	vst v20;
	v20 =	vpsel !p3, $0x0, v17;
	p3 =	seq.s32 s16, $0x7  }
0x19c: {  	[tilespmem:s10+$0x6620] =	vst v18;
	v18 =	vpsel !p0, $0x0, v17;
	v24 =	vpsel !p3, $0x0, v17  }
0x19d: {  	v25 =	vld [tilespmem:s29+$0x6630];
	[tilespmem:s10+$0x6650] =	vst v21  }
0x19e: {  	v17 =	vld [tilespmem:s29+$0x4630];
	[tilespmem:s10+$0x6600] =	vst v22  }
0x19f: {  	[tilespmem:s10+$0x6610] =	vst v23  }
0x1a0: {  	v21 =	vld [tilespmem:s29+$0x6620];
	[tilespmem:s10+$0x6660] =	vst v18  }
0x1a1: {  	[tilespmem:s10+$0x6640] =	vst v20  }
0x1a2: {  	v18 =	vld [tilespmem:s29+$0x6650];
	[tilespmem:s10+$0x6670] =	vst v24;
	s10 =	smov.u32 s29  }
0x1a3: {  	v20 =	vadd.f32 v25, v17;
	v22 =	vld [tilespmem:s10+$0x6640];
	_ =	sdelay $0x1  }
0x1a4: {  	v21 =	vadd.f32 v21, v19;
	v23 =	vmul.f32 $2.000000030e-01, v20  }
0x1a5: {  	v24 =	vld [tilespmem:s10+$0x6610]  }
0x1a6: {  	v25 =	vld [tilespmem:s10+$0x6600];
	v26 =	vmul.f32 $2.000000030e-01, v21;
	v20 =	vmax.f32 v20, v23;
	v23 =	vadd.f32 v18, v16  }
0x1a7: {  	v20 =	vmul.f32 v20, v7;
	v22 =	vadd.f32 v22, v15  }
0x1a8: {  	v21 =	vmax.f32 v21, v26;
	v26 =	vmul.f32 $2.000000030e-01, v23;
	v18 =	vld [tilespmem:s10+$0x4660]  }
0x1a9: {  	v21 =	vmul.f32 v21, v6;
	v27 =	vmul.f32 $2.000000030e-01, v22;
	v28 =	vld [tilespmem:s10+$0x6660]  }
0x1aa: {  	v24 =	vadd.f32 v24, v13;
	v29 =	vld [tilespmem:s10+$0x6670]  }
0x1ab: {  	v23 =	vmax.f32 v23, v26;
	v25 =	vadd.f32 v25, v12;
	v22 =	vmax.f32 v22, v27  }
0x1ac: {  	v20 =	vadd.f32 v20, v21;
	v21 =	vmul.f32 v22, v8;
	v22 =	vmul.f32 v23, v9  }
0x1ad: {  	v26 =	vmul.f32 $2.000000030e-01, v24;
	v23 =	vmul.f32 $2.000000030e-01, v25  }
0x1ae: {  	v21 =	vadd.f32 v22, v21;
	v22 =	vadd.f32 v28, v18;
	(xrf2) =	vadd.scan.msk.f32 $0xffff, v20  }
0x1af: {  	v20 =	vmax.f32 v25, v23;
	v23 =	vmax.f32 v24, v26;
	v24 =	vadd.f32 v29, v14  }
0x1b0: {  	v20 =	vmul.f32 v20, v4;
	v23 =	vmul.f32 v23, v5  }
0x1b1: {  	v25 =	vmul.f32 $2.000000030e-01, v22;
	v26 =	vmul.f32 $2.000000030e-01, v24;
	(xrf2) =	vadd.scan.msk.f32 $0xffff, v21  }
0x1b2: {  	v20 =	vadd.f32 v23, v20  }
0x1b3: {  	v21 =	vmax.f32 v22, v25;
	v22 =	vmax.f32 v24, v26  }
0x1b4: {  	v21 =	vmul.f32 v21, v10;
	v22 =	vmul.f32 v22, v11;
	(xrf2) =	vadd.scan.msk.f32 $0xffff, v20;
	_ =	sdelay $0x1  }
0x1b5: {  	v20 =	vadd.f32 v22, v21;
	_ =	sdelay $0x1  }
0x1b6: {  	v21, _, _ =	vpop (xrf2);
	(xrf2) =	vadd.scan.msk.f32 $0xffff, v20  }
0x1b7: {  	v20 =	vmul.f32 $1.442695020e+00, v21;
	_ =	sdelay $0x1  }
0x1b8: {  	v20 =	vbroadcast v20, $0xF;
	v21, _, _ =	vpop (xrf2)  }
0x1b9: {  	v22 =	vmul.f32 $1.442695020e+00, v21  }
0x1ba: {  	(erf) = vpow2.f32 v20  }
0x1bb: {  	v20 =	vbroadcast v22, $0xF;
	v21, _, _ =	vpop (xrf2)  }
0x1bc: {  	v22 =	vmul.f32 $1.442695020e+00, v21  }
0x1bd: {  	(erf) = vpow2.f32 v20  }
0x1be: {  	v20 =	vbroadcast v22, $0xF  }
0x1bf: {  	v21, _, _ =	vpop (xrf2)  }
.Ltmp6:
0x1c0: {  	v21 =	vmul.f32 $1.442695020e+00, v21;
	(erf) = vpow2.f32 v20;
	(pc) =	sbr.rel @p2 .LBB2_11-.Ltmp6, $4  }
0x1c1: {  	_ = 	snop  }
0x1c2: {  	v21 =	vbroadcast v21, $0xF  }
0x1c3: {  	v20 =	vpop (erf)  }
0x1c4: {  	v19 =	vmul.f32 v20, v19;
	(erf) = vpow2.f32 v21  }
0x1c5: {  	_ =	sdelay $0x3  }
0x1c6: {  	v17 =	vmul.f32 v20, v17;
	v21 =	vpop (erf)  }
0x1c7: {  	[tilespmem:s10+$0x4620] =	vst v19;
	v15 =	vmul.f32 v21, v15  }
0x1c8: {  	[tilespmem:s10+$0x4630] =	vst v17;
	v16 =	vmul.f32 v21, v16;
	v49 =	vpop (erf)  }
0x1c9: {  	[tilespmem:s10+$0x4640] =	vst v15;
	v12 =	vmul.f32 v49, v12  }
0x1ca: {  	[tilespmem:s10+$0x4650] =	vst v16;
	v13 =	vmul.f32 v49, v13;
	v50 =	vpop (erf)  }
0x1cb: {  	[tilespmem:s10+$0x4600] =	vst v12;
	v51 =	vmul.f32 v50, v18  }
0x1cc: {  	[tilespmem:s10+$0x4610] =	vst v13;
	v52 =	vmul.f32 v50, v14  }
0x1cd: {  	[tilespmem:s10+$0x4660] =	vst v51  }
0x1ce: {  	[tilespmem:s10+$0x4670] =	vst v52  }
0x1cf: {  	v12 =	vld [tilespmem:s12+$0x0];
	_ =	sdelay $0x4  }
0x1d0: {  	(v2sf) =	vpush v12, $0x0;
	_ =	sdelay $0xe  }
0x1d1: {  	s4 =	spop (v2sf)  }
0x1d2: {  	s8 =	sshll.u32 s4, $0x2  }
0x1d3: {  	s8 =	sand.u32 $0xC, s8  }
0x1d4: {  	v53 =	vmov s8;
	s26 =	sor.u32 $0x1, s8  }
0x1d5: {  	s16 =	sor.u32 $0x2, s8;
	vm0 =	veq.s32 v53, v3;
	v54 =	vmov s26  }
0x1d6: {  	s8 =	sor.u32 $0x3, s8;
	v55 =	vmov s16;
	v56 =	vnsel vm0, $0x0, v49;
	vm13 =	veq.s32 v54, v3  }
0x1d7: {  	s4 =	sshrl.u32 s4, $0x2;
	v57 =	vmov s8;
	vm14 =	veq.s32 v55, v3;
	v14 =	vsel vm13, v20, v56  }
0x1d8: {  	s4 =	sand.u32 $0x7, s4;
	vm15 =	veq.s32 v57, v3;
	v13 =	vsel vm14, v21, v14  }
0x1d9: {  	p0 =	seq.s32 s4, $0x3;
	v12 =	vsel vm15, v50, v13  }
0x1da: {  	p2 =	seq.s32 s4, $0x2;
	v13 =	vpsel !p0, $0x0, v12  }
0x1db: {  	p5 =	seq.s32 s4, $0x5;
	v58 =	vpsel !p2, $0x0, v12;
	[tilespmem:s10+$0x6630] =	vst v13  }
0x1dc: {  	p6 =	seq.s32 s4, $0x0;
	v59 =	vpsel !p5, $0x0, v12;
	[tilespmem:s10+$0x6620] =	vst v58  }
0x1dd: {  	p3 =	seq.s32 s4, $0x1;
	v60 =	vpsel !p6, $0x0, v12;
	[tilespmem:s10+$0x6650] =	vst v59  }
0x1de: {  	p4 =	seq.s32 s4, $0x6;
	v61 =	vpsel !p3, $0x0, v12;
	[tilespmem:s10+$0x6600] =	vst v60  }
0x1df: {  	p5 =	seq.s32 s4, $0x4;
	v62 =	vpsel !p4, $0x0, v12;
	[tilespmem:s10+$0x6610] =	vst v61  }
0x1e0: {  	p6 =	seq.s32 s4, $0x7;
	v63 =	vpsel !p5, $0x0, v12;
	[tilespmem:s10+$0x6660] =	vst v62  }
0x1e1: {  	v12 =	vpsel !p6, $0x0, v12;
	[tilespmem:s10+$0x6640] =	vst v63  }
0x1e2: {  	[tilespmem:s10+$0x6670] =	vst v12  }
0x1e3: {  	[spmem:s1] =	stream.indirect.scatter.add.f32 [tilespmem:s31], [sflag:$0x5], $0x80, s23, s28, $0xb8;
	[tilespmem:$0x1D180] =	vst v63  }
0x1e4: {  	_ =	swait.ge [sflag:s24], $0x2000  }
0x1e5: {  	[sflag:s24] =	ssyncset.done $0x0  }
.Ltmp7:
0x1e6: {  	s29 =	simm.s32 $0x4580;
	[sflag:s24] =	ssyncadd.s32 $0xFFFFE000;
	(pc) =	sbr.rel @p1 .LBB2_14-.Ltmp7, $4  }
0x1e7: {  	[spmem:s2] =	stream.indirect.scatter.add.f32 [tilespmem:s13], [sflag:$0x5], $0x80, s29, s28, $0xb8;
	[tilespmem:$0x1D180] =	vst v63  }
0x1e8: {  	_ =	swait.ge [sflag:s24], $0x2000  }
0x1e9: {  	[sflag:s24] =	ssyncset.done $0x0  }
0x1ea: {  	[sflag:s24] =	ssyncadd.s32 $0xFFFFE000  }
0x1eb: {  	s4 =	sadd.s32 s18, s11  }
0x1ec: {  	s10 =	simm.s32 $0x4300;
	s8 =	sadd.s32 s6, s4  }
0x1ed: {  	[tilespmem:s10], [sflag:$0x5] =	stream.linear.gather [hbm4b:s8+s3], $0x40, $0x38;
	[tilespmem:$0x1D180] =	vst v63  }
0x1ee: {  	_ =	swait.ge [sflag:s24], $0x40  }
0x1ef: {  	[sflag:s24] =	ssyncset.done $0x0  }
0x1f0: {  	s4 =	sadd.s32 s7, s4;
	[sflag:s24] =	ssyncadd.s32 $0xFFFFFFC0  }
0x1f1: {  	[tilespmem:s23], [sflag:$0x5] =	stream.linear.gather [hbm4b:s4+s3], $0x40, $0x38;
	[tilespmem:$0x1D180] =	vst v63  }
0x1f2: {  	_ =	swait.ge [sflag:s24], $0x40  }
0x1f3: {  	[sflag:s24] =	ssyncset.done $0x0  }
0x1f4: {  	[sflag:s24] =	ssyncadd.s32 $0xFFFFFFC0  }
0x1f5: {  	v12 =	vld [tilespmem:$0x4300]  }
0x1f6: {  	v13 =	vld [tilespmem:$0x4380]  }
0x1f7: {  	v15 =	vld [tilespmem:$0x4390]  }
0x1f8: {  	v54 =	vld [tilespmem:$0x43A0]  }
0x1f9: {  	v58 =	vld [tilespmem:$0x43B0];
	_ =	sdelay $0x1  }
0x1fa: {  	[tilespmem:$0x4400] =	vst v13  }
0x1fb: {  	v14 =	vld [tilespmem:$0x4310];
	[tilespmem:$0x4410] =	vst v15  }
0x1fc: {  	[tilespmem:$0x4420] =	vst v54  }
0x1fd: {  	v12 =	vadd.s32 v0, v12;
	[tilespmem:$0x4430] =	vst v58  }
0x1fe: {  	v50 =	vadd.s32 v1, v13;
	[tilespmem:$0x4480] =	vst v12  }
0x1ff: {  	v51 =	vshrl.u32 v13, $0x5;
	[tilespmem:$0x4500] =	vst v50  }
0x200: {  	v57 =	vld [tilespmem:$0x4330];
	v53 =	vadd.s32 v0, v14;
	[tilespmem:$0x4580] =	vst v51  }
0x201: {  	v55 =	vadd.s32 v1, v15;
	[tilespmem:$0x4490] =	vst v53  }
0x202: {  	v56 =	vshrl.u32 v15, $0x5;
	[tilespmem:$0x4510] =	vst v55  }
0x203: {  	v52 =	vld [tilespmem:$0x4320];
	v59 =	vadd.s32 v1, v54;
	[tilespmem:$0x4590] =	vst v56  }
0x204: {  	v60 =	vshrl.u32 v54, $0x5;
	[tilespmem:$0x4520] =	vst v59  }
0x205: {  	v61 =	vadd.s32 v0, v57;
	[tilespmem:$0x45A0] =	vst v60  }
0x206: {  	v62 =	vadd.s32 v1, v58;
	[tilespmem:$0x44B0] =	vst v61  }
0x207: {  	v63 =	vshrl.u32 v58, $0x5;
	[tilespmem:$0x4530] =	vst v62  }
.Ltmp8:
0x208: {  	v12 =	vadd.s32 v0, v52;
	[tilespmem:$0x45B0] =	vst v63;
	(pc) =	sbr.rel .LBB2_8-.Ltmp8, $4  }
0x209: {  	s26 =	simm.s32 $0x4480;
	[tilespmem:$0x44A0] =	vst v12  }
0x20a: {  	[tilespmem:s31], [sflag:$0x3] =	stream.indirect.gather [hbm4b:s5+s28], $0x80, s26, s28, $0xb8;
	[tilespmem:$0x1D180] =	vst v63  }
0x20b: {  	s29 =	simm.s32 $0x4500;
	s22 =	sadd.s32 $0x1, s22  }
0x20c: {  	[tilespmem:s13], [sflag:$0x4] =	stream.indirect.gather [hbm4b:s5+s28], $0x80, s29, s28, $0xb8;
	[tilespmem:$0x1D180] =	vst v63  }
.LBB2_14:
0x20d: {  	[bflag:$0x0] =	sbarrier.arrive $0xFFFF  }
0x20e: {  	s12 =	rddreg [dreg:$0x7]  }
0x20f: {  	[tilespmem:s25], [sflag:$0x5] =	stream.linear.gather [spmem:s12], $0x800, $0x38;
	[tilespmem:$0x1D180] =	vst v63  }
0x210: {  	_ =	swait.ge [sflag:s24], $0x800  }
0x211: {  	s4 =	rddreg [dreg:$0xe]  }
0x212: {  	[sflag:s24] =	ssyncset.done $0x0;
	p0 =	sne.s32 s4, $0x1  }
.Ltmp9:
0x213: {  	s10 =	rddreg [dreg:$0x10];
	[sflag:s24] =	ssyncadd.s32 $0xFFFFF800;
	(pc) =	sbr.rel @!p0 .LBB2_16-.Ltmp9, $4  }
0x214: {  	[hbm4b:s10+s3] =	stream.linear.scatter [tilespmem:s25], [sflag:$0x5], $0x800, $0x38;
	[tilespmem:$0x1D180] =	vst v63  }
0x215: {  	_ =	swait.ge [sflag:s24], $0x800  }
0x216: {  	s11 =	smov.u32 s12;
	s16 =	rddreg [dreg:$0x8]  }
0x217: {  	s4 =	sadd.s32 $0xFFFFFFFF, s4;
	[sflag:s24] =	ssyncset.done $0x0;
	s19 =	rddreg [dreg:$0x9]  }
.LBB2_15:
0x218: {  	[sflag:s24] =	ssyncadd.s32 $0xFFFFF800;
	s10 =	sadd.s32 $0x1000, s10;
	s11 =	sadd.s32 $0x8000, s11  }
0x219: {  	[tilespmem:s25], [sflag:$0x5] =	stream.linear.gather [spmem:s11], $0x800, $0x38;
	[tilespmem:$0x1D180] =	vst v63  }
0x21a: {  	p0 =	sne.s32 s4, $0x1;
	s4 =	sadd.s32 $0xFFFFFFFF, s4;
	_ =	swait.ge [sflag:s24], $0x800  }
.Ltmp10:
0x21b: {  	[sflag:s24] =	ssyncset.done $0x0;
	(pc) =	sbr.rel @p0 .LBB2_15-.Ltmp10, $4  }
0x21c: {  	[sflag:s24] =	ssyncadd.s32 $0xFFFFF800  }
0x21d: {  	[hbm4b:s10+s3] =	stream.linear.scatter [tilespmem:s25], [sflag:$0x5], $0x800, $0x38;
	[tilespmem:$0x1D180] =	vst v63  }
0x21e: {  	_ =	swait.ge [sflag:s24], $0x800  }
0x21f: {  	[sflag:s24] =	ssyncset.done $0x0  }
.LBB2_16:
0x220: {  	[sflag:s24] =	ssyncadd.s32 $0xFFFFF800  }
0x221: {  	[tilespmem:s25], [sflag:$0x5] =	stream.linear.gather [spmem:s19], $0x400, $0x38;
	[tilespmem:$0x1D180] =	vst v63  }
0x222: {  	_ =	swait.ge [sflag:s24], $0x400  }
0x223: {  	[sflag:s24] =	ssyncset.done $0x0  }
0x224: {  	s10 =	rddreg [dreg:$0x11];
	[sflag:s24] =	ssyncadd.s32 $0xFFFFFC00  }
0x225: {  	[hbm4b:s10+s3] =	stream.linear.scatter [tilespmem:s25], [sflag:$0x5], $0x400, $0x38;
	[tilespmem:$0x1D180] =	vst v63  }
0x226: {  	_ =	swait.ge [sflag:s24], $0x400  }
0x227: {  	s21 =	sld [smem:$0x7FD];
	_ =	sdelay $0x2  }
0x228: {  	p0 =	seq.s32 s21, $0x1  }
.Ltmp11:
0x229: {  	_ = 	snop;
	(pc) =	sbr.rel @!p0 .LBB2_18-.Ltmp11, $3  }
0x22a: {  	_ =	sdelay $0x1  }
0x22b: {  	s4 =	sadd.s32 $0xFFFFFFFF, s16  }
0x22c: {  	s11 =	smov.u32 s19;
	[sflag:s24] =	ssyncset.done $0x0;
	s8 =	rddreg [dreg:$0x12]  }
.LBB2_17:
0x22d: {  	[sflag:s24] =	ssyncadd.s32 $0xFFFFFC00;
	s10 =	sadd.s32 $0x800, s10;
	s11 =	sadd.s32 $0x4000, s11  }
0x22e: {  	[tilespmem:s25], [sflag:$0x5] =	stream.linear.gather [spmem:s11], $0x400, $0x38;
	[tilespmem:$0x1D180] =	vst v63  }
0x22f: {  	p0 =	sne.s32 s4, $0x1;
	s4 =	sadd.s32 $0xFFFFFFFF, s4;
	_ =	swait.ge [sflag:s24], $0x400  }
.Ltmp12:
0x230: {  	[sflag:s24] =	ssyncset.done $0x0;
	(pc) =	sbr.rel @p0 .LBB2_17-.Ltmp12, $4  }
0x231: {  	[sflag:s24] =	ssyncadd.s32 $0xFFFFFC00  }
0x232: {  	[hbm4b:s10+s3] =	stream.linear.scatter [tilespmem:s25], [sflag:$0x5], $0x400, $0x38;
	[tilespmem:$0x1D180] =	vst v63  }
0x233: {  	_ =	swait.ge [sflag:s24], $0x400  }
0x234: {  	[sflag:s24] =	ssyncset.done $0x0  }
.LBB2_18:
0x235: {  	s8 =	sadd.s32 $0x1, s8;
	s4 =	rddreg [dreg:$0xf]  }
0x236: {  	p0 =	sne.s32 s8, s4  }
.Ltmp13:
0x237: {  	_ = 	snop;
	(pc) =	sbr.rel @p0 .LBB2_1-.Ltmp13, $2  }
0x238: {  	_ =	sdelay $0x2  }
0x239: {  	[sflag:s24] =	ssyncadd.s32 $0xFFFFFC00  }
0x23a: {  	_ =	sfence.sel $0x180000  }
0x23b: {  	[bflag:$0x0] =	sbarrier.arrive $0xFFFF  }
0x23c: {  	_ =	strace $0x90000047  }
0x23d: {  	s0 =	stileid.u32;
	[bflag:$0x2] =	sbarrier.arrive $0xFFFF  }
0x23e: {  	p0 =	sne.s32 s0, $0x0;
	s0 =	rddreg [dreg:$0x4]  }
0x23f: {  	s0 =	sadd.s32 @!p0 $0x100000, s0  }
0x240: {  	[sflag:s0] =	ssyncadd.tile.s32 @!p0 $0x1;
	_ =	shalt  }
.Lfunc_end2:
_tile_overlayer_lowered:
.L_overlay_start_2:
0x241: {  	(tag) =	ssettag $0x2  }
0x242: {  	s0 =	rddreg [dreg:$0x0];
	s2 =	stileid.u32  }
0x243: {  	s1 =	rddreg [dreg:$0x1];
	p0 =	sne.s32 s2, $0x0  }
0x244: {  	s3 =	rddreg [dreg:$0x2];
	[bflag:$0x3] =	sbarrier.arrive $0xFFFF;
	s2 =	simm.s32 @!p0 $0x1C05  }
0x245: {  	[timem:s3], [sflag:s2] =	dma.local @!p0 [hbm:s0], s1  }
0x246: {  	s0 =	simm.s32 @!p0 $0x5  }
0x247: {  	_ =	swait.ge @!p0 [sflag:s0], s1  }
0x248: {  	s1 =	ssub.s32 @!p0 $0x0, s1;
	[sflag:s0] =	ssyncset.done @!p0 $0x0  }
0x249: {  	[sflag:s0] =	ssyncadd.s32 @!p0 s1  }
0x24a: {  	[bflag:$0x3] =	sbarrier.arrive $0xFFFF  }
0x24b: {  	_ =	shalt  }

</sc_bundles>
